<compile_context>
chip_gen: v7x
topology: tpu7x:2x2x1
jax: 0.10.2.dev20260603
libtpu: 0.0.44.dev20260713+nightly
codegen_flags: <defaults>
</compile_context>

<pallas_src>
import numpy as np
import jax
import jax.numpy as jnp
from jax import lax
from jax.experimental import pallas as pl
from jax.experimental.pallas import tpu as pltpu
from jax.experimental.pallas import tpu_sc as plsc

_LN2 = float(np.log(2.0))


def _rbf16(x):
    b = lax.bitcast_convert_type(x, jnp.int32)
    b = (b + 0x7FFF + ((b >> 16) & 1)) & np.int32(-65536)
    return lax.bitcast_convert_type(b, jnp.float32)


def _sc_log(s):
    bits = lax.bitcast_convert_type(s, jnp.int32)
    y = (bits.astype(jnp.float32) * (1.0 / 8388608.0) - 127.0) * _LN2
    for _ in range(2):
        y = y - 1.0 + s * jnp.exp(-y)
    return y


def _dyn(v, idx):
    return v.at[idx].get(mode="promise_in_bounds")


def _body(ctx_hbm, tok_hbm, w_hbm, out_hbm, ctx_b, tok_b, w_b, out_v, sem):
    h1 = pltpu.async_copy(ctx_hbm, ctx_b, sem)
    h2 = pltpu.async_copy(tok_hbm, tok_b, sem)
    h3 = pltpu.async_copy(w_hbm, w_b, sem)
    h1.wait()
    h2.wait()
    h3.wait()

    lane = lax.iota(jnp.int32, 16)
    b4 = lane % 4
    a4 = lane // 4
    k3 = jnp.minimum(a4, 2)

    def sel4(q, v0, v1, v2, v3):
        return jnp.where(q == 0, v0, jnp.where(q == 1, v1, jnp.where(q == 2, v2, v3)))

    def ctx_of(rows, j):
        r1 = sel4(rows, 1, 0, 1, 2)
        r2 = jnp.where(rows == 0, 0, r1)
        return _rbf16(0.5 * (plsc.load_gather(ctx_b, [20 * r1 + j]) +
                             plsc.load_gather(ctx_b, [20 * r2 + j])))

    ctx_c = []
    for i in range(5):
        f = 16 * i + lane
        ctx_c.append(ctx_of(f // 20, f % 20))

    def bfl(regs, p):
        return _dyn(regs[p // 16], jnp.full((16,), p % 16, jnp.int32))

    bc = [[bfl(ctx_c, 20 * a + x) for x in range(20)] for a in range(4)]

    zero = jnp.full((16,), 0.0, jnp.float32)
    lane3 = jnp.minimum(lane, 3)
    acc = [[zero, zero] for _ in range(4)]
    for x in range(20):
        wlo = _rbf16(plsc.load_gather(w_b, [20 * x + lane]))
        whi = _rbf16(plsc.load_gather(w_b, [20 * x + 16 + lane3]))
        for a in range(4):
            acc[a][0] = acc[a][0] + bc[a][x] * wlo
            acc[a][1] = acc[a][1] + bc[a][x] * whi
    u_ry = [[_rbf16(acc[a][0]), _rbf16(acc[a][1])] for a in range(4)]

    def bu(a, y):
        return _dyn(u_ry[a][y // 16], jnp.full((16,), y % 16, jnp.int32))

    tok_base = 20 * k3
    r1b = 20 * sel4(b4, 1, 0, 1, 2)
    r2b = jnp.where(b4 == 0, 0, r1b)
    inner = zero
    d = zero
    for y in range(20):
        cg = _rbf16(0.5 * (plsc.load_gather(ctx_b, [r1b + y]) +
                           plsc.load_gather(ctx_b, [r2b + y])))
        inner = inner + _rbf16(plsc.load_gather(tok_b, [tok_base + y])) * cg
        ug = sel4(a4, bu(0, y), bu(1, y), bu(2, y), bu(3, y))
        d = d + ug * cg

    g = [_dyn(inner, 4 * k + b4) for k in range(3)]
    mx = jnp.maximum(g[0], jnp.maximum(g[1], g[2]))
    s = sum(jnp.exp(gk - mx) for gk in g)
    s0 = inner - (mx + _sc_log(s))

    gb = [_dyn(d, 4 * a4 + b) for b in range(4)]
    mx4 = jnp.maximum(jnp.maximum(gb[0], gb[1]), jnp.maximum(gb[2], gb[3]))
    s4 = sum(jnp.exp(x - mx4) for x in gb)
    ds = d - (mx4 + _sc_log(s4))

    r0 = jnp.where(lane < 12, s0, _dyn(ds, jnp.maximum(lane - 12, 0)))
    r1 = _dyn(ds, jnp.minimum(lane + 4, 15))
    out_v[pl.ds(0, 16)] = r0
    out_v[pl.ds(16, 16)] = r1
    pltpu.sync_copy(out_v, out_hbm)


_sc_call = pl.kernel(
    _body,
    out_type=jax.ShapeDtypeStruct((32,), jnp.float32),
    mesh=plsc.VectorSubcoreMesh(
        core_axis_name="c", subcore_axis_name="s", num_cores=1, num_subcores=1
    ),
    scratch_types=[
        pltpu.VMEM((60,), jnp.float32),
        pltpu.VMEM((60,), jnp.float32),
        pltpu.VMEM((400,), jnp.float32),
        pltpu.VMEM((32,), jnp.float32),
        pltpu.SemaphoreType.DMA,
    ],
    compiler_params=pltpu.CompilerParams(
        needs_layout_passes=False,
        disable_bounds_checks=True,
        disable_semaphore_checks=True,
        skip_device_barrier=True,
    ),
)


@jax.jit
def kernel(ctx_table, tok_table, W):
    out = _sc_call(
        ctx_table.reshape(-1).astype(jnp.float32),
        tok_table.reshape(-1).astype(jnp.float32),
        W.reshape(-1).astype(jnp.float32),
    )
    return out[:28].reshape(7, 4)

# --- scband reference (transcript-rebuilt; emitter-appended) ---
"""Pipeline reference for scband-scoring-model-50036368999116 (READ-ONLY COPY).

The authoritative reference and input builder live on the scoring server;
editing this copy changes nothing except your own understanding.
"""

import jax, jax.numpy as jnp
import numpy as np

# Constants derived from the module's hardcoded vocab:
# contexts = ['AB','B','A','C'] -> single_contexts = ['B','A','C'] (B->0, A->1, C->2)
# tokens = ['a','b','c'] -> a->0, b->1, c->2
# EmbeddingBag indices/offsets for contexts: 'AB'->[1,0], 'B'->[0], 'A'->[1], 'C'->[2]
CTX_INDICES = jnp.array([1, 0, 0, 1, 2], dtype=jnp.int32)
CTX_SEGMENTS = jnp.array([0, 0, 1, 2, 3], dtype=jnp.int32)
CTX_COUNTS = jnp.array([2.0, 1.0, 1.0, 1.0], dtype=jnp.float32)
TOK_INDICES = jnp.array([0, 1, 2], dtype=jnp.int32)


def setup_inputs(seed: int = 0) -> dict:
    key = jax.random.key(seed)
    k1, k2, k3 = jax.random.split(key, 3)
    # learned parameters sized per the module's __init__
    ctx_table = jax.random.normal(k1, (3, 20), dtype=jnp.float32)  # nn.EmbeddingBag(3, 20)
    tok_table = jax.random.normal(k2, (3, 20), dtype=jnp.float32)  # nn.EmbeddingBag(3, 20)
    W = jax.random.normal(k3, (1, 20, 20), dtype=jnp.float32)      # nn.Bilinear(20, 20, 1, bias=False).weight
    return {"ctx_table": ctx_table, "tok_table": tok_table, "W": W}


def _embed_contexts(ctx_table):
    gathered = jnp.take(ctx_table, CTX_INDICES, axis=0)
    summed = jax.ops.segment_sum(gathered, CTX_SEGMENTS, num_segments=4)
    return summed / CTX_COUNTS[:, None]  # EmbeddingBag default mode='mean'


def reference(ctx_table, tok_table, W):
    ctx_emb = _embed_contexts(ctx_table)                   # [4, 20]
    tok_emb = jnp.take(tok_table, TOK_INDICES, axis=0)     # [3, 20]
    # make_s0
    inner = jnp.einsum('ax,bx->ab', tok_emb, ctx_emb)      # [3, 4]
    s0 = jax.nn.log_softmax(inner, axis=0)                 # log_softmax over TOKEN_DIM=0
    # make_distractor_scores
    d = jnp.einsum('ax,by,dxy->dab', ctx_emb, ctx_emb, W)[0]  # [4, 4]
    dscores = jax.nn.log_softmax(d, axis=-1)
    return jnp.concatenate([s0, dscores], axis=0)          # [7, 4]

if __name__ == "__main__":
    import jax
    _d = setup_inputs()
    print(jax.jit(kernel)(*tuple(_d.values())))

</pallas_src>

<mosaic_0001>
#map = affine_map<(d0, d1) -> (0)>
module attributes {stable_mosaic.version = 14 : i64} {
  func.func @_body(%arg0: i32, %arg1: i32, %arg2: memref<60xf32, #tpu.memory_space<hbm>>, %arg3: memref<60xf32, #tpu.memory_space<hbm>>, %arg4: memref<400xf32, #tpu.memory_space<hbm>>, %arg5: memref<32xf32, #tpu.memory_space<hbm>>, %arg6: memref<60xf32, #tpu.memory_space<vmem>>, %arg7: memref<60xf32, #tpu.memory_space<vmem>>, %arg8: memref<400xf32, #tpu.memory_space<vmem>>, %arg9: memref<32xf32, #tpu.memory_space<vmem>>, %arg10: memref<!tpu.dma_semaphore, #tpu.memory_space<semaphore_mem>>) attributes {dimension_semantics = [#tpu.dimension_semantics<core_parallel>, #tpu.dimension_semantics<subcore_parallel>], iteration_bounds = array<i64: 1, 1>, scalar_prefetch = 0 : i64, scratch_operands = 5 : i64, tpu.core_type = #tpu.core_type<sc_vector_subcore>, window_params = [{transform_indices = #map}, {transform_indices = #map}, {transform_indices = #map}, {transform_indices = #map}]} {
    tpu.enqueue_dma source(%arg2 : memref<60xf32, #tpu.memory_space<hbm>>) target(%arg6 : memref<60xf32, #tpu.memory_space<vmem>>) target_semaphore(%arg10 : memref<!tpu.dma_semaphore, #tpu.memory_space<semaphore_mem>>)
    tpu.enqueue_dma source(%arg3 : memref<60xf32, #tpu.memory_space<hbm>>) target(%arg7 : memref<60xf32, #tpu.memory_space<vmem>>) target_semaphore(%arg10 : memref<!tpu.dma_semaphore, #tpu.memory_space<semaphore_mem>>)
    tpu.enqueue_dma source(%arg4 : memref<400xf32, #tpu.memory_space<hbm>>) target(%arg8 : memref<400xf32, #tpu.memory_space<vmem>>) target_semaphore(%arg10 : memref<!tpu.dma_semaphore, #tpu.memory_space<semaphore_mem>>)
    tpu.wait_dma2 semaphore(%arg10 : memref<!tpu.dma_semaphore, #tpu.memory_space<semaphore_mem>>) src(%arg2 : memref<60xf32, #tpu.memory_space<hbm>>) dst(%arg6 : memref<60xf32, #tpu.memory_space<vmem>>)
    tpu.wait_dma2 semaphore(%arg10 : memref<!tpu.dma_semaphore, #tpu.memory_space<semaphore_mem>>) src(%arg3 : memref<60xf32, #tpu.memory_space<hbm>>) dst(%arg7 : memref<60xf32, #tpu.memory_space<vmem>>)
    tpu.wait_dma2 semaphore(%arg10 : memref<!tpu.dma_semaphore, #tpu.memory_space<semaphore_mem>>) src(%arg4 : memref<400xf32, #tpu.memory_space<hbm>>) dst(%arg8 : memref<400xf32, #tpu.memory_space<vmem>>)
    %iota3A = tpu.iota {dimensions = array<i32: 0>} : vector<16xi32>
    %jit3A = arith.constant 4 : i32
    %eq3A = arith.constant 0 : i32
    %eq3A_0 = arith.cmpi eq, %jit3A, %eq3A : i32
    %jit3A_1 = arith.constant 1 : i32
    %select_n3A = arith.select %eq3A_0, %jit3A_1, %jit3A : i32
    %rem3A = vector.broadcast %select_n3A : i32 to vector<16xi32>
    %rem3A_2 = arith.remsi %iota3A, %rem3A : vector<16xi32>
    %ne3A = arith.constant 0 : i32
    %ne3A_3 = vector.broadcast %ne3A : i32 to vector<16xi32>
    %ne3A_4 = arith.cmpi ne, %rem3A_2, %ne3A_3 : vector<16xi32>
    %lt3A = arith.constant 0 : i32
    %lt3A_5 = vector.broadcast %lt3A : i32 to vector<16xi32>
    %lt3A_6 = arith.cmpi slt, %rem3A_2, %lt3A_5 : vector<16xi32>
    %lt3A_7 = arith.constant 0 : i32
    %lt3A_8 = arith.cmpi slt, %select_n3A, %lt3A_7 : i32
    %ne3A_9 = vector.broadcast %lt3A_8 : i1 to vector<16xi1>
    %ne3A_10 = vector.broadcast %ne3A_9 : vector<16xi1> to vector<16xi1>
    %ne3A_11 = arith.xori %lt3A_6, %ne3A_10 : vector<16xi1>
    %and3A = arith.andi %ne3A_11, %ne3A_4 : vector<16xi1>
    %add3A = vector.broadcast %select_n3A : i32 to vector<16xi32>
    %add3A_12 = arith.addi %rem3A_2, %add3A : vector<16xi32>
    %select_n3A_13 = arith.select %and3A, %add3A_12, %rem3A_2 : vector<16xi1>, vector<16xi32>
    %jit3A_14 = arith.constant 4 : i32
    %div3A = vector.broadcast %jit3A_14 : i32 to vector<16xi32>
    %div3A_15 = arith.divsi %iota3A, %div3A : vector<16xi32>
    %sign3A = arith.constant 0 : i32
    %sign3A_16 = vector.broadcast %sign3A : i32 to vector<16xi32>
    %sign3A_17 = arith.cmpi sgt, %iota3A, %sign3A_16 : vector<16xi32>
    %sign3A_18 = arith.extui %sign3A_17 : vector<16xi1> to vector<16xi32>
    %sign3A_19 = arith.constant 0 : i32
    %sign3A_20 = vector.broadcast %sign3A_19 : i32 to vector<16xi32>
    %sign3A_21 = arith.cmpi slt, %iota3A, %sign3A_20 : vector<16xi32>
    %sign3A_22 = arith.extui %sign3A_21 : vector<16xi1> to vector<16xi32>
    %sign3A_23 = arith.subi %sign3A_18, %sign3A_22 : vector<16xi32>
    %sign3A_24 = arith.constant 0 : i32
    %sign3A_25 = arith.cmpi sgt, %jit3A_14, %sign3A_24 : i32
    %sign3A_26 = arith.extui %sign3A_25 : i1 to i32
    %sign3A_27 = arith.constant 0 : i32
    %sign3A_28 = arith.cmpi slt, %jit3A_14, %sign3A_27 : i32
    %sign3A_29 = arith.extui %sign3A_28 : i1 to i32
    %sign3A_30 = arith.subi %sign3A_26, %sign3A_29 : i32
    %ne3A_31 = vector.broadcast %sign3A_30 : i32 to vector<16xi32>
    %ne3A_32 = arith.cmpi ne, %sign3A_23, %ne3A_31 : vector<16xi32>
    %rem3A_33 = vector.broadcast %jit3A_14 : i32 to vector<16xi32>
    %rem3A_34 = arith.remsi %iota3A, %rem3A_33 : vector<16xi32>
    %ne3A_35 = arith.constant 0 : i32
    %ne3A_36 = vector.broadcast %ne3A_35 : i32 to vector<16xi32>
    %ne3A_37 = arith.cmpi ne, %rem3A_34, %ne3A_36 : vector<16xi32>
    %and3A_38 = arith.andi %ne3A_32, %ne3A_37 : vector<16xi1>
    %sub3A = arith.constant 1 : i32
    %sub3A_39 = vector.broadcast %sub3A : i32 to vector<16xi32>
    %sub3A_40 = arith.subi %div3A_15, %sub3A_39 : vector<16xi32>
    %select_n3A_41 = arith.select %and3A_38, %sub3A_40, %div3A_15 : vector<16xi1>, vector<16xi32>
    %min3A = arith.constant 2 : i32
    %min3A_42 = vector.broadcast %min3A : i32 to vector<16xi32>
    %min3A_43 = arith.minsi %select_n3A_41, %min3A_42 : vector<16xi32>
    %add3A_44 = arith.constant 0 : i32
    %add3A_45 = vector.broadcast %add3A_44 : i32 to vector<16xi32>
    %add3A_46 = arith.addi %add3A_45, %iota3A : vector<16xi32>
    %jit3A_47 = arith.constant 20 : i32
    %div3A_48 = vector.broadcast %jit3A_47 : i32 to vector<16xi32>
    %div3A_49 = arith.divsi %add3A_46, %div3A_48 : vector<16xi32>
    %sign3A_50 = arith.constant 0 : i32
    %sign3A_51 = vector.broadcast %sign3A_50 : i32 to vector<16xi32>
    %sign3A_52 = arith.cmpi sgt, %add3A_46, %sign3A_51 : vector<16xi32>
    %sign3A_53 = arith.extui %sign3A_52 : vector<16xi1> to vector<16xi32>
    %sign3A_54 = arith.constant 0 : i32
    %sign3A_55 = vector.broadcast %sign3A_54 : i32 to vector<16xi32>
    %sign3A_56 = arith.cmpi slt, %add3A_46, %sign3A_55 : vector<16xi32>
    %sign3A_57 = arith.extui %sign3A_56 : vector<16xi1> to vector<16xi32>
    %sign3A_58 = arith.subi %sign3A_53, %sign3A_57 : vector<16xi32>
    %sign3A_59 = arith.constant 0 : i32
    %sign3A_60 = arith.cmpi sgt, %jit3A_47, %sign3A_59 : i32
    %sign3A_61 = arith.extui %sign3A_60 : i1 to i32
    %sign3A_62 = arith.constant 0 : i32
    %sign3A_63 = arith.cmpi slt, %jit3A_47, %sign3A_62 : i32
    %sign3A_64 = arith.extui %sign3A_63 : i1 to i32
    %sign3A_65 = arith.subi %sign3A_61, %sign3A_64 : i32
    %ne3A_66 = vector.broadcast %sign3A_65 : i32 to vector<16xi32>
    %ne3A_67 = arith.cmpi ne, %sign3A_58, %ne3A_66 : vector<16xi32>
    %rem3A_68 = vector.broadcast %jit3A_47 : i32 to vector<16xi32>
    %rem3A_69 = arith.remsi %add3A_46, %rem3A_68 : vector<16xi32>
    %ne3A_70 = arith.constant 0 : i32
    %ne3A_71 = vector.broadcast %ne3A_70 : i32 to vector<16xi32>
    %ne3A_72 = arith.cmpi ne, %rem3A_69, %ne3A_71 : vector<16xi32>
    %and3A_73 = arith.andi %ne3A_67, %ne3A_72 : vector<16xi1>
    %sub3A_74 = arith.constant 1 : i32
    %sub3A_75 = vector.broadcast %sub3A_74 : i32 to vector<16xi32>
    %sub3A_76 = arith.subi %div3A_49, %sub3A_75 : vector<16xi32>
    %select_n3A_77 = arith.select %and3A_73, %sub3A_76, %div3A_49 : vector<16xi1>, vector<16xi32>
    %jit3A_78 = arith.constant 20 : i32
    %eq3A_79 = arith.constant 0 : i32
    %eq3A_80 = arith.cmpi eq, %jit3A_78, %eq3A_79 : i32
    %jit3A_81 = arith.constant 1 : i32
    %select_n3A_82 = arith.select %eq3A_80, %jit3A_81, %jit3A_78 : i32
    %rem3A_83 = vector.broadcast %select_n3A_82 : i32 to vector<16xi32>
    %rem3A_84 = arith.remsi %add3A_46, %rem3A_83 : vector<16xi32>
    %ne3A_85 = arith.constant 0 : i32
    %ne3A_86 = vector.broadcast %ne3A_85 : i32 to vector<16xi32>
    %ne3A_87 = arith.cmpi ne, %rem3A_84, %ne3A_86 : vector<16xi32>
    %lt3A_88 = arith.constant 0 : i32
    %lt3A_89 = vector.broadcast %lt3A_88 : i32 to vector<16xi32>
    %lt3A_90 = arith.cmpi slt, %rem3A_84, %lt3A_89 : vector<16xi32>
    %lt3A_91 = arith.constant 0 : i32
    %lt3A_92 = arith.cmpi slt, %select_n3A_82, %lt3A_91 : i32
    %ne3A_93 = vector.broadcast %lt3A_92 : i1 to vector<16xi1>
    %ne3A_94 = vector.broadcast %ne3A_93 : vector<16xi1> to vector<16xi1>
    %ne3A_95 = arith.xori %lt3A_90, %ne3A_94 : vector<16xi1>
    %and3A_96 = arith.andi %ne3A_95, %ne3A_87 : vector<16xi1>
    %add3A_97 = vector.broadcast %select_n3A_82 : i32 to vector<16xi32>
    %add3A_98 = arith.addi %rem3A_84, %add3A_97 : vector<16xi32>
    %select_n3A_99 = arith.select %and3A_96, %add3A_98, %rem3A_84 : vector<16xi1>, vector<16xi32>
    %eq3A_100 = arith.constant 0 : i32
    %eq3A_101 = vector.broadcast %eq3A_100 : i32 to vector<16xi32>
    %eq3A_102 = arith.cmpi eq, %select_n3A_77, %eq3A_101 : vector<16xi32>
    %eq3A_103 = arith.constant 1 : i32
    %eq3A_104 = vector.broadcast %eq3A_103 : i32 to vector<16xi32>
    %eq3A_105 = arith.cmpi eq, %select_n3A_77, %eq3A_104 : vector<16xi32>
    %eq3A_106 = arith.constant 2 : i32
    %eq3A_107 = vector.broadcast %eq3A_106 : i32 to vector<16xi32>
    %eq3A_108 = arith.cmpi eq, %select_n3A_77, %eq3A_107 : vector<16xi32>
    %jit3A_109 = arith.constant 1 : i32
    %jit3A_110 = arith.constant 2 : i32
    %broadcast_in_dim3A = vector.broadcast %jit3A_109 : i32 to vector<16xi32>
    %broadcast_in_dim3A_111 = vector.broadcast %jit3A_110 : i32 to vector<16xi32>
    %select_n3A_112 = arith.select %eq3A_108, %broadcast_in_dim3A, %broadcast_in_dim3A_111 : vector<16xi1>, vector<16xi32>
    %jit3A_113 = arith.constant 0 : i32
    %broadcast_in_dim3A_114 = vector.broadcast %jit3A_113 : i32 to vector<16xi32>
    %select_n3A_115 = arith.select %eq3A_105, %broadcast_in_dim3A_114, %select_n3A_112 : vector<16xi1>, vector<16xi32>
    %jit3A_116 = arith.constant 1 : i32
    %broadcast_in_dim3A_117 = vector.broadcast %jit3A_116 : i32 to vector<16xi32>
    %select_n3A_118 = arith.select %eq3A_102, %broadcast_in_dim3A_117, %select_n3A_115 : vector<16xi1>, vector<16xi32>
    %eq3A_119 = arith.constant 0 : i32
    %eq3A_120 = vector.broadcast %eq3A_119 : i32 to vector<16xi32>
    %eq3A_121 = arith.cmpi eq, %select_n3A_77, %eq3A_120 : vector<16xi32>
    %jit3A_122 = arith.constant 0 : i32
    %broadcast_in_dim3A_123 = vector.broadcast %jit3A_122 : i32 to vector<16xi32>
    %select_n3A_124 = arith.select %eq3A_121, %broadcast_in_dim3A_123, %select_n3A_118 : vector<16xi1>, vector<16xi32>
    %mul3A = arith.constant 20 : i32
    %mul3A_125 = vector.broadcast %mul3A : i32 to vector<16xi32>
    %mul3A_126 = arith.muli %mul3A_125, %select_n3A_118 : vector<16xi32>
    %add3A_127 = arith.addi %mul3A_126, %select_n3A_99 : vector<16xi32>
    %gather3A = tpu.vector_load_idx %arg6[%add3A_127] : memref<60xf32, #tpu.memory_space<vmem>>[vector<16xi32>], vector<16xf32>,
    %mul3A_128 = arith.constant 20 : i32
    %mul3A_129 = vector.broadcast %mul3A_128 : i32 to vector<16xi32>
    %mul3A_130 = arith.muli %mul3A_129, %select_n3A_124 : vector<16xi32>
    %add3A_131 = arith.addi %mul3A_130, %select_n3A_99 : vector<16xi32>
    %gather3A_132 = tpu.vector_load_idx %arg6[%add3A_131] : memref<60xf32, #tpu.memory_space<vmem>>[vector<16xi32>], vector<16xf32>,
    %add3A_133 = arith.addf %gather3A, %gather3A_132 : vector<16xf32>
    %mul3A_134 = arith.constant 5.000000e-01 : f32
    %mul3A_135 = vector.broadcast %mul3A_134 : f32 to vector<16xf32>
    %mul3A_136 = arith.mulf %mul3A_135, %add3A_133 : vector<16xf32>
    %bitcast_convert_type3A = tpu.bitcast %mul3A_136 : vector<16xf32> -> vector<16xi32>
    %add3A_137 = arith.constant 32767 : i32
    %add3A_138 = vector.broadcast %add3A_137 : i32 to vector<16xi32>
    %add3A_139 = arith.addi %bitcast_convert_type3A, %add3A_138 : vector<16xi32>
    %shift_right_arithmetic3A = arith.constant 16 : i32
    %shift_right_arithmetic3A_140 = vector.broadcast %shift_right_arithmetic3A : i32 to vector<16xi32>
    %shift_right_arithmetic3A_141 = arith.shrsi %bitcast_convert_type3A, %shift_right_arithmetic3A_140 : vector<16xi32>
    %and3A_142 = arith.constant 1 : i32
    %and3A_143 = vector.broadcast %and3A_142 : i32 to vector<16xi32>
    %and3A_144 = arith.andi %shift_right_arithmetic3A_141, %and3A_143 : vector<16xi32>
    %add3A_145 = arith.addi %add3A_139, %and3A_144 : vector<16xi32>
    %and3A_146 = arith.constant -65536 : i32
    %and3A_147 = vector.broadcast %and3A_146 : i32 to vector<16xi32>
    %and3A_148 = arith.andi %add3A_145, %and3A_147 : vector<16xi32>
    %bitcast_convert_type3A_149 = tpu.bitcast %and3A_148 : vector<16xi32> -> vector<16xf32>
    %add3A_150 = arith.constant 16 : i32
    %add3A_151 = vector.broadcast %add3A_150 : i32 to vector<16xi32>
    %add3A_152 = arith.addi %add3A_151, %iota3A : vector<16xi32>
    %jit3A_153 = arith.constant 20 : i32
    %div3A_154 = vector.broadcast %jit3A_153 : i32 to vector<16xi32>
    %div3A_155 = arith.divsi %add3A_152, %div3A_154 : vector<16xi32>
    %sign3A_156 = arith.constant 0 : i32
    %sign3A_157 = vector.broadcast %sign3A_156 : i32 to vector<16xi32>
    %sign3A_158 = arith.cmpi sgt, %add3A_152, %sign3A_157 : vector<16xi32>
    %sign3A_159 = arith.extui %sign3A_158 : vector<16xi1> to vector<16xi32>
    %sign3A_160 = arith.constant 0 : i32
    %sign3A_161 = vector.broadcast %sign3A_160 : i32 to vector<16xi32>
    %sign3A_162 = arith.cmpi slt, %add3A_152, %sign3A_161 : vector<16xi32>
    %sign3A_163 = arith.extui %sign3A_162 : vector<16xi1> to vector<16xi32>
    %sign3A_164 = arith.subi %sign3A_159, %sign3A_163 : vector<16xi32>
    %sign3A_165 = arith.constant 0 : i32
    %sign3A_166 = arith.cmpi sgt, %jit3A_153, %sign3A_165 : i32
    %sign3A_167 = arith.extui %sign3A_166 : i1 to i32
    %sign3A_168 = arith.constant 0 : i32
    %sign3A_169 = arith.cmpi slt, %jit3A_153, %sign3A_168 : i32
    %sign3A_170 = arith.extui %sign3A_169 : i1 to i32
    %sign3A_171 = arith.subi %sign3A_167, %sign3A_170 : i32
    %ne3A_172 = vector.broadcast %sign3A_171 : i32 to vector<16xi32>
    %ne3A_173 = arith.cmpi ne, %sign3A_164, %ne3A_172 : vector<16xi32>
    %rem3A_174 = vector.broadcast %jit3A_153 : i32 to vector<16xi32>
    %rem3A_175 = arith.remsi %add3A_152, %rem3A_174 : vector<16xi32>
    %ne3A_176 = arith.constant 0 : i32
    %ne3A_177 = vector.broadcast %ne3A_176 : i32 to vector<16xi32>
    %ne3A_178 = arith.cmpi ne, %rem3A_175, %ne3A_177 : vector<16xi32>
    %and3A_179 = arith.andi %ne3A_173, %ne3A_178 : vector<16xi1>
    %sub3A_180 = arith.constant 1 : i32
    %sub3A_181 = vector.broadcast %sub3A_180 : i32 to vector<16xi32>
    %sub3A_182 = arith.subi %div3A_155, %sub3A_181 : vector<16xi32>
    %select_n3A_183 = arith.select %and3A_179, %sub3A_182, %div3A_155 : vector<16xi1>, vector<16xi32>
    %jit3A_184 = arith.constant 20 : i32
    %eq3A_185 = arith.constant 0 : i32
    %eq3A_186 = arith.cmpi eq, %jit3A_184, %eq3A_185 : i32
    %jit3A_187 = arith.constant 1 : i32
    %select_n3A_188 = arith.select %eq3A_186, %jit3A_187, %jit3A_184 : i32
    %rem3A_189 = vector.broadcast %select_n3A_188 : i32 to vector<16xi32>
    %rem3A_190 = arith.remsi %add3A_152, %rem3A_189 : vector<16xi32>
    %ne3A_191 = arith.constant 0 : i32
    %ne3A_192 = vector.broadcast %ne3A_191 : i32 to vector<16xi32>
    %ne3A_193 = arith.cmpi ne, %rem3A_190, %ne3A_192 : vector<16xi32>
    %lt3A_194 = arith.constant 0 : i32
    %lt3A_195 = vector.broadcast %lt3A_194 : i32 to vector<16xi32>
    %lt3A_196 = arith.cmpi slt, %rem3A_190, %lt3A_195 : vector<16xi32>
    %lt3A_197 = arith.constant 0 : i32
    %lt3A_198 = arith.cmpi slt, %select_n3A_188, %lt3A_197 : i32
    %ne3A_199 = vector.broadcast %lt3A_198 : i1 to vector<16xi1>
    %ne3A_200 = vector.broadcast %ne3A_199 : vector<16xi1> to vector<16xi1>
    %ne3A_201 = arith.xori %lt3A_196, %ne3A_200 : vector<16xi1>
    %and3A_202 = arith.andi %ne3A_201, %ne3A_193 : vector<16xi1>
    %add3A_203 = vector.broadcast %select_n3A_188 : i32 to vector<16xi32>
    %add3A_204 = arith.addi %rem3A_190, %add3A_203 : vector<16xi32>
    %select_n3A_205 = arith.select %and3A_202, %add3A_204, %rem3A_190 : vector<16xi1>, vector<16xi32>
    %eq3A_206 = arith.constant 0 : i32
    %eq3A_207 = vector.broadcast %eq3A_206 : i32 to vector<16xi32>
    %eq3A_208 = arith.cmpi eq, %select_n3A_183, %eq3A_207 : vector<16xi32>
    %eq3A_209 = arith.constant 1 : i32
    %eq3A_210 = vector.broadcast %eq3A_209 : i32 to vector<16xi32>
    %eq3A_211 = arith.cmpi eq, %select_n3A_183, %eq3A_210 : vector<16xi32>
    %eq3A_212 = arith.constant 2 : i32
    %eq3A_213 = vector.broadcast %eq3A_212 : i32 to vector<16xi32>
    %eq3A_214 = arith.cmpi eq, %select_n3A_183, %eq3A_213 : vector<16xi32>
    %jit3A_215 = arith.constant 1 : i32
    %jit3A_216 = arith.constant 2 : i32
    %broadcast_in_dim3A_217 = vector.broadcast %jit3A_215 : i32 to vector<16xi32>
    %broadcast_in_dim3A_218 = vector.broadcast %jit3A_216 : i32 to vector<16xi32>
    %select_n3A_219 = arith.select %eq3A_214, %broadcast_in_dim3A_217, %broadcast_in_dim3A_218 : vector<16xi1>, vector<16xi32>
    %jit3A_220 = arith.constant 0 : i32
    %broadcast_in_dim3A_221 = vector.broadcast %jit3A_220 : i32 to vector<16xi32>
    %select_n3A_222 = arith.select %eq3A_211, %broadcast_in_dim3A_221, %select_n3A_219 : vector<16xi1>, vector<16xi32>
    %jit3A_223 = arith.constant 1 : i32
    %broadcast_in_dim3A_224 = vector.broadcast %jit3A_223 : i32 to vector<16xi32>
    %select_n3A_225 = arith.select %eq3A_208, %broadcast_in_dim3A_224, %select_n3A_222 : vector<16xi1>, vector<16xi32>
    %eq3A_226 = arith.constant 0 : i32
    %eq3A_227 = vector.broadcast %eq3A_226 : i32 to vector<16xi32>
    %eq3A_228 = arith.cmpi eq, %select_n3A_183, %eq3A_227 : vector<16xi32>
    %jit3A_229 = arith.constant 0 : i32
    %broadcast_in_dim3A_230 = vector.broadcast %jit3A_229 : i32 to vector<16xi32>
    %select_n3A_231 = arith.select %eq3A_228, %broadcast_in_dim3A_230, %select_n3A_225 : vector<16xi1>, vector<16xi32>
    %mul3A_232 = arith.constant 20 : i32
    %mul3A_233 = vector.broadcast %mul3A_232 : i32 to vector<16xi32>
    %mul3A_234 = arith.muli %mul3A_233, %select_n3A_225 : vector<16xi32>
    %add3A_235 = arith.addi %mul3A_234, %select_n3A_205 : vector<16xi32>
    %gather3A_236 = tpu.vector_load_idx %arg6[%add3A_235] : memref<60xf32, #tpu.memory_space<vmem>>[vector<16xi32>], vector<16xf32>,
    %mul3A_237 = arith.constant 20 : i32
    %mul3A_238 = vector.broadcast %mul3A_237 : i32 to vector<16xi32>
    %mul3A_239 = arith.muli %mul3A_238, %select_n3A_231 : vector<16xi32>
    %add3A_240 = arith.addi %mul3A_239, %select_n3A_205 : vector<16xi32>
    %gather3A_241 = tpu.vector_load_idx %arg6[%add3A_240] : memref<60xf32, #tpu.memory_space<vmem>>[vector<16xi32>], vector<16xf32>,
    %add3A_242 = arith.addf %gather3A_236, %gather3A_241 : vector<16xf32>
    %mul3A_243 = arith.constant 5.000000e-01 : f32
    %mul3A_244 = vector.broadcast %mul3A_243 : f32 to vector<16xf32>
    %mul3A_245 = arith.mulf %mul3A_244, %add3A_242 : vector<16xf32>
    %bitcast_convert_type3A_246 = tpu.bitcast %mul3A_245 : vector<16xf32> -> vector<16xi32>
    %add3A_247 = arith.constant 32767 : i32
    %add3A_248 = vector.broadcast %add3A_247 : i32 to vector<16xi32>
    %add3A_249 = arith.addi %bitcast_convert_type3A_246, %add3A_248 : vector<16xi32>
    %shift_right_arithmetic3A_250 = arith.constant 16 : i32
    %shift_right_arithmetic3A_251 = vector.broadcast %shift_right_arithmetic3A_250 : i32 to vector<16xi32>
    %shift_right_arithmetic3A_252 = arith.shrsi %bitcast_convert_type3A_246, %shift_right_arithmetic3A_251 : vector<16xi32>
    %and3A_253 = arith.constant 1 : i32
    %and3A_254 = vector.broadcast %and3A_253 : i32 to vector<16xi32>
    %and3A_255 = arith.andi %shift_right_arithmetic3A_252, %and3A_254 : vector<16xi32>
    %add3A_256 = arith.addi %add3A_249, %and3A_255 : vector<16xi32>
    %and3A_257 = arith.constant -65536 : i32
    %and3A_258 = vector.broadcast %and3A_257 : i32 to vector<16xi32>
    %and3A_259 = arith.andi %add3A_256, %and3A_258 : vector<16xi32>
    %bitcast_convert_type3A_260 = tpu.bitcast %and3A_259 : vector<16xi32> -> vector<16xf32>
    %add3A_261 = arith.constant 32 : i32
    %add3A_262 = vector.broadcast %add3A_261 : i32 to vector<16xi32>
    %add3A_263 = arith.addi %add3A_262, %iota3A : vector<16xi32>
    %jit3A_264 = arith.constant 20 : i32
    %div3A_265 = vector.broadcast %jit3A_264 : i32 to vector<16xi32>
    %div3A_266 = arith.divsi %add3A_263, %div3A_265 : vector<16xi32>
    %sign3A_267 = arith.constant 0 : i32
    %sign3A_268 = vector.broadcast %sign3A_267 : i32 to vector<16xi32>
    %sign3A_269 = arith.cmpi sgt, %add3A_263, %sign3A_268 : vector<16xi32>
    %sign3A_270 = arith.extui %sign3A_269 : vector<16xi1> to vector<16xi32>
    %sign3A_271 = arith.constant 0 : i32
    %sign3A_272 = vector.broadcast %sign3A_271 : i32 to vector<16xi32>
    %sign3A_273 = arith.cmpi slt, %add3A_263, %sign3A_272 : vector<16xi32>
    %sign3A_274 = arith.extui %sign3A_273 : vector<16xi1> to vector<16xi32>
    %sign3A_275 = arith.subi %sign3A_270, %sign3A_274 : vector<16xi32>
    %sign3A_276 = arith.constant 0 : i32
    %sign3A_277 = arith.cmpi sgt, %jit3A_264, %sign3A_276 : i32
    %sign3A_278 = arith.extui %sign3A_277 : i1 to i32
    %sign3A_279 = arith.constant 0 : i32
    %sign3A_280 = arith.cmpi slt, %jit3A_264, %sign3A_279 : i32
    %sign3A_281 = arith.extui %sign3A_280 : i1 to i32
    %sign3A_282 = arith.subi %sign3A_278, %sign3A_281 : i32
    %ne3A_283 = vector.broadcast %sign3A_282 : i32 to vector<16xi32>
    %ne3A_284 = arith.cmpi ne, %sign3A_275, %ne3A_283 : vector<16xi32>
    %rem3A_285 = vector.broadcast %jit3A_264 : i32 to vector<16xi32>
    %rem3A_286 = arith.remsi %add3A_263, %rem3A_285 : vector<16xi32>
    %ne3A_287 = arith.constant 0 : i32
    %ne3A_288 = vector.broadcast %ne3A_287 : i32 to vector<16xi32>
    %ne3A_289 = arith.cmpi ne, %rem3A_286, %ne3A_288 : vector<16xi32>
    %and3A_290 = arith.andi %ne3A_284, %ne3A_289 : vector<16xi1>
    %sub3A_291 = arith.constant 1 : i32
    %sub3A_292 = vector.broadcast %sub3A_291 : i32 to vector<16xi32>
    %sub3A_293 = arith.subi %div3A_266, %sub3A_292 : vector<16xi32>
    %select_n3A_294 = arith.select %and3A_290, %sub3A_293, %div3A_266 : vector<16xi1>, vector<16xi32>
    %jit3A_295 = arith.constant 20 : i32
    %eq3A_296 = arith.constant 0 : i32
    %eq3A_297 = arith.cmpi eq, %jit3A_295, %eq3A_296 : i32
    %jit3A_298 = arith.constant 1 : i32
    %select_n3A_299 = arith.select %eq3A_297, %jit3A_298, %jit3A_295 : i32
    %rem3A_300 = vector.broadcast %select_n3A_299 : i32 to vector<16xi32>
    %rem3A_301 = arith.remsi %add3A_263, %rem3A_300 : vector<16xi32>
    %ne3A_302 = arith.constant 0 : i32
    %ne3A_303 = vector.broadcast %ne3A_302 : i32 to vector<16xi32>
    %ne3A_304 = arith.cmpi ne, %rem3A_301, %ne3A_303 : vector<16xi32>
    %lt3A_305 = arith.constant 0 : i32
    %lt3A_306 = vector.broadcast %lt3A_305 : i32 to vector<16xi32>
    %lt3A_307 = arith.cmpi slt, %rem3A_301, %lt3A_306 : vector<16xi32>
    %lt3A_308 = arith.constant 0 : i32
    %lt3A_309 = arith.cmpi slt, %select_n3A_299, %lt3A_308 : i32
    %ne3A_310 = vector.broadcast %lt3A_309 : i1 to vector<16xi1>
    %ne3A_311 = vector.broadcast %ne3A_310 : vector<16xi1> to vector<16xi1>
    %ne3A_312 = arith.xori %lt3A_307, %ne3A_311 : vector<16xi1>
    %and3A_313 = arith.andi %ne3A_312, %ne3A_304 : vector<16xi1>
    %add3A_314 = vector.broadcast %select_n3A_299 : i32 to vector<16xi32>
    %add3A_315 = arith.addi %rem3A_301, %add3A_314 : vector<16xi32>
    %select_n3A_316 = arith.select %and3A_313, %add3A_315, %rem3A_301 : vector<16xi1>, vector<16xi32>
    %eq3A_317 = arith.constant 0 : i32
    %eq3A_318 = vector.broadcast %eq3A_317 : i32 to vector<16xi32>
    %eq3A_319 = arith.cmpi eq, %select_n3A_294, %eq3A_318 : vector<16xi32>
    %eq3A_320 = arith.constant 1 : i32
    %eq3A_321 = vector.broadcast %eq3A_320 : i32 to vector<16xi32>
    %eq3A_322 = arith.cmpi eq, %select_n3A_294, %eq3A_321 : vector<16xi32>
    %eq3A_323 = arith.constant 2 : i32
    %eq3A_324 = vector.broadcast %eq3A_323 : i32 to vector<16xi32>
    %eq3A_325 = arith.cmpi eq, %select_n3A_294, %eq3A_324 : vector<16xi32>
    %jit3A_326 = arith.constant 1 : i32
    %jit3A_327 = arith.constant 2 : i32
    %broadcast_in_dim3A_328 = vector.broadcast %jit3A_326 : i32 to vector<16xi32>
    %broadcast_in_dim3A_329 = vector.broadcast %jit3A_327 : i32 to vector<16xi32>
    %select_n3A_330 = arith.select %eq3A_325, %broadcast_in_dim3A_328, %broadcast_in_dim3A_329 : vector<16xi1>, vector<16xi32>
    %jit3A_331 = arith.constant 0 : i32
    %broadcast_in_dim3A_332 = vector.broadcast %jit3A_331 : i32 to vector<16xi32>
    %select_n3A_333 = arith.select %eq3A_322, %broadcast_in_dim3A_332, %select_n3A_330 : vector<16xi1>, vector<16xi32>
    %jit3A_334 = arith.constant 1 : i32
    %broadcast_in_dim3A_335 = vector.broadcast %jit3A_334 : i32 to vector<16xi32>
    %select_n3A_336 = arith.select %eq3A_319, %broadcast_in_dim3A_335, %select_n3A_333 : vector<16xi1>, vector<16xi32>
    %eq3A_337 = arith.constant 0 : i32
    %eq3A_338 = vector.broadcast %eq3A_337 : i32 to vector<16xi32>
    %eq3A_339 = arith.cmpi eq, %select_n3A_294, %eq3A_338 : vector<16xi32>
    %jit3A_340 = arith.constant 0 : i32
    %broadcast_in_dim3A_341 = vector.broadcast %jit3A_340 : i32 to vector<16xi32>
    %select_n3A_342 = arith.select %eq3A_339, %broadcast_in_dim3A_341, %select_n3A_336 : vector<16xi1>, vector<16xi32>
    %mul3A_343 = arith.constant 20 : i32
    %mul3A_344 = vector.broadcast %mul3A_343 : i32 to vector<16xi32>
    %mul3A_345 = arith.muli %mul3A_344, %select_n3A_336 : vector<16xi32>
    %add3A_346 = arith.addi %mul3A_345, %select_n3A_316 : vector<16xi32>
    %gather3A_347 = tpu.vector_load_idx %arg6[%add3A_346] : memref<60xf32, #tpu.memory_space<vmem>>[vector<16xi32>], vector<16xf32>,
    %mul3A_348 = arith.constant 20 : i32
    %mul3A_349 = vector.broadcast %mul3A_348 : i32 to vector<16xi32>
    %mul3A_350 = arith.muli %mul3A_349, %select_n3A_342 : vector<16xi32>
    %add3A_351 = arith.addi %mul3A_350, %select_n3A_316 : vector<16xi32>
    %gather3A_352 = tpu.vector_load_idx %arg6[%add3A_351] : memref<60xf32, #tpu.memory_space<vmem>>[vector<16xi32>], vector<16xf32>,
    %add3A_353 = arith.addf %gather3A_347, %gather3A_352 : vector<16xf32>
    %mul3A_354 = arith.constant 5.000000e-01 : f32
    %mul3A_355 = vector.broadcast %mul3A_354 : f32 to vector<16xf32>
    %mul3A_356 = arith.mulf %mul3A_355, %add3A_353 : vector<16xf32>
    %bitcast_convert_type3A_357 = tpu.bitcast %mul3A_356 : vector<16xf32> -> vector<16xi32>
    %add3A_358 = arith.constant 32767 : i32
    %add3A_359 = vector.broadcast %add3A_358 : i32 to vector<16xi32>
    %add3A_360 = arith.addi %bitcast_convert_type3A_357, %add3A_359 : vector<16xi32>
    %shift_right_arithmetic3A_361 = arith.constant 16 : i32
    %shift_right_arithmetic3A_362 = vector.broadcast %shift_right_arithmetic3A_361 : i32 to vector<16xi32>
    %shift_right_arithmetic3A_363 = arith.shrsi %bitcast_convert_type3A_357, %shift_right_arithmetic3A_362 : vector<16xi32>
    %and3A_364 = arith.constant 1 : i32
    %and3A_365 = vector.broadcast %and3A_364 : i32 to vector<16xi32>
    %and3A_366 = arith.andi %shift_right_arithmetic3A_363, %and3A_365 : vector<16xi32>
    %add3A_367 = arith.addi %add3A_360, %and3A_366 : vector<16xi32>
    %and3A_368 = arith.constant -65536 : i32
    %and3A_369 = vector.broadcast %and3A_368 : i32 to vector<16xi32>
    %and3A_370 = arith.andi %add3A_367, %and3A_369 : vector<16xi32>
    %bitcast_convert_type3A_371 = tpu.bitcast %and3A_370 : vector<16xi32> -> vector<16xf32>
    %add3A_372 = arith.constant 48 : i32
    %add3A_373 = vector.broadcast %add3A_372 : i32 to vector<16xi32>
    %add3A_374 = arith.addi %add3A_373, %iota3A : vector<16xi32>
    %jit3A_375 = arith.constant 20 : i32
    %div3A_376 = vector.broadcast %jit3A_375 : i32 to vector<16xi32>
    %div3A_377 = arith.divsi %add3A_374, %div3A_376 : vector<16xi32>
    %sign3A_378 = arith.constant 0 : i32
    %sign3A_379 = vector.broadcast %sign3A_378 : i32 to vector<16xi32>
    %sign3A_380 = arith.cmpi sgt, %add3A_374, %sign3A_379 : vector<16xi32>
    %sign3A_381 = arith.extui %sign3A_380 : vector<16xi1> to vector<16xi32>
    %sign3A_382 = arith.constant 0 : i32
    %sign3A_383 = vector.broadcast %sign3A_382 : i32 to vector<16xi32>
    %sign3A_384 = arith.cmpi slt, %add3A_374, %sign3A_383 : vector<16xi32>
    %sign3A_385 = arith.extui %sign3A_384 : vector<16xi1> to vector<16xi32>
    %sign3A_386 = arith.subi %sign3A_381, %sign3A_385 : vector<16xi32>
    %sign3A_387 = arith.constant 0 : i32
    %sign3A_388 = arith.cmpi sgt, %jit3A_375, %sign3A_387 : i32
    %sign3A_389 = arith.extui %sign3A_388 : i1 to i32
    %sign3A_390 = arith.constant 0 : i32
    %sign3A_391 = arith.cmpi slt, %jit3A_375, %sign3A_390 : i32
    %sign3A_392 = arith.extui %sign3A_391 : i1 to i32
    %sign3A_393 = arith.subi %sign3A_389, %sign3A_392 : i32
    %ne3A_394 = vector.broadcast %sign3A_393 : i32 to vector<16xi32>
    %ne3A_395 = arith.cmpi ne, %sign3A_386, %ne3A_394 : vector<16xi32>
    %rem3A_396 = vector.broadcast %jit3A_375 : i32 to vector<16xi32>
    %rem3A_397 = arith.remsi %add3A_374, %rem3A_396 : vector<16xi32>
    %ne3A_398 = arith.constant 0 : i32
    %ne3A_399 = vector.broadcast %ne3A_398 : i32 to vector<16xi32>
    %ne3A_400 = arith.cmpi ne, %rem3A_397, %ne3A_399 : vector<16xi32>
    %and3A_401 = arith.andi %ne3A_395, %ne3A_400 : vector<16xi1>
    %sub3A_402 = arith.constant 1 : i32
    %sub3A_403 = vector.broadcast %sub3A_402 : i32 to vector<16xi32>
    %sub3A_404 = arith.subi %div3A_377, %sub3A_403 : vector<16xi32>
    %select_n3A_405 = arith.select %and3A_401, %sub3A_404, %div3A_377 : vector<16xi1>, vector<16xi32>
    %jit3A_406 = arith.constant 20 : i32
    %eq3A_407 = arith.constant 0 : i32
    %eq3A_408 = arith.cmpi eq, %jit3A_406, %eq3A_407 : i32
    %jit3A_409 = arith.constant 1 : i32
    %select_n3A_410 = arith.select %eq3A_408, %jit3A_409, %jit3A_406 : i32
    %rem3A_411 = vector.broadcast %select_n3A_410 : i32 to vector<16xi32>
    %rem3A_412 = arith.remsi %add3A_374, %rem3A_411 : vector<16xi32>
    %ne3A_413 = arith.constant 0 : i32
    %ne3A_414 = vector.broadcast %ne3A_413 : i32 to vector<16xi32>
    %ne3A_415 = arith.cmpi ne, %rem3A_412, %ne3A_414 : vector<16xi32>
    %lt3A_416 = arith.constant 0 : i32
    %lt3A_417 = vector.broadcast %lt3A_416 : i32 to vector<16xi32>
    %lt3A_418 = arith.cmpi slt, %rem3A_412, %lt3A_417 : vector<16xi32>
    %lt3A_419 = arith.constant 0 : i32
    %lt3A_420 = arith.cmpi slt, %select_n3A_410, %lt3A_419 : i32
    %ne3A_421 = vector.broadcast %lt3A_420 : i1 to vector<16xi1>
    %ne3A_422 = vector.broadcast %ne3A_421 : vector<16xi1> to vector<16xi1>
    %ne3A_423 = arith.xori %lt3A_418, %ne3A_422 : vector<16xi1>
    %and3A_424 = arith.andi %ne3A_423, %ne3A_415 : vector<16xi1>
    %add3A_425 = vector.broadcast %select_n3A_410 : i32 to vector<16xi32>
    %add3A_426 = arith.addi %rem3A_412, %add3A_425 : vector<16xi32>
    %select_n3A_427 = arith.select %and3A_424, %add3A_426, %rem3A_412 : vector<16xi1>, vector<16xi32>
    %eq3A_428 = arith.constant 0 : i32
    %eq3A_429 = vector.broadcast %eq3A_428 : i32 to vector<16xi32>
    %eq3A_430 = arith.cmpi eq, %select_n3A_405, %eq3A_429 : vector<16xi32>
    %eq3A_431 = arith.constant 1 : i32
    %eq3A_432 = vector.broadcast %eq3A_431 : i32 to vector<16xi32>
    %eq3A_433 = arith.cmpi eq, %select_n3A_405, %eq3A_432 : vector<16xi32>
    %eq3A_434 = arith.constant 2 : i32
    %eq3A_435 = vector.broadcast %eq3A_434 : i32 to vector<16xi32>
    %eq3A_436 = arith.cmpi eq, %select_n3A_405, %eq3A_435 : vector<16xi32>
    %jit3A_437 = arith.constant 1 : i32
    %jit3A_438 = arith.constant 2 : i32
    %broadcast_in_dim3A_439 = vector.broadcast %jit3A_437 : i32 to vector<16xi32>
    %broadcast_in_dim3A_440 = vector.broadcast %jit3A_438 : i32 to vector<16xi32>
    %select_n3A_441 = arith.select %eq3A_436, %broadcast_in_dim3A_439, %broadcast_in_dim3A_440 : vector<16xi1>, vector<16xi32>
    %jit3A_442 = arith.constant 0 : i32
    %broadcast_in_dim3A_443 = vector.broadcast %jit3A_442 : i32 to vector<16xi32>
    %select_n3A_444 = arith.select %eq3A_433, %broadcast_in_dim3A_443, %select_n3A_441 : vector<16xi1>, vector<16xi32>
    %jit3A_445 = arith.constant 1 : i32
    %broadcast_in_dim3A_446 = vector.broadcast %jit3A_445 : i32 to vector<16xi32>
    %select_n3A_447 = arith.select %eq3A_430, %broadcast_in_dim3A_446, %select_n3A_444 : vector<16xi1>, vector<16xi32>
    %eq3A_448 = arith.constant 0 : i32
    %eq3A_449 = vector.broadcast %eq3A_448 : i32 to vector<16xi32>
    %eq3A_450 = arith.cmpi eq, %select_n3A_405, %eq3A_449 : vector<16xi32>
    %jit3A_451 = arith.constant 0 : i32
    %broadcast_in_dim3A_452 = vector.broadcast %jit3A_451 : i32 to vector<16xi32>
    %select_n3A_453 = arith.select %eq3A_450, %broadcast_in_dim3A_452, %select_n3A_447 : vector<16xi1>, vector<16xi32>
    %mul3A_454 = arith.constant 20 : i32
    %mul3A_455 = vector.broadcast %mul3A_454 : i32 to vector<16xi32>
    %mul3A_456 = arith.muli %mul3A_455, %select_n3A_447 : vector<16xi32>
    %add3A_457 = arith.addi %mul3A_456, %select_n3A_427 : vector<16xi32>
    %gather3A_458 = tpu.vector_load_idx %arg6[%add3A_457] : memref<60xf32, #tpu.memory_space<vmem>>[vector<16xi32>], vector<16xf32>,
    %mul3A_459 = arith.constant 20 : i32
    %mul3A_460 = vector.broadcast %mul3A_459 : i32 to vector<16xi32>
    %mul3A_461 = arith.muli %mul3A_460, %select_n3A_453 : vector<16xi32>
    %add3A_462 = arith.addi %mul3A_461, %select_n3A_427 : vector<16xi32>
    %gather3A_463 = tpu.vector_load_idx %arg6[%add3A_462] : memref<60xf32, #tpu.memory_space<vmem>>[vector<16xi32>], vector<16xf32>,
    %add3A_464 = arith.addf %gather3A_458, %gather3A_463 : vector<16xf32>
    %mul3A_465 = arith.constant 5.000000e-01 : f32
    %mul3A_466 = vector.broadcast %mul3A_465 : f32 to vector<16xf32>
    %mul3A_467 = arith.mulf %mul3A_466, %add3A_464 : vector<16xf32>
    %bitcast_convert_type3A_468 = tpu.bitcast %mul3A_467 : vector<16xf32> -> vector<16xi32>
    %add3A_469 = arith.constant 32767 : i32
    %add3A_470 = vector.broadcast %add3A_469 : i32 to vector<16xi32>
    %add3A_471 = arith.addi %bitcast_convert_type3A_468, %add3A_470 : vector<16xi32>
    %shift_right_arithmetic3A_472 = arith.constant 16 : i32
    %shift_right_arithmetic3A_473 = vector.broadcast %shift_right_arithmetic3A_472 : i32 to vector<16xi32>
    %shift_right_arithmetic3A_474 = arith.shrsi %bitcast_convert_type3A_468, %shift_right_arithmetic3A_473 : vector<16xi32>
    %and3A_475 = arith.constant 1 : i32
    %and3A_476 = vector.broadcast %and3A_475 : i32 to vector<16xi32>
    %and3A_477 = arith.andi %shift_right_arithmetic3A_474, %and3A_476 : vector<16xi32>
    %add3A_478 = arith.addi %add3A_471, %and3A_477 : vector<16xi32>
    %and3A_479 = arith.constant -65536 : i32
    %and3A_480 = vector.broadcast %and3A_479 : i32 to vector<16xi32>
    %and3A_481 = arith.andi %add3A_478, %and3A_480 : vector<16xi32>
    %bitcast_convert_type3A_482 = tpu.bitcast %and3A_481 : vector<16xi32> -> vector<16xf32>
    %add3A_483 = arith.constant 64 : i32
    %add3A_484 = vector.broadcast %add3A_483 : i32 to vector<16xi32>
    %add3A_485 = arith.addi %add3A_484, %iota3A : vector<16xi32>
    %jit3A_486 = arith.constant 20 : i32
    %div3A_487 = vector.broadcast %jit3A_486 : i32 to vector<16xi32>
    %div3A_488 = arith.divsi %add3A_485, %div3A_487 : vector<16xi32>
    %sign3A_489 = arith.constant 0 : i32
    %sign3A_490 = vector.broadcast %sign3A_489 : i32 to vector<16xi32>
    %sign3A_491 = arith.cmpi sgt, %add3A_485, %sign3A_490 : vector<16xi32>
    %sign3A_492 = arith.extui %sign3A_491 : vector<16xi1> to vector<16xi32>
    %sign3A_493 = arith.constant 0 : i32
    %sign3A_494 = vector.broadcast %sign3A_493 : i32 to vector<16xi32>
    %sign3A_495 = arith.cmpi slt, %add3A_485, %sign3A_494 : vector<16xi32>
    %sign3A_496 = arith.extui %sign3A_495 : vector<16xi1> to vector<16xi32>
    %sign3A_497 = arith.subi %sign3A_492, %sign3A_496 : vector<16xi32>
    %sign3A_498 = arith.constant 0 : i32
    %sign3A_499 = arith.cmpi sgt, %jit3A_486, %sign3A_498 : i32
    %sign3A_500 = arith.extui %sign3A_499 : i1 to i32
    %sign3A_501 = arith.constant 0 : i32
    %sign3A_502 = arith.cmpi slt, %jit3A_486, %sign3A_501 : i32
    %sign3A_503 = arith.extui %sign3A_502 : i1 to i32
    %sign3A_504 = arith.subi %sign3A_500, %sign3A_503 : i32
    %ne3A_505 = vector.broadcast %sign3A_504 : i32 to vector<16xi32>
    %ne3A_506 = arith.cmpi ne, %sign3A_497, %ne3A_505 : vector<16xi32>
    %rem3A_507 = vector.broadcast %jit3A_486 : i32 to vector<16xi32>
    %rem3A_508 = arith.remsi %add3A_485, %rem3A_507 : vector<16xi32>
    %ne3A_509 = arith.constant 0 : i32
    %ne3A_510 = vector.broadcast %ne3A_509 : i32 to vector<16xi32>
    %ne3A_511 = arith.cmpi ne, %rem3A_508, %ne3A_510 : vector<16xi32>
    %and3A_512 = arith.andi %ne3A_506, %ne3A_511 : vector<16xi1>
    %sub3A_513 = arith.constant 1 : i32
    %sub3A_514 = vector.broadcast %sub3A_513 : i32 to vector<16xi32>
    %sub3A_515 = arith.subi %div3A_488, %sub3A_514 : vector<16xi32>
    %select_n3A_516 = arith.select %and3A_512, %sub3A_515, %div3A_488 : vector<16xi1>, vector<16xi32>
    %jit3A_517 = arith.constant 20 : i32
    %eq3A_518 = arith.constant 0 : i32
    %eq3A_519 = arith.cmpi eq, %jit3A_517, %eq3A_518 : i32
    %jit3A_520 = arith.constant 1 : i32
    %select_n3A_521 = arith.select %eq3A_519, %jit3A_520, %jit3A_517 : i32
    %rem3A_522 = vector.broadcast %select_n3A_521 : i32 to vector<16xi32>
    %rem3A_523 = arith.remsi %add3A_485, %rem3A_522 : vector<16xi32>
    %ne3A_524 = arith.constant 0 : i32
    %ne3A_525 = vector.broadcast %ne3A_524 : i32 to vector<16xi32>
    %ne3A_526 = arith.cmpi ne, %rem3A_523, %ne3A_525 : vector<16xi32>
    %lt3A_527 = arith.constant 0 : i32
    %lt3A_528 = vector.broadcast %lt3A_527 : i32 to vector<16xi32>
    %lt3A_529 = arith.cmpi slt, %rem3A_523, %lt3A_528 : vector<16xi32>
    %lt3A_530 = arith.constant 0 : i32
    %lt3A_531 = arith.cmpi slt, %select_n3A_521, %lt3A_530 : i32
    %ne3A_532 = vector.broadcast %lt3A_531 : i1 to vector<16xi1>
    %ne3A_533 = vector.broadcast %ne3A_532 : vector<16xi1> to vector<16xi1>
    %ne3A_534 = arith.xori %lt3A_529, %ne3A_533 : vector<16xi1>
    %and3A_535 = arith.andi %ne3A_534, %ne3A_526 : vector<16xi1>
    %add3A_536 = vector.broadcast %select_n3A_521 : i32 to vector<16xi32>
    %add3A_537 = arith.addi %rem3A_523, %add3A_536 : vector<16xi32>
    %select_n3A_538 = arith.select %and3A_535, %add3A_537, %rem3A_523 : vector<16xi1>, vector<16xi32>
    %eq3A_539 = arith.constant 0 : i32
    %eq3A_540 = vector.broadcast %eq3A_539 : i32 to vector<16xi32>
    %eq3A_541 = arith.cmpi eq, %select_n3A_516, %eq3A_540 : vector<16xi32>
    %eq3A_542 = arith.constant 1 : i32
    %eq3A_543 = vector.broadcast %eq3A_542 : i32 to vector<16xi32>
    %eq3A_544 = arith.cmpi eq, %select_n3A_516, %eq3A_543 : vector<16xi32>
    %eq3A_545 = arith.constant 2 : i32
    %eq3A_546 = vector.broadcast %eq3A_545 : i32 to vector<16xi32>
    %eq3A_547 = arith.cmpi eq, %select_n3A_516, %eq3A_546 : vector<16xi32>
    %jit3A_548 = arith.constant 1 : i32
    %jit3A_549 = arith.constant 2 : i32
    %broadcast_in_dim3A_550 = vector.broadcast %jit3A_548 : i32 to vector<16xi32>
    %broadcast_in_dim3A_551 = vector.broadcast %jit3A_549 : i32 to vector<16xi32>
    %select_n3A_552 = arith.select %eq3A_547, %broadcast_in_dim3A_550, %broadcast_in_dim3A_551 : vector<16xi1>, vector<16xi32>
    %jit3A_553 = arith.constant 0 : i32
    %broadcast_in_dim3A_554 = vector.broadcast %jit3A_553 : i32 to vector<16xi32>
    %select_n3A_555 = arith.select %eq3A_544, %broadcast_in_dim3A_554, %select_n3A_552 : vector<16xi1>, vector<16xi32>
    %jit3A_556 = arith.constant 1 : i32
    %broadcast_in_dim3A_557 = vector.broadcast %jit3A_556 : i32 to vector<16xi32>
    %select_n3A_558 = arith.select %eq3A_541, %broadcast_in_dim3A_557, %select_n3A_555 : vector<16xi1>, vector<16xi32>
    %eq3A_559 = arith.constant 0 : i32
    %eq3A_560 = vector.broadcast %eq3A_559 : i32 to vector<16xi32>
    %eq3A_561 = arith.cmpi eq, %select_n3A_516, %eq3A_560 : vector<16xi32>
    %jit3A_562 = arith.constant 0 : i32
    %broadcast_in_dim3A_563 = vector.broadcast %jit3A_562 : i32 to vector<16xi32>
    %select_n3A_564 = arith.select %eq3A_561, %broadcast_in_dim3A_563, %select_n3A_558 : vector<16xi1>, vector<16xi32>
    %mul3A_565 = arith.constant 20 : i32
    %mul3A_566 = vector.broadcast %mul3A_565 : i32 to vector<16xi32>
    %mul3A_567 = arith.muli %mul3A_566, %select_n3A_558 : vector<16xi32>
    %add3A_568 = arith.addi %mul3A_567, %select_n3A_538 : vector<16xi32>
    %gather3A_569 = tpu.vector_load_idx %arg6[%add3A_568] : memref<60xf32, #tpu.memory_space<vmem>>[vector<16xi32>], vector<16xf32>,
    %mul3A_570 = arith.constant 20 : i32
    %mul3A_571 = vector.broadcast %mul3A_570 : i32 to vector<16xi32>
    %mul3A_572 = arith.muli %mul3A_571, %select_n3A_564 : vector<16xi32>
    %add3A_573 = arith.addi %mul3A_572, %select_n3A_538 : vector<16xi32>
    %gather3A_574 = tpu.vector_load_idx %arg6[%add3A_573] : memref<60xf32, #tpu.memory_space<vmem>>[vector<16xi32>], vector<16xf32>,
    %add3A_575 = arith.addf %gather3A_569, %gather3A_574 : vector<16xf32>
    %mul3A_576 = arith.constant 5.000000e-01 : f32
    %mul3A_577 = vector.broadcast %mul3A_576 : f32 to vector<16xf32>
    %mul3A_578 = arith.mulf %mul3A_577, %add3A_575 : vector<16xf32>
    %bitcast_convert_type3A_579 = tpu.bitcast %mul3A_578 : vector<16xf32> -> vector<16xi32>
    %add3A_580 = arith.constant 32767 : i32
    %add3A_581 = vector.broadcast %add3A_580 : i32 to vector<16xi32>
    %add3A_582 = arith.addi %bitcast_convert_type3A_579, %add3A_581 : vector<16xi32>
    %shift_right_arithmetic3A_583 = arith.constant 16 : i32
    %shift_right_arithmetic3A_584 = vector.broadcast %shift_right_arithmetic3A_583 : i32 to vector<16xi32>
    %shift_right_arithmetic3A_585 = arith.shrsi %bitcast_convert_type3A_579, %shift_right_arithmetic3A_584 : vector<16xi32>
    %and3A_586 = arith.constant 1 : i32
    %and3A_587 = vector.broadcast %and3A_586 : i32 to vector<16xi32>
    %and3A_588 = arith.andi %shift_right_arithmetic3A_585, %and3A_587 : vector<16xi32>
    %add3A_589 = arith.addi %add3A_582, %and3A_588 : vector<16xi32>
    %and3A_590 = arith.constant -65536 : i32
    %and3A_591 = vector.broadcast %and3A_590 : i32 to vector<16xi32>
    %and3A_592 = arith.andi %add3A_589, %and3A_591 : vector<16xi32>
    %bitcast_convert_type3A_593 = tpu.bitcast %and3A_592 : vector<16xi32> -> vector<16xf32>
    %broadcast_in_dim3A_594 = arith.constant 0 : i32
    %broadcast_in_dim3A_595 = vector.broadcast %broadcast_in_dim3A_594 : i32 to vector<16xi32>
    %lt3A_596 = arith.constant 0 : i32
    %lt3A_597 = vector.broadcast %lt3A_596 : i32 to vector<16xi32>
    %lt3A_598 = arith.cmpi slt, %broadcast_in_dim3A_595, %lt3A_597 : vector<16xi32>
    %add3A_599 = arith.constant 16 : i32
    %add3A_600 = vector.broadcast %add3A_599 : i32 to vector<16xi32>
    %add3A_601 = arith.addi %broadcast_in_dim3A_595, %add3A_600 : vector<16xi32>
    %select_n3A_602 = arith.select %lt3A_598, %add3A_601, %broadcast_in_dim3A_595 : vector<16xi1>, vector<16xi32>
    %broadcast_in_dim3A_603 = vector.shape_cast %select_n3A_602 : vector<16xi32> to vector<16x1xi32>
    %gather3A_604 = vector.shape_cast %broadcast_in_dim3A_603 : vector<16x1xi32> to vector<16xi32>
    %gather3A_605 = tpu.dynamic_gather %bitcast_convert_type3A_149[%gather3A_604] in [0] : vector<16xf32>, vector<16xi32> -> vector<16xf32>
    %broadcast_in_dim3A_606 = arith.constant 1 : i32
    %broadcast_in_dim3A_607 = vector.broadcast %broadcast_in_dim3A_606 : i32 to vector<16xi32>
    %lt3A_608 = arith.constant 0 : i32
    %lt3A_609 = vector.broadcast %lt3A_608 : i32 to vector<16xi32>
    %lt3A_610 = arith.cmpi slt, %broadcast_in_dim3A_607, %lt3A_609 : vector<16xi32>
    %add3A_611 = arith.constant 16 : i32
    %add3A_612 = vector.broadcast %add3A_611 : i32 to vector<16xi32>
    %add3A_613 = arith.addi %broadcast_in_dim3A_607, %add3A_612 : vector<16xi32>
    %select_n3A_614 = arith.select %lt3A_610, %add3A_613, %broadcast_in_dim3A_607 : vector<16xi1>, vector<16xi32>
    %broadcast_in_dim3A_615 = vector.shape_cast %select_n3A_614 : vector<16xi32> to vector<16x1xi32>
    %gather3A_616 = vector.shape_cast %broadcast_in_dim3A_615 : vector<16x1xi32> to vector<16xi32>
    %gather3A_617 = tpu.dynamic_gather %bitcast_convert_type3A_149[%gather3A_616] in [0] : vector<16xf32>, vector<16xi32> -> vector<16xf32>
    %broadcast_in_dim3A_618 = arith.constant 2 : i32
    %broadcast_in_dim3A_619 = vector.broadcast %broadcast_in_dim3A_618 : i32 to vector<16xi32>
    %lt3A_620 = arith.constant 0 : i32
    %lt3A_621 = vector.broadcast %lt3A_620 : i32 to vector<16xi32>
    %lt3A_622 = arith.cmpi slt, %broadcast_in_dim3A_619, %lt3A_621 : vector<16xi32>
    %add3A_623 = arith.constant 16 : i32
    %add3A_624 = vector.broadcast %add3A_623 : i32 to vector<16xi32>
    %add3A_625 = arith.addi %broadcast_in_dim3A_619, %add3A_624 : vector<16xi32>
    %select_n3A_626 = arith.select %lt3A_622, %add3A_625, %broadcast_in_dim3A_619 : vector<16xi1>, vector<16xi32>
    %broadcast_in_dim3A_627 = vector.shape_cast %select_n3A_626 : vector<16xi32> to vector<16x1xi32>
    %gather3A_628 = vector.shape_cast %broadcast_in_dim3A_627 : vector<16x1xi32> to vector<16xi32>
    %gather3A_629 = tpu.dynamic_gather %bitcast_convert_type3A_149[%gather3A_628] in [0] : vector<16xf32>, vector<16xi32> -> vector<16xf32>
    %broadcast_in_dim3A_630 = arith.constant 3 : i32
    %broadcast_in_dim3A_631 = vector.broadcast %broadcast_in_dim3A_630 : i32 to vector<16xi32>
    %lt3A_632 = arith.constant 0 : i32
    %lt3A_633 = vector.broadcast %lt3A_632 : i32 to vector<16xi32>
    %lt3A_634 = arith.cmpi slt, %broadcast_in_dim3A_631, %lt3A_633 : vector<16xi32>
    %add3A_635 = arith.constant 16 : i32
    %add3A_636 = vector.broadcast %add3A_635 : i32 to vector<16xi32>
    %add3A_637 = arith.addi %broadcast_in_dim3A_631, %add3A_636 : vector<16xi32>
    %select_n3A_638 = arith.select %lt3A_634, %add3A_637, %broadcast_in_dim3A_631 : vector<16xi1>, vector<16xi32>
    %broadcast_in_dim3A_639 = vector.shape_cast %select_n3A_638 : vector<16xi32> to vector<16x1xi32>
    %gather3A_640 = vector.shape_cast %broadcast_in_dim3A_639 : vector<16x1xi32> to vector<16xi32>
    %gather3A_641 = tpu.dynamic_gather %bitcast_convert_type3A_149[%gather3A_640] in [0] : vector<16xf32>, vector<16xi32> -> vector<16xf32>
    %broadcast_in_dim3A_642 = arith.constant 4 : i32
    %broadcast_in_dim3A_643 = vector.broadcast %broadcast_in_dim3A_642 : i32 to vector<16xi32>
    %lt3A_644 = arith.constant 0 : i32
    %lt3A_645 = vector.broadcast %lt3A_644 : i32 to vector<16xi32>
    %lt3A_646 = arith.cmpi slt, %broadcast_in_dim3A_643, %lt3A_645 : vector<16xi32>
    %add3A_647 = arith.constant 16 : i32
    %add3A_648 = vector.broadcast %add3A_647 : i32 to vector<16xi32>
    %add3A_649 = arith.addi %broadcast_in_dim3A_643, %add3A_648 : vector<16xi32>
    %select_n3A_650 = arith.select %lt3A_646, %add3A_649, %broadcast_in_dim3A_643 : vector<16xi1>, vector<16xi32>
    %broadcast_in_dim3A_651 = vector.shape_cast %select_n3A_650 : vector<16xi32> to vector<16x1xi32>
    %gather3A_652 = vector.shape_cast %broadcast_in_dim3A_651 : vector<16x1xi32> to vector<16xi32>
    %gather3A_653 = tpu.dynamic_gather %bitcast_convert_type3A_149[%gather3A_652] in [0] : vector<16xf32>, vector<16xi32> -> vector<16xf32>
    %broadcast_in_dim3A_654 = arith.constant 5 : i32
    %broadcast_in_dim3A_655 = vector.broadcast %broadcast_in_dim3A_654 : i32 to vector<16xi32>
    %lt3A_656 = arith.constant 0 : i32
    %lt3A_657 = vector.broadcast %lt3A_656 : i32 to vector<16xi32>
    %lt3A_658 = arith.cmpi slt, %broadcast_in_dim3A_655, %lt3A_657 : vector<16xi32>
    %add3A_659 = arith.constant 16 : i32
    %add3A_660 = vector.broadcast %add3A_659 : i32 to vector<16xi32>
    %add3A_661 = arith.addi %broadcast_in_dim3A_655, %add3A_660 : vector<16xi32>
    %select_n3A_662 = arith.select %lt3A_658, %add3A_661, %broadcast_in_dim3A_655 : vector<16xi1>, vector<16xi32>
    %broadcast_in_dim3A_663 = vector.shape_cast %select_n3A_662 : vector<16xi32> to vector<16x1xi32>
    %gather3A_664 = vector.shape_cast %broadcast_in_dim3A_663 : vector<16x1xi32> to vector<16xi32>
    %gather3A_665 = tpu.dynamic_gather %bitcast_convert_type3A_149[%gather3A_664] in [0] : vector<16xf32>, vector<16xi32> -> vector<16xf32>
    %broadcast_in_dim3A_666 = arith.constant 6 : i32
    %broadcast_in_dim3A_667 = vector.broadcast %broadcast_in_dim3A_666 : i32 to vector<16xi32>
    %lt3A_668 = arith.constant 0 : i32
    %lt3A_669 = vector.broadcast %lt3A_668 : i32 to vector<16xi32>
    %lt3A_670 = arith.cmpi slt, %broadcast_in_dim3A_667, %lt3A_669 : vector<16xi32>
    %add3A_671 = arith.constant 16 : i32
    %add3A_672 = vector.broadcast %add3A_671 : i32 to vector<16xi32>
    %add3A_673 = arith.addi %broadcast_in_dim3A_667, %add3A_672 : vector<16xi32>
    %select_n3A_674 = arith.select %lt3A_670, %add3A_673, %broadcast_in_dim3A_667 : vector<16xi1>, vector<16xi32>
    %broadcast_in_dim3A_675 = vector.shape_cast %select_n3A_674 : vector<16xi32> to vector<16x1xi32>
    %gather3A_676 = vector.shape_cast %broadcast_in_dim3A_675 : vector<16x1xi32> to vector<16xi32>
    %gather3A_677 = tpu.dynamic_gather %bitcast_convert_type3A_149[%gather3A_676] in [0] : vector<16xf32>, vector<16xi32> -> vector<16xf32>
    %broadcast_in_dim3A_678 = arith.constant 7 : i32
    %broadcast_in_dim3A_679 = vector.broadcast %broadcast_in_dim3A_678 : i32 to vector<16xi32>
    %lt3A_680 = arith.constant 0 : i32
    %lt3A_681 = vector.broadcast %lt3A_680 : i32 to vector<16xi32>
    %lt3A_682 = arith.cmpi slt, %broadcast_in_dim3A_679, %lt3A_681 : vector<16xi32>
    %add3A_683 = arith.constant 16 : i32
    %add3A_684 = vector.broadcast %add3A_683 : i32 to vector<16xi32>
    %add3A_685 = arith.addi %broadcast_in_dim3A_679, %add3A_684 : vector<16xi32>
    %select_n3A_686 = arith.select %lt3A_682, %add3A_685, %broadcast_in_dim3A_679 : vector<16xi1>, vector<16xi32>
    %broadcast_in_dim3A_687 = vector.shape_cast %select_n3A_686 : vector<16xi32> to vector<16x1xi32>
    %gather3A_688 = vector.shape_cast %broadcast_in_dim3A_687 : vector<16x1xi32> to vector<16xi32>
    %gather3A_689 = tpu.dynamic_gather %bitcast_convert_type3A_149[%gather3A_688] in [0] : vector<16xf32>, vector<16xi32> -> vector<16xf32>
    %broadcast_in_dim3A_690 = arith.constant 8 : i32
    %broadcast_in_dim3A_691 = vector.broadcast %broadcast_in_dim3A_690 : i32 to vector<16xi32>
    %lt3A_692 = arith.constant 0 : i32
    %lt3A_693 = vector.broadcast %lt3A_692 : i32 to vector<16xi32>
    %lt3A_694 = arith.cmpi slt, %broadcast_in_dim3A_691, %lt3A_693 : vector<16xi32>
    %add3A_695 = arith.constant 16 : i32
    %add3A_696 = vector.broadcast %add3A_695 : i32 to vector<16xi32>
    %add3A_697 = arith.addi %broadcast_in_dim3A_691, %add3A_696 : vector<16xi32>
    %select_n3A_698 = arith.select %lt3A_694, %add3A_697, %broadcast_in_dim3A_691 : vector<16xi1>, vector<16xi32>
    %broadcast_in_dim3A_699 = vector.shape_cast %select_n3A_698 : vector<16xi32> to vector<16x1xi32>
    %gather3A_700 = vector.shape_cast %broadcast_in_dim3A_699 : vector<16x1xi32> to vector<16xi32>
    %gather3A_701 = tpu.dynamic_gather %bitcast_convert_type3A_149[%gather3A_700] in [0] : vector<16xf32>, vector<16xi32> -> vector<16xf32>
    %broadcast_in_dim3A_702 = arith.constant 9 : i32
    %broadcast_in_dim3A_703 = vector.broadcast %broadcast_in_dim3A_702 : i32 to vector<16xi32>
    %lt3A_704 = arith.constant 0 : i32
    %lt3A_705 = vector.broadcast %lt3A_704 : i32 to vector<16xi32>
    %lt3A_706 = arith.cmpi slt, %broadcast_in_dim3A_703, %lt3A_705 : vector<16xi32>
    %add3A_707 = arith.constant 16 : i32
    %add3A_708 = vector.broadcast %add3A_707 : i32 to vector<16xi32>
    %add3A_709 = arith.addi %broadcast_in_dim3A_703, %add3A_708 : vector<16xi32>
    %select_n3A_710 = arith.select %lt3A_706, %add3A_709, %broadcast_in_dim3A_703 : vector<16xi1>, vector<16xi32>
    %broadcast_in_dim3A_711 = vector.shape_cast %select_n3A_710 : vector<16xi32> to vector<16x1xi32>
    %gather3A_712 = vector.shape_cast %broadcast_in_dim3A_711 : vector<16x1xi32> to vector<16xi32>
    %gather3A_713 = tpu.dynamic_gather %bitcast_convert_type3A_149[%gather3A_712] in [0] : vector<16xf32>, vector<16xi32> -> vector<16xf32>
    %broadcast_in_dim3A_714 = arith.constant 10 : i32
    %broadcast_in_dim3A_715 = vector.broadcast %broadcast_in_dim3A_714 : i32 to vector<16xi32>
    %lt3A_716 = arith.constant 0 : i32
    %lt3A_717 = vector.broadcast %lt3A_716 : i32 to vector<16xi32>
    %lt3A_718 = arith.cmpi slt, %broadcast_in_dim3A_715, %lt3A_717 : vector<16xi32>
    %add3A_719 = arith.constant 16 : i32
    %add3A_720 = vector.broadcast %add3A_719 : i32 to vector<16xi32>
    %add3A_721 = arith.addi %broadcast_in_dim3A_715, %add3A_720 : vector<16xi32>
    %select_n3A_722 = arith.select %lt3A_718, %add3A_721, %broadcast_in_dim3A_715 : vector<16xi1>, vector<16xi32>
    %broadcast_in_dim3A_723 = vector.shape_cast %select_n3A_722 : vector<16xi32> to vector<16x1xi32>
    %gather3A_724 = vector.shape_cast %broadcast_in_dim3A_723 : vector<16x1xi32> to vector<16xi32>
    %gather3A_725 = tpu.dynamic_gather %bitcast_convert_type3A_149[%gather3A_724] in [0] : vector<16xf32>, vector<16xi32> -> vector<16xf32>
    %broadcast_in_dim3A_726 = arith.constant 11 : i32
    %broadcast_in_dim3A_727 = vector.broadcast %broadcast_in_dim3A_726 : i32 to vector<16xi32>
    %lt3A_728 = arith.constant 0 : i32
    %lt3A_729 = vector.broadcast %lt3A_728 : i32 to vector<16xi32>
    %lt3A_730 = arith.cmpi slt, %broadcast_in_dim3A_727, %lt3A_729 : vector<16xi32>
    %add3A_731 = arith.constant 16 : i32
    %add3A_732 = vector.broadcast %add3A_731 : i32 to vector<16xi32>
    %add3A_733 = arith.addi %broadcast_in_dim3A_727, %add3A_732 : vector<16xi32>
    %select_n3A_734 = arith.select %lt3A_730, %add3A_733, %broadcast_in_dim3A_727 : vector<16xi1>, vector<16xi32>
    %broadcast_in_dim3A_735 = vector.shape_cast %select_n3A_734 : vector<16xi32> to vector<16x1xi32>
    %gather3A_736 = vector.shape_cast %broadcast_in_dim3A_735 : vector<16x1xi32> to vector<16xi32>
    %gather3A_737 = tpu.dynamic_gather %bitcast_convert_type3A_149[%gather3A_736] in [0] : vector<16xf32>, vector<16xi32> -> vector<16xf32>
    %broadcast_in_dim3A_738 = arith.constant 12 : i32
    %broadcast_in_dim3A_739 = vector.broadcast %broadcast_in_dim3A_738 : i32 to vector<16xi32>
    %lt3A_740 = arith.constant 0 : i32
    %lt3A_741 = vector.broadcast %lt3A_740 : i32 to vector<16xi32>
    %lt3A_742 = arith.cmpi slt, %broadcast_in_dim3A_739, %lt3A_741 : vector<16xi32>
    %add3A_743 = arith.constant 16 : i32
    %add3A_744 = vector.broadcast %add3A_743 : i32 to vector<16xi32>
    %add3A_745 = arith.addi %broadcast_in_dim3A_739, %add3A_744 : vector<16xi32>
    %select_n3A_746 = arith.select %lt3A_742, %add3A_745, %broadcast_in_dim3A_739 : vector<16xi1>, vector<16xi32>
    %broadcast_in_dim3A_747 = vector.shape_cast %select_n3A_746 : vector<16xi32> to vector<16x1xi32>
    %gather3A_748 = vector.shape_cast %broadcast_in_dim3A_747 : vector<16x1xi32> to vector<16xi32>
    %gather3A_749 = tpu.dynamic_gather %bitcast_convert_type3A_149[%gather3A_748] in [0] : vector<16xf32>, vector<16xi32> -> vector<16xf32>
    %broadcast_in_dim3A_750 = arith.constant 13 : i32
    %broadcast_in_dim3A_751 = vector.broadcast %broadcast_in_dim3A_750 : i32 to vector<16xi32>
    %lt3A_752 = arith.constant 0 : i32
    %lt3A_753 = vector.broadcast %lt3A_752 : i32 to vector<16xi32>
    %lt3A_754 = arith.cmpi slt, %broadcast_in_dim3A_751, %lt3A_753 : vector<16xi32>
    %add3A_755 = arith.constant 16 : i32
    %add3A_756 = vector.broadcast %add3A_755 : i32 to vector<16xi32>
    %add3A_757 = arith.addi %broadcast_in_dim3A_751, %add3A_756 : vector<16xi32>
    %select_n3A_758 = arith.select %lt3A_754, %add3A_757, %broadcast_in_dim3A_751 : vector<16xi1>, vector<16xi32>
    %broadcast_in_dim3A_759 = vector.shape_cast %select_n3A_758 : vector<16xi32> to vector<16x1xi32>
    %gather3A_760 = vector.shape_cast %broadcast_in_dim3A_759 : vector<16x1xi32> to vector<16xi32>
    %gather3A_761 = tpu.dynamic_gather %bitcast_convert_type3A_149[%gather3A_760] in [0] : vector<16xf32>, vector<16xi32> -> vector<16xf32>
    %broadcast_in_dim3A_762 = arith.constant 14 : i32
    %broadcast_in_dim3A_763 = vector.broadcast %broadcast_in_dim3A_762 : i32 to vector<16xi32>
    %lt3A_764 = arith.constant 0 : i32
    %lt3A_765 = vector.broadcast %lt3A_764 : i32 to vector<16xi32>
    %lt3A_766 = arith.cmpi slt, %broadcast_in_dim3A_763, %lt3A_765 : vector<16xi32>
    %add3A_767 = arith.constant 16 : i32
    %add3A_768 = vector.broadcast %add3A_767 : i32 to vector<16xi32>
    %add3A_769 = arith.addi %broadcast_in_dim3A_763, %add3A_768 : vector<16xi32>
    %select_n3A_770 = arith.select %lt3A_766, %add3A_769, %broadcast_in_dim3A_763 : vector<16xi1>, vector<16xi32>
    %broadcast_in_dim3A_771 = vector.shape_cast %select_n3A_770 : vector<16xi32> to vector<16x1xi32>
    %gather3A_772 = vector.shape_cast %broadcast_in_dim3A_771 : vector<16x1xi32> to vector<16xi32>
    %gather3A_773 = tpu.dynamic_gather %bitcast_convert_type3A_149[%gather3A_772] in [0] : vector<16xf32>, vector<16xi32> -> vector<16xf32>
    %broadcast_in_dim3A_774 = arith.constant 15 : i32
    %broadcast_in_dim3A_775 = vector.broadcast %broadcast_in_dim3A_774 : i32 to vector<16xi32>
    %lt3A_776 = arith.constant 0 : i32
    %lt3A_777 = vector.broadcast %lt3A_776 : i32 to vector<16xi32>
    %lt3A_778 = arith.cmpi slt, %broadcast_in_dim3A_775, %lt3A_777 : vector<16xi32>
    %add3A_779 = arith.constant 16 : i32
    %add3A_780 = vector.broadcast %add3A_779 : i32 to vector<16xi32>
    %add3A_781 = arith.addi %broadcast_in_dim3A_775, %add3A_780 : vector<16xi32>
    %select_n3A_782 = arith.select %lt3A_778, %add3A_781, %broadcast_in_dim3A_775 : vector<16xi1>, vector<16xi32>
    %broadcast_in_dim3A_783 = vector.shape_cast %select_n3A_782 : vector<16xi32> to vector<16x1xi32>
    %gather3A_784 = vector.shape_cast %broadcast_in_dim3A_783 : vector<16x1xi32> to vector<16xi32>
    %gather3A_785 = tpu.dynamic_gather %bitcast_convert_type3A_149[%gather3A_784] in [0] : vector<16xf32>, vector<16xi32> -> vector<16xf32>
    %broadcast_in_dim3A_786 = arith.constant 0 : i32
    %broadcast_in_dim3A_787 = vector.broadcast %broadcast_in_dim3A_786 : i32 to vector<16xi32>
    %lt3A_788 = arith.constant 0 : i32
    %lt3A_789 = vector.broadcast %lt3A_788 : i32 to vector<16xi32>
    %lt3A_790 = arith.cmpi slt, %broadcast_in_dim3A_787, %lt3A_789 : vector<16xi32>
    %add3A_791 = arith.constant 16 : i32
    %add3A_792 = vector.broadcast %add3A_791 : i32 to vector<16xi32>
    %add3A_793 = arith.addi %broadcast_in_dim3A_787, %add3A_792 : vector<16xi32>
    %select_n3A_794 = arith.select %lt3A_790, %add3A_793, %broadcast_in_dim3A_787 : vector<16xi1>, vector<16xi32>
    %broadcast_in_dim3A_795 = vector.shape_cast %select_n3A_794 : vector<16xi32> to vector<16x1xi32>
    %gather3A_796 = vector.shape_cast %broadcast_in_dim3A_795 : vector<16x1xi32> to vector<16xi32>
    %gather3A_797 = tpu.dynamic_gather %bitcast_convert_type3A_260[%gather3A_796] in [0] : vector<16xf32>, vector<16xi32> -> vector<16xf32>
    %broadcast_in_dim3A_798 = arith.constant 1 : i32
    %broadcast_in_dim3A_799 = vector.broadcast %broadcast_in_dim3A_798 : i32 to vector<16xi32>
    %lt3A_800 = arith.constant 0 : i32
    %lt3A_801 = vector.broadcast %lt3A_800 : i32 to vector<16xi32>
    %lt3A_802 = arith.cmpi slt, %broadcast_in_dim3A_799, %lt3A_801 : vector<16xi32>
    %add3A_803 = arith.constant 16 : i32
    %add3A_804 = vector.broadcast %add3A_803 : i32 to vector<16xi32>
    %add3A_805 = arith.addi %broadcast_in_dim3A_799, %add3A_804 : vector<16xi32>
    %select_n3A_806 = arith.select %lt3A_802, %add3A_805, %broadcast_in_dim3A_799 : vector<16xi1>, vector<16xi32>
    %broadcast_in_dim3A_807 = vector.shape_cast %select_n3A_806 : vector<16xi32> to vector<16x1xi32>
    %gather3A_808 = vector.shape_cast %broadcast_in_dim3A_807 : vector<16x1xi32> to vector<16xi32>
    %gather3A_809 = tpu.dynamic_gather %bitcast_convert_type3A_260[%gather3A_808] in [0] : vector<16xf32>, vector<16xi32> -> vector<16xf32>
    %broadcast_in_dim3A_810 = arith.constant 2 : i32
    %broadcast_in_dim3A_811 = vector.broadcast %broadcast_in_dim3A_810 : i32 to vector<16xi32>
    %lt3A_812 = arith.constant 0 : i32
    %lt3A_813 = vector.broadcast %lt3A_812 : i32 to vector<16xi32>
    %lt3A_814 = arith.cmpi slt, %broadcast_in_dim3A_811, %lt3A_813 : vector<16xi32>
    %add3A_815 = arith.constant 16 : i32
    %add3A_816 = vector.broadcast %add3A_815 : i32 to vector<16xi32>
    %add3A_817 = arith.addi %broadcast_in_dim3A_811, %add3A_816 : vector<16xi32>
    %select_n3A_818 = arith.select %lt3A_814, %add3A_817, %broadcast_in_dim3A_811 : vector<16xi1>, vector<16xi32>
    %broadcast_in_dim3A_819 = vector.shape_cast %select_n3A_818 : vector<16xi32> to vector<16x1xi32>
    %gather3A_820 = vector.shape_cast %broadcast_in_dim3A_819 : vector<16x1xi32> to vector<16xi32>
    %gather3A_821 = tpu.dynamic_gather %bitcast_convert_type3A_260[%gather3A_820] in [0] : vector<16xf32>, vector<16xi32> -> vector<16xf32>
    %broadcast_in_dim3A_822 = arith.constant 3 : i32
    %broadcast_in_dim3A_823 = vector.broadcast %broadcast_in_dim3A_822 : i32 to vector<16xi32>
    %lt3A_824 = arith.constant 0 : i32
    %lt3A_825 = vector.broadcast %lt3A_824 : i32 to vector<16xi32>
    %lt3A_826 = arith.cmpi slt, %broadcast_in_dim3A_823, %lt3A_825 : vector<16xi32>
    %add3A_827 = arith.constant 16 : i32
    %add3A_828 = vector.broadcast %add3A_827 : i32 to vector<16xi32>
    %add3A_829 = arith.addi %broadcast_in_dim3A_823, %add3A_828 : vector<16xi32>
    %select_n3A_830 = arith.select %lt3A_826, %add3A_829, %broadcast_in_dim3A_823 : vector<16xi1>, vector<16xi32>
    %broadcast_in_dim3A_831 = vector.shape_cast %select_n3A_830 : vector<16xi32> to vector<16x1xi32>
    %gather3A_832 = vector.shape_cast %broadcast_in_dim3A_831 : vector<16x1xi32> to vector<16xi32>
    %gather3A_833 = tpu.dynamic_gather %bitcast_convert_type3A_260[%gather3A_832] in [0] : vector<16xf32>, vector<16xi32> -> vector<16xf32>
    %broadcast_in_dim3A_834 = arith.constant 4 : i32
    %broadcast_in_dim3A_835 = vector.broadcast %broadcast_in_dim3A_834 : i32 to vector<16xi32>
    %lt3A_836 = arith.constant 0 : i32
    %lt3A_837 = vector.broadcast %lt3A_836 : i32 to vector<16xi32>
    %lt3A_838 = arith.cmpi slt, %broadcast_in_dim3A_835, %lt3A_837 : vector<16xi32>
    %add3A_839 = arith.constant 16 : i32
    %add3A_840 = vector.broadcast %add3A_839 : i32 to vector<16xi32>
    %add3A_841 = arith.addi %broadcast_in_dim3A_835, %add3A_840 : vector<16xi32>
    %select_n3A_842 = arith.select %lt3A_838, %add3A_841, %broadcast_in_dim3A_835 : vector<16xi1>, vector<16xi32>
    %broadcast_in_dim3A_843 = vector.shape_cast %select_n3A_842 : vector<16xi32> to vector<16x1xi32>
    %gather3A_844 = vector.shape_cast %broadcast_in_dim3A_843 : vector<16x1xi32> to vector<16xi32>
    %gather3A_845 = tpu.dynamic_gather %bitcast_convert_type3A_260[%gather3A_844] in [0] : vector<16xf32>, vector<16xi32> -> vector<16xf32>
    %broadcast_in_dim3A_846 = arith.constant 5 : i32
    %broadcast_in_dim3A_847 = vector.broadcast %broadcast_in_dim3A_846 : i32 to vector<16xi32>
    %lt3A_848 = arith.constant 0 : i32
    %lt3A_849 = vector.broadcast %lt3A_848 : i32 to vector<16xi32>
    %lt3A_850 = arith.cmpi slt, %broadcast_in_dim3A_847, %lt3A_849 : vector<16xi32>
    %add3A_851 = arith.constant 16 : i32
    %add3A_852 = vector.broadcast %add3A_851 : i32 to vector<16xi32>
    %add3A_853 = arith.addi %broadcast_in_dim3A_847, %add3A_852 : vector<16xi32>
    %select_n3A_854 = arith.select %lt3A_850, %add3A_853, %broadcast_in_dim3A_847 : vector<16xi1>, vector<16xi32>
    %broadcast_in_dim3A_855 = vector.shape_cast %select_n3A_854 : vector<16xi32> to vector<16x1xi32>
    %gather3A_856 = vector.shape_cast %broadcast_in_dim3A_855 : vector<16x1xi32> to vector<16xi32>
    %gather3A_857 = tpu.dynamic_gather %bitcast_convert_type3A_260[%gather3A_856] in [0] : vector<16xf32>, vector<16xi32> -> vector<16xf32>
    %broadcast_in_dim3A_858 = arith.constant 6 : i32
    %broadcast_in_dim3A_859 = vector.broadcast %broadcast_in_dim3A_858 : i32 to vector<16xi32>
    %lt3A_860 = arith.constant 0 : i32
    %lt3A_861 = vector.broadcast %lt3A_860 : i32 to vector<16xi32>
    %lt3A_862 = arith.cmpi slt, %broadcast_in_dim3A_859, %lt3A_861 : vector<16xi32>
    %add3A_863 = arith.constant 16 : i32
    %add3A_864 = vector.broadcast %add3A_863 : i32 to vector<16xi32>
    %add3A_865 = arith.addi %broadcast_in_dim3A_859, %add3A_864 : vector<16xi32>
    %select_n3A_866 = arith.select %lt3A_862, %add3A_865, %broadcast_in_dim3A_859 : vector<16xi1>, vector<16xi32>
    %broadcast_in_dim3A_867 = vector.shape_cast %select_n3A_866 : vector<16xi32> to vector<16x1xi32>
    %gather3A_868 = vector.shape_cast %broadcast_in_dim3A_867 : vector<16x1xi32> to vector<16xi32>
    %gather3A_869 = tpu.dynamic_gather %bitcast_convert_type3A_260[%gather3A_868] in [0] : vector<16xf32>, vector<16xi32> -> vector<16xf32>
    %broadcast_in_dim3A_870 = arith.constant 7 : i32
    %broadcast_in_dim3A_871 = vector.broadcast %broadcast_in_dim3A_870 : i32 to vector<16xi32>
    %lt3A_872 = arith.constant 0 : i32
    %lt3A_873 = vector.broadcast %lt3A_872 : i32 to vector<16xi32>
    %lt3A_874 = arith.cmpi slt, %broadcast_in_dim3A_871, %lt3A_873 : vector<16xi32>
    %add3A_875 = arith.constant 16 : i32
    %add3A_876 = vector.broadcast %add3A_875 : i32 to vector<16xi32>
    %add3A_877 = arith.addi %broadcast_in_dim3A_871, %add3A_876 : vector<16xi32>
    %select_n3A_878 = arith.select %lt3A_874, %add3A_877, %broadcast_in_dim3A_871 : vector<16xi1>, vector<16xi32>
    %broadcast_in_dim3A_879 = vector.shape_cast %select_n3A_878 : vector<16xi32> to vector<16x1xi32>
    %gather3A_880 = vector.shape_cast %broadcast_in_dim3A_879 : vector<16x1xi32> to vector<16xi32>
    %gather3A_881 = tpu.dynamic_gather %bitcast_convert_type3A_260[%gather3A_880] in [0] : vector<16xf32>, vector<16xi32> -> vector<16xf32>
    %broadcast_in_dim3A_882 = arith.constant 8 : i32
    %broadcast_in_dim3A_883 = vector.broadcast %broadcast_in_dim3A_882 : i32 to vector<16xi32>
    %lt3A_884 = arith.constant 0 : i32
    %lt3A_885 = vector.broadcast %lt3A_884 : i32 to vector<16xi32>
    %lt3A_886 = arith.cmpi slt, %broadcast_in_dim3A_883, %lt3A_885 : vector<16xi32>
    %add3A_887 = arith.constant 16 : i32
    %add3A_888 = vector.broadcast %add3A_887 : i32 to vector<16xi32>
    %add3A_889 = arith.addi %broadcast_in_dim3A_883, %add3A_888 : vector<16xi32>
    %select_n3A_890 = arith.select %lt3A_886, %add3A_889, %broadcast_in_dim3A_883 : vector<16xi1>, vector<16xi32>
    %broadcast_in_dim3A_891 = vector.shape_cast %select_n3A_890 : vector<16xi32> to vector<16x1xi32>
    %gather3A_892 = vector.shape_cast %broadcast_in_dim3A_891 : vector<16x1xi32> to vector<16xi32>
    %gather3A_893 = tpu.dynamic_gather %bitcast_convert_type3A_260[%gather3A_892] in [0] : vector<16xf32>, vector<16xi32> -> vector<16xf32>
    %broadcast_in_dim3A_894 = arith.constant 9 : i32
    %broadcast_in_dim3A_895 = vector.broadcast %broadcast_in_dim3A_894 : i32 to vector<16xi32>
    %lt3A_896 = arith.constant 0 : i32
    %lt3A_897 = vector.broadcast %lt3A_896 : i32 to vector<16xi32>
    %lt3A_898 = arith.cmpi slt, %broadcast_in_dim3A_895, %lt3A_897 : vector<16xi32>
    %add3A_899 = arith.constant 16 : i32
    %add3A_900 = vector.broadcast %add3A_899 : i32 to vector<16xi32>
    %add3A_901 = arith.addi %broadcast_in_dim3A_895, %add3A_900 : vector<16xi32>
    %select_n3A_902 = arith.select %lt3A_898, %add3A_901, %broadcast_in_dim3A_895 : vector<16xi1>, vector<16xi32>
    %broadcast_in_dim3A_903 = vector.shape_cast %select_n3A_902 : vector<16xi32> to vector<16x1xi32>
    %gather3A_904 = vector.shape_cast %broadcast_in_dim3A_903 : vector<16x1xi32> to vector<16xi32>
    %gather3A_905 = tpu.dynamic_gather %bitcast_convert_type3A_260[%gather3A_904] in [0] : vector<16xf32>, vector<16xi32> -> vector<16xf32>
    %broadcast_in_dim3A_906 = arith.constant 10 : i32
    %broadcast_in_dim3A_907 = vector.broadcast %broadcast_in_dim3A_906 : i32 to vector<16xi32>
    %lt3A_908 = arith.constant 0 : i32
    %lt3A_909 = vector.broadcast %lt3A_908 : i32 to vector<16xi32>
    %lt3A_910 = arith.cmpi slt, %broadcast_in_dim3A_907, %lt3A_909 : vector<16xi32>
    %add3A_911 = arith.constant 16 : i32
    %add3A_912 = vector.broadcast %add3A_911 : i32 to vector<16xi32>
    %add3A_913 = arith.addi %broadcast_in_dim3A_907, %add3A_912 : vector<16xi32>
    %select_n3A_914 = arith.select %lt3A_910, %add3A_913, %broadcast_in_dim3A_907 : vector<16xi1>, vector<16xi32>
    %broadcast_in_dim3A_915 = vector.shape_cast %select_n3A_914 : vector<16xi32> to vector<16x1xi32>
    %gather3A_916 = vector.shape_cast %broadcast_in_dim3A_915 : vector<16x1xi32> to vector<16xi32>
    %gather3A_917 = tpu.dynamic_gather %bitcast_convert_type3A_260[%gather3A_916] in [0] : vector<16xf32>, vector<16xi32> -> vector<16xf32>
    %broadcast_in_dim3A_918 = arith.constant 11 : i32
    %broadcast_in_dim3A_919 = vector.broadcast %broadcast_in_dim3A_918 : i32 to vector<16xi32>
    %lt3A_920 = arith.constant 0 : i32
    %lt3A_921 = vector.broadcast %lt3A_920 : i32 to vector<16xi32>
    %lt3A_922 = arith.cmpi slt, %broadcast_in_dim3A_919, %lt3A_921 : vector<16xi32>
    %add3A_923 = arith.constant 16 : i32
    %add3A_924 = vector.broadcast %add3A_923 : i32 to vector<16xi32>
    %add3A_925 = arith.addi %broadcast_in_dim3A_919, %add3A_924 : vector<16xi32>
    %select_n3A_926 = arith.select %lt3A_922, %add3A_925, %broadcast_in_dim3A_919 : vector<16xi1>, vector<16xi32>
    %broadcast_in_dim3A_927 = vector.shape_cast %select_n3A_926 : vector<16xi32> to vector<16x1xi32>
    %gather3A_928 = vector.shape_cast %broadcast_in_dim3A_927 : vector<16x1xi32> to vector<16xi32>
    %gather3A_929 = tpu.dynamic_gather %bitcast_convert_type3A_260[%gather3A_928] in [0] : vector<16xf32>, vector<16xi32> -> vector<16xf32>
    %broadcast_in_dim3A_930 = arith.constant 12 : i32
    %broadcast_in_dim3A_931 = vector.broadcast %broadcast_in_dim3A_930 : i32 to vector<16xi32>
    %lt3A_932 = arith.constant 0 : i32
    %lt3A_933 = vector.broadcast %lt3A_932 : i32 to vector<16xi32>
    %lt3A_934 = arith.cmpi slt, %broadcast_in_dim3A_931, %lt3A_933 : vector<16xi32>
    %add3A_935 = arith.constant 16 : i32
    %add3A_936 = vector.broadcast %add3A_935 : i32 to vector<16xi32>
    %add3A_937 = arith.addi %broadcast_in_dim3A_931, %add3A_936 : vector<16xi32>
    %select_n3A_938 = arith.select %lt3A_934, %add3A_937, %broadcast_in_dim3A_931 : vector<16xi1>, vector<16xi32>
    %broadcast_in_dim3A_939 = vector.shape_cast %select_n3A_938 : vector<16xi32> to vector<16x1xi32>
    %gather3A_940 = vector.shape_cast %broadcast_in_dim3A_939 : vector<16x1xi32> to vector<16xi32>
    %gather3A_941 = tpu.dynamic_gather %bitcast_convert_type3A_260[%gather3A_940] in [0] : vector<16xf32>, vector<16xi32> -> vector<16xf32>
    %broadcast_in_dim3A_942 = arith.constant 13 : i32
    %broadcast_in_dim3A_943 = vector.broadcast %broadcast_in_dim3A_942 : i32 to vector<16xi32>
    %lt3A_944 = arith.constant 0 : i32
    %lt3A_945 = vector.broadcast %lt3A_944 : i32 to vector<16xi32>
    %lt3A_946 = arith.cmpi slt, %broadcast_in_dim3A_943, %lt3A_945 : vector<16xi32>
    %add3A_947 = arith.constant 16 : i32
    %add3A_948 = vector.broadcast %add3A_947 : i32 to vector<16xi32>
    %add3A_949 = arith.addi %broadcast_in_dim3A_943, %add3A_948 : vector<16xi32>
    %select_n3A_950 = arith.select %lt3A_946, %add3A_949, %broadcast_in_dim3A_943 : vector<16xi1>, vector<16xi32>
    %broadcast_in_dim3A_951 = vector.shape_cast %select_n3A_950 : vector<16xi32> to vector<16x1xi32>
    %gather3A_952 = vector.shape_cast %broadcast_in_dim3A_951 : vector<16x1xi32> to vector<16xi32>
    %gather3A_953 = tpu.dynamic_gather %bitcast_convert_type3A_260[%gather3A_952] in [0] : vector<16xf32>, vector<16xi32> -> vector<16xf32>
    %broadcast_in_dim3A_954 = arith.constant 14 : i32
    %broadcast_in_dim3A_955 = vector.broadcast %broadcast_in_dim3A_954 : i32 to vector<16xi32>
    %lt3A_956 = arith.constant 0 : i32
    %lt3A_957 = vector.broadcast %lt3A_956 : i32 to vector<16xi32>
    %lt3A_958 = arith.cmpi slt, %broadcast_in_dim3A_955, %lt3A_957 : vector<16xi32>
    %add3A_959 = arith.constant 16 : i32
    %add3A_960 = vector.broadcast %add3A_959 : i32 to vector<16xi32>
    %add3A_961 = arith.addi %broadcast_in_dim3A_955, %add3A_960 : vector<16xi32>
    %select_n3A_962 = arith.select %lt3A_958, %add3A_961, %broadcast_in_dim3A_955 : vector<16xi1>, vector<16xi32>
    %broadcast_in_dim3A_963 = vector.shape_cast %select_n3A_962 : vector<16xi32> to vector<16x1xi32>
    %gather3A_964 = vector.shape_cast %broadcast_in_dim3A_963 : vector<16x1xi32> to vector<16xi32>
    %gather3A_965 = tpu.dynamic_gather %bitcast_convert_type3A_260[%gather3A_964] in [0] : vector<16xf32>, vector<16xi32> -> vector<16xf32>
    %broadcast_in_dim3A_966 = arith.constant 15 : i32
    %broadcast_in_dim3A_967 = vector.broadcast %broadcast_in_dim3A_966 : i32 to vector<16xi32>
    %lt3A_968 = arith.constant 0 : i32
    %lt3A_969 = vector.broadcast %lt3A_968 : i32 to vector<16xi32>
    %lt3A_970 = arith.cmpi slt, %broadcast_in_dim3A_967, %lt3A_969 : vector<16xi32>
    %add3A_971 = arith.constant 16 : i32
    %add3A_972 = vector.broadcast %add3A_971 : i32 to vector<16xi32>
    %add3A_973 = arith.addi %broadcast_in_dim3A_967, %add3A_972 : vector<16xi32>
    %select_n3A_974 = arith.select %lt3A_970, %add3A_973, %broadcast_in_dim3A_967 : vector<16xi1>, vector<16xi32>
    %broadcast_in_dim3A_975 = vector.shape_cast %select_n3A_974 : vector<16xi32> to vector<16x1xi32>
    %gather3A_976 = vector.shape_cast %broadcast_in_dim3A_975 : vector<16x1xi32> to vector<16xi32>
    %gather3A_977 = tpu.dynamic_gather %bitcast_convert_type3A_260[%gather3A_976] in [0] : vector<16xf32>, vector<16xi32> -> vector<16xf32>
    %broadcast_in_dim3A_978 = arith.constant 0 : i32
    %broadcast_in_dim3A_979 = vector.broadcast %broadcast_in_dim3A_978 : i32 to vector<16xi32>
    %lt3A_980 = arith.constant 0 : i32
    %lt3A_981 = vector.broadcast %lt3A_980 : i32 to vector<16xi32>
    %lt3A_982 = arith.cmpi slt, %broadcast_in_dim3A_979, %lt3A_981 : vector<16xi32>
    %add3A_983 = arith.constant 16 : i32
    %add3A_984 = vector.broadcast %add3A_983 : i32 to vector<16xi32>
    %add3A_985 = arith.addi %broadcast_in_dim3A_979, %add3A_984 : vector<16xi32>
    %select_n3A_986 = arith.select %lt3A_982, %add3A_985, %broadcast_in_dim3A_979 : vector<16xi1>, vector<16xi32>
    %broadcast_in_dim3A_987 = vector.shape_cast %select_n3A_986 : vector<16xi32> to vector<16x1xi32>
    %gather3A_988 = vector.shape_cast %broadcast_in_dim3A_987 : vector<16x1xi32> to vector<16xi32>
    %gather3A_989 = tpu.dynamic_gather %bitcast_convert_type3A_371[%gather3A_988] in [0] : vector<16xf32>, vector<16xi32> -> vector<16xf32>
    %broadcast_in_dim3A_990 = arith.constant 1 : i32
    %broadcast_in_dim3A_991 = vector.broadcast %broadcast_in_dim3A_990 : i32 to vector<16xi32>
    %lt3A_992 = arith.constant 0 : i32
    %lt3A_993 = vector.broadcast %lt3A_992 : i32 to vector<16xi32>
    %lt3A_994 = arith.cmpi slt, %broadcast_in_dim3A_991, %lt3A_993 : vector<16xi32>
    %add3A_995 = arith.constant 16 : i32
    %add3A_996 = vector.broadcast %add3A_995 : i32 to vector<16xi32>
    %add3A_997 = arith.addi %broadcast_in_dim3A_991, %add3A_996 : vector<16xi32>
    %select_n3A_998 = arith.select %lt3A_994, %add3A_997, %broadcast_in_dim3A_991 : vector<16xi1>, vector<16xi32>
    %broadcast_in_dim3A_999 = vector.shape_cast %select_n3A_998 : vector<16xi32> to vector<16x1xi32>
    %gather3A_1000 = vector.shape_cast %broadcast_in_dim3A_999 : vector<16x1xi32> to vector<16xi32>
    %gather3A_1001 = tpu.dynamic_gather %bitcast_convert_type3A_371[%gather3A_1000] in [0] : vector<16xf32>, vector<16xi32> -> vector<16xf32>
    %broadcast_in_dim3A_1002 = arith.constant 2 : i32
    %broadcast_in_dim3A_1003 = vector.broadcast %broadcast_in_dim3A_1002 : i32 to vector<16xi32>
    %lt3A_1004 = arith.constant 0 : i32
    %lt3A_1005 = vector.broadcast %lt3A_1004 : i32 to vector<16xi32>
    %lt3A_1006 = arith.cmpi slt, %broadcast_in_dim3A_1003, %lt3A_1005 : vector<16xi32>
    %add3A_1007 = arith.constant 16 : i32
    %add3A_1008 = vector.broadcast %add3A_1007 : i32 to vector<16xi32>
    %add3A_1009 = arith.addi %broadcast_in_dim3A_1003, %add3A_1008 : vector<16xi32>
    %select_n3A_1010 = arith.select %lt3A_1006, %add3A_1009, %broadcast_in_dim3A_1003 : vector<16xi1>, vector<16xi32>
    %broadcast_in_dim3A_1011 = vector.shape_cast %select_n3A_1010 : vector<16xi32> to vector<16x1xi32>
    %gather3A_1012 = vector.shape_cast %broadcast_in_dim3A_1011 : vector<16x1xi32> to vector<16xi32>
    %gather3A_1013 = tpu.dynamic_gather %bitcast_convert_type3A_371[%gather3A_1012] in [0] : vector<16xf32>, vector<16xi32> -> vector<16xf32>
    %broadcast_in_dim3A_1014 = arith.constant 3 : i32
    %broadcast_in_dim3A_1015 = vector.broadcast %broadcast_in_dim3A_1014 : i32 to vector<16xi32>
    %lt3A_1016 = arith.constant 0 : i32
    %lt3A_1017 = vector.broadcast %lt3A_1016 : i32 to vector<16xi32>
    %lt3A_1018 = arith.cmpi slt, %broadcast_in_dim3A_1015, %lt3A_1017 : vector<16xi32>
    %add3A_1019 = arith.constant 16 : i32
    %add3A_1020 = vector.broadcast %add3A_1019 : i32 to vector<16xi32>
    %add3A_1021 = arith.addi %broadcast_in_dim3A_1015, %add3A_1020 : vector<16xi32>
    %select_n3A_1022 = arith.select %lt3A_1018, %add3A_1021, %broadcast_in_dim3A_1015 : vector<16xi1>, vector<16xi32>
    %broadcast_in_dim3A_1023 = vector.shape_cast %select_n3A_1022 : vector<16xi32> to vector<16x1xi32>
    %gather3A_1024 = vector.shape_cast %broadcast_in_dim3A_1023 : vector<16x1xi32> to vector<16xi32>
    %gather3A_1025 = tpu.dynamic_gather %bitcast_convert_type3A_371[%gather3A_1024] in [0] : vector<16xf32>, vector<16xi32> -> vector<16xf32>
    %broadcast_in_dim3A_1026 = arith.constant 4 : i32
    %broadcast_in_dim3A_1027 = vector.broadcast %broadcast_in_dim3A_1026 : i32 to vector<16xi32>
    %lt3A_1028 = arith.constant 0 : i32
    %lt3A_1029 = vector.broadcast %lt3A_1028 : i32 to vector<16xi32>
    %lt3A_1030 = arith.cmpi slt, %broadcast_in_dim3A_1027, %lt3A_1029 : vector<16xi32>
    %add3A_1031 = arith.constant 16 : i32
    %add3A_1032 = vector.broadcast %add3A_1031 : i32 to vector<16xi32>
    %add3A_1033 = arith.addi %broadcast_in_dim3A_1027, %add3A_1032 : vector<16xi32>
    %select_n3A_1034 = arith.select %lt3A_1030, %add3A_1033, %broadcast_in_dim3A_1027 : vector<16xi1>, vector<16xi32>
    %broadcast_in_dim3A_1035 = vector.shape_cast %select_n3A_1034 : vector<16xi32> to vector<16x1xi32>
    %gather3A_1036 = vector.shape_cast %broadcast_in_dim3A_1035 : vector<16x1xi32> to vector<16xi32>
    %gather3A_1037 = tpu.dynamic_gather %bitcast_convert_type3A_371[%gather3A_1036] in [0] : vector<16xf32>, vector<16xi32> -> vector<16xf32>
    %broadcast_in_dim3A_1038 = arith.constant 5 : i32
    %broadcast_in_dim3A_1039 = vector.broadcast %broadcast_in_dim3A_1038 : i32 to vector<16xi32>
    %lt3A_1040 = arith.constant 0 : i32
    %lt3A_1041 = vector.broadcast %lt3A_1040 : i32 to vector<16xi32>
    %lt3A_1042 = arith.cmpi slt, %broadcast_in_dim3A_1039, %lt3A_1041 : vector<16xi32>
    %add3A_1043 = arith.constant 16 : i32
    %add3A_1044 = vector.broadcast %add3A_1043 : i32 to vector<16xi32>
    %add3A_1045 = arith.addi %broadcast_in_dim3A_1039, %add3A_1044 : vector<16xi32>
    %select_n3A_1046 = arith.select %lt3A_1042, %add3A_1045, %broadcast_in_dim3A_1039 : vector<16xi1>, vector<16xi32>
    %broadcast_in_dim3A_1047 = vector.shape_cast %select_n3A_1046 : vector<16xi32> to vector<16x1xi32>
    %gather3A_1048 = vector.shape_cast %broadcast_in_dim3A_1047 : vector<16x1xi32> to vector<16xi32>
    %gather3A_1049 = tpu.dynamic_gather %bitcast_convert_type3A_371[%gather3A_1048] in [0] : vector<16xf32>, vector<16xi32> -> vector<16xf32>
    %broadcast_in_dim3A_1050 = arith.constant 6 : i32
    %broadcast_in_dim3A_1051 = vector.broadcast %broadcast_in_dim3A_1050 : i32 to vector<16xi32>
    %lt3A_1052 = arith.constant 0 : i32
    %lt3A_1053 = vector.broadcast %lt3A_1052 : i32 to vector<16xi32>
    %lt3A_1054 = arith.cmpi slt, %broadcast_in_dim3A_1051, %lt3A_1053 : vector<16xi32>
    %add3A_1055 = arith.constant 16 : i32
    %add3A_1056 = vector.broadcast %add3A_1055 : i32 to vector<16xi32>
    %add3A_1057 = arith.addi %broadcast_in_dim3A_1051, %add3A_1056 : vector<16xi32>
    %select_n3A_1058 = arith.select %lt3A_1054, %add3A_1057, %broadcast_in_dim3A_1051 : vector<16xi1>, vector<16xi32>
    %broadcast_in_dim3A_1059 = vector.shape_cast %select_n3A_1058 : vector<16xi32> to vector<16x1xi32>
    %gather3A_1060 = vector.shape_cast %broadcast_in_dim3A_1059 : vector<16x1xi32> to vector<16xi32>
    %gather3A_1061 = tpu.dynamic_gather %bitcast_convert_type3A_371[%gather3A_1060] in [0] : vector<16xf32>, vector<16xi32> -> vector<16xf32>
    %broadcast_in_dim3A_1062 = arith.constant 7 : i32
    %broadcast_in_dim3A_1063 = vector.broadcast %broadcast_in_dim3A_1062 : i32 to vector<16xi32>
    %lt3A_1064 = arith.constant 0 : i32
    %lt3A_1065 = vector.broadcast %lt3A_1064 : i32 to vector<16xi32>
    %lt3A_1066 = arith.cmpi slt, %broadcast_in_dim3A_1063, %lt3A_1065 : vector<16xi32>
    %add3A_1067 = arith.constant 16 : i32
    %add3A_1068 = vector.broadcast %add3A_1067 : i32 to vector<16xi32>
    %add3A_1069 = arith.addi %broadcast_in_dim3A_1063, %add3A_1068 : vector<16xi32>
    %select_n3A_1070 = arith.select %lt3A_1066, %add3A_1069, %broadcast_in_dim3A_1063 : vector<16xi1>, vector<16xi32>
    %broadcast_in_dim3A_1071 = vector.shape_cast %select_n3A_1070 : vector<16xi32> to vector<16x1xi32>
    %gather3A_1072 = vector.shape_cast %broadcast_in_dim3A_1071 : vector<16x1xi32> to vector<16xi32>
    %gather3A_1073 = tpu.dynamic_gather %bitcast_convert_type3A_371[%gather3A_1072] in [0] : vector<16xf32>, vector<16xi32> -> vector<16xf32>
    %broadcast_in_dim3A_1074 = arith.constant 8 : i32
    %broadcast_in_dim3A_1075 = vector.broadcast %broadcast_in_dim3A_1074 : i32 to vector<16xi32>
    %lt3A_1076 = arith.constant 0 : i32
    %lt3A_1077 = vector.broadcast %lt3A_1076 : i32 to vector<16xi32>
    %lt3A_1078 = arith.cmpi slt, %broadcast_in_dim3A_1075, %lt3A_1077 : vector<16xi32>
    %add3A_1079 = arith.constant 16 : i32
    %add3A_1080 = vector.broadcast %add3A_1079 : i32 to vector<16xi32>
    %add3A_1081 = arith.addi %broadcast_in_dim3A_1075, %add3A_1080 : vector<16xi32>
    %select_n3A_1082 = arith.select %lt3A_1078, %add3A_1081, %broadcast_in_dim3A_1075 : vector<16xi1>, vector<16xi32>
    %broadcast_in_dim3A_1083 = vector.shape_cast %select_n3A_1082 : vector<16xi32> to vector<16x1xi32>
    %gather3A_1084 = vector.shape_cast %broadcast_in_dim3A_1083 : vector<16x1xi32> to vector<16xi32>
    %gather3A_1085 = tpu.dynamic_gather %bitcast_convert_type3A_371[%gather3A_1084] in [0] : vector<16xf32>, vector<16xi32> -> vector<16xf32>
    %broadcast_in_dim3A_1086 = arith.constant 9 : i32
    %broadcast_in_dim3A_1087 = vector.broadcast %broadcast_in_dim3A_1086 : i32 to vector<16xi32>
    %lt3A_1088 = arith.constant 0 : i32
    %lt3A_1089 = vector.broadcast %lt3A_1088 : i32 to vector<16xi32>
    %lt3A_1090 = arith.cmpi slt, %broadcast_in_dim3A_1087, %lt3A_1089 : vector<16xi32>
    %add3A_1091 = arith.constant 16 : i32
    %add3A_1092 = vector.broadcast %add3A_1091 : i32 to vector<16xi32>
    %add3A_1093 = arith.addi %broadcast_in_dim3A_1087, %add3A_1092 : vector<16xi32>
    %select_n3A_1094 = arith.select %lt3A_1090, %add3A_1093, %broadcast_in_dim3A_1087 : vector<16xi1>, vector<16xi32>
    %broadcast_in_dim3A_1095 = vector.shape_cast %select_n3A_1094 : vector<16xi32> to vector<16x1xi32>
    %gather3A_1096 = vector.shape_cast %broadcast_in_dim3A_1095 : vector<16x1xi32> to vector<16xi32>
    %gather3A_1097 = tpu.dynamic_gather %bitcast_convert_type3A_371[%gather3A_1096] in [0] : vector<16xf32>, vector<16xi32> -> vector<16xf32>
    %broadcast_in_dim3A_1098 = arith.constant 10 : i32
    %broadcast_in_dim3A_1099 = vector.broadcast %broadcast_in_dim3A_1098 : i32 to vector<16xi32>
    %lt3A_1100 = arith.constant 0 : i32
    %lt3A_1101 = vector.broadcast %lt3A_1100 : i32 to vector<16xi32>
    %lt3A_1102 = arith.cmpi slt, %broadcast_in_dim3A_1099, %lt3A_1101 : vector<16xi32>
    %add3A_1103 = arith.constant 16 : i32
    %add3A_1104 = vector.broadcast %add3A_1103 : i32 to vector<16xi32>
    %add3A_1105 = arith.addi %broadcast_in_dim3A_1099, %add3A_1104 : vector<16xi32>
    %select_n3A_1106 = arith.select %lt3A_1102, %add3A_1105, %broadcast_in_dim3A_1099 : vector<16xi1>, vector<16xi32>
    %broadcast_in_dim3A_1107 = vector.shape_cast %select_n3A_1106 : vector<16xi32> to vector<16x1xi32>
    %gather3A_1108 = vector.shape_cast %broadcast_in_dim3A_1107 : vector<16x1xi32> to vector<16xi32>
    %gather3A_1109 = tpu.dynamic_gather %bitcast_convert_type3A_371[%gather3A_1108] in [0] : vector<16xf32>, vector<16xi32> -> vector<16xf32>
    %broadcast_in_dim3A_1110 = arith.constant 11 : i32
    %broadcast_in_dim3A_1111 = vector.broadcast %broadcast_in_dim3A_1110 : i32 to vector<16xi32>
    %lt3A_1112 = arith.constant 0 : i32
    %lt3A_1113 = vector.broadcast %lt3A_1112 : i32 to vector<16xi32>
    %lt3A_1114 = arith.cmpi slt, %broadcast_in_dim3A_1111, %lt3A_1113 : vector<16xi32>
    %add3A_1115 = arith.constant 16 : i32
    %add3A_1116 = vector.broadcast %add3A_1115 : i32 to vector<16xi32>
    %add3A_1117 = arith.addi %broadcast_in_dim3A_1111, %add3A_1116 : vector<16xi32>
    %select_n3A_1118 = arith.select %lt3A_1114, %add3A_1117, %broadcast_in_dim3A_1111 : vector<16xi1>, vector<16xi32>
    %broadcast_in_dim3A_1119 = vector.shape_cast %select_n3A_1118 : vector<16xi32> to vector<16x1xi32>
    %gather3A_1120 = vector.shape_cast %broadcast_in_dim3A_1119 : vector<16x1xi32> to vector<16xi32>
    %gather3A_1121 = tpu.dynamic_gather %bitcast_convert_type3A_371[%gather3A_1120] in [0] : vector<16xf32>, vector<16xi32> -> vector<16xf32>
    %broadcast_in_dim3A_1122 = arith.constant 12 : i32
    %broadcast_in_dim3A_1123 = vector.broadcast %broadcast_in_dim3A_1122 : i32 to vector<16xi32>
    %lt3A_1124 = arith.constant 0 : i32
    %lt3A_1125 = vector.broadcast %lt3A_1124 : i32 to vector<16xi32>
    %lt3A_1126 = arith.cmpi slt, %broadcast_in_dim3A_1123, %lt3A_1125 : vector<16xi32>
    %add3A_1127 = arith.constant 16 : i32
    %add3A_1128 = vector.broadcast %add3A_1127 : i32 to vector<16xi32>
    %add3A_1129 = arith.addi %broadcast_in_dim3A_1123, %add3A_1128 : vector<16xi32>
    %select_n3A_1130 = arith.select %lt3A_1126, %add3A_1129, %broadcast_in_dim3A_1123 : vector<16xi1>, vector<16xi32>
    %broadcast_in_dim3A_1131 = vector.shape_cast %select_n3A_1130 : vector<16xi32> to vector<16x1xi32>
    %gather3A_1132 = vector.shape_cast %broadcast_in_dim3A_1131 : vector<16x1xi32> to vector<16xi32>
    %gather3A_1133 = tpu.dynamic_gather %bitcast_convert_type3A_371[%gather3A_1132] in [0] : vector<16xf32>, vector<16xi32> -> vector<16xf32>
    %broadcast_in_dim3A_1134 = arith.constant 13 : i32
    %broadcast_in_dim3A_1135 = vector.broadcast %broadcast_in_dim3A_1134 : i32 to vector<16xi32>
    %lt3A_1136 = arith.constant 0 : i32
    %lt3A_1137 = vector.broadcast %lt3A_1136 : i32 to vector<16xi32>
    %lt3A_1138 = arith.cmpi slt, %broadcast_in_dim3A_1135, %lt3A_1137 : vector<16xi32>
    %add3A_1139 = arith.constant 16 : i32
    %add3A_1140 = vector.broadcast %add3A_1139 : i32 to vector<16xi32>
    %add3A_1141 = arith.addi %broadcast_in_dim3A_1135, %add3A_1140 : vector<16xi32>
    %select_n3A_1142 = arith.select %lt3A_1138, %add3A_1141, %broadcast_in_dim3A_1135 : vector<16xi1>, vector<16xi32>
    %broadcast_in_dim3A_1143 = vector.shape_cast %select_n3A_1142 : vector<16xi32> to vector<16x1xi32>
    %gather3A_1144 = vector.shape_cast %broadcast_in_dim3A_1143 : vector<16x1xi32> to vector<16xi32>
    %gather3A_1145 = tpu.dynamic_gather %bitcast_convert_type3A_371[%gather3A_1144] in [0] : vector<16xf32>, vector<16xi32> -> vector<16xf32>
    %broadcast_in_dim3A_1146 = arith.constant 14 : i32
    %broadcast_in_dim3A_1147 = vector.broadcast %broadcast_in_dim3A_1146 : i32 to vector<16xi32>
    %lt3A_1148 = arith.constant 0 : i32
    %lt3A_1149 = vector.broadcast %lt3A_1148 : i32 to vector<16xi32>
    %lt3A_1150 = arith.cmpi slt, %broadcast_in_dim3A_1147, %lt3A_1149 : vector<16xi32>
    %add3A_1151 = arith.constant 16 : i32
    %add3A_1152 = vector.broadcast %add3A_1151 : i32 to vector<16xi32>
    %add3A_1153 = arith.addi %broadcast_in_dim3A_1147, %add3A_1152 : vector<16xi32>
    %select_n3A_1154 = arith.select %lt3A_1150, %add3A_1153, %broadcast_in_dim3A_1147 : vector<16xi1>, vector<16xi32>
    %broadcast_in_dim3A_1155 = vector.shape_cast %select_n3A_1154 : vector<16xi32> to vector<16x1xi32>
    %gather3A_1156 = vector.shape_cast %broadcast_in_dim3A_1155 : vector<16x1xi32> to vector<16xi32>
    %gather3A_1157 = tpu.dynamic_gather %bitcast_convert_type3A_371[%gather3A_1156] in [0] : vector<16xf32>, vector<16xi32> -> vector<16xf32>
    %broadcast_in_dim3A_1158 = arith.constant 15 : i32
    %broadcast_in_dim3A_1159 = vector.broadcast %broadcast_in_dim3A_1158 : i32 to vector<16xi32>
    %lt3A_1160 = arith.constant 0 : i32
    %lt3A_1161 = vector.broadcast %lt3A_1160 : i32 to vector<16xi32>
    %lt3A_1162 = arith.cmpi slt, %broadcast_in_dim3A_1159, %lt3A_1161 : vector<16xi32>
    %add3A_1163 = arith.constant 16 : i32
    %add3A_1164 = vector.broadcast %add3A_1163 : i32 to vector<16xi32>
    %add3A_1165 = arith.addi %broadcast_in_dim3A_1159, %add3A_1164 : vector<16xi32>
    %select_n3A_1166 = arith.select %lt3A_1162, %add3A_1165, %broadcast_in_dim3A_1159 : vector<16xi1>, vector<16xi32>
    %broadcast_in_dim3A_1167 = vector.shape_cast %select_n3A_1166 : vector<16xi32> to vector<16x1xi32>
    %gather3A_1168 = vector.shape_cast %broadcast_in_dim3A_1167 : vector<16x1xi32> to vector<16xi32>
    %gather3A_1169 = tpu.dynamic_gather %bitcast_convert_type3A_371[%gather3A_1168] in [0] : vector<16xf32>, vector<16xi32> -> vector<16xf32>
    %broadcast_in_dim3A_1170 = arith.constant 0 : i32
    %broadcast_in_dim3A_1171 = vector.broadcast %broadcast_in_dim3A_1170 : i32 to vector<16xi32>
    %lt3A_1172 = arith.constant 0 : i32
    %lt3A_1173 = vector.broadcast %lt3A_1172 : i32 to vector<16xi32>
    %lt3A_1174 = arith.cmpi slt, %broadcast_in_dim3A_1171, %lt3A_1173 : vector<16xi32>
    %add3A_1175 = arith.constant 16 : i32
    %add3A_1176 = vector.broadcast %add3A_1175 : i32 to vector<16xi32>
    %add3A_1177 = arith.addi %broadcast_in_dim3A_1171, %add3A_1176 : vector<16xi32>
    %select_n3A_1178 = arith.select %lt3A_1174, %add3A_1177, %broadcast_in_dim3A_1171 : vector<16xi1>, vector<16xi32>
    %broadcast_in_dim3A_1179 = vector.shape_cast %select_n3A_1178 : vector<16xi32> to vector<16x1xi32>
    %gather3A_1180 = vector.shape_cast %broadcast_in_dim3A_1179 : vector<16x1xi32> to vector<16xi32>
    %gather3A_1181 = tpu.dynamic_gather %bitcast_convert_type3A_482[%gather3A_1180] in [0] : vector<16xf32>, vector<16xi32> -> vector<16xf32>
    %broadcast_in_dim3A_1182 = arith.constant 1 : i32
    %broadcast_in_dim3A_1183 = vector.broadcast %broadcast_in_dim3A_1182 : i32 to vector<16xi32>
    %lt3A_1184 = arith.constant 0 : i32
    %lt3A_1185 = vector.broadcast %lt3A_1184 : i32 to vector<16xi32>
    %lt3A_1186 = arith.cmpi slt, %broadcast_in_dim3A_1183, %lt3A_1185 : vector<16xi32>
    %add3A_1187 = arith.constant 16 : i32
    %add3A_1188 = vector.broadcast %add3A_1187 : i32 to vector<16xi32>
    %add3A_1189 = arith.addi %broadcast_in_dim3A_1183, %add3A_1188 : vector<16xi32>
    %select_n3A_1190 = arith.select %lt3A_1186, %add3A_1189, %broadcast_in_dim3A_1183 : vector<16xi1>, vector<16xi32>
    %broadcast_in_dim3A_1191 = vector.shape_cast %select_n3A_1190 : vector<16xi32> to vector<16x1xi32>
    %gather3A_1192 = vector.shape_cast %broadcast_in_dim3A_1191 : vector<16x1xi32> to vector<16xi32>
    %gather3A_1193 = tpu.dynamic_gather %bitcast_convert_type3A_482[%gather3A_1192] in [0] : vector<16xf32>, vector<16xi32> -> vector<16xf32>
    %broadcast_in_dim3A_1194 = arith.constant 2 : i32
    %broadcast_in_dim3A_1195 = vector.broadcast %broadcast_in_dim3A_1194 : i32 to vector<16xi32>
    %lt3A_1196 = arith.constant 0 : i32
    %lt3A_1197 = vector.broadcast %lt3A_1196 : i32 to vector<16xi32>
    %lt3A_1198 = arith.cmpi slt, %broadcast_in_dim3A_1195, %lt3A_1197 : vector<16xi32>
    %add3A_1199 = arith.constant 16 : i32
    %add3A_1200 = vector.broadcast %add3A_1199 : i32 to vector<16xi32>
    %add3A_1201 = arith.addi %broadcast_in_dim3A_1195, %add3A_1200 : vector<16xi32>
    %select_n3A_1202 = arith.select %lt3A_1198, %add3A_1201, %broadcast_in_dim3A_1195 : vector<16xi1>, vector<16xi32>
    %broadcast_in_dim3A_1203 = vector.shape_cast %select_n3A_1202 : vector<16xi32> to vector<16x1xi32>
    %gather3A_1204 = vector.shape_cast %broadcast_in_dim3A_1203 : vector<16x1xi32> to vector<16xi32>
    %gather3A_1205 = tpu.dynamic_gather %bitcast_convert_type3A_482[%gather3A_1204] in [0] : vector<16xf32>, vector<16xi32> -> vector<16xf32>
    %broadcast_in_dim3A_1206 = arith.constant 3 : i32
    %broadcast_in_dim3A_1207 = vector.broadcast %broadcast_in_dim3A_1206 : i32 to vector<16xi32>
    %lt3A_1208 = arith.constant 0 : i32
    %lt3A_1209 = vector.broadcast %lt3A_1208 : i32 to vector<16xi32>
    %lt3A_1210 = arith.cmpi slt, %broadcast_in_dim3A_1207, %lt3A_1209 : vector<16xi32>
    %add3A_1211 = arith.constant 16 : i32
    %add3A_1212 = vector.broadcast %add3A_1211 : i32 to vector<16xi32>
    %add3A_1213 = arith.addi %broadcast_in_dim3A_1207, %add3A_1212 : vector<16xi32>
    %select_n3A_1214 = arith.select %lt3A_1210, %add3A_1213, %broadcast_in_dim3A_1207 : vector<16xi1>, vector<16xi32>
    %broadcast_in_dim3A_1215 = vector.shape_cast %select_n3A_1214 : vector<16xi32> to vector<16x1xi32>
    %gather3A_1216 = vector.shape_cast %broadcast_in_dim3A_1215 : vector<16x1xi32> to vector<16xi32>
    %gather3A_1217 = tpu.dynamic_gather %bitcast_convert_type3A_482[%gather3A_1216] in [0] : vector<16xf32>, vector<16xi32> -> vector<16xf32>
    %broadcast_in_dim3A_1218 = arith.constant 4 : i32
    %broadcast_in_dim3A_1219 = vector.broadcast %broadcast_in_dim3A_1218 : i32 to vector<16xi32>
    %lt3A_1220 = arith.constant 0 : i32
    %lt3A_1221 = vector.broadcast %lt3A_1220 : i32 to vector<16xi32>
    %lt3A_1222 = arith.cmpi slt, %broadcast_in_dim3A_1219, %lt3A_1221 : vector<16xi32>
    %add3A_1223 = arith.constant 16 : i32
    %add3A_1224 = vector.broadcast %add3A_1223 : i32 to vector<16xi32>
    %add3A_1225 = arith.addi %broadcast_in_dim3A_1219, %add3A_1224 : vector<16xi32>
    %select_n3A_1226 = arith.select %lt3A_1222, %add3A_1225, %broadcast_in_dim3A_1219 : vector<16xi1>, vector<16xi32>
    %broadcast_in_dim3A_1227 = vector.shape_cast %select_n3A_1226 : vector<16xi32> to vector<16x1xi32>
    %gather3A_1228 = vector.shape_cast %broadcast_in_dim3A_1227 : vector<16x1xi32> to vector<16xi32>
    %gather3A_1229 = tpu.dynamic_gather %bitcast_convert_type3A_482[%gather3A_1228] in [0] : vector<16xf32>, vector<16xi32> -> vector<16xf32>
    %broadcast_in_dim3A_1230 = arith.constant 5 : i32
    %broadcast_in_dim3A_1231 = vector.broadcast %broadcast_in_dim3A_1230 : i32 to vector<16xi32>
    %lt3A_1232 = arith.constant 0 : i32
    %lt3A_1233 = vector.broadcast %lt3A_1232 : i32 to vector<16xi32>
    %lt3A_1234 = arith.cmpi slt, %broadcast_in_dim3A_1231, %lt3A_1233 : vector<16xi32>
    %add3A_1235 = arith.constant 16 : i32
    %add3A_1236 = vector.broadcast %add3A_1235 : i32 to vector<16xi32>
    %add3A_1237 = arith.addi %broadcast_in_dim3A_1231, %add3A_1236 : vector<16xi32>
    %select_n3A_1238 = arith.select %lt3A_1234, %add3A_1237, %broadcast_in_dim3A_1231 : vector<16xi1>, vector<16xi32>
    %broadcast_in_dim3A_1239 = vector.shape_cast %select_n3A_1238 : vector<16xi32> to vector<16x1xi32>
    %gather3A_1240 = vector.shape_cast %broadcast_in_dim3A_1239 : vector<16x1xi32> to vector<16xi32>
    %gather3A_1241 = tpu.dynamic_gather %bitcast_convert_type3A_482[%gather3A_1240] in [0] : vector<16xf32>, vector<16xi32> -> vector<16xf32>
    %broadcast_in_dim3A_1242 = arith.constant 6 : i32
    %broadcast_in_dim3A_1243 = vector.broadcast %broadcast_in_dim3A_1242 : i32 to vector<16xi32>
    %lt3A_1244 = arith.constant 0 : i32
    %lt3A_1245 = vector.broadcast %lt3A_1244 : i32 to vector<16xi32>
    %lt3A_1246 = arith.cmpi slt, %broadcast_in_dim3A_1243, %lt3A_1245 : vector<16xi32>
    %add3A_1247 = arith.constant 16 : i32
    %add3A_1248 = vector.broadcast %add3A_1247 : i32 to vector<16xi32>
    %add3A_1249 = arith.addi %broadcast_in_dim3A_1243, %add3A_1248 : vector<16xi32>
    %select_n3A_1250 = arith.select %lt3A_1246, %add3A_1249, %broadcast_in_dim3A_1243 : vector<16xi1>, vector<16xi32>
    %broadcast_in_dim3A_1251 = vector.shape_cast %select_n3A_1250 : vector<16xi32> to vector<16x1xi32>
    %gather3A_1252 = vector.shape_cast %broadcast_in_dim3A_1251 : vector<16x1xi32> to vector<16xi32>
    %gather3A_1253 = tpu.dynamic_gather %bitcast_convert_type3A_482[%gather3A_1252] in [0] : vector<16xf32>, vector<16xi32> -> vector<16xf32>
    %broadcast_in_dim3A_1254 = arith.constant 7 : i32
    %broadcast_in_dim3A_1255 = vector.broadcast %broadcast_in_dim3A_1254 : i32 to vector<16xi32>
    %lt3A_1256 = arith.constant 0 : i32
    %lt3A_1257 = vector.broadcast %lt3A_1256 : i32 to vector<16xi32>
    %lt3A_1258 = arith.cmpi slt, %broadcast_in_dim3A_1255, %lt3A_1257 : vector<16xi32>
    %add3A_1259 = arith.constant 16 : i32
    %add3A_1260 = vector.broadcast %add3A_1259 : i32 to vector<16xi32>
    %add3A_1261 = arith.addi %broadcast_in_dim3A_1255, %add3A_1260 : vector<16xi32>
    %select_n3A_1262 = arith.select %lt3A_1258, %add3A_1261, %broadcast_in_dim3A_1255 : vector<16xi1>, vector<16xi32>
    %broadcast_in_dim3A_1263 = vector.shape_cast %select_n3A_1262 : vector<16xi32> to vector<16x1xi32>
    %gather3A_1264 = vector.shape_cast %broadcast_in_dim3A_1263 : vector<16x1xi32> to vector<16xi32>
    %gather3A_1265 = tpu.dynamic_gather %bitcast_convert_type3A_482[%gather3A_1264] in [0] : vector<16xf32>, vector<16xi32> -> vector<16xf32>
    %broadcast_in_dim3A_1266 = arith.constant 8 : i32
    %broadcast_in_dim3A_1267 = vector.broadcast %broadcast_in_dim3A_1266 : i32 to vector<16xi32>
    %lt3A_1268 = arith.constant 0 : i32
    %lt3A_1269 = vector.broadcast %lt3A_1268 : i32 to vector<16xi32>
    %lt3A_1270 = arith.cmpi slt, %broadcast_in_dim3A_1267, %lt3A_1269 : vector<16xi32>
    %add3A_1271 = arith.constant 16 : i32
    %add3A_1272 = vector.broadcast %add3A_1271 : i32 to vector<16xi32>
    %add3A_1273 = arith.addi %broadcast_in_dim3A_1267, %add3A_1272 : vector<16xi32>
    %select_n3A_1274 = arith.select %lt3A_1270, %add3A_1273, %broadcast_in_dim3A_1267 : vector<16xi1>, vector<16xi32>
    %broadcast_in_dim3A_1275 = vector.shape_cast %select_n3A_1274 : vector<16xi32> to vector<16x1xi32>
    %gather3A_1276 = vector.shape_cast %broadcast_in_dim3A_1275 : vector<16x1xi32> to vector<16xi32>
    %gather3A_1277 = tpu.dynamic_gather %bitcast_convert_type3A_482[%gather3A_1276] in [0] : vector<16xf32>, vector<16xi32> -> vector<16xf32>
    %broadcast_in_dim3A_1278 = arith.constant 9 : i32
    %broadcast_in_dim3A_1279 = vector.broadcast %broadcast_in_dim3A_1278 : i32 to vector<16xi32>
    %lt3A_1280 = arith.constant 0 : i32
    %lt3A_1281 = vector.broadcast %lt3A_1280 : i32 to vector<16xi32>
    %lt3A_1282 = arith.cmpi slt, %broadcast_in_dim3A_1279, %lt3A_1281 : vector<16xi32>
    %add3A_1283 = arith.constant 16 : i32
    %add3A_1284 = vector.broadcast %add3A_1283 : i32 to vector<16xi32>
    %add3A_1285 = arith.addi %broadcast_in_dim3A_1279, %add3A_1284 : vector<16xi32>
    %select_n3A_1286 = arith.select %lt3A_1282, %add3A_1285, %broadcast_in_dim3A_1279 : vector<16xi1>, vector<16xi32>
    %broadcast_in_dim3A_1287 = vector.shape_cast %select_n3A_1286 : vector<16xi32> to vector<16x1xi32>
    %gather3A_1288 = vector.shape_cast %broadcast_in_dim3A_1287 : vector<16x1xi32> to vector<16xi32>
    %gather3A_1289 = tpu.dynamic_gather %bitcast_convert_type3A_482[%gather3A_1288] in [0] : vector<16xf32>, vector<16xi32> -> vector<16xf32>
    %broadcast_in_dim3A_1290 = arith.constant 10 : i32
    %broadcast_in_dim3A_1291 = vector.broadcast %broadcast_in_dim3A_1290 : i32 to vector<16xi32>
    %lt3A_1292 = arith.constant 0 : i32
    %lt3A_1293 = vector.broadcast %lt3A_1292 : i32 to vector<16xi32>
    %lt3A_1294 = arith.cmpi slt, %broadcast_in_dim3A_1291, %lt3A_1293 : vector<16xi32>
    %add3A_1295 = arith.constant 16 : i32
    %add3A_1296 = vector.broadcast %add3A_1295 : i32 to vector<16xi32>
    %add3A_1297 = arith.addi %broadcast_in_dim3A_1291, %add3A_1296 : vector<16xi32>
    %select_n3A_1298 = arith.select %lt3A_1294, %add3A_1297, %broadcast_in_dim3A_1291 : vector<16xi1>, vector<16xi32>
    %broadcast_in_dim3A_1299 = vector.shape_cast %select_n3A_1298 : vector<16xi32> to vector<16x1xi32>
    %gather3A_1300 = vector.shape_cast %broadcast_in_dim3A_1299 : vector<16x1xi32> to vector<16xi32>
    %gather3A_1301 = tpu.dynamic_gather %bitcast_convert_type3A_482[%gather3A_1300] in [0] : vector<16xf32>, vector<16xi32> -> vector<16xf32>
    %broadcast_in_dim3A_1302 = arith.constant 11 : i32
    %broadcast_in_dim3A_1303 = vector.broadcast %broadcast_in_dim3A_1302 : i32 to vector<16xi32>
    %lt3A_1304 = arith.constant 0 : i32
    %lt3A_1305 = vector.broadcast %lt3A_1304 : i32 to vector<16xi32>
    %lt3A_1306 = arith.cmpi slt, %broadcast_in_dim3A_1303, %lt3A_1305 : vector<16xi32>
    %add3A_1307 = arith.constant 16 : i32
    %add3A_1308 = vector.broadcast %add3A_1307 : i32 to vector<16xi32>
    %add3A_1309 = arith.addi %broadcast_in_dim3A_1303, %add3A_1308 : vector<16xi32>
    %select_n3A_1310 = arith.select %lt3A_1306, %add3A_1309, %broadcast_in_dim3A_1303 : vector<16xi1>, vector<16xi32>
    %broadcast_in_dim3A_1311 = vector.shape_cast %select_n3A_1310 : vector<16xi32> to vector<16x1xi32>
    %gather3A_1312 = vector.shape_cast %broadcast_in_dim3A_1311 : vector<16x1xi32> to vector<16xi32>
    %gather3A_1313 = tpu.dynamic_gather %bitcast_convert_type3A_482[%gather3A_1312] in [0] : vector<16xf32>, vector<16xi32> -> vector<16xf32>
    %broadcast_in_dim3A_1314 = arith.constant 12 : i32
    %broadcast_in_dim3A_1315 = vector.broadcast %broadcast_in_dim3A_1314 : i32 to vector<16xi32>
    %lt3A_1316 = arith.constant 0 : i32
    %lt3A_1317 = vector.broadcast %lt3A_1316 : i32 to vector<16xi32>
    %lt3A_1318 = arith.cmpi slt, %broadcast_in_dim3A_1315, %lt3A_1317 : vector<16xi32>
    %add3A_1319 = arith.constant 16 : i32
    %add3A_1320 = vector.broadcast %add3A_1319 : i32 to vector<16xi32>
    %add3A_1321 = arith.addi %broadcast_in_dim3A_1315, %add3A_1320 : vector<16xi32>
    %select_n3A_1322 = arith.select %lt3A_1318, %add3A_1321, %broadcast_in_dim3A_1315 : vector<16xi1>, vector<16xi32>
    %broadcast_in_dim3A_1323 = vector.shape_cast %select_n3A_1322 : vector<16xi32> to vector<16x1xi32>
    %gather3A_1324 = vector.shape_cast %broadcast_in_dim3A_1323 : vector<16x1xi32> to vector<16xi32>
    %gather3A_1325 = tpu.dynamic_gather %bitcast_convert_type3A_482[%gather3A_1324] in [0] : vector<16xf32>, vector<16xi32> -> vector<16xf32>
    %broadcast_in_dim3A_1326 = arith.constant 13 : i32
    %broadcast_in_dim3A_1327 = vector.broadcast %broadcast_in_dim3A_1326 : i32 to vector<16xi32>
    %lt3A_1328 = arith.constant 0 : i32
    %lt3A_1329 = vector.broadcast %lt3A_1328 : i32 to vector<16xi32>
    %lt3A_1330 = arith.cmpi slt, %broadcast_in_dim3A_1327, %lt3A_1329 : vector<16xi32>
    %add3A_1331 = arith.constant 16 : i32
    %add3A_1332 = vector.broadcast %add3A_1331 : i32 to vector<16xi32>
    %add3A_1333 = arith.addi %broadcast_in_dim3A_1327, %add3A_1332 : vector<16xi32>
    %select_n3A_1334 = arith.select %lt3A_1330, %add3A_1333, %broadcast_in_dim3A_1327 : vector<16xi1>, vector<16xi32>
    %broadcast_in_dim3A_1335 = vector.shape_cast %select_n3A_1334 : vector<16xi32> to vector<16x1xi32>
    %gather3A_1336 = vector.shape_cast %broadcast_in_dim3A_1335 : vector<16x1xi32> to vector<16xi32>
    %gather3A_1337 = tpu.dynamic_gather %bitcast_convert_type3A_482[%gather3A_1336] in [0] : vector<16xf32>, vector<16xi32> -> vector<16xf32>
    %broadcast_in_dim3A_1338 = arith.constant 14 : i32
    %broadcast_in_dim3A_1339 = vector.broadcast %broadcast_in_dim3A_1338 : i32 to vector<16xi32>
    %lt3A_1340 = arith.constant 0 : i32
    %lt3A_1341 = vector.broadcast %lt3A_1340 : i32 to vector<16xi32>
    %lt3A_1342 = arith.cmpi slt, %broadcast_in_dim3A_1339, %lt3A_1341 : vector<16xi32>
    %add3A_1343 = arith.constant 16 : i32
    %add3A_1344 = vector.broadcast %add3A_1343 : i32 to vector<16xi32>
    %add3A_1345 = arith.addi %broadcast_in_dim3A_1339, %add3A_1344 : vector<16xi32>
    %select_n3A_1346 = arith.select %lt3A_1342, %add3A_1345, %broadcast_in_dim3A_1339 : vector<16xi1>, vector<16xi32>
    %broadcast_in_dim3A_1347 = vector.shape_cast %select_n3A_1346 : vector<16xi32> to vector<16x1xi32>
    %gather3A_1348 = vector.shape_cast %broadcast_in_dim3A_1347 : vector<16x1xi32> to vector<16xi32>
    %gather3A_1349 = tpu.dynamic_gather %bitcast_convert_type3A_482[%gather3A_1348] in [0] : vector<16xf32>, vector<16xi32> -> vector<16xf32>
    %broadcast_in_dim3A_1350 = arith.constant 15 : i32
    %broadcast_in_dim3A_1351 = vector.broadcast %broadcast_in_dim3A_1350 : i32 to vector<16xi32>
    %lt3A_1352 = arith.constant 0 : i32
    %lt3A_1353 = vector.broadcast %lt3A_1352 : i32 to vector<16xi32>
    %lt3A_1354 = arith.cmpi slt, %broadcast_in_dim3A_1351, %lt3A_1353 : vector<16xi32>
    %add3A_1355 = arith.constant 16 : i32
    %add3A_1356 = vector.broadcast %add3A_1355 : i32 to vector<16xi32>
    %add3A_1357 = arith.addi %broadcast_in_dim3A_1351, %add3A_1356 : vector<16xi32>
    %select_n3A_1358 = arith.select %lt3A_1354, %add3A_1357, %broadcast_in_dim3A_1351 : vector<16xi1>, vector<16xi32>
    %broadcast_in_dim3A_1359 = vector.shape_cast %select_n3A_1358 : vector<16xi32> to vector<16x1xi32>
    %gather3A_1360 = vector.shape_cast %broadcast_in_dim3A_1359 : vector<16x1xi32> to vector<16xi32>
    %gather3A_1361 = tpu.dynamic_gather %bitcast_convert_type3A_482[%gather3A_1360] in [0] : vector<16xf32>, vector<16xi32> -> vector<16xf32>
    %broadcast_in_dim3A_1362 = arith.constant 0 : i32
    %broadcast_in_dim3A_1363 = vector.broadcast %broadcast_in_dim3A_1362 : i32 to vector<16xi32>
    %lt3A_1364 = arith.constant 0 : i32
    %lt3A_1365 = vector.broadcast %lt3A_1364 : i32 to vector<16xi32>
    %lt3A_1366 = arith.cmpi slt, %broadcast_in_dim3A_1363, %lt3A_1365 : vector<16xi32>
    %add3A_1367 = arith.constant 16 : i32
    %add3A_1368 = vector.broadcast %add3A_1367 : i32 to vector<16xi32>
    %add3A_1369 = arith.addi %broadcast_in_dim3A_1363, %add3A_1368 : vector<16xi32>
    %select_n3A_1370 = arith.select %lt3A_1366, %add3A_1369, %broadcast_in_dim3A_1363 : vector<16xi1>, vector<16xi32>
    %broadcast_in_dim3A_1371 = vector.shape_cast %select_n3A_1370 : vector<16xi32> to vector<16x1xi32>
    %gather3A_1372 = vector.shape_cast %broadcast_in_dim3A_1371 : vector<16x1xi32> to vector<16xi32>
    %gather3A_1373 = tpu.dynamic_gather %bitcast_convert_type3A_593[%gather3A_1372] in [0] : vector<16xf32>, vector<16xi32> -> vector<16xf32>
    %broadcast_in_dim3A_1374 = arith.constant 1 : i32
    %broadcast_in_dim3A_1375 = vector.broadcast %broadcast_in_dim3A_1374 : i32 to vector<16xi32>
    %lt3A_1376 = arith.constant 0 : i32
    %lt3A_1377 = vector.broadcast %lt3A_1376 : i32 to vector<16xi32>
    %lt3A_1378 = arith.cmpi slt, %broadcast_in_dim3A_1375, %lt3A_1377 : vector<16xi32>
    %add3A_1379 = arith.constant 16 : i32
    %add3A_1380 = vector.broadcast %add3A_1379 : i32 to vector<16xi32>
    %add3A_1381 = arith.addi %broadcast_in_dim3A_1375, %add3A_1380 : vector<16xi32>
    %select_n3A_1382 = arith.select %lt3A_1378, %add3A_1381, %broadcast_in_dim3A_1375 : vector<16xi1>, vector<16xi32>
    %broadcast_in_dim3A_1383 = vector.shape_cast %select_n3A_1382 : vector<16xi32> to vector<16x1xi32>
    %gather3A_1384 = vector.shape_cast %broadcast_in_dim3A_1383 : vector<16x1xi32> to vector<16xi32>
    %gather3A_1385 = tpu.dynamic_gather %bitcast_convert_type3A_593[%gather3A_1384] in [0] : vector<16xf32>, vector<16xi32> -> vector<16xf32>
    %broadcast_in_dim3A_1386 = arith.constant 2 : i32
    %broadcast_in_dim3A_1387 = vector.broadcast %broadcast_in_dim3A_1386 : i32 to vector<16xi32>
    %lt3A_1388 = arith.constant 0 : i32
    %lt3A_1389 = vector.broadcast %lt3A_1388 : i32 to vector<16xi32>
    %lt3A_1390 = arith.cmpi slt, %broadcast_in_dim3A_1387, %lt3A_1389 : vector<16xi32>
    %add3A_1391 = arith.constant 16 : i32
    %add3A_1392 = vector.broadcast %add3A_1391 : i32 to vector<16xi32>
    %add3A_1393 = arith.addi %broadcast_in_dim3A_1387, %add3A_1392 : vector<16xi32>
    %select_n3A_1394 = arith.select %lt3A_1390, %add3A_1393, %broadcast_in_dim3A_1387 : vector<16xi1>, vector<16xi32>
    %broadcast_in_dim3A_1395 = vector.shape_cast %select_n3A_1394 : vector<16xi32> to vector<16x1xi32>
    %gather3A_1396 = vector.shape_cast %broadcast_in_dim3A_1395 : vector<16x1xi32> to vector<16xi32>
    %gather3A_1397 = tpu.dynamic_gather %bitcast_convert_type3A_593[%gather3A_1396] in [0] : vector<16xf32>, vector<16xi32> -> vector<16xf32>
    %broadcast_in_dim3A_1398 = arith.constant 3 : i32
    %broadcast_in_dim3A_1399 = vector.broadcast %broadcast_in_dim3A_1398 : i32 to vector<16xi32>
    %lt3A_1400 = arith.constant 0 : i32
    %lt3A_1401 = vector.broadcast %lt3A_1400 : i32 to vector<16xi32>
    %lt3A_1402 = arith.cmpi slt, %broadcast_in_dim3A_1399, %lt3A_1401 : vector<16xi32>
    %add3A_1403 = arith.constant 16 : i32
    %add3A_1404 = vector.broadcast %add3A_1403 : i32 to vector<16xi32>
    %add3A_1405 = arith.addi %broadcast_in_dim3A_1399, %add3A_1404 : vector<16xi32>
    %select_n3A_1406 = arith.select %lt3A_1402, %add3A_1405, %broadcast_in_dim3A_1399 : vector<16xi1>, vector<16xi32>
    %broadcast_in_dim3A_1407 = vector.shape_cast %select_n3A_1406 : vector<16xi32> to vector<16x1xi32>
    %gather3A_1408 = vector.shape_cast %broadcast_in_dim3A_1407 : vector<16x1xi32> to vector<16xi32>
    %gather3A_1409 = tpu.dynamic_gather %bitcast_convert_type3A_593[%gather3A_1408] in [0] : vector<16xf32>, vector<16xi32> -> vector<16xf32>
    %broadcast_in_dim3A_1410 = arith.constant 4 : i32
    %broadcast_in_dim3A_1411 = vector.broadcast %broadcast_in_dim3A_1410 : i32 to vector<16xi32>
    %lt3A_1412 = arith.constant 0 : i32
    %lt3A_1413 = vector.broadcast %lt3A_1412 : i32 to vector<16xi32>
    %lt3A_1414 = arith.cmpi slt, %broadcast_in_dim3A_1411, %lt3A_1413 : vector<16xi32>
    %add3A_1415 = arith.constant 16 : i32
    %add3A_1416 = vector.broadcast %add3A_1415 : i32 to vector<16xi32>
    %add3A_1417 = arith.addi %broadcast_in_dim3A_1411, %add3A_1416 : vector<16xi32>
    %select_n3A_1418 = arith.select %lt3A_1414, %add3A_1417, %broadcast_in_dim3A_1411 : vector<16xi1>, vector<16xi32>
    %broadcast_in_dim3A_1419 = vector.shape_cast %select_n3A_1418 : vector<16xi32> to vector<16x1xi32>
    %gather3A_1420 = vector.shape_cast %broadcast_in_dim3A_1419 : vector<16x1xi32> to vector<16xi32>
    %gather3A_1421 = tpu.dynamic_gather %bitcast_convert_type3A_593[%gather3A_1420] in [0] : vector<16xf32>, vector<16xi32> -> vector<16xf32>
    %broadcast_in_dim3A_1422 = arith.constant 5 : i32
    %broadcast_in_dim3A_1423 = vector.broadcast %broadcast_in_dim3A_1422 : i32 to vector<16xi32>
    %lt3A_1424 = arith.constant 0 : i32
    %lt3A_1425 = vector.broadcast %lt3A_1424 : i32 to vector<16xi32>
    %lt3A_1426 = arith.cmpi slt, %broadcast_in_dim3A_1423, %lt3A_1425 : vector<16xi32>
    %add3A_1427 = arith.constant 16 : i32
    %add3A_1428 = vector.broadcast %add3A_1427 : i32 to vector<16xi32>
    %add3A_1429 = arith.addi %broadcast_in_dim3A_1423, %add3A_1428 : vector<16xi32>
    %select_n3A_1430 = arith.select %lt3A_1426, %add3A_1429, %broadcast_in_dim3A_1423 : vector<16xi1>, vector<16xi32>
    %broadcast_in_dim3A_1431 = vector.shape_cast %select_n3A_1430 : vector<16xi32> to vector<16x1xi32>
    %gather3A_1432 = vector.shape_cast %broadcast_in_dim3A_1431 : vector<16x1xi32> to vector<16xi32>
    %gather3A_1433 = tpu.dynamic_gather %bitcast_convert_type3A_593[%gather3A_1432] in [0] : vector<16xf32>, vector<16xi32> -> vector<16xf32>
    %broadcast_in_dim3A_1434 = arith.constant 6 : i32
    %broadcast_in_dim3A_1435 = vector.broadcast %broadcast_in_dim3A_1434 : i32 to vector<16xi32>
    %lt3A_1436 = arith.constant 0 : i32
    %lt3A_1437 = vector.broadcast %lt3A_1436 : i32 to vector<16xi32>
    %lt3A_1438 = arith.cmpi slt, %broadcast_in_dim3A_1435, %lt3A_1437 : vector<16xi32>
    %add3A_1439 = arith.constant 16 : i32
    %add3A_1440 = vector.broadcast %add3A_1439 : i32 to vector<16xi32>
    %add3A_1441 = arith.addi %broadcast_in_dim3A_1435, %add3A_1440 : vector<16xi32>
    %select_n3A_1442 = arith.select %lt3A_1438, %add3A_1441, %broadcast_in_dim3A_1435 : vector<16xi1>, vector<16xi32>
    %broadcast_in_dim3A_1443 = vector.shape_cast %select_n3A_1442 : vector<16xi32> to vector<16x1xi32>
    %gather3A_1444 = vector.shape_cast %broadcast_in_dim3A_1443 : vector<16x1xi32> to vector<16xi32>
    %gather3A_1445 = tpu.dynamic_gather %bitcast_convert_type3A_593[%gather3A_1444] in [0] : vector<16xf32>, vector<16xi32> -> vector<16xf32>
    %broadcast_in_dim3A_1446 = arith.constant 7 : i32
    %broadcast_in_dim3A_1447 = vector.broadcast %broadcast_in_dim3A_1446 : i32 to vector<16xi32>
    %lt3A_1448 = arith.constant 0 : i32
    %lt3A_1449 = vector.broadcast %lt3A_1448 : i32 to vector<16xi32>
    %lt3A_1450 = arith.cmpi slt, %broadcast_in_dim3A_1447, %lt3A_1449 : vector<16xi32>
    %add3A_1451 = arith.constant 16 : i32
    %add3A_1452 = vector.broadcast %add3A_1451 : i32 to vector<16xi32>
    %add3A_1453 = arith.addi %broadcast_in_dim3A_1447, %add3A_1452 : vector<16xi32>
    %select_n3A_1454 = arith.select %lt3A_1450, %add3A_1453, %broadcast_in_dim3A_1447 : vector<16xi1>, vector<16xi32>
    %broadcast_in_dim3A_1455 = vector.shape_cast %select_n3A_1454 : vector<16xi32> to vector<16x1xi32>
    %gather3A_1456 = vector.shape_cast %broadcast_in_dim3A_1455 : vector<16x1xi32> to vector<16xi32>
    %gather3A_1457 = tpu.dynamic_gather %bitcast_convert_type3A_593[%gather3A_1456] in [0] : vector<16xf32>, vector<16xi32> -> vector<16xf32>
    %broadcast_in_dim3A_1458 = arith.constant 8 : i32
    %broadcast_in_dim3A_1459 = vector.broadcast %broadcast_in_dim3A_1458 : i32 to vector<16xi32>
    %lt3A_1460 = arith.constant 0 : i32
    %lt3A_1461 = vector.broadcast %lt3A_1460 : i32 to vector<16xi32>
    %lt3A_1462 = arith.cmpi slt, %broadcast_in_dim3A_1459, %lt3A_1461 : vector<16xi32>
    %add3A_1463 = arith.constant 16 : i32
    %add3A_1464 = vector.broadcast %add3A_1463 : i32 to vector<16xi32>
    %add3A_1465 = arith.addi %broadcast_in_dim3A_1459, %add3A_1464 : vector<16xi32>
    %select_n3A_1466 = arith.select %lt3A_1462, %add3A_1465, %broadcast_in_dim3A_1459 : vector<16xi1>, vector<16xi32>
    %broadcast_in_dim3A_1467 = vector.shape_cast %select_n3A_1466 : vector<16xi32> to vector<16x1xi32>
    %gather3A_1468 = vector.shape_cast %broadcast_in_dim3A_1467 : vector<16x1xi32> to vector<16xi32>
    %gather3A_1469 = tpu.dynamic_gather %bitcast_convert_type3A_593[%gather3A_1468] in [0] : vector<16xf32>, vector<16xi32> -> vector<16xf32>
    %broadcast_in_dim3A_1470 = arith.constant 9 : i32
    %broadcast_in_dim3A_1471 = vector.broadcast %broadcast_in_dim3A_1470 : i32 to vector<16xi32>
    %lt3A_1472 = arith.constant 0 : i32
    %lt3A_1473 = vector.broadcast %lt3A_1472 : i32 to vector<16xi32>
    %lt3A_1474 = arith.cmpi slt, %broadcast_in_dim3A_1471, %lt3A_1473 : vector<16xi32>
    %add3A_1475 = arith.constant 16 : i32
    %add3A_1476 = vector.broadcast %add3A_1475 : i32 to vector<16xi32>
    %add3A_1477 = arith.addi %broadcast_in_dim3A_1471, %add3A_1476 : vector<16xi32>
    %select_n3A_1478 = arith.select %lt3A_1474, %add3A_1477, %broadcast_in_dim3A_1471 : vector<16xi1>, vector<16xi32>
    %broadcast_in_dim3A_1479 = vector.shape_cast %select_n3A_1478 : vector<16xi32> to vector<16x1xi32>
    %gather3A_1480 = vector.shape_cast %broadcast_in_dim3A_1479 : vector<16x1xi32> to vector<16xi32>
    %gather3A_1481 = tpu.dynamic_gather %bitcast_convert_type3A_593[%gather3A_1480] in [0] : vector<16xf32>, vector<16xi32> -> vector<16xf32>
    %broadcast_in_dim3A_1482 = arith.constant 10 : i32
    %broadcast_in_dim3A_1483 = vector.broadcast %broadcast_in_dim3A_1482 : i32 to vector<16xi32>
    %lt3A_1484 = arith.constant 0 : i32
    %lt3A_1485 = vector.broadcast %lt3A_1484 : i32 to vector<16xi32>
    %lt3A_1486 = arith.cmpi slt, %broadcast_in_dim3A_1483, %lt3A_1485 : vector<16xi32>
    %add3A_1487 = arith.constant 16 : i32
    %add3A_1488 = vector.broadcast %add3A_1487 : i32 to vector<16xi32>
    %add3A_1489 = arith.addi %broadcast_in_dim3A_1483, %add3A_1488 : vector<16xi32>
    %select_n3A_1490 = arith.select %lt3A_1486, %add3A_1489, %broadcast_in_dim3A_1483 : vector<16xi1>, vector<16xi32>
    %broadcast_in_dim3A_1491 = vector.shape_cast %select_n3A_1490 : vector<16xi32> to vector<16x1xi32>
    %gather3A_1492 = vector.shape_cast %broadcast_in_dim3A_1491 : vector<16x1xi32> to vector<16xi32>
    %gather3A_1493 = tpu.dynamic_gather %bitcast_convert_type3A_593[%gather3A_1492] in [0] : vector<16xf32>, vector<16xi32> -> vector<16xf32>
    %broadcast_in_dim3A_1494 = arith.constant 11 : i32
    %broadcast_in_dim3A_1495 = vector.broadcast %broadcast_in_dim3A_1494 : i32 to vector<16xi32>
    %lt3A_1496 = arith.constant 0 : i32
    %lt3A_1497 = vector.broadcast %lt3A_1496 : i32 to vector<16xi32>
    %lt3A_1498 = arith.cmpi slt, %broadcast_in_dim3A_1495, %lt3A_1497 : vector<16xi32>
    %add3A_1499 = arith.constant 16 : i32
    %add3A_1500 = vector.broadcast %add3A_1499 : i32 to vector<16xi32>
    %add3A_1501 = arith.addi %broadcast_in_dim3A_1495, %add3A_1500 : vector<16xi32>
    %select_n3A_1502 = arith.select %lt3A_1498, %add3A_1501, %broadcast_in_dim3A_1495 : vector<16xi1>, vector<16xi32>
    %broadcast_in_dim3A_1503 = vector.shape_cast %select_n3A_1502 : vector<16xi32> to vector<16x1xi32>
    %gather3A_1504 = vector.shape_cast %broadcast_in_dim3A_1503 : vector<16x1xi32> to vector<16xi32>
    %gather3A_1505 = tpu.dynamic_gather %bitcast_convert_type3A_593[%gather3A_1504] in [0] : vector<16xf32>, vector<16xi32> -> vector<16xf32>
    %broadcast_in_dim3A_1506 = arith.constant 12 : i32
    %broadcast_in_dim3A_1507 = vector.broadcast %broadcast_in_dim3A_1506 : i32 to vector<16xi32>
    %lt3A_1508 = arith.constant 0 : i32
    %lt3A_1509 = vector.broadcast %lt3A_1508 : i32 to vector<16xi32>
    %lt3A_1510 = arith.cmpi slt, %broadcast_in_dim3A_1507, %lt3A_1509 : vector<16xi32>
    %add3A_1511 = arith.constant 16 : i32
    %add3A_1512 = vector.broadcast %add3A_1511 : i32 to vector<16xi32>
    %add3A_1513 = arith.addi %broadcast_in_dim3A_1507, %add3A_1512 : vector<16xi32>
    %select_n3A_1514 = arith.select %lt3A_1510, %add3A_1513, %broadcast_in_dim3A_1507 : vector<16xi1>, vector<16xi32>
    %broadcast_in_dim3A_1515 = vector.shape_cast %select_n3A_1514 : vector<16xi32> to vector<16x1xi32>
    %gather3A_1516 = vector.shape_cast %broadcast_in_dim3A_1515 : vector<16x1xi32> to vector<16xi32>
    %gather3A_1517 = tpu.dynamic_gather %bitcast_convert_type3A_593[%gather3A_1516] in [0] : vector<16xf32>, vector<16xi32> -> vector<16xf32>
    %broadcast_in_dim3A_1518 = arith.constant 13 : i32
    %broadcast_in_dim3A_1519 = vector.broadcast %broadcast_in_dim3A_1518 : i32 to vector<16xi32>
    %lt3A_1520 = arith.constant 0 : i32
    %lt3A_1521 = vector.broadcast %lt3A_1520 : i32 to vector<16xi32>
    %lt3A_1522 = arith.cmpi slt, %broadcast_in_dim3A_1519, %lt3A_1521 : vector<16xi32>
    %add3A_1523 = arith.constant 16 : i32
    %add3A_1524 = vector.broadcast %add3A_1523 : i32 to vector<16xi32>
    %add3A_1525 = arith.addi %broadcast_in_dim3A_1519, %add3A_1524 : vector<16xi32>
    %select_n3A_1526 = arith.select %lt3A_1522, %add3A_1525, %broadcast_in_dim3A_1519 : vector<16xi1>, vector<16xi32>
    %broadcast_in_dim3A_1527 = vector.shape_cast %select_n3A_1526 : vector<16xi32> to vector<16x1xi32>
    %gather3A_1528 = vector.shape_cast %broadcast_in_dim3A_1527 : vector<16x1xi32> to vector<16xi32>
    %gather3A_1529 = tpu.dynamic_gather %bitcast_convert_type3A_593[%gather3A_1528] in [0] : vector<16xf32>, vector<16xi32> -> vector<16xf32>
    %broadcast_in_dim3A_1530 = arith.constant 14 : i32
    %broadcast_in_dim3A_1531 = vector.broadcast %broadcast_in_dim3A_1530 : i32 to vector<16xi32>
    %lt3A_1532 = arith.constant 0 : i32
    %lt3A_1533 = vector.broadcast %lt3A_1532 : i32 to vector<16xi32>
    %lt3A_1534 = arith.cmpi slt, %broadcast_in_dim3A_1531, %lt3A_1533 : vector<16xi32>
    %add3A_1535 = arith.constant 16 : i32
    %add3A_1536 = vector.broadcast %add3A_1535 : i32 to vector<16xi32>
    %add3A_1537 = arith.addi %broadcast_in_dim3A_1531, %add3A_1536 : vector<16xi32>
    %select_n3A_1538 = arith.select %lt3A_1534, %add3A_1537, %broadcast_in_dim3A_1531 : vector<16xi1>, vector<16xi32>
    %broadcast_in_dim3A_1539 = vector.shape_cast %select_n3A_1538 : vector<16xi32> to vector<16x1xi32>
    %gather3A_1540 = vector.shape_cast %broadcast_in_dim3A_1539 : vector<16x1xi32> to vector<16xi32>
    %gather3A_1541 = tpu.dynamic_gather %bitcast_convert_type3A_593[%gather3A_1540] in [0] : vector<16xf32>, vector<16xi32> -> vector<16xf32>
    %broadcast_in_dim3A_1542 = arith.constant 15 : i32
    %broadcast_in_dim3A_1543 = vector.broadcast %broadcast_in_dim3A_1542 : i32 to vector<16xi32>
    %lt3A_1544 = arith.constant 0 : i32
    %lt3A_1545 = vector.broadcast %lt3A_1544 : i32 to vector<16xi32>
    %lt3A_1546 = arith.cmpi slt, %broadcast_in_dim3A_1543, %lt3A_1545 : vector<16xi32>
    %add3A_1547 = arith.constant 16 : i32
    %add3A_1548 = vector.broadcast %add3A_1547 : i32 to vector<16xi32>
    %add3A_1549 = arith.addi %broadcast_in_dim3A_1543, %add3A_1548 : vector<16xi32>
    %select_n3A_1550 = arith.select %lt3A_1546, %add3A_1549, %broadcast_in_dim3A_1543 : vector<16xi1>, vector<16xi32>
    %broadcast_in_dim3A_1551 = vector.shape_cast %select_n3A_1550 : vector<16xi32> to vector<16x1xi32>
    %gather3A_1552 = vector.shape_cast %broadcast_in_dim3A_1551 : vector<16x1xi32> to vector<16xi32>
    %gather3A_1553 = tpu.dynamic_gather %bitcast_convert_type3A_593[%gather3A_1552] in [0] : vector<16xf32>, vector<16xi32> -> vector<16xf32>
    %broadcast_in_dim3A_1554 = arith.constant 0.000000e+00 : f32
    %broadcast_in_dim3A_1555 = vector.broadcast %broadcast_in_dim3A_1554 : f32 to vector<16xf32>
    %min3A_1556 = arith.constant 3 : i32
    %min3A_1557 = vector.broadcast %min3A_1556 : i32 to vector<16xi32>
    %min3A_1558 = arith.minsi %iota3A, %min3A_1557 : vector<16xi32>
    %add3A_1559 = arith.constant 0 : i32
    %add3A_1560 = vector.broadcast %add3A_1559 : i32 to vector<16xi32>
    %add3A_1561 = arith.addi %add3A_1560, %iota3A : vector<16xi32>
    %gather3A_1562 = tpu.vector_load_idx %arg8[%add3A_1561] : memref<400xf32, #tpu.memory_space<vmem>>[vector<16xi32>], vector<16xf32>,
    %bitcast_convert_type3A_1563 = tpu.bitcast %gather3A_1562 : vector<16xf32> -> vector<16xi32>
    %add3A_1564 = arith.constant 32767 : i32
    %add3A_1565 = vector.broadcast %add3A_1564 : i32 to vector<16xi32>
    %add3A_1566 = arith.addi %bitcast_convert_type3A_1563, %add3A_1565 : vector<16xi32>
    %shift_right_arithmetic3A_1567 = arith.constant 16 : i32
    %shift_right_arithmetic3A_1568 = vector.broadcast %shift_right_arithmetic3A_1567 : i32 to vector<16xi32>
    %shift_right_arithmetic3A_1569 = arith.shrsi %bitcast_convert_type3A_1563, %shift_right_arithmetic3A_1568 : vector<16xi32>
    %and3A_1570 = arith.constant 1 : i32
    %and3A_1571 = vector.broadcast %and3A_1570 : i32 to vector<16xi32>
    %and3A_1572 = arith.andi %shift_right_arithmetic3A_1569, %and3A_1571 : vector<16xi32>
    %add3A_1573 = arith.addi %add3A_1566, %and3A_1572 : vector<16xi32>
    %and3A_1574 = arith.constant -65536 : i32
    %and3A_1575 = vector.broadcast %and3A_1574 : i32 to vector<16xi32>
    %and3A_1576 = arith.andi %add3A_1573, %and3A_1575 : vector<16xi32>
    %bitcast_convert_type3A_1577 = tpu.bitcast %and3A_1576 : vector<16xi32> -> vector<16xf32>
    %add3A_1578 = arith.constant 16 : i32
    %add3A_1579 = vector.broadcast %add3A_1578 : i32 to vector<16xi32>
    %add3A_1580 = arith.addi %add3A_1579, %min3A_1558 : vector<16xi32>
    %gather3A_1581 = tpu.vector_load_idx %arg8[%add3A_1580] : memref<400xf32, #tpu.memory_space<vmem>>[vector<16xi32>], vector<16xf32>,
    %bitcast_convert_type3A_1582 = tpu.bitcast %gather3A_1581 : vector<16xf32> -> vector<16xi32>
    %add3A_1583 = arith.constant 32767 : i32
    %add3A_1584 = vector.broadcast %add3A_1583 : i32 to vector<16xi32>
    %add3A_1585 = arith.addi %bitcast_convert_type3A_1582, %add3A_1584 : vector<16xi32>
    %shift_right_arithmetic3A_1586 = arith.constant 16 : i32
    %shift_right_arithmetic3A_1587 = vector.broadcast %shift_right_arithmetic3A_1586 : i32 to vector<16xi32>
    %shift_right_arithmetic3A_1588 = arith.shrsi %bitcast_convert_type3A_1582, %shift_right_arithmetic3A_1587 : vector<16xi32>
    %and3A_1589 = arith.constant 1 : i32
    %and3A_1590 = vector.broadcast %and3A_1589 : i32 to vector<16xi32>
    %and3A_1591 = arith.andi %shift_right_arithmetic3A_1588, %and3A_1590 : vector<16xi32>
    %add3A_1592 = arith.addi %add3A_1585, %and3A_1591 : vector<16xi32>
    %and3A_1593 = arith.constant -65536 : i32
    %and3A_1594 = vector.broadcast %and3A_1593 : i32 to vector<16xi32>
    %and3A_1595 = arith.andi %add3A_1592, %and3A_1594 : vector<16xi32>
    %bitcast_convert_type3A_1596 = tpu.bitcast %and3A_1595 : vector<16xi32> -> vector<16xf32>
    %mul3A_1597 = arith.mulf %gather3A_605, %bitcast_convert_type3A_1577 : vector<16xf32>
    %add3A_1598 = arith.addf %broadcast_in_dim3A_1555, %mul3A_1597 : vector<16xf32>
    %mul3A_1599 = arith.mulf %gather3A_605, %bitcast_convert_type3A_1596 : vector<16xf32>
    %add3A_1600 = arith.addf %broadcast_in_dim3A_1555, %mul3A_1599 : vector<16xf32>
    %mul3A_1601 = arith.mulf %gather3A_845, %bitcast_convert_type3A_1577 : vector<16xf32>
    %add3A_1602 = arith.addf %broadcast_in_dim3A_1555, %mul3A_1601 : vector<16xf32>
    %mul3A_1603 = arith.mulf %gather3A_845, %bitcast_convert_type3A_1596 : vector<16xf32>
    %add3A_1604 = arith.addf %broadcast_in_dim3A_1555, %mul3A_1603 : vector<16xf32>
    %mul3A_1605 = arith.mulf %gather3A_1085, %bitcast_convert_type3A_1577 : vector<16xf32>
    %add3A_1606 = arith.addf %broadcast_in_dim3A_1555, %mul3A_1605 : vector<16xf32>
    %mul3A_1607 = arith.mulf %gather3A_1085, %bitcast_convert_type3A_1596 : vector<16xf32>
    %add3A_1608 = arith.addf %broadcast_in_dim3A_1555, %mul3A_1607 : vector<16xf32>
    %mul3A_1609 = arith.mulf %gather3A_1325, %bitcast_convert_type3A_1577 : vector<16xf32>
    %add3A_1610 = arith.addf %broadcast_in_dim3A_1555, %mul3A_1609 : vector<16xf32>
    %mul3A_1611 = arith.mulf %gather3A_1325, %bitcast_convert_type3A_1596 : vector<16xf32>
    %add3A_1612 = arith.addf %broadcast_in_dim3A_1555, %mul3A_1611 : vector<16xf32>
    %add3A_1613 = arith.constant 20 : i32
    %add3A_1614 = vector.broadcast %add3A_1613 : i32 to vector<16xi32>
    %add3A_1615 = arith.addi %add3A_1614, %iota3A : vector<16xi32>
    %gather3A_1616 = tpu.vector_load_idx %arg8[%add3A_1615] : memref<400xf32, #tpu.memory_space<vmem>>[vector<16xi32>], vector<16xf32>,
    %bitcast_convert_type3A_1617 = tpu.bitcast %gather3A_1616 : vector<16xf32> -> vector<16xi32>
    %add3A_1618 = arith.constant 32767 : i32
    %add3A_1619 = vector.broadcast %add3A_1618 : i32 to vector<16xi32>
    %add3A_1620 = arith.addi %bitcast_convert_type3A_1617, %add3A_1619 : vector<16xi32>
    %shift_right_arithmetic3A_1621 = arith.constant 16 : i32
    %shift_right_arithmetic3A_1622 = vector.broadcast %shift_right_arithmetic3A_1621 : i32 to vector<16xi32>
    %shift_right_arithmetic3A_1623 = arith.shrsi %bitcast_convert_type3A_1617, %shift_right_arithmetic3A_1622 : vector<16xi32>
    %and3A_1624 = arith.constant 1 : i32
    %and3A_1625 = vector.broadcast %and3A_1624 : i32 to vector<16xi32>
    %and3A_1626 = arith.andi %shift_right_arithmetic3A_1623, %and3A_1625 : vector<16xi32>
    %add3A_1627 = arith.addi %add3A_1620, %and3A_1626 : vector<16xi32>
    %and3A_1628 = arith.constant -65536 : i32
    %and3A_1629 = vector.broadcast %and3A_1628 : i32 to vector<16xi32>
    %and3A_1630 = arith.andi %add3A_1627, %and3A_1629 : vector<16xi32>
    %bitcast_convert_type3A_1631 = tpu.bitcast %and3A_1630 : vector<16xi32> -> vector<16xf32>
    %add3A_1632 = arith.constant 36 : i32
    %add3A_1633 = vector.broadcast %add3A_1632 : i32 to vector<16xi32>
    %add3A_1634 = arith.addi %add3A_1633, %min3A_1558 : vector<16xi32>
    %gather3A_1635 = tpu.vector_load_idx %arg8[%add3A_1634] : memref<400xf32, #tpu.memory_space<vmem>>[vector<16xi32>], vector<16xf32>,
    %bitcast_convert_type3A_1636 = tpu.bitcast %gather3A_1635 : vector<16xf32> -> vector<16xi32>
    %add3A_1637 = arith.constant 32767 : i32
    %add3A_1638 = vector.broadcast %add3A_1637 : i32 to vector<16xi32>
    %add3A_1639 = arith.addi %bitcast_convert_type3A_1636, %add3A_1638 : vector<16xi32>
    %shift_right_arithmetic3A_1640 = arith.constant 16 : i32
    %shift_right_arithmetic3A_1641 = vector.broadcast %shift_right_arithmetic3A_1640 : i32 to vector<16xi32>
    %shift_right_arithmetic3A_1642 = arith.shrsi %bitcast_convert_type3A_1636, %shift_right_arithmetic3A_1641 : vector<16xi32>
    %and3A_1643 = arith.constant 1 : i32
    %and3A_1644 = vector.broadcast %and3A_1643 : i32 to vector<16xi32>
    %and3A_1645 = arith.andi %shift_right_arithmetic3A_1642, %and3A_1644 : vector<16xi32>
    %add3A_1646 = arith.addi %add3A_1639, %and3A_1645 : vector<16xi32>
    %and3A_1647 = arith.constant -65536 : i32
    %and3A_1648 = vector.broadcast %and3A_1647 : i32 to vector<16xi32>
    %and3A_1649 = arith.andi %add3A_1646, %and3A_1648 : vector<16xi32>
    %bitcast_convert_type3A_1650 = tpu.bitcast %and3A_1649 : vector<16xi32> -> vector<16xf32>
    %mul3A_1651 = arith.mulf %gather3A_617, %bitcast_convert_type3A_1631 : vector<16xf32>
    %add3A_1652 = arith.addf %add3A_1598, %mul3A_1651 : vector<16xf32>
    %mul3A_1653 = arith.mulf %gather3A_617, %bitcast_convert_type3A_1650 : vector<16xf32>
    %add3A_1654 = arith.addf %add3A_1600, %mul3A_1653 : vector<16xf32>
    %mul3A_1655 = arith.mulf %gather3A_857, %bitcast_convert_type3A_1631 : vector<16xf32>
    %add3A_1656 = arith.addf %add3A_1602, %mul3A_1655 : vector<16xf32>
    %mul3A_1657 = arith.mulf %gather3A_857, %bitcast_convert_type3A_1650 : vector<16xf32>
    %add3A_1658 = arith.addf %add3A_1604, %mul3A_1657 : vector<16xf32>
    %mul3A_1659 = arith.mulf %gather3A_1097, %bitcast_convert_type3A_1631 : vector<16xf32>
    %add3A_1660 = arith.addf %add3A_1606, %mul3A_1659 : vector<16xf32>
    %mul3A_1661 = arith.mulf %gather3A_1097, %bitcast_convert_type3A_1650 : vector<16xf32>
    %add3A_1662 = arith.addf %add3A_1608, %mul3A_1661 : vector<16xf32>
    %mul3A_1663 = arith.mulf %gather3A_1337, %bitcast_convert_type3A_1631 : vector<16xf32>
    %add3A_1664 = arith.addf %add3A_1610, %mul3A_1663 : vector<16xf32>
    %mul3A_1665 = arith.mulf %gather3A_1337, %bitcast_convert_type3A_1650 : vector<16xf32>
    %add3A_1666 = arith.addf %add3A_1612, %mul3A_1665 : vector<16xf32>
    %add3A_1667 = arith.constant 40 : i32
    %add3A_1668 = vector.broadcast %add3A_1667 : i32 to vector<16xi32>
    %add3A_1669 = arith.addi %add3A_1668, %iota3A : vector<16xi32>
    %gather3A_1670 = tpu.vector_load_idx %arg8[%add3A_1669] : memref<400xf32, #tpu.memory_space<vmem>>[vector<16xi32>], vector<16xf32>,
    %bitcast_convert_type3A_1671 = tpu.bitcast %gather3A_1670 : vector<16xf32> -> vector<16xi32>
    %add3A_1672 = arith.constant 32767 : i32
    %add3A_1673 = vector.broadcast %add3A_1672 : i32 to vector<16xi32>
    %add3A_1674 = arith.addi %bitcast_convert_type3A_1671, %add3A_1673 : vector<16xi32>
    %shift_right_arithmetic3A_1675 = arith.constant 16 : i32
    %shift_right_arithmetic3A_1676 = vector.broadcast %shift_right_arithmetic3A_1675 : i32 to vector<16xi32>
    %shift_right_arithmetic3A_1677 = arith.shrsi %bitcast_convert_type3A_1671, %shift_right_arithmetic3A_1676 : vector<16xi32>
    %and3A_1678 = arith.constant 1 : i32
    %and3A_1679 = vector.broadcast %and3A_1678 : i32 to vector<16xi32>
    %and3A_1680 = arith.andi %shift_right_arithmetic3A_1677, %and3A_1679 : vector<16xi32>
    %add3A_1681 = arith.addi %add3A_1674, %and3A_1680 : vector<16xi32>
    %and3A_1682 = arith.constant -65536 : i32
    %and3A_1683 = vector.broadcast %and3A_1682 : i32 to vector<16xi32>
    %and3A_1684 = arith.andi %add3A_1681, %and3A_1683 : vector<16xi32>
    %bitcast_convert_type3A_1685 = tpu.bitcast %and3A_1684 : vector<16xi32> -> vector<16xf32>
    %add3A_1686 = arith.constant 56 : i32
    %add3A_1687 = vector.broadcast %add3A_1686 : i32 to vector<16xi32>
    %add3A_1688 = arith.addi %add3A_1687, %min3A_1558 : vector<16xi32>
    %gather3A_1689 = tpu.vector_load_idx %arg8[%add3A_1688] : memref<400xf32, #tpu.memory_space<vmem>>[vector<16xi32>], vector<16xf32>,
    %bitcast_convert_type3A_1690 = tpu.bitcast %gather3A_1689 : vector<16xf32> -> vector<16xi32>
    %add3A_1691 = arith.constant 32767 : i32
    %add3A_1692 = vector.broadcast %add3A_1691 : i32 to vector<16xi32>
    %add3A_1693 = arith.addi %bitcast_convert_type3A_1690, %add3A_1692 : vector<16xi32>
    %shift_right_arithmetic3A_1694 = arith.constant 16 : i32
    %shift_right_arithmetic3A_1695 = vector.broadcast %shift_right_arithmetic3A_1694 : i32 to vector<16xi32>
    %shift_right_arithmetic3A_1696 = arith.shrsi %bitcast_convert_type3A_1690, %shift_right_arithmetic3A_1695 : vector<16xi32>
    %and3A_1697 = arith.constant 1 : i32
    %and3A_1698 = vector.broadcast %and3A_1697 : i32 to vector<16xi32>
    %and3A_1699 = arith.andi %shift_right_arithmetic3A_1696, %and3A_1698 : vector<16xi32>
    %add3A_1700 = arith.addi %add3A_1693, %and3A_1699 : vector<16xi32>
    %and3A_1701 = arith.constant -65536 : i32
    %and3A_1702 = vector.broadcast %and3A_1701 : i32 to vector<16xi32>
    %and3A_1703 = arith.andi %add3A_1700, %and3A_1702 : vector<16xi32>
    %bitcast_convert_type3A_1704 = tpu.bitcast %and3A_1703 : vector<16xi32> -> vector<16xf32>
    %mul3A_1705 = arith.mulf %gather3A_629, %bitcast_convert_type3A_1685 : vector<16xf32>
    %add3A_1706 = arith.addf %add3A_1652, %mul3A_1705 : vector<16xf32>
    %mul3A_1707 = arith.mulf %gather3A_629, %bitcast_convert_type3A_1704 : vector<16xf32>
    %add3A_1708 = arith.addf %add3A_1654, %mul3A_1707 : vector<16xf32>
    %mul3A_1709 = arith.mulf %gather3A_869, %bitcast_convert_type3A_1685 : vector<16xf32>
    %add3A_1710 = arith.addf %add3A_1656, %mul3A_1709 : vector<16xf32>
    %mul3A_1711 = arith.mulf %gather3A_869, %bitcast_convert_type3A_1704 : vector<16xf32>
    %add3A_1712 = arith.addf %add3A_1658, %mul3A_1711 : vector<16xf32>
    %mul3A_1713 = arith.mulf %gather3A_1109, %bitcast_convert_type3A_1685 : vector<16xf32>
    %add3A_1714 = arith.addf %add3A_1660, %mul3A_1713 : vector<16xf32>
    %mul3A_1715 = arith.mulf %gather3A_1109, %bitcast_convert_type3A_1704 : vector<16xf32>
    %add3A_1716 = arith.addf %add3A_1662, %mul3A_1715 : vector<16xf32>
    %mul3A_1717 = arith.mulf %gather3A_1349, %bitcast_convert_type3A_1685 : vector<16xf32>
    %add3A_1718 = arith.addf %add3A_1664, %mul3A_1717 : vector<16xf32>
    %mul3A_1719 = arith.mulf %gather3A_1349, %bitcast_convert_type3A_1704 : vector<16xf32>
    %add3A_1720 = arith.addf %add3A_1666, %mul3A_1719 : vector<16xf32>
    %add3A_1721 = arith.constant 60 : i32
    %add3A_1722 = vector.broadcast %add3A_1721 : i32 to vector<16xi32>
    %add3A_1723 = arith.addi %add3A_1722, %iota3A : vector<16xi32>
    %gather3A_1724 = tpu.vector_load_idx %arg8[%add3A_1723] : memref<400xf32, #tpu.memory_space<vmem>>[vector<16xi32>], vector<16xf32>,
    %bitcast_convert_type3A_1725 = tpu.bitcast %gather3A_1724 : vector<16xf32> -> vector<16xi32>
    %add3A_1726 = arith.constant 32767 : i32
    %add3A_1727 = vector.broadcast %add3A_1726 : i32 to vector<16xi32>
    %add3A_1728 = arith.addi %bitcast_convert_type3A_1725, %add3A_1727 : vector<16xi32>
    %shift_right_arithmetic3A_1729 = arith.constant 16 : i32
    %shift_right_arithmetic3A_1730 = vector.broadcast %shift_right_arithmetic3A_1729 : i32 to vector<16xi32>
    %shift_right_arithmetic3A_1731 = arith.shrsi %bitcast_convert_type3A_1725, %shift_right_arithmetic3A_1730 : vector<16xi32>
    %and3A_1732 = arith.constant 1 : i32
    %and3A_1733 = vector.broadcast %and3A_1732 : i32 to vector<16xi32>
    %and3A_1734 = arith.andi %shift_right_arithmetic3A_1731, %and3A_1733 : vector<16xi32>
    %add3A_1735 = arith.addi %add3A_1728, %and3A_1734 : vector<16xi32>
    %and3A_1736 = arith.constant -65536 : i32
    %and3A_1737 = vector.broadcast %and3A_1736 : i32 to vector<16xi32>
    %and3A_1738 = arith.andi %add3A_1735, %and3A_1737 : vector<16xi32>
    %bitcast_convert_type3A_1739 = tpu.bitcast %and3A_1738 : vector<16xi32> -> vector<16xf32>
    %add3A_1740 = arith.constant 76 : i32
    %add3A_1741 = vector.broadcast %add3A_1740 : i32 to vector<16xi32>
    %add3A_1742 = arith.addi %add3A_1741, %min3A_1558 : vector<16xi32>
    %gather3A_1743 = tpu.vector_load_idx %arg8[%add3A_1742] : memref<400xf32, #tpu.memory_space<vmem>>[vector<16xi32>], vector<16xf32>,
    %bitcast_convert_type3A_1744 = tpu.bitcast %gather3A_1743 : vector<16xf32> -> vector<16xi32>
    %add3A_1745 = arith.constant 32767 : i32
    %add3A_1746 = vector.broadcast %add3A_1745 : i32 to vector<16xi32>
    %add3A_1747 = arith.addi %bitcast_convert_type3A_1744, %add3A_1746 : vector<16xi32>
    %shift_right_arithmetic3A_1748 = arith.constant 16 : i32
    %shift_right_arithmetic3A_1749 = vector.broadcast %shift_right_arithmetic3A_1748 : i32 to vector<16xi32>
    %shift_right_arithmetic3A_1750 = arith.shrsi %bitcast_convert_type3A_1744, %shift_right_arithmetic3A_1749 : vector<16xi32>
    %and3A_1751 = arith.constant 1 : i32
    %and3A_1752 = vector.broadcast %and3A_1751 : i32 to vector<16xi32>
    %and3A_1753 = arith.andi %shift_right_arithmetic3A_1750, %and3A_1752 : vector<16xi32>
    %add3A_1754 = arith.addi %add3A_1747, %and3A_1753 : vector<16xi32>
    %and3A_1755 = arith.constant -65536 : i32
    %and3A_1756 = vector.broadcast %and3A_1755 : i32 to vector<16xi32>
    %and3A_1757 = arith.andi %add3A_1754, %and3A_1756 : vector<16xi32>
    %bitcast_convert_type3A_1758 = tpu.bitcast %and3A_1757 : vector<16xi32> -> vector<16xf32>
    %mul3A_1759 = arith.mulf %gather3A_641, %bitcast_convert_type3A_1739 : vector<16xf32>
    %add3A_1760 = arith.addf %add3A_1706, %mul3A_1759 : vector<16xf32>
    %mul3A_1761 = arith.mulf %gather3A_641, %bitcast_convert_type3A_1758 : vector<16xf32>
    %add3A_1762 = arith.addf %add3A_1708, %mul3A_1761 : vector<16xf32>
    %mul3A_1763 = arith.mulf %gather3A_881, %bitcast_convert_type3A_1739 : vector<16xf32>
    %add3A_1764 = arith.addf %add3A_1710, %mul3A_1763 : vector<16xf32>
    %mul3A_1765 = arith.mulf %gather3A_881, %bitcast_convert_type3A_1758 : vector<16xf32>
    %add3A_1766 = arith.addf %add3A_1712, %mul3A_1765 : vector<16xf32>
    %mul3A_1767 = arith.mulf %gather3A_1121, %bitcast_convert_type3A_1739 : vector<16xf32>
    %add3A_1768 = arith.addf %add3A_1714, %mul3A_1767 : vector<16xf32>
    %mul3A_1769 = arith.mulf %gather3A_1121, %bitcast_convert_type3A_1758 : vector<16xf32>
    %add3A_1770 = arith.addf %add3A_1716, %mul3A_1769 : vector<16xf32>
    %mul3A_1771 = arith.mulf %gather3A_1361, %bitcast_convert_type3A_1739 : vector<16xf32>
    %add3A_1772 = arith.addf %add3A_1718, %mul3A_1771 : vector<16xf32>
    %mul3A_1773 = arith.mulf %gather3A_1361, %bitcast_convert_type3A_1758 : vector<16xf32>
    %add3A_1774 = arith.addf %add3A_1720, %mul3A_1773 : vector<16xf32>
    %add3A_1775 = arith.constant 80 : i32
    %add3A_1776 = vector.broadcast %add3A_1775 : i32 to vector<16xi32>
    %add3A_1777 = arith.addi %add3A_1776, %iota3A : vector<16xi32>
    %gather3A_1778 = tpu.vector_load_idx %arg8[%add3A_1777] : memref<400xf32, #tpu.memory_space<vmem>>[vector<16xi32>], vector<16xf32>,
    %bitcast_convert_type3A_1779 = tpu.bitcast %gather3A_1778 : vector<16xf32> -> vector<16xi32>
    %add3A_1780 = arith.constant 32767 : i32
    %add3A_1781 = vector.broadcast %add3A_1780 : i32 to vector<16xi32>
    %add3A_1782 = arith.addi %bitcast_convert_type3A_1779, %add3A_1781 : vector<16xi32>
    %shift_right_arithmetic3A_1783 = arith.constant 16 : i32
    %shift_right_arithmetic3A_1784 = vector.broadcast %shift_right_arithmetic3A_1783 : i32 to vector<16xi32>
    %shift_right_arithmetic3A_1785 = arith.shrsi %bitcast_convert_type3A_1779, %shift_right_arithmetic3A_1784 : vector<16xi32>
    %and3A_1786 = arith.constant 1 : i32
    %and3A_1787 = vector.broadcast %and3A_1786 : i32 to vector<16xi32>
    %and3A_1788 = arith.andi %shift_right_arithmetic3A_1785, %and3A_1787 : vector<16xi32>
    %add3A_1789 = arith.addi %add3A_1782, %and3A_1788 : vector<16xi32>
    %and3A_1790 = arith.constant -65536 : i32
    %and3A_1791 = vector.broadcast %and3A_1790 : i32 to vector<16xi32>
    %and3A_1792 = arith.andi %add3A_1789, %and3A_1791 : vector<16xi32>
    %bitcast_convert_type3A_1793 = tpu.bitcast %and3A_1792 : vector<16xi32> -> vector<16xf32>
    %add3A_1794 = arith.constant 96 : i32
    %add3A_1795 = vector.broadcast %add3A_1794 : i32 to vector<16xi32>
    %add3A_1796 = arith.addi %add3A_1795, %min3A_1558 : vector<16xi32>
    %gather3A_1797 = tpu.vector_load_idx %arg8[%add3A_1796] : memref<400xf32, #tpu.memory_space<vmem>>[vector<16xi32>], vector<16xf32>,
    %bitcast_convert_type3A_1798 = tpu.bitcast %gather3A_1797 : vector<16xf32> -> vector<16xi32>
    %add3A_1799 = arith.constant 32767 : i32
    %add3A_1800 = vector.broadcast %add3A_1799 : i32 to vector<16xi32>
    %add3A_1801 = arith.addi %bitcast_convert_type3A_1798, %add3A_1800 : vector<16xi32>
    %shift_right_arithmetic3A_1802 = arith.constant 16 : i32
    %shift_right_arithmetic3A_1803 = vector.broadcast %shift_right_arithmetic3A_1802 : i32 to vector<16xi32>
    %shift_right_arithmetic3A_1804 = arith.shrsi %bitcast_convert_type3A_1798, %shift_right_arithmetic3A_1803 : vector<16xi32>
    %and3A_1805 = arith.constant 1 : i32
    %and3A_1806 = vector.broadcast %and3A_1805 : i32 to vector<16xi32>
    %and3A_1807 = arith.andi %shift_right_arithmetic3A_1804, %and3A_1806 : vector<16xi32>
    %add3A_1808 = arith.addi %add3A_1801, %and3A_1807 : vector<16xi32>
    %and3A_1809 = arith.constant -65536 : i32
    %and3A_1810 = vector.broadcast %and3A_1809 : i32 to vector<16xi32>
    %and3A_1811 = arith.andi %add3A_1808, %and3A_1810 : vector<16xi32>
    %bitcast_convert_type3A_1812 = tpu.bitcast %and3A_1811 : vector<16xi32> -> vector<16xf32>
    %mul3A_1813 = arith.mulf %gather3A_653, %bitcast_convert_type3A_1793 : vector<16xf32>
    %add3A_1814 = arith.addf %add3A_1760, %mul3A_1813 : vector<16xf32>
    %mul3A_1815 = arith.mulf %gather3A_653, %bitcast_convert_type3A_1812 : vector<16xf32>
    %add3A_1816 = arith.addf %add3A_1762, %mul3A_1815 : vector<16xf32>
    %mul3A_1817 = arith.mulf %gather3A_893, %bitcast_convert_type3A_1793 : vector<16xf32>
    %add3A_1818 = arith.addf %add3A_1764, %mul3A_1817 : vector<16xf32>
    %mul3A_1819 = arith.mulf %gather3A_893, %bitcast_convert_type3A_1812 : vector<16xf32>
    %add3A_1820 = arith.addf %add3A_1766, %mul3A_1819 : vector<16xf32>
    %mul3A_1821 = arith.mulf %gather3A_1133, %bitcast_convert_type3A_1793 : vector<16xf32>
    %add3A_1822 = arith.addf %add3A_1768, %mul3A_1821 : vector<16xf32>
    %mul3A_1823 = arith.mulf %gather3A_1133, %bitcast_convert_type3A_1812 : vector<16xf32>
    %add3A_1824 = arith.addf %add3A_1770, %mul3A_1823 : vector<16xf32>
    %mul3A_1825 = arith.mulf %gather3A_1373, %bitcast_convert_type3A_1793 : vector<16xf32>
    %add3A_1826 = arith.addf %add3A_1772, %mul3A_1825 : vector<16xf32>
    %mul3A_1827 = arith.mulf %gather3A_1373, %bitcast_convert_type3A_1812 : vector<16xf32>
    %add3A_1828 = arith.addf %add3A_1774, %mul3A_1827 : vector<16xf32>
    %add3A_1829 = arith.constant 100 : i32
    %add3A_1830 = vector.broadcast %add3A_1829 : i32 to vector<16xi32>
    %add3A_1831 = arith.addi %add3A_1830, %iota3A : vector<16xi32>
    %gather3A_1832 = tpu.vector_load_idx %arg8[%add3A_1831] : memref<400xf32, #tpu.memory_space<vmem>>[vector<16xi32>], vector<16xf32>,
    %bitcast_convert_type3A_1833 = tpu.bitcast %gather3A_1832 : vector<16xf32> -> vector<16xi32>
    %add3A_1834 = arith.constant 32767 : i32
    %add3A_1835 = vector.broadcast %add3A_1834 : i32 to vector<16xi32>
    %add3A_1836 = arith.addi %bitcast_convert_type3A_1833, %add3A_1835 : vector<16xi32>
    %shift_right_arithmetic3A_1837 = arith.constant 16 : i32
    %shift_right_arithmetic3A_1838 = vector.broadcast %shift_right_arithmetic3A_1837 : i32 to vector<16xi32>
    %shift_right_arithmetic3A_1839 = arith.shrsi %bitcast_convert_type3A_1833, %shift_right_arithmetic3A_1838 : vector<16xi32>
    %and3A_1840 = arith.constant 1 : i32
    %and3A_1841 = vector.broadcast %and3A_1840 : i32 to vector<16xi32>
    %and3A_1842 = arith.andi %shift_right_arithmetic3A_1839, %and3A_1841 : vector<16xi32>
    %add3A_1843 = arith.addi %add3A_1836, %and3A_1842 : vector<16xi32>
    %and3A_1844 = arith.constant -65536 : i32
    %and3A_1845 = vector.broadcast %and3A_1844 : i32 to vector<16xi32>
    %and3A_1846 = arith.andi %add3A_1843, %and3A_1845 : vector<16xi32>
    %bitcast_convert_type3A_1847 = tpu.bitcast %and3A_1846 : vector<16xi32> -> vector<16xf32>
    %add3A_1848 = arith.constant 116 : i32
    %add3A_1849 = vector.broadcast %add3A_1848 : i32 to vector<16xi32>
    %add3A_1850 = arith.addi %add3A_1849, %min3A_1558 : vector<16xi32>
    %gather3A_1851 = tpu.vector_load_idx %arg8[%add3A_1850] : memref<400xf32, #tpu.memory_space<vmem>>[vector<16xi32>], vector<16xf32>,
    %bitcast_convert_type3A_1852 = tpu.bitcast %gather3A_1851 : vector<16xf32> -> vector<16xi32>
    %add3A_1853 = arith.constant 32767 : i32
    %add3A_1854 = vector.broadcast %add3A_1853 : i32 to vector<16xi32>
    %add3A_1855 = arith.addi %bitcast_convert_type3A_1852, %add3A_1854 : vector<16xi32>
    %shift_right_arithmetic3A_1856 = arith.constant 16 : i32
    %shift_right_arithmetic3A_1857 = vector.broadcast %shift_right_arithmetic3A_1856 : i32 to vector<16xi32>
    %shift_right_arithmetic3A_1858 = arith.shrsi %bitcast_convert_type3A_1852, %shift_right_arithmetic3A_1857 : vector<16xi32>
    %and3A_1859 = arith.constant 1 : i32
    %and3A_1860 = vector.broadcast %and3A_1859 : i32 to vector<16xi32>
    %and3A_1861 = arith.andi %shift_right_arithmetic3A_1858, %and3A_1860 : vector<16xi32>
    %add3A_1862 = arith.addi %add3A_1855, %and3A_1861 : vector<16xi32>
    %and3A_1863 = arith.constant -65536 : i32
    %and3A_1864 = vector.broadcast %and3A_1863 : i32 to vector<16xi32>
    %and3A_1865 = arith.andi %add3A_1862, %and3A_1864 : vector<16xi32>
    %bitcast_convert_type3A_1866 = tpu.bitcast %and3A_1865 : vector<16xi32> -> vector<16xf32>
    %mul3A_1867 = arith.mulf %gather3A_665, %bitcast_convert_type3A_1847 : vector<16xf32>
    %add3A_1868 = arith.addf %add3A_1814, %mul3A_1867 : vector<16xf32>
    %mul3A_1869 = arith.mulf %gather3A_665, %bitcast_convert_type3A_1866 : vector<16xf32>
    %add3A_1870 = arith.addf %add3A_1816, %mul3A_1869 : vector<16xf32>
    %mul3A_1871 = arith.mulf %gather3A_905, %bitcast_convert_type3A_1847 : vector<16xf32>
    %add3A_1872 = arith.addf %add3A_1818, %mul3A_1871 : vector<16xf32>
    %mul3A_1873 = arith.mulf %gather3A_905, %bitcast_convert_type3A_1866 : vector<16xf32>
    %add3A_1874 = arith.addf %add3A_1820, %mul3A_1873 : vector<16xf32>
    %mul3A_1875 = arith.mulf %gather3A_1145, %bitcast_convert_type3A_1847 : vector<16xf32>
    %add3A_1876 = arith.addf %add3A_1822, %mul3A_1875 : vector<16xf32>
    %mul3A_1877 = arith.mulf %gather3A_1145, %bitcast_convert_type3A_1866 : vector<16xf32>
    %add3A_1878 = arith.addf %add3A_1824, %mul3A_1877 : vector<16xf32>
    %mul3A_1879 = arith.mulf %gather3A_1385, %bitcast_convert_type3A_1847 : vector<16xf32>
    %add3A_1880 = arith.addf %add3A_1826, %mul3A_1879 : vector<16xf32>
    %mul3A_1881 = arith.mulf %gather3A_1385, %bitcast_convert_type3A_1866 : vector<16xf32>
    %add3A_1882 = arith.addf %add3A_1828, %mul3A_1881 : vector<16xf32>
    %add3A_1883 = arith.constant 120 : i32
    %add3A_1884 = vector.broadcast %add3A_1883 : i32 to vector<16xi32>
    %add3A_1885 = arith.addi %add3A_1884, %iota3A : vector<16xi32>
    %gather3A_1886 = tpu.vector_load_idx %arg8[%add3A_1885] : memref<400xf32, #tpu.memory_space<vmem>>[vector<16xi32>], vector<16xf32>,
    %bitcast_convert_type3A_1887 = tpu.bitcast %gather3A_1886 : vector<16xf32> -> vector<16xi32>
    %add3A_1888 = arith.constant 32767 : i32
    %add3A_1889 = vector.broadcast %add3A_1888 : i32 to vector<16xi32>
    %add3A_1890 = arith.addi %bitcast_convert_type3A_1887, %add3A_1889 : vector<16xi32>
    %shift_right_arithmetic3A_1891 = arith.constant 16 : i32
    %shift_right_arithmetic3A_1892 = vector.broadcast %shift_right_arithmetic3A_1891 : i32 to vector<16xi32>
    %shift_right_arithmetic3A_1893 = arith.shrsi %bitcast_convert_type3A_1887, %shift_right_arithmetic3A_1892 : vector<16xi32>
    %and3A_1894 = arith.constant 1 : i32
    %and3A_1895 = vector.broadcast %and3A_1894 : i32 to vector<16xi32>
    %and3A_1896 = arith.andi %shift_right_arithmetic3A_1893, %and3A_1895 : vector<16xi32>
    %add3A_1897 = arith.addi %add3A_1890, %and3A_1896 : vector<16xi32>
    %and3A_1898 = arith.constant -65536 : i32
    %and3A_1899 = vector.broadcast %and3A_1898 : i32 to vector<16xi32>
    %and3A_1900 = arith.andi %add3A_1897, %and3A_1899 : vector<16xi32>
    %bitcast_convert_type3A_1901 = tpu.bitcast %and3A_1900 : vector<16xi32> -> vector<16xf32>
    %add3A_1902 = arith.constant 136 : i32
    %add3A_1903 = vector.broadcast %add3A_1902 : i32 to vector<16xi32>
    %add3A_1904 = arith.addi %add3A_1903, %min3A_1558 : vector<16xi32>
    %gather3A_1905 = tpu.vector_load_idx %arg8[%add3A_1904] : memref<400xf32, #tpu.memory_space<vmem>>[vector<16xi32>], vector<16xf32>,
    %bitcast_convert_type3A_1906 = tpu.bitcast %gather3A_1905 : vector<16xf32> -> vector<16xi32>
    %add3A_1907 = arith.constant 32767 : i32
    %add3A_1908 = vector.broadcast %add3A_1907 : i32 to vector<16xi32>
    %add3A_1909 = arith.addi %bitcast_convert_type3A_1906, %add3A_1908 : vector<16xi32>
    %shift_right_arithmetic3A_1910 = arith.constant 16 : i32
    %shift_right_arithmetic3A_1911 = vector.broadcast %shift_right_arithmetic3A_1910 : i32 to vector<16xi32>
    %shift_right_arithmetic3A_1912 = arith.shrsi %bitcast_convert_type3A_1906, %shift_right_arithmetic3A_1911 : vector<16xi32>
    %and3A_1913 = arith.constant 1 : i32
    %and3A_1914 = vector.broadcast %and3A_1913 : i32 to vector<16xi32>
    %and3A_1915 = arith.andi %shift_right_arithmetic3A_1912, %and3A_1914 : vector<16xi32>
    %add3A_1916 = arith.addi %add3A_1909, %and3A_1915 : vector<16xi32>
    %and3A_1917 = arith.constant -65536 : i32
    %and3A_1918 = vector.broadcast %and3A_1917 : i32 to vector<16xi32>
    %and3A_1919 = arith.andi %add3A_1916, %and3A_1918 : vector<16xi32>
    %bitcast_convert_type3A_1920 = tpu.bitcast %and3A_1919 : vector<16xi32> -> vector<16xf32>
    %mul3A_1921 = arith.mulf %gather3A_677, %bitcast_convert_type3A_1901 : vector<16xf32>
    %add3A_1922 = arith.addf %add3A_1868, %mul3A_1921 : vector<16xf32>
    %mul3A_1923 = arith.mulf %gather3A_677, %bitcast_convert_type3A_1920 : vector<16xf32>
    %add3A_1924 = arith.addf %add3A_1870, %mul3A_1923 : vector<16xf32>
    %mul3A_1925 = arith.mulf %gather3A_917, %bitcast_convert_type3A_1901 : vector<16xf32>
    %add3A_1926 = arith.addf %add3A_1872, %mul3A_1925 : vector<16xf32>
    %mul3A_1927 = arith.mulf %gather3A_917, %bitcast_convert_type3A_1920 : vector<16xf32>
    %add3A_1928 = arith.addf %add3A_1874, %mul3A_1927 : vector<16xf32>
    %mul3A_1929 = arith.mulf %gather3A_1157, %bitcast_convert_type3A_1901 : vector<16xf32>
    %add3A_1930 = arith.addf %add3A_1876, %mul3A_1929 : vector<16xf32>
    %mul3A_1931 = arith.mulf %gather3A_1157, %bitcast_convert_type3A_1920 : vector<16xf32>
    %add3A_1932 = arith.addf %add3A_1878, %mul3A_1931 : vector<16xf32>
    %mul3A_1933 = arith.mulf %gather3A_1397, %bitcast_convert_type3A_1901 : vector<16xf32>
    %add3A_1934 = arith.addf %add3A_1880, %mul3A_1933 : vector<16xf32>
    %mul3A_1935 = arith.mulf %gather3A_1397, %bitcast_convert_type3A_1920 : vector<16xf32>
    %add3A_1936 = arith.addf %add3A_1882, %mul3A_1935 : vector<16xf32>
    %add3A_1937 = arith.constant 140 : i32
    %add3A_1938 = vector.broadcast %add3A_1937 : i32 to vector<16xi32>
    %add3A_1939 = arith.addi %add3A_1938, %iota3A : vector<16xi32>
    %gather3A_1940 = tpu.vector_load_idx %arg8[%add3A_1939] : memref<400xf32, #tpu.memory_space<vmem>>[vector<16xi32>], vector<16xf32>,
    %bitcast_convert_type3A_1941 = tpu.bitcast %gather3A_1940 : vector<16xf32> -> vector<16xi32>
    %add3A_1942 = arith.constant 32767 : i32
    %add3A_1943 = vector.broadcast %add3A_1942 : i32 to vector<16xi32>
    %add3A_1944 = arith.addi %bitcast_convert_type3A_1941, %add3A_1943 : vector<16xi32>
    %shift_right_arithmetic3A_1945 = arith.constant 16 : i32
    %shift_right_arithmetic3A_1946 = vector.broadcast %shift_right_arithmetic3A_1945 : i32 to vector<16xi32>
    %shift_right_arithmetic3A_1947 = arith.shrsi %bitcast_convert_type3A_1941, %shift_right_arithmetic3A_1946 : vector<16xi32>
    %and3A_1948 = arith.constant 1 : i32
    %and3A_1949 = vector.broadcast %and3A_1948 : i32 to vector<16xi32>
    %and3A_1950 = arith.andi %shift_right_arithmetic3A_1947, %and3A_1949 : vector<16xi32>
    %add3A_1951 = arith.addi %add3A_1944, %and3A_1950 : vector<16xi32>
    %and3A_1952 = arith.constant -65536 : i32
    %and3A_1953 = vector.broadcast %and3A_1952 : i32 to vector<16xi32>
    %and3A_1954 = arith.andi %add3A_1951, %and3A_1953 : vector<16xi32>
    %bitcast_convert_type3A_1955 = tpu.bitcast %and3A_1954 : vector<16xi32> -> vector<16xf32>
    %add3A_1956 = arith.constant 156 : i32
    %add3A_1957 = vector.broadcast %add3A_1956 : i32 to vector<16xi32>
    %add3A_1958 = arith.addi %add3A_1957, %min3A_1558 : vector<16xi32>
    %gather3A_1959 = tpu.vector_load_idx %arg8[%add3A_1958] : memref<400xf32, #tpu.memory_space<vmem>>[vector<16xi32>], vector<16xf32>,
    %bitcast_convert_type3A_1960 = tpu.bitcast %gather3A_1959 : vector<16xf32> -> vector<16xi32>
    %add3A_1961 = arith.constant 32767 : i32
    %add3A_1962 = vector.broadcast %add3A_1961 : i32 to vector<16xi32>
    %add3A_1963 = arith.addi %bitcast_convert_type3A_1960, %add3A_1962 : vector<16xi32>
    %shift_right_arithmetic3A_1964 = arith.constant 16 : i32
    %shift_right_arithmetic3A_1965 = vector.broadcast %shift_right_arithmetic3A_1964 : i32 to vector<16xi32>
    %shift_right_arithmetic3A_1966 = arith.shrsi %bitcast_convert_type3A_1960, %shift_right_arithmetic3A_1965 : vector<16xi32>
    %and3A_1967 = arith.constant 1 : i32
    %and3A_1968 = vector.broadcast %and3A_1967 : i32 to vector<16xi32>
    %and3A_1969 = arith.andi %shift_right_arithmetic3A_1966, %and3A_1968 : vector<16xi32>
    %add3A_1970 = arith.addi %add3A_1963, %and3A_1969 : vector<16xi32>
    %and3A_1971 = arith.constant -65536 : i32
    %and3A_1972 = vector.broadcast %and3A_1971 : i32 to vector<16xi32>
    %and3A_1973 = arith.andi %add3A_1970, %and3A_1972 : vector<16xi32>
    %bitcast_convert_type3A_1974 = tpu.bitcast %and3A_1973 : vector<16xi32> -> vector<16xf32>
    %mul3A_1975 = arith.mulf %gather3A_689, %bitcast_convert_type3A_1955 : vector<16xf32>
    %add3A_1976 = arith.addf %add3A_1922, %mul3A_1975 : vector<16xf32>
    %mul3A_1977 = arith.mulf %gather3A_689, %bitcast_convert_type3A_1974 : vector<16xf32>
    %add3A_1978 = arith.addf %add3A_1924, %mul3A_1977 : vector<16xf32>
    %mul3A_1979 = arith.mulf %gather3A_929, %bitcast_convert_type3A_1955 : vector<16xf32>
    %add3A_1980 = arith.addf %add3A_1926, %mul3A_1979 : vector<16xf32>
    %mul3A_1981 = arith.mulf %gather3A_929, %bitcast_convert_type3A_1974 : vector<16xf32>
    %add3A_1982 = arith.addf %add3A_1928, %mul3A_1981 : vector<16xf32>
    %mul3A_1983 = arith.mulf %gather3A_1169, %bitcast_convert_type3A_1955 : vector<16xf32>
    %add3A_1984 = arith.addf %add3A_1930, %mul3A_1983 : vector<16xf32>
    %mul3A_1985 = arith.mulf %gather3A_1169, %bitcast_convert_type3A_1974 : vector<16xf32>
    %add3A_1986 = arith.addf %add3A_1932, %mul3A_1985 : vector<16xf32>
    %mul3A_1987 = arith.mulf %gather3A_1409, %bitcast_convert_type3A_1955 : vector<16xf32>
    %add3A_1988 = arith.addf %add3A_1934, %mul3A_1987 : vector<16xf32>
    %mul3A_1989 = arith.mulf %gather3A_1409, %bitcast_convert_type3A_1974 : vector<16xf32>
    %add3A_1990 = arith.addf %add3A_1936, %mul3A_1989 : vector<16xf32>
    %add3A_1991 = arith.constant 160 : i32
    %add3A_1992 = vector.broadcast %add3A_1991 : i32 to vector<16xi32>
    %add3A_1993 = arith.addi %add3A_1992, %iota3A : vector<16xi32>
    %gather3A_1994 = tpu.vector_load_idx %arg8[%add3A_1993] : memref<400xf32, #tpu.memory_space<vmem>>[vector<16xi32>], vector<16xf32>,
    %bitcast_convert_type3A_1995 = tpu.bitcast %gather3A_1994 : vector<16xf32> -> vector<16xi32>
    %add3A_1996 = arith.constant 32767 : i32
    %add3A_1997 = vector.broadcast %add3A_1996 : i32 to vector<16xi32>
    %add3A_1998 = arith.addi %bitcast_convert_type3A_1995, %add3A_1997 : vector<16xi32>
    %shift_right_arithmetic3A_1999 = arith.constant 16 : i32
    %shift_right_arithmetic3A_2000 = vector.broadcast %shift_right_arithmetic3A_1999 : i32 to vector<16xi32>
    %shift_right_arithmetic3A_2001 = arith.shrsi %bitcast_convert_type3A_1995, %shift_right_arithmetic3A_2000 : vector<16xi32>
    %and3A_2002 = arith.constant 1 : i32
    %and3A_2003 = vector.broadcast %and3A_2002 : i32 to vector<16xi32>
    %and3A_2004 = arith.andi %shift_right_arithmetic3A_2001, %and3A_2003 : vector<16xi32>
    %add3A_2005 = arith.addi %add3A_1998, %and3A_2004 : vector<16xi32>
    %and3A_2006 = arith.constant -65536 : i32
    %and3A_2007 = vector.broadcast %and3A_2006 : i32 to vector<16xi32>
    %and3A_2008 = arith.andi %add3A_2005, %and3A_2007 : vector<16xi32>
    %bitcast_convert_type3A_2009 = tpu.bitcast %and3A_2008 : vector<16xi32> -> vector<16xf32>
    %add3A_2010 = arith.constant 176 : i32
    %add3A_2011 = vector.broadcast %add3A_2010 : i32 to vector<16xi32>
    %add3A_2012 = arith.addi %add3A_2011, %min3A_1558 : vector<16xi32>
    %gather3A_2013 = tpu.vector_load_idx %arg8[%add3A_2012] : memref<400xf32, #tpu.memory_space<vmem>>[vector<16xi32>], vector<16xf32>,
    %bitcast_convert_type3A_2014 = tpu.bitcast %gather3A_2013 : vector<16xf32> -> vector<16xi32>
    %add3A_2015 = arith.constant 32767 : i32
    %add3A_2016 = vector.broadcast %add3A_2015 : i32 to vector<16xi32>
    %add3A_2017 = arith.addi %bitcast_convert_type3A_2014, %add3A_2016 : vector<16xi32>
    %shift_right_arithmetic3A_2018 = arith.constant 16 : i32
    %shift_right_arithmetic3A_2019 = vector.broadcast %shift_right_arithmetic3A_2018 : i32 to vector<16xi32>
    %shift_right_arithmetic3A_2020 = arith.shrsi %bitcast_convert_type3A_2014, %shift_right_arithmetic3A_2019 : vector<16xi32>
    %and3A_2021 = arith.constant 1 : i32
    %and3A_2022 = vector.broadcast %and3A_2021 : i32 to vector<16xi32>
    %and3A_2023 = arith.andi %shift_right_arithmetic3A_2020, %and3A_2022 : vector<16xi32>
    %add3A_2024 = arith.addi %add3A_2017, %and3A_2023 : vector<16xi32>
    %and3A_2025 = arith.constant -65536 : i32
    %and3A_2026 = vector.broadcast %and3A_2025 : i32 to vector<16xi32>
    %and3A_2027 = arith.andi %add3A_2024, %and3A_2026 : vector<16xi32>
    %bitcast_convert_type3A_2028 = tpu.bitcast %and3A_2027 : vector<16xi32> -> vector<16xf32>
    %mul3A_2029 = arith.mulf %gather3A_701, %bitcast_convert_type3A_2009 : vector<16xf32>
    %add3A_2030 = arith.addf %add3A_1976, %mul3A_2029 : vector<16xf32>
    %mul3A_2031 = arith.mulf %gather3A_701, %bitcast_convert_type3A_2028 : vector<16xf32>
    %add3A_2032 = arith.addf %add3A_1978, %mul3A_2031 : vector<16xf32>
    %mul3A_2033 = arith.mulf %gather3A_941, %bitcast_convert_type3A_2009 : vector<16xf32>
    %add3A_2034 = arith.addf %add3A_1980, %mul3A_2033 : vector<16xf32>
    %mul3A_2035 = arith.mulf %gather3A_941, %bitcast_convert_type3A_2028 : vector<16xf32>
    %add3A_2036 = arith.addf %add3A_1982, %mul3A_2035 : vector<16xf32>
    %mul3A_2037 = arith.mulf %gather3A_1181, %bitcast_convert_type3A_2009 : vector<16xf32>
    %add3A_2038 = arith.addf %add3A_1984, %mul3A_2037 : vector<16xf32>
    %mul3A_2039 = arith.mulf %gather3A_1181, %bitcast_convert_type3A_2028 : vector<16xf32>
    %add3A_2040 = arith.addf %add3A_1986, %mul3A_2039 : vector<16xf32>
    %mul3A_2041 = arith.mulf %gather3A_1421, %bitcast_convert_type3A_2009 : vector<16xf32>
    %add3A_2042 = arith.addf %add3A_1988, %mul3A_2041 : vector<16xf32>
    %mul3A_2043 = arith.mulf %gather3A_1421, %bitcast_convert_type3A_2028 : vector<16xf32>
    %add3A_2044 = arith.addf %add3A_1990, %mul3A_2043 : vector<16xf32>
    %add3A_2045 = arith.constant 180 : i32
    %add3A_2046 = vector.broadcast %add3A_2045 : i32 to vector<16xi32>
    %add3A_2047 = arith.addi %add3A_2046, %iota3A : vector<16xi32>
    %gather3A_2048 = tpu.vector_load_idx %arg8[%add3A_2047] : memref<400xf32, #tpu.memory_space<vmem>>[vector<16xi32>], vector<16xf32>,
    %bitcast_convert_type3A_2049 = tpu.bitcast %gather3A_2048 : vector<16xf32> -> vector<16xi32>
    %add3A_2050 = arith.constant 32767 : i32
    %add3A_2051 = vector.broadcast %add3A_2050 : i32 to vector<16xi32>
    %add3A_2052 = arith.addi %bitcast_convert_type3A_2049, %add3A_2051 : vector<16xi32>
    %shift_right_arithmetic3A_2053 = arith.constant 16 : i32
    %shift_right_arithmetic3A_2054 = vector.broadcast %shift_right_arithmetic3A_2053 : i32 to vector<16xi32>
    %shift_right_arithmetic3A_2055 = arith.shrsi %bitcast_convert_type3A_2049, %shift_right_arithmetic3A_2054 : vector<16xi32>
    %and3A_2056 = arith.constant 1 : i32
    %and3A_2057 = vector.broadcast %and3A_2056 : i32 to vector<16xi32>
    %and3A_2058 = arith.andi %shift_right_arithmetic3A_2055, %and3A_2057 : vector<16xi32>
    %add3A_2059 = arith.addi %add3A_2052, %and3A_2058 : vector<16xi32>
    %and3A_2060 = arith.constant -65536 : i32
    %and3A_2061 = vector.broadcast %and3A_2060 : i32 to vector<16xi32>
    %and3A_2062 = arith.andi %add3A_2059, %and3A_2061 : vector<16xi32>
    %bitcast_convert_type3A_2063 = tpu.bitcast %and3A_2062 : vector<16xi32> -> vector<16xf32>
    %add3A_2064 = arith.constant 196 : i32
    %add3A_2065 = vector.broadcast %add3A_2064 : i32 to vector<16xi32>
    %add3A_2066 = arith.addi %add3A_2065, %min3A_1558 : vector<16xi32>
    %gather3A_2067 = tpu.vector_load_idx %arg8[%add3A_2066] : memref<400xf32, #tpu.memory_space<vmem>>[vector<16xi32>], vector<16xf32>,
    %bitcast_convert_type3A_2068 = tpu.bitcast %gather3A_2067 : vector<16xf32> -> vector<16xi32>
    %add3A_2069 = arith.constant 32767 : i32
    %add3A_2070 = vector.broadcast %add3A_2069 : i32 to vector<16xi32>
    %add3A_2071 = arith.addi %bitcast_convert_type3A_2068, %add3A_2070 : vector<16xi32>
    %shift_right_arithmetic3A_2072 = arith.constant 16 : i32
    %shift_right_arithmetic3A_2073 = vector.broadcast %shift_right_arithmetic3A_2072 : i32 to vector<16xi32>
    %shift_right_arithmetic3A_2074 = arith.shrsi %bitcast_convert_type3A_2068, %shift_right_arithmetic3A_2073 : vector<16xi32>
    %and3A_2075 = arith.constant 1 : i32
    %and3A_2076 = vector.broadcast %and3A_2075 : i32 to vector<16xi32>
    %and3A_2077 = arith.andi %shift_right_arithmetic3A_2074, %and3A_2076 : vector<16xi32>
    %add3A_2078 = arith.addi %add3A_2071, %and3A_2077 : vector<16xi32>
    %and3A_2079 = arith.constant -65536 : i32
    %and3A_2080 = vector.broadcast %and3A_2079 : i32 to vector<16xi32>
    %and3A_2081 = arith.andi %add3A_2078, %and3A_2080 : vector<16xi32>
    %bitcast_convert_type3A_2082 = tpu.bitcast %and3A_2081 : vector<16xi32> -> vector<16xf32>
    %mul3A_2083 = arith.mulf %gather3A_713, %bitcast_convert_type3A_2063 : vector<16xf32>
    %add3A_2084 = arith.addf %add3A_2030, %mul3A_2083 : vector<16xf32>
    %mul3A_2085 = arith.mulf %gather3A_713, %bitcast_convert_type3A_2082 : vector<16xf32>
    %add3A_2086 = arith.addf %add3A_2032, %mul3A_2085 : vector<16xf32>
    %mul3A_2087 = arith.mulf %gather3A_953, %bitcast_convert_type3A_2063 : vector<16xf32>
    %add3A_2088 = arith.addf %add3A_2034, %mul3A_2087 : vector<16xf32>
    %mul3A_2089 = arith.mulf %gather3A_953, %bitcast_convert_type3A_2082 : vector<16xf32>
    %add3A_2090 = arith.addf %add3A_2036, %mul3A_2089 : vector<16xf32>
    %mul3A_2091 = arith.mulf %gather3A_1193, %bitcast_convert_type3A_2063 : vector<16xf32>
    %add3A_2092 = arith.addf %add3A_2038, %mul3A_2091 : vector<16xf32>
    %mul3A_2093 = arith.mulf %gather3A_1193, %bitcast_convert_type3A_2082 : vector<16xf32>
    %add3A_2094 = arith.addf %add3A_2040, %mul3A_2093 : vector<16xf32>
    %mul3A_2095 = arith.mulf %gather3A_1433, %bitcast_convert_type3A_2063 : vector<16xf32>
    %add3A_2096 = arith.addf %add3A_2042, %mul3A_2095 : vector<16xf32>
    %mul3A_2097 = arith.mulf %gather3A_1433, %bitcast_convert_type3A_2082 : vector<16xf32>
    %add3A_2098 = arith.addf %add3A_2044, %mul3A_2097 : vector<16xf32>
    %add3A_2099 = arith.constant 200 : i32
    %add3A_2100 = vector.broadcast %add3A_2099 : i32 to vector<16xi32>
    %add3A_2101 = arith.addi %add3A_2100, %iota3A : vector<16xi32>
    %gather3A_2102 = tpu.vector_load_idx %arg8[%add3A_2101] : memref<400xf32, #tpu.memory_space<vmem>>[vector<16xi32>], vector<16xf32>,
    %bitcast_convert_type3A_2103 = tpu.bitcast %gather3A_2102 : vector<16xf32> -> vector<16xi32>
    %add3A_2104 = arith.constant 32767 : i32
    %add3A_2105 = vector.broadcast %add3A_2104 : i32 to vector<16xi32>
    %add3A_2106 = arith.addi %bitcast_convert_type3A_2103, %add3A_2105 : vector<16xi32>
    %shift_right_arithmetic3A_2107 = arith.constant 16 : i32
    %shift_right_arithmetic3A_2108 = vector.broadcast %shift_right_arithmetic3A_2107 : i32 to vector<16xi32>
    %shift_right_arithmetic3A_2109 = arith.shrsi %bitcast_convert_type3A_2103, %shift_right_arithmetic3A_2108 : vector<16xi32>
    %and3A_2110 = arith.constant 1 : i32
    %and3A_2111 = vector.broadcast %and3A_2110 : i32 to vector<16xi32>
    %and3A_2112 = arith.andi %shift_right_arithmetic3A_2109, %and3A_2111 : vector<16xi32>
    %add3A_2113 = arith.addi %add3A_2106, %and3A_2112 : vector<16xi32>
    %and3A_2114 = arith.constant -65536 : i32
    %and3A_2115 = vector.broadcast %and3A_2114 : i32 to vector<16xi32>
    %and3A_2116 = arith.andi %add3A_2113, %and3A_2115 : vector<16xi32>
    %bitcast_convert_type3A_2117 = tpu.bitcast %and3A_2116 : vector<16xi32> -> vector<16xf32>
    %add3A_2118 = arith.constant 216 : i32
    %add3A_2119 = vector.broadcast %add3A_2118 : i32 to vector<16xi32>
    %add3A_2120 = arith.addi %add3A_2119, %min3A_1558 : vector<16xi32>
    %gather3A_2121 = tpu.vector_load_idx %arg8[%add3A_2120] : memref<400xf32, #tpu.memory_space<vmem>>[vector<16xi32>], vector<16xf32>,
    %bitcast_convert_type3A_2122 = tpu.bitcast %gather3A_2121 : vector<16xf32> -> vector<16xi32>
    %add3A_2123 = arith.constant 32767 : i32
    %add3A_2124 = vector.broadcast %add3A_2123 : i32 to vector<16xi32>
    %add3A_2125 = arith.addi %bitcast_convert_type3A_2122, %add3A_2124 : vector<16xi32>
    %shift_right_arithmetic3A_2126 = arith.constant 16 : i32
    %shift_right_arithmetic3A_2127 = vector.broadcast %shift_right_arithmetic3A_2126 : i32 to vector<16xi32>
    %shift_right_arithmetic3A_2128 = arith.shrsi %bitcast_convert_type3A_2122, %shift_right_arithmetic3A_2127 : vector<16xi32>
    %and3A_2129 = arith.constant 1 : i32
    %and3A_2130 = vector.broadcast %and3A_2129 : i32 to vector<16xi32>
    %and3A_2131 = arith.andi %shift_right_arithmetic3A_2128, %and3A_2130 : vector<16xi32>
    %add3A_2132 = arith.addi %add3A_2125, %and3A_2131 : vector<16xi32>
    %and3A_2133 = arith.constant -65536 : i32
    %and3A_2134 = vector.broadcast %and3A_2133 : i32 to vector<16xi32>
    %and3A_2135 = arith.andi %add3A_2132, %and3A_2134 : vector<16xi32>
    %bitcast_convert_type3A_2136 = tpu.bitcast %and3A_2135 : vector<16xi32> -> vector<16xf32>
    %mul3A_2137 = arith.mulf %gather3A_725, %bitcast_convert_type3A_2117 : vector<16xf32>
    %add3A_2138 = arith.addf %add3A_2084, %mul3A_2137 : vector<16xf32>
    %mul3A_2139 = arith.mulf %gather3A_725, %bitcast_convert_type3A_2136 : vector<16xf32>
    %add3A_2140 = arith.addf %add3A_2086, %mul3A_2139 : vector<16xf32>
    %mul3A_2141 = arith.mulf %gather3A_965, %bitcast_convert_type3A_2117 : vector<16xf32>
    %add3A_2142 = arith.addf %add3A_2088, %mul3A_2141 : vector<16xf32>
    %mul3A_2143 = arith.mulf %gather3A_965, %bitcast_convert_type3A_2136 : vector<16xf32>
    %add3A_2144 = arith.addf %add3A_2090, %mul3A_2143 : vector<16xf32>
    %mul3A_2145 = arith.mulf %gather3A_1205, %bitcast_convert_type3A_2117 : vector<16xf32>
    %add3A_2146 = arith.addf %add3A_2092, %mul3A_2145 : vector<16xf32>
    %mul3A_2147 = arith.mulf %gather3A_1205, %bitcast_convert_type3A_2136 : vector<16xf32>
    %add3A_2148 = arith.addf %add3A_2094, %mul3A_2147 : vector<16xf32>
    %mul3A_2149 = arith.mulf %gather3A_1445, %bitcast_convert_type3A_2117 : vector<16xf32>
    %add3A_2150 = arith.addf %add3A_2096, %mul3A_2149 : vector<16xf32>
    %mul3A_2151 = arith.mulf %gather3A_1445, %bitcast_convert_type3A_2136 : vector<16xf32>
    %add3A_2152 = arith.addf %add3A_2098, %mul3A_2151 : vector<16xf32>
    %add3A_2153 = arith.constant 220 : i32
    %add3A_2154 = vector.broadcast %add3A_2153 : i32 to vector<16xi32>
    %add3A_2155 = arith.addi %add3A_2154, %iota3A : vector<16xi32>
    %gather3A_2156 = tpu.vector_load_idx %arg8[%add3A_2155] : memref<400xf32, #tpu.memory_space<vmem>>[vector<16xi32>], vector<16xf32>,
    %bitcast_convert_type3A_2157 = tpu.bitcast %gather3A_2156 : vector<16xf32> -> vector<16xi32>
    %add3A_2158 = arith.constant 32767 : i32
    %add3A_2159 = vector.broadcast %add3A_2158 : i32 to vector<16xi32>
    %add3A_2160 = arith.addi %bitcast_convert_type3A_2157, %add3A_2159 : vector<16xi32>
    %shift_right_arithmetic3A_2161 = arith.constant 16 : i32
    %shift_right_arithmetic3A_2162 = vector.broadcast %shift_right_arithmetic3A_2161 : i32 to vector<16xi32>
    %shift_right_arithmetic3A_2163 = arith.shrsi %bitcast_convert_type3A_2157, %shift_right_arithmetic3A_2162 : vector<16xi32>
    %and3A_2164 = arith.constant 1 : i32
    %and3A_2165 = vector.broadcast %and3A_2164 : i32 to vector<16xi32>
    %and3A_2166 = arith.andi %shift_right_arithmetic3A_2163, %and3A_2165 : vector<16xi32>
    %add3A_2167 = arith.addi %add3A_2160, %and3A_2166 : vector<16xi32>
    %and3A_2168 = arith.constant -65536 : i32
    %and3A_2169 = vector.broadcast %and3A_2168 : i32 to vector<16xi32>
    %and3A_2170 = arith.andi %add3A_2167, %and3A_2169 : vector<16xi32>
    %bitcast_convert_type3A_2171 = tpu.bitcast %and3A_2170 : vector<16xi32> -> vector<16xf32>
    %add3A_2172 = arith.constant 236 : i32
    %add3A_2173 = vector.broadcast %add3A_2172 : i32 to vector<16xi32>
    %add3A_2174 = arith.addi %add3A_2173, %min3A_1558 : vector<16xi32>
    %gather3A_2175 = tpu.vector_load_idx %arg8[%add3A_2174] : memref<400xf32, #tpu.memory_space<vmem>>[vector<16xi32>], vector<16xf32>,
    %bitcast_convert_type3A_2176 = tpu.bitcast %gather3A_2175 : vector<16xf32> -> vector<16xi32>
    %add3A_2177 = arith.constant 32767 : i32
    %add3A_2178 = vector.broadcast %add3A_2177 : i32 to vector<16xi32>
    %add3A_2179 = arith.addi %bitcast_convert_type3A_2176, %add3A_2178 : vector<16xi32>
    %shift_right_arithmetic3A_2180 = arith.constant 16 : i32
    %shift_right_arithmetic3A_2181 = vector.broadcast %shift_right_arithmetic3A_2180 : i32 to vector<16xi32>
    %shift_right_arithmetic3A_2182 = arith.shrsi %bitcast_convert_type3A_2176, %shift_right_arithmetic3A_2181 : vector<16xi32>
    %and3A_2183 = arith.constant 1 : i32
    %and3A_2184 = vector.broadcast %and3A_2183 : i32 to vector<16xi32>
    %and3A_2185 = arith.andi %shift_right_arithmetic3A_2182, %and3A_2184 : vector<16xi32>
    %add3A_2186 = arith.addi %add3A_2179, %and3A_2185 : vector<16xi32>
    %and3A_2187 = arith.constant -65536 : i32
    %and3A_2188 = vector.broadcast %and3A_2187 : i32 to vector<16xi32>
    %and3A_2189 = arith.andi %add3A_2186, %and3A_2188 : vector<16xi32>
    %bitcast_convert_type3A_2190 = tpu.bitcast %and3A_2189 : vector<16xi32> -> vector<16xf32>
    %mul3A_2191 = arith.mulf %gather3A_737, %bitcast_convert_type3A_2171 : vector<16xf32>
    %add3A_2192 = arith.addf %add3A_2138, %mul3A_2191 : vector<16xf32>
    %mul3A_2193 = arith.mulf %gather3A_737, %bitcast_convert_type3A_2190 : vector<16xf32>
    %add3A_2194 = arith.addf %add3A_2140, %mul3A_2193 : vector<16xf32>
    %mul3A_2195 = arith.mulf %gather3A_977, %bitcast_convert_type3A_2171 : vector<16xf32>
    %add3A_2196 = arith.addf %add3A_2142, %mul3A_2195 : vector<16xf32>
    %mul3A_2197 = arith.mulf %gather3A_977, %bitcast_convert_type3A_2190 : vector<16xf32>
    %add3A_2198 = arith.addf %add3A_2144, %mul3A_2197 : vector<16xf32>
    %mul3A_2199 = arith.mulf %gather3A_1217, %bitcast_convert_type3A_2171 : vector<16xf32>
    %add3A_2200 = arith.addf %add3A_2146, %mul3A_2199 : vector<16xf32>
    %mul3A_2201 = arith.mulf %gather3A_1217, %bitcast_convert_type3A_2190 : vector<16xf32>
    %add3A_2202 = arith.addf %add3A_2148, %mul3A_2201 : vector<16xf32>
    %mul3A_2203 = arith.mulf %gather3A_1457, %bitcast_convert_type3A_2171 : vector<16xf32>
    %add3A_2204 = arith.addf %add3A_2150, %mul3A_2203 : vector<16xf32>
    %mul3A_2205 = arith.mulf %gather3A_1457, %bitcast_convert_type3A_2190 : vector<16xf32>
    %add3A_2206 = arith.addf %add3A_2152, %mul3A_2205 : vector<16xf32>
    %add3A_2207 = arith.constant 240 : i32
    %add3A_2208 = vector.broadcast %add3A_2207 : i32 to vector<16xi32>
    %add3A_2209 = arith.addi %add3A_2208, %iota3A : vector<16xi32>
    %gather3A_2210 = tpu.vector_load_idx %arg8[%add3A_2209] : memref<400xf32, #tpu.memory_space<vmem>>[vector<16xi32>], vector<16xf32>,
    %bitcast_convert_type3A_2211 = tpu.bitcast %gather3A_2210 : vector<16xf32> -> vector<16xi32>
    %add3A_2212 = arith.constant 32767 : i32
    %add3A_2213 = vector.broadcast %add3A_2212 : i32 to vector<16xi32>
    %add3A_2214 = arith.addi %bitcast_convert_type3A_2211, %add3A_2213 : vector<16xi32>
    %shift_right_arithmetic3A_2215 = arith.constant 16 : i32
    %shift_right_arithmetic3A_2216 = vector.broadcast %shift_right_arithmetic3A_2215 : i32 to vector<16xi32>
    %shift_right_arithmetic3A_2217 = arith.shrsi %bitcast_convert_type3A_2211, %shift_right_arithmetic3A_2216 : vector<16xi32>
    %and3A_2218 = arith.constant 1 : i32
    %and3A_2219 = vector.broadcast %and3A_2218 : i32 to vector<16xi32>
    %and3A_2220 = arith.andi %shift_right_arithmetic3A_2217, %and3A_2219 : vector<16xi32>
    %add3A_2221 = arith.addi %add3A_2214, %and3A_2220 : vector<16xi32>
    %and3A_2222 = arith.constant -65536 : i32
    %and3A_2223 = vector.broadcast %and3A_2222 : i32 to vector<16xi32>
    %and3A_2224 = arith.andi %add3A_2221, %and3A_2223 : vector<16xi32>
    %bitcast_convert_type3A_2225 = tpu.bitcast %and3A_2224 : vector<16xi32> -> vector<16xf32>
    %add3A_2226 = arith.constant 256 : i32
    %add3A_2227 = vector.broadcast %add3A_2226 : i32 to vector<16xi32>
    %add3A_2228 = arith.addi %add3A_2227, %min3A_1558 : vector<16xi32>
    %gather3A_2229 = tpu.vector_load_idx %arg8[%add3A_2228] : memref<400xf32, #tpu.memory_space<vmem>>[vector<16xi32>], vector<16xf32>,
    %bitcast_convert_type3A_2230 = tpu.bitcast %gather3A_2229 : vector<16xf32> -> vector<16xi32>
    %add3A_2231 = arith.constant 32767 : i32
    %add3A_2232 = vector.broadcast %add3A_2231 : i32 to vector<16xi32>
    %add3A_2233 = arith.addi %bitcast_convert_type3A_2230, %add3A_2232 : vector<16xi32>
    %shift_right_arithmetic3A_2234 = arith.constant 16 : i32
    %shift_right_arithmetic3A_2235 = vector.broadcast %shift_right_arithmetic3A_2234 : i32 to vector<16xi32>
    %shift_right_arithmetic3A_2236 = arith.shrsi %bitcast_convert_type3A_2230, %shift_right_arithmetic3A_2235 : vector<16xi32>
    %and3A_2237 = arith.constant 1 : i32
    %and3A_2238 = vector.broadcast %and3A_2237 : i32 to vector<16xi32>
    %and3A_2239 = arith.andi %shift_right_arithmetic3A_2236, %and3A_2238 : vector<16xi32>
    %add3A_2240 = arith.addi %add3A_2233, %and3A_2239 : vector<16xi32>
    %and3A_2241 = arith.constant -65536 : i32
    %and3A_2242 = vector.broadcast %and3A_2241 : i32 to vector<16xi32>
    %and3A_2243 = arith.andi %add3A_2240, %and3A_2242 : vector<16xi32>
    %bitcast_convert_type3A_2244 = tpu.bitcast %and3A_2243 : vector<16xi32> -> vector<16xf32>
    %mul3A_2245 = arith.mulf %gather3A_749, %bitcast_convert_type3A_2225 : vector<16xf32>
    %add3A_2246 = arith.addf %add3A_2192, %mul3A_2245 : vector<16xf32>
    %mul3A_2247 = arith.mulf %gather3A_749, %bitcast_convert_type3A_2244 : vector<16xf32>
    %add3A_2248 = arith.addf %add3A_2194, %mul3A_2247 : vector<16xf32>
    %mul3A_2249 = arith.mulf %gather3A_989, %bitcast_convert_type3A_2225 : vector<16xf32>
    %add3A_2250 = arith.addf %add3A_2196, %mul3A_2249 : vector<16xf32>
    %mul3A_2251 = arith.mulf %gather3A_989, %bitcast_convert_type3A_2244 : vector<16xf32>
    %add3A_2252 = arith.addf %add3A_2198, %mul3A_2251 : vector<16xf32>
    %mul3A_2253 = arith.mulf %gather3A_1229, %bitcast_convert_type3A_2225 : vector<16xf32>
    %add3A_2254 = arith.addf %add3A_2200, %mul3A_2253 : vector<16xf32>
    %mul3A_2255 = arith.mulf %gather3A_1229, %bitcast_convert_type3A_2244 : vector<16xf32>
    %add3A_2256 = arith.addf %add3A_2202, %mul3A_2255 : vector<16xf32>
    %mul3A_2257 = arith.mulf %gather3A_1469, %bitcast_convert_type3A_2225 : vector<16xf32>
    %add3A_2258 = arith.addf %add3A_2204, %mul3A_2257 : vector<16xf32>
    %mul3A_2259 = arith.mulf %gather3A_1469, %bitcast_convert_type3A_2244 : vector<16xf32>
    %add3A_2260 = arith.addf %add3A_2206, %mul3A_2259 : vector<16xf32>
    %add3A_2261 = arith.constant 260 : i32
    %add3A_2262 = vector.broadcast %add3A_2261 : i32 to vector<16xi32>
    %add3A_2263 = arith.addi %add3A_2262, %iota3A : vector<16xi32>
    %gather3A_2264 = tpu.vector_load_idx %arg8[%add3A_2263] : memref<400xf32, #tpu.memory_space<vmem>>[vector<16xi32>], vector<16xf32>,
    %bitcast_convert_type3A_2265 = tpu.bitcast %gather3A_2264 : vector<16xf32> -> vector<16xi32>
    %add3A_2266 = arith.constant 32767 : i32
    %add3A_2267 = vector.broadcast %add3A_2266 : i32 to vector<16xi32>
    %add3A_2268 = arith.addi %bitcast_convert_type3A_2265, %add3A_2267 : vector<16xi32>
    %shift_right_arithmetic3A_2269 = arith.constant 16 : i32
    %shift_right_arithmetic3A_2270 = vector.broadcast %shift_right_arithmetic3A_2269 : i32 to vector<16xi32>
    %shift_right_arithmetic3A_2271 = arith.shrsi %bitcast_convert_type3A_2265, %shift_right_arithmetic3A_2270 : vector<16xi32>
    %and3A_2272 = arith.constant 1 : i32
    %and3A_2273 = vector.broadcast %and3A_2272 : i32 to vector<16xi32>
    %and3A_2274 = arith.andi %shift_right_arithmetic3A_2271, %and3A_2273 : vector<16xi32>
    %add3A_2275 = arith.addi %add3A_2268, %and3A_2274 : vector<16xi32>
    %and3A_2276 = arith.constant -65536 : i32
    %and3A_2277 = vector.broadcast %and3A_2276 : i32 to vector<16xi32>
    %and3A_2278 = arith.andi %add3A_2275, %and3A_2277 : vector<16xi32>
    %bitcast_convert_type3A_2279 = tpu.bitcast %and3A_2278 : vector<16xi32> -> vector<16xf32>
    %add3A_2280 = arith.constant 276 : i32
    %add3A_2281 = vector.broadcast %add3A_2280 : i32 to vector<16xi32>
    %add3A_2282 = arith.addi %add3A_2281, %min3A_1558 : vector<16xi32>
    %gather3A_2283 = tpu.vector_load_idx %arg8[%add3A_2282] : memref<400xf32, #tpu.memory_space<vmem>>[vector<16xi32>], vector<16xf32>,
    %bitcast_convert_type3A_2284 = tpu.bitcast %gather3A_2283 : vector<16xf32> -> vector<16xi32>
    %add3A_2285 = arith.constant 32767 : i32
    %add3A_2286 = vector.broadcast %add3A_2285 : i32 to vector<16xi32>
    %add3A_2287 = arith.addi %bitcast_convert_type3A_2284, %add3A_2286 : vector<16xi32>
    %shift_right_arithmetic3A_2288 = arith.constant 16 : i32
    %shift_right_arithmetic3A_2289 = vector.broadcast %shift_right_arithmetic3A_2288 : i32 to vector<16xi32>
    %shift_right_arithmetic3A_2290 = arith.shrsi %bitcast_convert_type3A_2284, %shift_right_arithmetic3A_2289 : vector<16xi32>
    %and3A_2291 = arith.constant 1 : i32
    %and3A_2292 = vector.broadcast %and3A_2291 : i32 to vector<16xi32>
    %and3A_2293 = arith.andi %shift_right_arithmetic3A_2290, %and3A_2292 : vector<16xi32>
    %add3A_2294 = arith.addi %add3A_2287, %and3A_2293 : vector<16xi32>
    %and3A_2295 = arith.constant -65536 : i32
    %and3A_2296 = vector.broadcast %and3A_2295 : i32 to vector<16xi32>
    %and3A_2297 = arith.andi %add3A_2294, %and3A_2296 : vector<16xi32>
    %bitcast_convert_type3A_2298 = tpu.bitcast %and3A_2297 : vector<16xi32> -> vector<16xf32>
    %mul3A_2299 = arith.mulf %gather3A_761, %bitcast_convert_type3A_2279 : vector<16xf32>
    %add3A_2300 = arith.addf %add3A_2246, %mul3A_2299 : vector<16xf32>
    %mul3A_2301 = arith.mulf %gather3A_761, %bitcast_convert_type3A_2298 : vector<16xf32>
    %add3A_2302 = arith.addf %add3A_2248, %mul3A_2301 : vector<16xf32>
    %mul3A_2303 = arith.mulf %gather3A_1001, %bitcast_convert_type3A_2279 : vector<16xf32>
    %add3A_2304 = arith.addf %add3A_2250, %mul3A_2303 : vector<16xf32>
    %mul3A_2305 = arith.mulf %gather3A_1001, %bitcast_convert_type3A_2298 : vector<16xf32>
    %add3A_2306 = arith.addf %add3A_2252, %mul3A_2305 : vector<16xf32>
    %mul3A_2307 = arith.mulf %gather3A_1241, %bitcast_convert_type3A_2279 : vector<16xf32>
    %add3A_2308 = arith.addf %add3A_2254, %mul3A_2307 : vector<16xf32>
    %mul3A_2309 = arith.mulf %gather3A_1241, %bitcast_convert_type3A_2298 : vector<16xf32>
    %add3A_2310 = arith.addf %add3A_2256, %mul3A_2309 : vector<16xf32>
    %mul3A_2311 = arith.mulf %gather3A_1481, %bitcast_convert_type3A_2279 : vector<16xf32>
    %add3A_2312 = arith.addf %add3A_2258, %mul3A_2311 : vector<16xf32>
    %mul3A_2313 = arith.mulf %gather3A_1481, %bitcast_convert_type3A_2298 : vector<16xf32>
    %add3A_2314 = arith.addf %add3A_2260, %mul3A_2313 : vector<16xf32>
    %add3A_2315 = arith.constant 280 : i32
    %add3A_2316 = vector.broadcast %add3A_2315 : i32 to vector<16xi32>
    %add3A_2317 = arith.addi %add3A_2316, %iota3A : vector<16xi32>
    %gather3A_2318 = tpu.vector_load_idx %arg8[%add3A_2317] : memref<400xf32, #tpu.memory_space<vmem>>[vector<16xi32>], vector<16xf32>,
    %bitcast_convert_type3A_2319 = tpu.bitcast %gather3A_2318 : vector<16xf32> -> vector<16xi32>
    %add3A_2320 = arith.constant 32767 : i32
    %add3A_2321 = vector.broadcast %add3A_2320 : i32 to vector<16xi32>
    %add3A_2322 = arith.addi %bitcast_convert_type3A_2319, %add3A_2321 : vector<16xi32>
    %shift_right_arithmetic3A_2323 = arith.constant 16 : i32
    %shift_right_arithmetic3A_2324 = vector.broadcast %shift_right_arithmetic3A_2323 : i32 to vector<16xi32>
    %shift_right_arithmetic3A_2325 = arith.shrsi %bitcast_convert_type3A_2319, %shift_right_arithmetic3A_2324 : vector<16xi32>
    %and3A_2326 = arith.constant 1 : i32
    %and3A_2327 = vector.broadcast %and3A_2326 : i32 to vector<16xi32>
    %and3A_2328 = arith.andi %shift_right_arithmetic3A_2325, %and3A_2327 : vector<16xi32>
    %add3A_2329 = arith.addi %add3A_2322, %and3A_2328 : vector<16xi32>
    %and3A_2330 = arith.constant -65536 : i32
    %and3A_2331 = vector.broadcast %and3A_2330 : i32 to vector<16xi32>
    %and3A_2332 = arith.andi %add3A_2329, %and3A_2331 : vector<16xi32>
    %bitcast_convert_type3A_2333 = tpu.bitcast %and3A_2332 : vector<16xi32> -> vector<16xf32>
    %add3A_2334 = arith.constant 296 : i32
    %add3A_2335 = vector.broadcast %add3A_2334 : i32 to vector<16xi32>
    %add3A_2336 = arith.addi %add3A_2335, %min3A_1558 : vector<16xi32>
    %gather3A_2337 = tpu.vector_load_idx %arg8[%add3A_2336] : memref<400xf32, #tpu.memory_space<vmem>>[vector<16xi32>], vector<16xf32>,
    %bitcast_convert_type3A_2338 = tpu.bitcast %gather3A_2337 : vector<16xf32> -> vector<16xi32>
    %add3A_2339 = arith.constant 32767 : i32
    %add3A_2340 = vector.broadcast %add3A_2339 : i32 to vector<16xi32>
    %add3A_2341 = arith.addi %bitcast_convert_type3A_2338, %add3A_2340 : vector<16xi32>
    %shift_right_arithmetic3A_2342 = arith.constant 16 : i32
    %shift_right_arithmetic3A_2343 = vector.broadcast %shift_right_arithmetic3A_2342 : i32 to vector<16xi32>
    %shift_right_arithmetic3A_2344 = arith.shrsi %bitcast_convert_type3A_2338, %shift_right_arithmetic3A_2343 : vector<16xi32>
    %and3A_2345 = arith.constant 1 : i32
    %and3A_2346 = vector.broadcast %and3A_2345 : i32 to vector<16xi32>
    %and3A_2347 = arith.andi %shift_right_arithmetic3A_2344, %and3A_2346 : vector<16xi32>
    %add3A_2348 = arith.addi %add3A_2341, %and3A_2347 : vector<16xi32>
    %and3A_2349 = arith.constant -65536 : i32
    %and3A_2350 = vector.broadcast %and3A_2349 : i32 to vector<16xi32>
    %and3A_2351 = arith.andi %add3A_2348, %and3A_2350 : vector<16xi32>
    %bitcast_convert_type3A_2352 = tpu.bitcast %and3A_2351 : vector<16xi32> -> vector<16xf32>
    %mul3A_2353 = arith.mulf %gather3A_773, %bitcast_convert_type3A_2333 : vector<16xf32>
    %add3A_2354 = arith.addf %add3A_2300, %mul3A_2353 : vector<16xf32>
    %mul3A_2355 = arith.mulf %gather3A_773, %bitcast_convert_type3A_2352 : vector<16xf32>
    %add3A_2356 = arith.addf %add3A_2302, %mul3A_2355 : vector<16xf32>
    %mul3A_2357 = arith.mulf %gather3A_1013, %bitcast_convert_type3A_2333 : vector<16xf32>
    %add3A_2358 = arith.addf %add3A_2304, %mul3A_2357 : vector<16xf32>
    %mul3A_2359 = arith.mulf %gather3A_1013, %bitcast_convert_type3A_2352 : vector<16xf32>
    %add3A_2360 = arith.addf %add3A_2306, %mul3A_2359 : vector<16xf32>
    %mul3A_2361 = arith.mulf %gather3A_1253, %bitcast_convert_type3A_2333 : vector<16xf32>
    %add3A_2362 = arith.addf %add3A_2308, %mul3A_2361 : vector<16xf32>
    %mul3A_2363 = arith.mulf %gather3A_1253, %bitcast_convert_type3A_2352 : vector<16xf32>
    %add3A_2364 = arith.addf %add3A_2310, %mul3A_2363 : vector<16xf32>
    %mul3A_2365 = arith.mulf %gather3A_1493, %bitcast_convert_type3A_2333 : vector<16xf32>
    %add3A_2366 = arith.addf %add3A_2312, %mul3A_2365 : vector<16xf32>
    %mul3A_2367 = arith.mulf %gather3A_1493, %bitcast_convert_type3A_2352 : vector<16xf32>
    %add3A_2368 = arith.addf %add3A_2314, %mul3A_2367 : vector<16xf32>
    %add3A_2369 = arith.constant 300 : i32
    %add3A_2370 = vector.broadcast %add3A_2369 : i32 to vector<16xi32>
    %add3A_2371 = arith.addi %add3A_2370, %iota3A : vector<16xi32>
    %gather3A_2372 = tpu.vector_load_idx %arg8[%add3A_2371] : memref<400xf32, #tpu.memory_space<vmem>>[vector<16xi32>], vector<16xf32>,
    %bitcast_convert_type3A_2373 = tpu.bitcast %gather3A_2372 : vector<16xf32> -> vector<16xi32>
    %add3A_2374 = arith.constant 32767 : i32
    %add3A_2375 = vector.broadcast %add3A_2374 : i32 to vector<16xi32>
    %add3A_2376 = arith.addi %bitcast_convert_type3A_2373, %add3A_2375 : vector<16xi32>
    %shift_right_arithmetic3A_2377 = arith.constant 16 : i32
    %shift_right_arithmetic3A_2378 = vector.broadcast %shift_right_arithmetic3A_2377 : i32 to vector<16xi32>
    %shift_right_arithmetic3A_2379 = arith.shrsi %bitcast_convert_type3A_2373, %shift_right_arithmetic3A_2378 : vector<16xi32>
    %and3A_2380 = arith.constant 1 : i32
    %and3A_2381 = vector.broadcast %and3A_2380 : i32 to vector<16xi32>
    %and3A_2382 = arith.andi %shift_right_arithmetic3A_2379, %and3A_2381 : vector<16xi32>
    %add3A_2383 = arith.addi %add3A_2376, %and3A_2382 : vector<16xi32>
    %and3A_2384 = arith.constant -65536 : i32
    %and3A_2385 = vector.broadcast %and3A_2384 : i32 to vector<16xi32>
    %and3A_2386 = arith.andi %add3A_2383, %and3A_2385 : vector<16xi32>
    %bitcast_convert_type3A_2387 = tpu.bitcast %and3A_2386 : vector<16xi32> -> vector<16xf32>
    %add3A_2388 = arith.constant 316 : i32
    %add3A_2389 = vector.broadcast %add3A_2388 : i32 to vector<16xi32>
    %add3A_2390 = arith.addi %add3A_2389, %min3A_1558 : vector<16xi32>
    %gather3A_2391 = tpu.vector_load_idx %arg8[%add3A_2390] : memref<400xf32, #tpu.memory_space<vmem>>[vector<16xi32>], vector<16xf32>,
    %bitcast_convert_type3A_2392 = tpu.bitcast %gather3A_2391 : vector<16xf32> -> vector<16xi32>
    %add3A_2393 = arith.constant 32767 : i32
    %add3A_2394 = vector.broadcast %add3A_2393 : i32 to vector<16xi32>
    %add3A_2395 = arith.addi %bitcast_convert_type3A_2392, %add3A_2394 : vector<16xi32>
    %shift_right_arithmetic3A_2396 = arith.constant 16 : i32
    %shift_right_arithmetic3A_2397 = vector.broadcast %shift_right_arithmetic3A_2396 : i32 to vector<16xi32>
    %shift_right_arithmetic3A_2398 = arith.shrsi %bitcast_convert_type3A_2392, %shift_right_arithmetic3A_2397 : vector<16xi32>
    %and3A_2399 = arith.constant 1 : i32
    %and3A_2400 = vector.broadcast %and3A_2399 : i32 to vector<16xi32>
    %and3A_2401 = arith.andi %shift_right_arithmetic3A_2398, %and3A_2400 : vector<16xi32>
    %add3A_2402 = arith.addi %add3A_2395, %and3A_2401 : vector<16xi32>
    %and3A_2403 = arith.constant -65536 : i32
    %and3A_2404 = vector.broadcast %and3A_2403 : i32 to vector<16xi32>
    %and3A_2405 = arith.andi %add3A_2402, %and3A_2404 : vector<16xi32>
    %bitcast_convert_type3A_2406 = tpu.bitcast %and3A_2405 : vector<16xi32> -> vector<16xf32>
    %mul3A_2407 = arith.mulf %gather3A_785, %bitcast_convert_type3A_2387 : vector<16xf32>
    %add3A_2408 = arith.addf %add3A_2354, %mul3A_2407 : vector<16xf32>
    %mul3A_2409 = arith.mulf %gather3A_785, %bitcast_convert_type3A_2406 : vector<16xf32>
    %add3A_2410 = arith.addf %add3A_2356, %mul3A_2409 : vector<16xf32>
    %mul3A_2411 = arith.mulf %gather3A_1025, %bitcast_convert_type3A_2387 : vector<16xf32>
    %add3A_2412 = arith.addf %add3A_2358, %mul3A_2411 : vector<16xf32>
    %mul3A_2413 = arith.mulf %gather3A_1025, %bitcast_convert_type3A_2406 : vector<16xf32>
    %add3A_2414 = arith.addf %add3A_2360, %mul3A_2413 : vector<16xf32>
    %mul3A_2415 = arith.mulf %gather3A_1265, %bitcast_convert_type3A_2387 : vector<16xf32>
    %add3A_2416 = arith.addf %add3A_2362, %mul3A_2415 : vector<16xf32>
    %mul3A_2417 = arith.mulf %gather3A_1265, %bitcast_convert_type3A_2406 : vector<16xf32>
    %add3A_2418 = arith.addf %add3A_2364, %mul3A_2417 : vector<16xf32>
    %mul3A_2419 = arith.mulf %gather3A_1505, %bitcast_convert_type3A_2387 : vector<16xf32>
    %add3A_2420 = arith.addf %add3A_2366, %mul3A_2419 : vector<16xf32>
    %mul3A_2421 = arith.mulf %gather3A_1505, %bitcast_convert_type3A_2406 : vector<16xf32>
    %add3A_2422 = arith.addf %add3A_2368, %mul3A_2421 : vector<16xf32>
    %add3A_2423 = arith.constant 320 : i32
    %add3A_2424 = vector.broadcast %add3A_2423 : i32 to vector<16xi32>
    %add3A_2425 = arith.addi %add3A_2424, %iota3A : vector<16xi32>
    %gather3A_2426 = tpu.vector_load_idx %arg8[%add3A_2425] : memref<400xf32, #tpu.memory_space<vmem>>[vector<16xi32>], vector<16xf32>,
    %bitcast_convert_type3A_2427 = tpu.bitcast %gather3A_2426 : vector<16xf32> -> vector<16xi32>
    %add3A_2428 = arith.constant 32767 : i32
    %add3A_2429 = vector.broadcast %add3A_2428 : i32 to vector<16xi32>
    %add3A_2430 = arith.addi %bitcast_convert_type3A_2427, %add3A_2429 : vector<16xi32>
    %shift_right_arithmetic3A_2431 = arith.constant 16 : i32
    %shift_right_arithmetic3A_2432 = vector.broadcast %shift_right_arithmetic3A_2431 : i32 to vector<16xi32>
    %shift_right_arithmetic3A_2433 = arith.shrsi %bitcast_convert_type3A_2427, %shift_right_arithmetic3A_2432 : vector<16xi32>
    %and3A_2434 = arith.constant 1 : i32
    %and3A_2435 = vector.broadcast %and3A_2434 : i32 to vector<16xi32>
    %and3A_2436 = arith.andi %shift_right_arithmetic3A_2433, %and3A_2435 : vector<16xi32>
    %add3A_2437 = arith.addi %add3A_2430, %and3A_2436 : vector<16xi32>
    %and3A_2438 = arith.constant -65536 : i32
    %and3A_2439 = vector.broadcast %and3A_2438 : i32 to vector<16xi32>
    %and3A_2440 = arith.andi %add3A_2437, %and3A_2439 : vector<16xi32>
    %bitcast_convert_type3A_2441 = tpu.bitcast %and3A_2440 : vector<16xi32> -> vector<16xf32>
    %add3A_2442 = arith.constant 336 : i32
    %add3A_2443 = vector.broadcast %add3A_2442 : i32 to vector<16xi32>
    %add3A_2444 = arith.addi %add3A_2443, %min3A_1558 : vector<16xi32>
    %gather3A_2445 = tpu.vector_load_idx %arg8[%add3A_2444] : memref<400xf32, #tpu.memory_space<vmem>>[vector<16xi32>], vector<16xf32>,
    %bitcast_convert_type3A_2446 = tpu.bitcast %gather3A_2445 : vector<16xf32> -> vector<16xi32>
    %add3A_2447 = arith.constant 32767 : i32
    %add3A_2448 = vector.broadcast %add3A_2447 : i32 to vector<16xi32>
    %add3A_2449 = arith.addi %bitcast_convert_type3A_2446, %add3A_2448 : vector<16xi32>
    %shift_right_arithmetic3A_2450 = arith.constant 16 : i32
    %shift_right_arithmetic3A_2451 = vector.broadcast %shift_right_arithmetic3A_2450 : i32 to vector<16xi32>
    %shift_right_arithmetic3A_2452 = arith.shrsi %bitcast_convert_type3A_2446, %shift_right_arithmetic3A_2451 : vector<16xi32>
    %and3A_2453 = arith.constant 1 : i32
    %and3A_2454 = vector.broadcast %and3A_2453 : i32 to vector<16xi32>
    %and3A_2455 = arith.andi %shift_right_arithmetic3A_2452, %and3A_2454 : vector<16xi32>
    %add3A_2456 = arith.addi %add3A_2449, %and3A_2455 : vector<16xi32>
    %and3A_2457 = arith.constant -65536 : i32
    %and3A_2458 = vector.broadcast %and3A_2457 : i32 to vector<16xi32>
    %and3A_2459 = arith.andi %add3A_2456, %and3A_2458 : vector<16xi32>
    %bitcast_convert_type3A_2460 = tpu.bitcast %and3A_2459 : vector<16xi32> -> vector<16xf32>
    %mul3A_2461 = arith.mulf %gather3A_797, %bitcast_convert_type3A_2441 : vector<16xf32>
    %add3A_2462 = arith.addf %add3A_2408, %mul3A_2461 : vector<16xf32>
    %mul3A_2463 = arith.mulf %gather3A_797, %bitcast_convert_type3A_2460 : vector<16xf32>
    %add3A_2464 = arith.addf %add3A_2410, %mul3A_2463 : vector<16xf32>
    %mul3A_2465 = arith.mulf %gather3A_1037, %bitcast_convert_type3A_2441 : vector<16xf32>
    %add3A_2466 = arith.addf %add3A_2412, %mul3A_2465 : vector<16xf32>
    %mul3A_2467 = arith.mulf %gather3A_1037, %bitcast_convert_type3A_2460 : vector<16xf32>
    %add3A_2468 = arith.addf %add3A_2414, %mul3A_2467 : vector<16xf32>
    %mul3A_2469 = arith.mulf %gather3A_1277, %bitcast_convert_type3A_2441 : vector<16xf32>
    %add3A_2470 = arith.addf %add3A_2416, %mul3A_2469 : vector<16xf32>
    %mul3A_2471 = arith.mulf %gather3A_1277, %bitcast_convert_type3A_2460 : vector<16xf32>
    %add3A_2472 = arith.addf %add3A_2418, %mul3A_2471 : vector<16xf32>
    %mul3A_2473 = arith.mulf %gather3A_1517, %bitcast_convert_type3A_2441 : vector<16xf32>
    %add3A_2474 = arith.addf %add3A_2420, %mul3A_2473 : vector<16xf32>
    %mul3A_2475 = arith.mulf %gather3A_1517, %bitcast_convert_type3A_2460 : vector<16xf32>
    %add3A_2476 = arith.addf %add3A_2422, %mul3A_2475 : vector<16xf32>
    %add3A_2477 = arith.constant 340 : i32
    %add3A_2478 = vector.broadcast %add3A_2477 : i32 to vector<16xi32>
    %add3A_2479 = arith.addi %add3A_2478, %iota3A : vector<16xi32>
    %gather3A_2480 = tpu.vector_load_idx %arg8[%add3A_2479] : memref<400xf32, #tpu.memory_space<vmem>>[vector<16xi32>], vector<16xf32>,
    %bitcast_convert_type3A_2481 = tpu.bitcast %gather3A_2480 : vector<16xf32> -> vector<16xi32>
    %add3A_2482 = arith.constant 32767 : i32
    %add3A_2483 = vector.broadcast %add3A_2482 : i32 to vector<16xi32>
    %add3A_2484 = arith.addi %bitcast_convert_type3A_2481, %add3A_2483 : vector<16xi32>
    %shift_right_arithmetic3A_2485 = arith.constant 16 : i32
    %shift_right_arithmetic3A_2486 = vector.broadcast %shift_right_arithmetic3A_2485 : i32 to vector<16xi32>
    %shift_right_arithmetic3A_2487 = arith.shrsi %bitcast_convert_type3A_2481, %shift_right_arithmetic3A_2486 : vector<16xi32>
    %and3A_2488 = arith.constant 1 : i32
    %and3A_2489 = vector.broadcast %and3A_2488 : i32 to vector<16xi32>
    %and3A_2490 = arith.andi %shift_right_arithmetic3A_2487, %and3A_2489 : vector<16xi32>
    %add3A_2491 = arith.addi %add3A_2484, %and3A_2490 : vector<16xi32>
    %and3A_2492 = arith.constant -65536 : i32
    %and3A_2493 = vector.broadcast %and3A_2492 : i32 to vector<16xi32>
    %and3A_2494 = arith.andi %add3A_2491, %and3A_2493 : vector<16xi32>
    %bitcast_convert_type3A_2495 = tpu.bitcast %and3A_2494 : vector<16xi32> -> vector<16xf32>
    %add3A_2496 = arith.constant 356 : i32
    %add3A_2497 = vector.broadcast %add3A_2496 : i32 to vector<16xi32>
    %add3A_2498 = arith.addi %add3A_2497, %min3A_1558 : vector<16xi32>
    %gather3A_2499 = tpu.vector_load_idx %arg8[%add3A_2498] : memref<400xf32, #tpu.memory_space<vmem>>[vector<16xi32>], vector<16xf32>,
    %bitcast_convert_type3A_2500 = tpu.bitcast %gather3A_2499 : vector<16xf32> -> vector<16xi32>
    %add3A_2501 = arith.constant 32767 : i32
    %add3A_2502 = vector.broadcast %add3A_2501 : i32 to vector<16xi32>
    %add3A_2503 = arith.addi %bitcast_convert_type3A_2500, %add3A_2502 : vector<16xi32>
    %shift_right_arithmetic3A_2504 = arith.constant 16 : i32
    %shift_right_arithmetic3A_2505 = vector.broadcast %shift_right_arithmetic3A_2504 : i32 to vector<16xi32>
    %shift_right_arithmetic3A_2506 = arith.shrsi %bitcast_convert_type3A_2500, %shift_right_arithmetic3A_2505 : vector<16xi32>
    %and3A_2507 = arith.constant 1 : i32
    %and3A_2508 = vector.broadcast %and3A_2507 : i32 to vector<16xi32>
    %and3A_2509 = arith.andi %shift_right_arithmetic3A_2506, %and3A_2508 : vector<16xi32>
    %add3A_2510 = arith.addi %add3A_2503, %and3A_2509 : vector<16xi32>
    %and3A_2511 = arith.constant -65536 : i32
    %and3A_2512 = vector.broadcast %and3A_2511 : i32 to vector<16xi32>
    %and3A_2513 = arith.andi %add3A_2510, %and3A_2512 : vector<16xi32>
    %bitcast_convert_type3A_2514 = tpu.bitcast %and3A_2513 : vector<16xi32> -> vector<16xf32>
    %mul3A_2515 = arith.mulf %gather3A_809, %bitcast_convert_type3A_2495 : vector<16xf32>
    %add3A_2516 = arith.addf %add3A_2462, %mul3A_2515 : vector<16xf32>
    %mul3A_2517 = arith.mulf %gather3A_809, %bitcast_convert_type3A_2514 : vector<16xf32>
    %add3A_2518 = arith.addf %add3A_2464, %mul3A_2517 : vector<16xf32>
    %mul3A_2519 = arith.mulf %gather3A_1049, %bitcast_convert_type3A_2495 : vector<16xf32>
    %add3A_2520 = arith.addf %add3A_2466, %mul3A_2519 : vector<16xf32>
    %mul3A_2521 = arith.mulf %gather3A_1049, %bitcast_convert_type3A_2514 : vector<16xf32>
    %add3A_2522 = arith.addf %add3A_2468, %mul3A_2521 : vector<16xf32>
    %mul3A_2523 = arith.mulf %gather3A_1289, %bitcast_convert_type3A_2495 : vector<16xf32>
    %add3A_2524 = arith.addf %add3A_2470, %mul3A_2523 : vector<16xf32>
    %mul3A_2525 = arith.mulf %gather3A_1289, %bitcast_convert_type3A_2514 : vector<16xf32>
    %add3A_2526 = arith.addf %add3A_2472, %mul3A_2525 : vector<16xf32>
    %mul3A_2527 = arith.mulf %gather3A_1529, %bitcast_convert_type3A_2495 : vector<16xf32>
    %add3A_2528 = arith.addf %add3A_2474, %mul3A_2527 : vector<16xf32>
    %mul3A_2529 = arith.mulf %gather3A_1529, %bitcast_convert_type3A_2514 : vector<16xf32>
    %add3A_2530 = arith.addf %add3A_2476, %mul3A_2529 : vector<16xf32>
    %add3A_2531 = arith.constant 360 : i32
    %add3A_2532 = vector.broadcast %add3A_2531 : i32 to vector<16xi32>
    %add3A_2533 = arith.addi %add3A_2532, %iota3A : vector<16xi32>
    %gather3A_2534 = tpu.vector_load_idx %arg8[%add3A_2533] : memref<400xf32, #tpu.memory_space<vmem>>[vector<16xi32>], vector<16xf32>,
    %bitcast_convert_type3A_2535 = tpu.bitcast %gather3A_2534 : vector<16xf32> -> vector<16xi32>
    %add3A_2536 = arith.constant 32767 : i32
    %add3A_2537 = vector.broadcast %add3A_2536 : i32 to vector<16xi32>
    %add3A_2538 = arith.addi %bitcast_convert_type3A_2535, %add3A_2537 : vector<16xi32>
    %shift_right_arithmetic3A_2539 = arith.constant 16 : i32
    %shift_right_arithmetic3A_2540 = vector.broadcast %shift_right_arithmetic3A_2539 : i32 to vector<16xi32>
    %shift_right_arithmetic3A_2541 = arith.shrsi %bitcast_convert_type3A_2535, %shift_right_arithmetic3A_2540 : vector<16xi32>
    %and3A_2542 = arith.constant 1 : i32
    %and3A_2543 = vector.broadcast %and3A_2542 : i32 to vector<16xi32>
    %and3A_2544 = arith.andi %shift_right_arithmetic3A_2541, %and3A_2543 : vector<16xi32>
    %add3A_2545 = arith.addi %add3A_2538, %and3A_2544 : vector<16xi32>
    %and3A_2546 = arith.constant -65536 : i32
    %and3A_2547 = vector.broadcast %and3A_2546 : i32 to vector<16xi32>
    %and3A_2548 = arith.andi %add3A_2545, %and3A_2547 : vector<16xi32>
    %bitcast_convert_type3A_2549 = tpu.bitcast %and3A_2548 : vector<16xi32> -> vector<16xf32>
    %add3A_2550 = arith.constant 376 : i32
    %add3A_2551 = vector.broadcast %add3A_2550 : i32 to vector<16xi32>
    %add3A_2552 = arith.addi %add3A_2551, %min3A_1558 : vector<16xi32>
    %gather3A_2553 = tpu.vector_load_idx %arg8[%add3A_2552] : memref<400xf32, #tpu.memory_space<vmem>>[vector<16xi32>], vector<16xf32>,
    %bitcast_convert_type3A_2554 = tpu.bitcast %gather3A_2553 : vector<16xf32> -> vector<16xi32>
    %add3A_2555 = arith.constant 32767 : i32
    %add3A_2556 = vector.broadcast %add3A_2555 : i32 to vector<16xi32>
    %add3A_2557 = arith.addi %bitcast_convert_type3A_2554, %add3A_2556 : vector<16xi32>
    %shift_right_arithmetic3A_2558 = arith.constant 16 : i32
    %shift_right_arithmetic3A_2559 = vector.broadcast %shift_right_arithmetic3A_2558 : i32 to vector<16xi32>
    %shift_right_arithmetic3A_2560 = arith.shrsi %bitcast_convert_type3A_2554, %shift_right_arithmetic3A_2559 : vector<16xi32>
    %and3A_2561 = arith.constant 1 : i32
    %and3A_2562 = vector.broadcast %and3A_2561 : i32 to vector<16xi32>
    %and3A_2563 = arith.andi %shift_right_arithmetic3A_2560, %and3A_2562 : vector<16xi32>
    %add3A_2564 = arith.addi %add3A_2557, %and3A_2563 : vector<16xi32>
    %and3A_2565 = arith.constant -65536 : i32
    %and3A_2566 = vector.broadcast %and3A_2565 : i32 to vector<16xi32>
    %and3A_2567 = arith.andi %add3A_2564, %and3A_2566 : vector<16xi32>
    %bitcast_convert_type3A_2568 = tpu.bitcast %and3A_2567 : vector<16xi32> -> vector<16xf32>
    %mul3A_2569 = arith.mulf %gather3A_821, %bitcast_convert_type3A_2549 : vector<16xf32>
    %add3A_2570 = arith.addf %add3A_2516, %mul3A_2569 : vector<16xf32>
    %mul3A_2571 = arith.mulf %gather3A_821, %bitcast_convert_type3A_2568 : vector<16xf32>
    %add3A_2572 = arith.addf %add3A_2518, %mul3A_2571 : vector<16xf32>
    %mul3A_2573 = arith.mulf %gather3A_1061, %bitcast_convert_type3A_2549 : vector<16xf32>
    %add3A_2574 = arith.addf %add3A_2520, %mul3A_2573 : vector<16xf32>
    %mul3A_2575 = arith.mulf %gather3A_1061, %bitcast_convert_type3A_2568 : vector<16xf32>
    %add3A_2576 = arith.addf %add3A_2522, %mul3A_2575 : vector<16xf32>
    %mul3A_2577 = arith.mulf %gather3A_1301, %bitcast_convert_type3A_2549 : vector<16xf32>
    %add3A_2578 = arith.addf %add3A_2524, %mul3A_2577 : vector<16xf32>
    %mul3A_2579 = arith.mulf %gather3A_1301, %bitcast_convert_type3A_2568 : vector<16xf32>
    %add3A_2580 = arith.addf %add3A_2526, %mul3A_2579 : vector<16xf32>
    %mul3A_2581 = arith.mulf %gather3A_1541, %bitcast_convert_type3A_2549 : vector<16xf32>
    %add3A_2582 = arith.addf %add3A_2528, %mul3A_2581 : vector<16xf32>
    %mul3A_2583 = arith.mulf %gather3A_1541, %bitcast_convert_type3A_2568 : vector<16xf32>
    %add3A_2584 = arith.addf %add3A_2530, %mul3A_2583 : vector<16xf32>
    %add3A_2585 = arith.constant 380 : i32
    %add3A_2586 = vector.broadcast %add3A_2585 : i32 to vector<16xi32>
    %add3A_2587 = arith.addi %add3A_2586, %iota3A : vector<16xi32>
    %gather3A_2588 = tpu.vector_load_idx %arg8[%add3A_2587] : memref<400xf32, #tpu.memory_space<vmem>>[vector<16xi32>], vector<16xf32>,
    %bitcast_convert_type3A_2589 = tpu.bitcast %gather3A_2588 : vector<16xf32> -> vector<16xi32>
    %add3A_2590 = arith.constant 32767 : i32
    %add3A_2591 = vector.broadcast %add3A_2590 : i32 to vector<16xi32>
    %add3A_2592 = arith.addi %bitcast_convert_type3A_2589, %add3A_2591 : vector<16xi32>
    %shift_right_arithmetic3A_2593 = arith.constant 16 : i32
    %shift_right_arithmetic3A_2594 = vector.broadcast %shift_right_arithmetic3A_2593 : i32 to vector<16xi32>
    %shift_right_arithmetic3A_2595 = arith.shrsi %bitcast_convert_type3A_2589, %shift_right_arithmetic3A_2594 : vector<16xi32>
    %and3A_2596 = arith.constant 1 : i32
    %and3A_2597 = vector.broadcast %and3A_2596 : i32 to vector<16xi32>
    %and3A_2598 = arith.andi %shift_right_arithmetic3A_2595, %and3A_2597 : vector<16xi32>
    %add3A_2599 = arith.addi %add3A_2592, %and3A_2598 : vector<16xi32>
    %and3A_2600 = arith.constant -65536 : i32
    %and3A_2601 = vector.broadcast %and3A_2600 : i32 to vector<16xi32>
    %and3A_2602 = arith.andi %add3A_2599, %and3A_2601 : vector<16xi32>
    %bitcast_convert_type3A_2603 = tpu.bitcast %and3A_2602 : vector<16xi32> -> vector<16xf32>
    %add3A_2604 = arith.constant 396 : i32
    %add3A_2605 = vector.broadcast %add3A_2604 : i32 to vector<16xi32>
    %add3A_2606 = arith.addi %add3A_2605, %min3A_1558 : vector<16xi32>
    %gather3A_2607 = tpu.vector_load_idx %arg8[%add3A_2606] : memref<400xf32, #tpu.memory_space<vmem>>[vector<16xi32>], vector<16xf32>,
    %bitcast_convert_type3A_2608 = tpu.bitcast %gather3A_2607 : vector<16xf32> -> vector<16xi32>
    %add3A_2609 = arith.constant 32767 : i32
    %add3A_2610 = vector.broadcast %add3A_2609 : i32 to vector<16xi32>
    %add3A_2611 = arith.addi %bitcast_convert_type3A_2608, %add3A_2610 : vector<16xi32>
    %shift_right_arithmetic3A_2612 = arith.constant 16 : i32
    %shift_right_arithmetic3A_2613 = vector.broadcast %shift_right_arithmetic3A_2612 : i32 to vector<16xi32>
    %shift_right_arithmetic3A_2614 = arith.shrsi %bitcast_convert_type3A_2608, %shift_right_arithmetic3A_2613 : vector<16xi32>
    %and3A_2615 = arith.constant 1 : i32
    %and3A_2616 = vector.broadcast %and3A_2615 : i32 to vector<16xi32>
    %and3A_2617 = arith.andi %shift_right_arithmetic3A_2614, %and3A_2616 : vector<16xi32>
    %add3A_2618 = arith.addi %add3A_2611, %and3A_2617 : vector<16xi32>
    %and3A_2619 = arith.constant -65536 : i32
    %and3A_2620 = vector.broadcast %and3A_2619 : i32 to vector<16xi32>
    %and3A_2621 = arith.andi %add3A_2618, %and3A_2620 : vector<16xi32>
    %bitcast_convert_type3A_2622 = tpu.bitcast %and3A_2621 : vector<16xi32> -> vector<16xf32>
    %mul3A_2623 = arith.mulf %gather3A_833, %bitcast_convert_type3A_2603 : vector<16xf32>
    %add3A_2624 = arith.addf %add3A_2570, %mul3A_2623 : vector<16xf32>
    %mul3A_2625 = arith.mulf %gather3A_833, %bitcast_convert_type3A_2622 : vector<16xf32>
    %add3A_2626 = arith.addf %add3A_2572, %mul3A_2625 : vector<16xf32>
    %mul3A_2627 = arith.mulf %gather3A_1073, %bitcast_convert_type3A_2603 : vector<16xf32>
    %add3A_2628 = arith.addf %add3A_2574, %mul3A_2627 : vector<16xf32>
    %mul3A_2629 = arith.mulf %gather3A_1073, %bitcast_convert_type3A_2622 : vector<16xf32>
    %add3A_2630 = arith.addf %add3A_2576, %mul3A_2629 : vector<16xf32>
    %mul3A_2631 = arith.mulf %gather3A_1313, %bitcast_convert_type3A_2603 : vector<16xf32>
    %add3A_2632 = arith.addf %add3A_2578, %mul3A_2631 : vector<16xf32>
    %mul3A_2633 = arith.mulf %gather3A_1313, %bitcast_convert_type3A_2622 : vector<16xf32>
    %add3A_2634 = arith.addf %add3A_2580, %mul3A_2633 : vector<16xf32>
    %mul3A_2635 = arith.mulf %gather3A_1553, %bitcast_convert_type3A_2603 : vector<16xf32>
    %add3A_2636 = arith.addf %add3A_2582, %mul3A_2635 : vector<16xf32>
    %mul3A_2637 = arith.mulf %gather3A_1553, %bitcast_convert_type3A_2622 : vector<16xf32>
    %add3A_2638 = arith.addf %add3A_2584, %mul3A_2637 : vector<16xf32>
    %bitcast_convert_type3A_2639 = tpu.bitcast %add3A_2624 : vector<16xf32> -> vector<16xi32>
    %add3A_2640 = arith.constant 32767 : i32
    %add3A_2641 = vector.broadcast %add3A_2640 : i32 to vector<16xi32>
    %add3A_2642 = arith.addi %bitcast_convert_type3A_2639, %add3A_2641 : vector<16xi32>
    %shift_right_arithmetic3A_2643 = arith.constant 16 : i32
    %shift_right_arithmetic3A_2644 = vector.broadcast %shift_right_arithmetic3A_2643 : i32 to vector<16xi32>
    %shift_right_arithmetic3A_2645 = arith.shrsi %bitcast_convert_type3A_2639, %shift_right_arithmetic3A_2644 : vector<16xi32>
    %and3A_2646 = arith.constant 1 : i32
    %and3A_2647 = vector.broadcast %and3A_2646 : i32 to vector<16xi32>
    %and3A_2648 = arith.andi %shift_right_arithmetic3A_2645, %and3A_2647 : vector<16xi32>
    %add3A_2649 = arith.addi %add3A_2642, %and3A_2648 : vector<16xi32>
    %and3A_2650 = arith.constant -65536 : i32
    %and3A_2651 = vector.broadcast %and3A_2650 : i32 to vector<16xi32>
    %and3A_2652 = arith.andi %add3A_2649, %and3A_2651 : vector<16xi32>
    %bitcast_convert_type3A_2653 = tpu.bitcast %and3A_2652 : vector<16xi32> -> vector<16xf32>
    %bitcast_convert_type3A_2654 = tpu.bitcast %add3A_2626 : vector<16xf32> -> vector<16xi32>
    %add3A_2655 = arith.constant 32767 : i32
    %add3A_2656 = vector.broadcast %add3A_2655 : i32 to vector<16xi32>
    %add3A_2657 = arith.addi %bitcast_convert_type3A_2654, %add3A_2656 : vector<16xi32>
    %shift_right_arithmetic3A_2658 = arith.constant 16 : i32
    %shift_right_arithmetic3A_2659 = vector.broadcast %shift_right_arithmetic3A_2658 : i32 to vector<16xi32>
    %shift_right_arithmetic3A_2660 = arith.shrsi %bitcast_convert_type3A_2654, %shift_right_arithmetic3A_2659 : vector<16xi32>
    %and3A_2661 = arith.constant 1 : i32
    %and3A_2662 = vector.broadcast %and3A_2661 : i32 to vector<16xi32>
    %and3A_2663 = arith.andi %shift_right_arithmetic3A_2660, %and3A_2662 : vector<16xi32>
    %add3A_2664 = arith.addi %add3A_2657, %and3A_2663 : vector<16xi32>
    %and3A_2665 = arith.constant -65536 : i32
    %and3A_2666 = vector.broadcast %and3A_2665 : i32 to vector<16xi32>
    %and3A_2667 = arith.andi %add3A_2664, %and3A_2666 : vector<16xi32>
    %bitcast_convert_type3A_2668 = tpu.bitcast %and3A_2667 : vector<16xi32> -> vector<16xf32>
    %bitcast_convert_type3A_2669 = tpu.bitcast %add3A_2628 : vector<16xf32> -> vector<16xi32>
    %add3A_2670 = arith.constant 32767 : i32
    %add3A_2671 = vector.broadcast %add3A_2670 : i32 to vector<16xi32>
    %add3A_2672 = arith.addi %bitcast_convert_type3A_2669, %add3A_2671 : vector<16xi32>
    %shift_right_arithmetic3A_2673 = arith.constant 16 : i32
    %shift_right_arithmetic3A_2674 = vector.broadcast %shift_right_arithmetic3A_2673 : i32 to vector<16xi32>
    %shift_right_arithmetic3A_2675 = arith.shrsi %bitcast_convert_type3A_2669, %shift_right_arithmetic3A_2674 : vector<16xi32>
    %and3A_2676 = arith.constant 1 : i32
    %and3A_2677 = vector.broadcast %and3A_2676 : i32 to vector<16xi32>
    %and3A_2678 = arith.andi %shift_right_arithmetic3A_2675, %and3A_2677 : vector<16xi32>
    %add3A_2679 = arith.addi %add3A_2672, %and3A_2678 : vector<16xi32>
    %and3A_2680 = arith.constant -65536 : i32
    %and3A_2681 = vector.broadcast %and3A_2680 : i32 to vector<16xi32>
    %and3A_2682 = arith.andi %add3A_2679, %and3A_2681 : vector<16xi32>
    %bitcast_convert_type3A_2683 = tpu.bitcast %and3A_2682 : vector<16xi32> -> vector<16xf32>
    %bitcast_convert_type3A_2684 = tpu.bitcast %add3A_2630 : vector<16xf32> -> vector<16xi32>
    %add3A_2685 = arith.constant 32767 : i32
    %add3A_2686 = vector.broadcast %add3A_2685 : i32 to vector<16xi32>
    %add3A_2687 = arith.addi %bitcast_convert_type3A_2684, %add3A_2686 : vector<16xi32>
    %shift_right_arithmetic3A_2688 = arith.constant 16 : i32
    %shift_right_arithmetic3A_2689 = vector.broadcast %shift_right_arithmetic3A_2688 : i32 to vector<16xi32>
    %shift_right_arithmetic3A_2690 = arith.shrsi %bitcast_convert_type3A_2684, %shift_right_arithmetic3A_2689 : vector<16xi32>
    %and3A_2691 = arith.constant 1 : i32
    %and3A_2692 = vector.broadcast %and3A_2691 : i32 to vector<16xi32>
    %and3A_2693 = arith.andi %shift_right_arithmetic3A_2690, %and3A_2692 : vector<16xi32>
    %add3A_2694 = arith.addi %add3A_2687, %and3A_2693 : vector<16xi32>
    %and3A_2695 = arith.constant -65536 : i32
    %and3A_2696 = vector.broadcast %and3A_2695 : i32 to vector<16xi32>
    %and3A_2697 = arith.andi %add3A_2694, %and3A_2696 : vector<16xi32>
    %bitcast_convert_type3A_2698 = tpu.bitcast %and3A_2697 : vector<16xi32> -> vector<16xf32>
    %bitcast_convert_type3A_2699 = tpu.bitcast %add3A_2632 : vector<16xf32> -> vector<16xi32>
    %add3A_2700 = arith.constant 32767 : i32
    %add3A_2701 = vector.broadcast %add3A_2700 : i32 to vector<16xi32>
    %add3A_2702 = arith.addi %bitcast_convert_type3A_2699, %add3A_2701 : vector<16xi32>
    %shift_right_arithmetic3A_2703 = arith.constant 16 : i32
    %shift_right_arithmetic3A_2704 = vector.broadcast %shift_right_arithmetic3A_2703 : i32 to vector<16xi32>
    %shift_right_arithmetic3A_2705 = arith.shrsi %bitcast_convert_type3A_2699, %shift_right_arithmetic3A_2704 : vector<16xi32>
    %and3A_2706 = arith.constant 1 : i32
    %and3A_2707 = vector.broadcast %and3A_2706 : i32 to vector<16xi32>
    %and3A_2708 = arith.andi %shift_right_arithmetic3A_2705, %and3A_2707 : vector<16xi32>
    %add3A_2709 = arith.addi %add3A_2702, %and3A_2708 : vector<16xi32>
    %and3A_2710 = arith.constant -65536 : i32
    %and3A_2711 = vector.broadcast %and3A_2710 : i32 to vector<16xi32>
    %and3A_2712 = arith.andi %add3A_2709, %and3A_2711 : vector<16xi32>
    %bitcast_convert_type3A_2713 = tpu.bitcast %and3A_2712 : vector<16xi32> -> vector<16xf32>
    %bitcast_convert_type3A_2714 = tpu.bitcast %add3A_2634 : vector<16xf32> -> vector<16xi32>
    %add3A_2715 = arith.constant 32767 : i32
    %add3A_2716 = vector.broadcast %add3A_2715 : i32 to vector<16xi32>
    %add3A_2717 = arith.addi %bitcast_convert_type3A_2714, %add3A_2716 : vector<16xi32>
    %shift_right_arithmetic3A_2718 = arith.constant 16 : i32
    %shift_right_arithmetic3A_2719 = vector.broadcast %shift_right_arithmetic3A_2718 : i32 to vector<16xi32>
    %shift_right_arithmetic3A_2720 = arith.shrsi %bitcast_convert_type3A_2714, %shift_right_arithmetic3A_2719 : vector<16xi32>
    %and3A_2721 = arith.constant 1 : i32
    %and3A_2722 = vector.broadcast %and3A_2721 : i32 to vector<16xi32>
    %and3A_2723 = arith.andi %shift_right_arithmetic3A_2720, %and3A_2722 : vector<16xi32>
    %add3A_2724 = arith.addi %add3A_2717, %and3A_2723 : vector<16xi32>
    %and3A_2725 = arith.constant -65536 : i32
    %and3A_2726 = vector.broadcast %and3A_2725 : i32 to vector<16xi32>
    %and3A_2727 = arith.andi %add3A_2724, %and3A_2726 : vector<16xi32>
    %bitcast_convert_type3A_2728 = tpu.bitcast %and3A_2727 : vector<16xi32> -> vector<16xf32>
    %bitcast_convert_type3A_2729 = tpu.bitcast %add3A_2636 : vector<16xf32> -> vector<16xi32>
    %add3A_2730 = arith.constant 32767 : i32
    %add3A_2731 = vector.broadcast %add3A_2730 : i32 to vector<16xi32>
    %add3A_2732 = arith.addi %bitcast_convert_type3A_2729, %add3A_2731 : vector<16xi32>
    %shift_right_arithmetic3A_2733 = arith.constant 16 : i32
    %shift_right_arithmetic3A_2734 = vector.broadcast %shift_right_arithmetic3A_2733 : i32 to vector<16xi32>
    %shift_right_arithmetic3A_2735 = arith.shrsi %bitcast_convert_type3A_2729, %shift_right_arithmetic3A_2734 : vector<16xi32>
    %and3A_2736 = arith.constant 1 : i32
    %and3A_2737 = vector.broadcast %and3A_2736 : i32 to vector<16xi32>
    %and3A_2738 = arith.andi %shift_right_arithmetic3A_2735, %and3A_2737 : vector<16xi32>
    %add3A_2739 = arith.addi %add3A_2732, %and3A_2738 : vector<16xi32>
    %and3A_2740 = arith.constant -65536 : i32
    %and3A_2741 = vector.broadcast %and3A_2740 : i32 to vector<16xi32>
    %and3A_2742 = arith.andi %add3A_2739, %and3A_2741 : vector<16xi32>
    %bitcast_convert_type3A_2743 = tpu.bitcast %and3A_2742 : vector<16xi32> -> vector<16xf32>
    %bitcast_convert_type3A_2744 = tpu.bitcast %add3A_2638 : vector<16xf32> -> vector<16xi32>
    %add3A_2745 = arith.constant 32767 : i32
    %add3A_2746 = vector.broadcast %add3A_2745 : i32 to vector<16xi32>
    %add3A_2747 = arith.addi %bitcast_convert_type3A_2744, %add3A_2746 : vector<16xi32>
    %shift_right_arithmetic3A_2748 = arith.constant 16 : i32
    %shift_right_arithmetic3A_2749 = vector.broadcast %shift_right_arithmetic3A_2748 : i32 to vector<16xi32>
    %shift_right_arithmetic3A_2750 = arith.shrsi %bitcast_convert_type3A_2744, %shift_right_arithmetic3A_2749 : vector<16xi32>
    %and3A_2751 = arith.constant 1 : i32
    %and3A_2752 = vector.broadcast %and3A_2751 : i32 to vector<16xi32>
    %and3A_2753 = arith.andi %shift_right_arithmetic3A_2750, %and3A_2752 : vector<16xi32>
    %add3A_2754 = arith.addi %add3A_2747, %and3A_2753 : vector<16xi32>
    %and3A_2755 = arith.constant -65536 : i32
    %and3A_2756 = vector.broadcast %and3A_2755 : i32 to vector<16xi32>
    %and3A_2757 = arith.andi %add3A_2754, %and3A_2756 : vector<16xi32>
    %bitcast_convert_type3A_2758 = tpu.bitcast %and3A_2757 : vector<16xi32> -> vector<16xf32>
    %mul3A_2759 = arith.constant 20 : i32
    %mul3A_2760 = vector.broadcast %mul3A_2759 : i32 to vector<16xi32>
    %mul3A_2761 = arith.muli %mul3A_2760, %min3A_43 : vector<16xi32>
    %eq3A_2762 = arith.constant 0 : i32
    %eq3A_2763 = vector.broadcast %eq3A_2762 : i32 to vector<16xi32>
    %eq3A_2764 = arith.cmpi eq, %select_n3A_13, %eq3A_2763 : vector<16xi32>
    %eq3A_2765 = arith.constant 1 : i32
    %eq3A_2766 = vector.broadcast %eq3A_2765 : i32 to vector<16xi32>
    %eq3A_2767 = arith.cmpi eq, %select_n3A_13, %eq3A_2766 : vector<16xi32>
    %eq3A_2768 = arith.constant 2 : i32
    %eq3A_2769 = vector.broadcast %eq3A_2768 : i32 to vector<16xi32>
    %eq3A_2770 = arith.cmpi eq, %select_n3A_13, %eq3A_2769 : vector<16xi32>
    %jit3A_2771 = arith.constant 1 : i32
    %jit3A_2772 = arith.constant 2 : i32
    %broadcast_in_dim3A_2773 = vector.broadcast %jit3A_2771 : i32 to vector<16xi32>
    %broadcast_in_dim3A_2774 = vector.broadcast %jit3A_2772 : i32 to vector<16xi32>
    %select_n3A_2775 = arith.select %eq3A_2770, %broadcast_in_dim3A_2773, %broadcast_in_dim3A_2774 : vector<16xi1>, vector<16xi32>
    %jit3A_2776 = arith.constant 0 : i32
    %broadcast_in_dim3A_2777 = vector.broadcast %jit3A_2776 : i32 to vector<16xi32>
    %select_n3A_2778 = arith.select %eq3A_2767, %broadcast_in_dim3A_2777, %select_n3A_2775 : vector<16xi1>, vector<16xi32>
    %jit3A_2779 = arith.constant 1 : i32
    %broadcast_in_dim3A_2780 = vector.broadcast %jit3A_2779 : i32 to vector<16xi32>
    %select_n3A_2781 = arith.select %eq3A_2764, %broadcast_in_dim3A_2780, %select_n3A_2778 : vector<16xi1>, vector<16xi32>
    %mul3A_2782 = arith.constant 20 : i32
    %mul3A_2783 = vector.broadcast %mul3A_2782 : i32 to vector<16xi32>
    %mul3A_2784 = arith.muli %mul3A_2783, %select_n3A_2781 : vector<16xi32>
    %eq3A_2785 = arith.constant 0 : i32
    %eq3A_2786 = vector.broadcast %eq3A_2785 : i32 to vector<16xi32>
    %eq3A_2787 = arith.cmpi eq, %select_n3A_13, %eq3A_2786 : vector<16xi32>
    %jit3A_2788 = arith.constant 0 : i32
    %broadcast_in_dim3A_2789 = vector.broadcast %jit3A_2788 : i32 to vector<16xi32>
    %select_n3A_2790 = arith.select %eq3A_2787, %broadcast_in_dim3A_2789, %mul3A_2784 : vector<16xi1>, vector<16xi32>
    %add3A_2791 = arith.constant 0 : i32
    %add3A_2792 = vector.broadcast %add3A_2791 : i32 to vector<16xi32>
    %add3A_2793 = arith.addi %mul3A_2784, %add3A_2792 : vector<16xi32>
    %gather3A_2794 = tpu.vector_load_idx %arg6[%add3A_2793] : memref<60xf32, #tpu.memory_space<vmem>>[vector<16xi32>], vector<16xf32>,
    %add3A_2795 = arith.constant 0 : i32
    %add3A_2796 = vector.broadcast %add3A_2795 : i32 to vector<16xi32>
    %add3A_2797 = arith.addi %select_n3A_2790, %add3A_2796 : vector<16xi32>
    %gather3A_2798 = tpu.vector_load_idx %arg6[%add3A_2797] : memref<60xf32, #tpu.memory_space<vmem>>[vector<16xi32>], vector<16xf32>,
    %add3A_2799 = arith.addf %gather3A_2794, %gather3A_2798 : vector<16xf32>
    %mul3A_2800 = arith.constant 5.000000e-01 : f32
    %mul3A_2801 = vector.broadcast %mul3A_2800 : f32 to vector<16xf32>
    %mul3A_2802 = arith.mulf %mul3A_2801, %add3A_2799 : vector<16xf32>
    %bitcast_convert_type3A_2803 = tpu.bitcast %mul3A_2802 : vector<16xf32> -> vector<16xi32>
    %add3A_2804 = arith.constant 32767 : i32
    %add3A_2805 = vector.broadcast %add3A_2804 : i32 to vector<16xi32>
    %add3A_2806 = arith.addi %bitcast_convert_type3A_2803, %add3A_2805 : vector<16xi32>
    %shift_right_arithmetic3A_2807 = arith.constant 16 : i32
    %shift_right_arithmetic3A_2808 = vector.broadcast %shift_right_arithmetic3A_2807 : i32 to vector<16xi32>
    %shift_right_arithmetic3A_2809 = arith.shrsi %bitcast_convert_type3A_2803, %shift_right_arithmetic3A_2808 : vector<16xi32>
    %and3A_2810 = arith.constant 1 : i32
    %and3A_2811 = vector.broadcast %and3A_2810 : i32 to vector<16xi32>
    %and3A_2812 = arith.andi %shift_right_arithmetic3A_2809, %and3A_2811 : vector<16xi32>
    %add3A_2813 = arith.addi %add3A_2806, %and3A_2812 : vector<16xi32>
    %and3A_2814 = arith.constant -65536 : i32
    %and3A_2815 = vector.broadcast %and3A_2814 : i32 to vector<16xi32>
    %and3A_2816 = arith.andi %add3A_2813, %and3A_2815 : vector<16xi32>
    %bitcast_convert_type3A_2817 = tpu.bitcast %and3A_2816 : vector<16xi32> -> vector<16xf32>
    %add3A_2818 = arith.constant 0 : i32
    %add3A_2819 = vector.broadcast %add3A_2818 : i32 to vector<16xi32>
    %add3A_2820 = arith.addi %mul3A_2761, %add3A_2819 : vector<16xi32>
    %gather3A_2821 = tpu.vector_load_idx %arg7[%add3A_2820] : memref<60xf32, #tpu.memory_space<vmem>>[vector<16xi32>], vector<16xf32>,
    %bitcast_convert_type3A_2822 = tpu.bitcast %gather3A_2821 : vector<16xf32> -> vector<16xi32>
    %add3A_2823 = arith.constant 32767 : i32
    %add3A_2824 = vector.broadcast %add3A_2823 : i32 to vector<16xi32>
    %add3A_2825 = arith.addi %bitcast_convert_type3A_2822, %add3A_2824 : vector<16xi32>
    %shift_right_arithmetic3A_2826 = arith.constant 16 : i32
    %shift_right_arithmetic3A_2827 = vector.broadcast %shift_right_arithmetic3A_2826 : i32 to vector<16xi32>
    %shift_right_arithmetic3A_2828 = arith.shrsi %bitcast_convert_type3A_2822, %shift_right_arithmetic3A_2827 : vector<16xi32>
    %and3A_2829 = arith.constant 1 : i32
    %and3A_2830 = vector.broadcast %and3A_2829 : i32 to vector<16xi32>
    %and3A_2831 = arith.andi %shift_right_arithmetic3A_2828, %and3A_2830 : vector<16xi32>
    %add3A_2832 = arith.addi %add3A_2825, %and3A_2831 : vector<16xi32>
    %and3A_2833 = arith.constant -65536 : i32
    %and3A_2834 = vector.broadcast %and3A_2833 : i32 to vector<16xi32>
    %and3A_2835 = arith.andi %add3A_2832, %and3A_2834 : vector<16xi32>
    %bitcast_convert_type3A_2836 = tpu.bitcast %and3A_2835 : vector<16xi32> -> vector<16xf32>
    %mul3A_2837 = arith.mulf %bitcast_convert_type3A_2836, %bitcast_convert_type3A_2817 : vector<16xf32>
    %add3A_2838 = arith.addf %broadcast_in_dim3A_1555, %mul3A_2837 : vector<16xf32>
    %broadcast_in_dim3A_2839 = arith.constant 0 : i32
    %broadcast_in_dim3A_2840 = vector.broadcast %broadcast_in_dim3A_2839 : i32 to vector<16xi32>
    %lt3A_2841 = arith.constant 0 : i32
    %lt3A_2842 = vector.broadcast %lt3A_2841 : i32 to vector<16xi32>
    %lt3A_2843 = arith.cmpi slt, %broadcast_in_dim3A_2840, %lt3A_2842 : vector<16xi32>
    %add3A_2844 = arith.constant 16 : i32
    %add3A_2845 = vector.broadcast %add3A_2844 : i32 to vector<16xi32>
    %add3A_2846 = arith.addi %broadcast_in_dim3A_2840, %add3A_2845 : vector<16xi32>
    %select_n3A_2847 = arith.select %lt3A_2843, %add3A_2846, %broadcast_in_dim3A_2840 : vector<16xi1>, vector<16xi32>
    %broadcast_in_dim3A_2848 = vector.shape_cast %select_n3A_2847 : vector<16xi32> to vector<16x1xi32>
    %gather3A_2849 = vector.shape_cast %broadcast_in_dim3A_2848 : vector<16x1xi32> to vector<16xi32>
    %gather3A_2850 = tpu.dynamic_gather %bitcast_convert_type3A_2653[%gather3A_2849] in [0] : vector<16xf32>, vector<16xi32> -> vector<16xf32>
    %broadcast_in_dim3A_2851 = arith.constant 0 : i32
    %broadcast_in_dim3A_2852 = vector.broadcast %broadcast_in_dim3A_2851 : i32 to vector<16xi32>
    %lt3A_2853 = arith.constant 0 : i32
    %lt3A_2854 = vector.broadcast %lt3A_2853 : i32 to vector<16xi32>
    %lt3A_2855 = arith.cmpi slt, %broadcast_in_dim3A_2852, %lt3A_2854 : vector<16xi32>
    %add3A_2856 = arith.constant 16 : i32
    %add3A_2857 = vector.broadcast %add3A_2856 : i32 to vector<16xi32>
    %add3A_2858 = arith.addi %broadcast_in_dim3A_2852, %add3A_2857 : vector<16xi32>
    %select_n3A_2859 = arith.select %lt3A_2855, %add3A_2858, %broadcast_in_dim3A_2852 : vector<16xi1>, vector<16xi32>
    %broadcast_in_dim3A_2860 = vector.shape_cast %select_n3A_2859 : vector<16xi32> to vector<16x1xi32>
    %gather3A_2861 = vector.shape_cast %broadcast_in_dim3A_2860 : vector<16x1xi32> to vector<16xi32>
    %gather3A_2862 = tpu.dynamic_gather %bitcast_convert_type3A_2683[%gather3A_2861] in [0] : vector<16xf32>, vector<16xi32> -> vector<16xf32>
    %broadcast_in_dim3A_2863 = arith.constant 0 : i32
    %broadcast_in_dim3A_2864 = vector.broadcast %broadcast_in_dim3A_2863 : i32 to vector<16xi32>
    %lt3A_2865 = arith.constant 0 : i32
    %lt3A_2866 = vector.broadcast %lt3A_2865 : i32 to vector<16xi32>
    %lt3A_2867 = arith.cmpi slt, %broadcast_in_dim3A_2864, %lt3A_2866 : vector<16xi32>
    %add3A_2868 = arith.constant 16 : i32
    %add3A_2869 = vector.broadcast %add3A_2868 : i32 to vector<16xi32>
    %add3A_2870 = arith.addi %broadcast_in_dim3A_2864, %add3A_2869 : vector<16xi32>
    %select_n3A_2871 = arith.select %lt3A_2867, %add3A_2870, %broadcast_in_dim3A_2864 : vector<16xi1>, vector<16xi32>
    %broadcast_in_dim3A_2872 = vector.shape_cast %select_n3A_2871 : vector<16xi32> to vector<16x1xi32>
    %gather3A_2873 = vector.shape_cast %broadcast_in_dim3A_2872 : vector<16x1xi32> to vector<16xi32>
    %gather3A_2874 = tpu.dynamic_gather %bitcast_convert_type3A_2713[%gather3A_2873] in [0] : vector<16xf32>, vector<16xi32> -> vector<16xf32>
    %broadcast_in_dim3A_2875 = arith.constant 0 : i32
    %broadcast_in_dim3A_2876 = vector.broadcast %broadcast_in_dim3A_2875 : i32 to vector<16xi32>
    %lt3A_2877 = arith.constant 0 : i32
    %lt3A_2878 = vector.broadcast %lt3A_2877 : i32 to vector<16xi32>
    %lt3A_2879 = arith.cmpi slt, %broadcast_in_dim3A_2876, %lt3A_2878 : vector<16xi32>
    %add3A_2880 = arith.constant 16 : i32
    %add3A_2881 = vector.broadcast %add3A_2880 : i32 to vector<16xi32>
    %add3A_2882 = arith.addi %broadcast_in_dim3A_2876, %add3A_2881 : vector<16xi32>
    %select_n3A_2883 = arith.select %lt3A_2879, %add3A_2882, %broadcast_in_dim3A_2876 : vector<16xi1>, vector<16xi32>
    %broadcast_in_dim3A_2884 = vector.shape_cast %select_n3A_2883 : vector<16xi32> to vector<16x1xi32>
    %gather3A_2885 = vector.shape_cast %broadcast_in_dim3A_2884 : vector<16x1xi32> to vector<16xi32>
    %gather3A_2886 = tpu.dynamic_gather %bitcast_convert_type3A_2743[%gather3A_2885] in [0] : vector<16xf32>, vector<16xi32> -> vector<16xf32>
    %eq3A_2887 = arith.constant 0 : i32
    %eq3A_2888 = vector.broadcast %eq3A_2887 : i32 to vector<16xi32>
    %eq3A_2889 = arith.cmpi eq, %select_n3A_41, %eq3A_2888 : vector<16xi32>
    %eq3A_2890 = arith.constant 1 : i32
    %eq3A_2891 = vector.broadcast %eq3A_2890 : i32 to vector<16xi32>
    %eq3A_2892 = arith.cmpi eq, %select_n3A_41, %eq3A_2891 : vector<16xi32>
    %eq3A_2893 = arith.constant 2 : i32
    %eq3A_2894 = vector.broadcast %eq3A_2893 : i32 to vector<16xi32>
    %eq3A_2895 = arith.cmpi eq, %select_n3A_41, %eq3A_2894 : vector<16xi32>
    %select_n3A_2896 = arith.select %eq3A_2895, %gather3A_2874, %gather3A_2886 : vector<16xi1>, vector<16xf32>
    %select_n3A_2897 = arith.select %eq3A_2892, %gather3A_2862, %select_n3A_2896 : vector<16xi1>, vector<16xf32>
    %select_n3A_2898 = arith.select %eq3A_2889, %gather3A_2850, %select_n3A_2897 : vector<16xi1>, vector<16xf32>
    %mul3A_2899 = arith.mulf %select_n3A_2898, %bitcast_convert_type3A_2817 : vector<16xf32>
    %add3A_2900 = arith.addf %broadcast_in_dim3A_1555, %mul3A_2899 : vector<16xf32>
    %add3A_2901 = arith.constant 1 : i32
    %add3A_2902 = vector.broadcast %add3A_2901 : i32 to vector<16xi32>
    %add3A_2903 = arith.addi %mul3A_2784, %add3A_2902 : vector<16xi32>
    %gather3A_2904 = tpu.vector_load_idx %arg6[%add3A_2903] : memref<60xf32, #tpu.memory_space<vmem>>[vector<16xi32>], vector<16xf32>,
    %add3A_2905 = arith.constant 1 : i32
    %add3A_2906 = vector.broadcast %add3A_2905 : i32 to vector<16xi32>
    %add3A_2907 = arith.addi %select_n3A_2790, %add3A_2906 : vector<16xi32>
    %gather3A_2908 = tpu.vector_load_idx %arg6[%add3A_2907] : memref<60xf32, #tpu.memory_space<vmem>>[vector<16xi32>], vector<16xf32>,
    %add3A_2909 = arith.addf %gather3A_2904, %gather3A_2908 : vector<16xf32>
    %mul3A_2910 = arith.constant 5.000000e-01 : f32
    %mul3A_2911 = vector.broadcast %mul3A_2910 : f32 to vector<16xf32>
    %mul3A_2912 = arith.mulf %mul3A_2911, %add3A_2909 : vector<16xf32>
    %bitcast_convert_type3A_2913 = tpu.bitcast %mul3A_2912 : vector<16xf32> -> vector<16xi32>
    %add3A_2914 = arith.constant 32767 : i32
    %add3A_2915 = vector.broadcast %add3A_2914 : i32 to vector<16xi32>
    %add3A_2916 = arith.addi %bitcast_convert_type3A_2913, %add3A_2915 : vector<16xi32>
    %shift_right_arithmetic3A_2917 = arith.constant 16 : i32
    %shift_right_arithmetic3A_2918 = vector.broadcast %shift_right_arithmetic3A_2917 : i32 to vector<16xi32>
    %shift_right_arithmetic3A_2919 = arith.shrsi %bitcast_convert_type3A_2913, %shift_right_arithmetic3A_2918 : vector<16xi32>
    %and3A_2920 = arith.constant 1 : i32
    %and3A_2921 = vector.broadcast %and3A_2920 : i32 to vector<16xi32>
    %and3A_2922 = arith.andi %shift_right_arithmetic3A_2919, %and3A_2921 : vector<16xi32>
    %add3A_2923 = arith.addi %add3A_2916, %and3A_2922 : vector<16xi32>
    %and3A_2924 = arith.constant -65536 : i32
    %and3A_2925 = vector.broadcast %and3A_2924 : i32 to vector<16xi32>
    %and3A_2926 = arith.andi %add3A_2923, %and3A_2925 : vector<16xi32>
    %bitcast_convert_type3A_2927 = tpu.bitcast %and3A_2926 : vector<16xi32> -> vector<16xf32>
    %add3A_2928 = arith.constant 1 : i32
    %add3A_2929 = vector.broadcast %add3A_2928 : i32 to vector<16xi32>
    %add3A_2930 = arith.addi %mul3A_2761, %add3A_2929 : vector<16xi32>
    %gather3A_2931 = tpu.vector_load_idx %arg7[%add3A_2930] : memref<60xf32, #tpu.memory_space<vmem>>[vector<16xi32>], vector<16xf32>,
    %bitcast_convert_type3A_2932 = tpu.bitcast %gather3A_2931 : vector<16xf32> -> vector<16xi32>
    %add3A_2933 = arith.constant 32767 : i32
    %add3A_2934 = vector.broadcast %add3A_2933 : i32 to vector<16xi32>
    %add3A_2935 = arith.addi %bitcast_convert_type3A_2932, %add3A_2934 : vector<16xi32>
    %shift_right_arithmetic3A_2936 = arith.constant 16 : i32
    %shift_right_arithmetic3A_2937 = vector.broadcast %shift_right_arithmetic3A_2936 : i32 to vector<16xi32>
    %shift_right_arithmetic3A_2938 = arith.shrsi %bitcast_convert_type3A_2932, %shift_right_arithmetic3A_2937 : vector<16xi32>
    %and3A_2939 = arith.constant 1 : i32
    %and3A_2940 = vector.broadcast %and3A_2939 : i32 to vector<16xi32>
    %and3A_2941 = arith.andi %shift_right_arithmetic3A_2938, %and3A_2940 : vector<16xi32>
    %add3A_2942 = arith.addi %add3A_2935, %and3A_2941 : vector<16xi32>
    %and3A_2943 = arith.constant -65536 : i32
    %and3A_2944 = vector.broadcast %and3A_2943 : i32 to vector<16xi32>
    %and3A_2945 = arith.andi %add3A_2942, %and3A_2944 : vector<16xi32>
    %bitcast_convert_type3A_2946 = tpu.bitcast %and3A_2945 : vector<16xi32> -> vector<16xf32>
    %mul3A_2947 = arith.mulf %bitcast_convert_type3A_2946, %bitcast_convert_type3A_2927 : vector<16xf32>
    %add3A_2948 = arith.addf %add3A_2838, %mul3A_2947 : vector<16xf32>
    %broadcast_in_dim3A_2949 = arith.constant 1 : i32
    %broadcast_in_dim3A_2950 = vector.broadcast %broadcast_in_dim3A_2949 : i32 to vector<16xi32>
    %lt3A_2951 = arith.constant 0 : i32
    %lt3A_2952 = vector.broadcast %lt3A_2951 : i32 to vector<16xi32>
    %lt3A_2953 = arith.cmpi slt, %broadcast_in_dim3A_2950, %lt3A_2952 : vector<16xi32>
    %add3A_2954 = arith.constant 16 : i32
    %add3A_2955 = vector.broadcast %add3A_2954 : i32 to vector<16xi32>
    %add3A_2956 = arith.addi %broadcast_in_dim3A_2950, %add3A_2955 : vector<16xi32>
    %select_n3A_2957 = arith.select %lt3A_2953, %add3A_2956, %broadcast_in_dim3A_2950 : vector<16xi1>, vector<16xi32>
    %broadcast_in_dim3A_2958 = vector.shape_cast %select_n3A_2957 : vector<16xi32> to vector<16x1xi32>
    %gather3A_2959 = vector.shape_cast %broadcast_in_dim3A_2958 : vector<16x1xi32> to vector<16xi32>
    %gather3A_2960 = tpu.dynamic_gather %bitcast_convert_type3A_2653[%gather3A_2959] in [0] : vector<16xf32>, vector<16xi32> -> vector<16xf32>
    %broadcast_in_dim3A_2961 = arith.constant 1 : i32
    %broadcast_in_dim3A_2962 = vector.broadcast %broadcast_in_dim3A_2961 : i32 to vector<16xi32>
    %lt3A_2963 = arith.constant 0 : i32
    %lt3A_2964 = vector.broadcast %lt3A_2963 : i32 to vector<16xi32>
    %lt3A_2965 = arith.cmpi slt, %broadcast_in_dim3A_2962, %lt3A_2964 : vector<16xi32>
    %add3A_2966 = arith.constant 16 : i32
    %add3A_2967 = vector.broadcast %add3A_2966 : i32 to vector<16xi32>
    %add3A_2968 = arith.addi %broadcast_in_dim3A_2962, %add3A_2967 : vector<16xi32>
    %select_n3A_2969 = arith.select %lt3A_2965, %add3A_2968, %broadcast_in_dim3A_2962 : vector<16xi1>, vector<16xi32>
    %broadcast_in_dim3A_2970 = vector.shape_cast %select_n3A_2969 : vector<16xi32> to vector<16x1xi32>
    %gather3A_2971 = vector.shape_cast %broadcast_in_dim3A_2970 : vector<16x1xi32> to vector<16xi32>
    %gather3A_2972 = tpu.dynamic_gather %bitcast_convert_type3A_2683[%gather3A_2971] in [0] : vector<16xf32>, vector<16xi32> -> vector<16xf32>
    %broadcast_in_dim3A_2973 = arith.constant 1 : i32
    %broadcast_in_dim3A_2974 = vector.broadcast %broadcast_in_dim3A_2973 : i32 to vector<16xi32>
    %lt3A_2975 = arith.constant 0 : i32
    %lt3A_2976 = vector.broadcast %lt3A_2975 : i32 to vector<16xi32>
    %lt3A_2977 = arith.cmpi slt, %broadcast_in_dim3A_2974, %lt3A_2976 : vector<16xi32>
    %add3A_2978 = arith.constant 16 : i32
    %add3A_2979 = vector.broadcast %add3A_2978 : i32 to vector<16xi32>
    %add3A_2980 = arith.addi %broadcast_in_dim3A_2974, %add3A_2979 : vector<16xi32>
    %select_n3A_2981 = arith.select %lt3A_2977, %add3A_2980, %broadcast_in_dim3A_2974 : vector<16xi1>, vector<16xi32>
    %broadcast_in_dim3A_2982 = vector.shape_cast %select_n3A_2981 : vector<16xi32> to vector<16x1xi32>
    %gather3A_2983 = vector.shape_cast %broadcast_in_dim3A_2982 : vector<16x1xi32> to vector<16xi32>
    %gather3A_2984 = tpu.dynamic_gather %bitcast_convert_type3A_2713[%gather3A_2983] in [0] : vector<16xf32>, vector<16xi32> -> vector<16xf32>
    %broadcast_in_dim3A_2985 = arith.constant 1 : i32
    %broadcast_in_dim3A_2986 = vector.broadcast %broadcast_in_dim3A_2985 : i32 to vector<16xi32>
    %lt3A_2987 = arith.constant 0 : i32
    %lt3A_2988 = vector.broadcast %lt3A_2987 : i32 to vector<16xi32>
    %lt3A_2989 = arith.cmpi slt, %broadcast_in_dim3A_2986, %lt3A_2988 : vector<16xi32>
    %add3A_2990 = arith.constant 16 : i32
    %add3A_2991 = vector.broadcast %add3A_2990 : i32 to vector<16xi32>
    %add3A_2992 = arith.addi %broadcast_in_dim3A_2986, %add3A_2991 : vector<16xi32>
    %select_n3A_2993 = arith.select %lt3A_2989, %add3A_2992, %broadcast_in_dim3A_2986 : vector<16xi1>, vector<16xi32>
    %broadcast_in_dim3A_2994 = vector.shape_cast %select_n3A_2993 : vector<16xi32> to vector<16x1xi32>
    %gather3A_2995 = vector.shape_cast %broadcast_in_dim3A_2994 : vector<16x1xi32> to vector<16xi32>
    %gather3A_2996 = tpu.dynamic_gather %bitcast_convert_type3A_2743[%gather3A_2995] in [0] : vector<16xf32>, vector<16xi32> -> vector<16xf32>
    %eq3A_2997 = arith.constant 0 : i32
    %eq3A_2998 = vector.broadcast %eq3A_2997 : i32 to vector<16xi32>
    %eq3A_2999 = arith.cmpi eq, %select_n3A_41, %eq3A_2998 : vector<16xi32>
    %eq3A_3000 = arith.constant 1 : i32
    %eq3A_3001 = vector.broadcast %eq3A_3000 : i32 to vector<16xi32>
    %eq3A_3002 = arith.cmpi eq, %select_n3A_41, %eq3A_3001 : vector<16xi32>
    %eq3A_3003 = arith.constant 2 : i32
    %eq3A_3004 = vector.broadcast %eq3A_3003 : i32 to vector<16xi32>
    %eq3A_3005 = arith.cmpi eq, %select_n3A_41, %eq3A_3004 : vector<16xi32>
    %select_n3A_3006 = arith.select %eq3A_3005, %gather3A_2984, %gather3A_2996 : vector<16xi1>, vector<16xf32>
    %select_n3A_3007 = arith.select %eq3A_3002, %gather3A_2972, %select_n3A_3006 : vector<16xi1>, vector<16xf32>
    %select_n3A_3008 = arith.select %eq3A_2999, %gather3A_2960, %select_n3A_3007 : vector<16xi1>, vector<16xf32>
    %mul3A_3009 = arith.mulf %select_n3A_3008, %bitcast_convert_type3A_2927 : vector<16xf32>
    %add3A_3010 = arith.addf %add3A_2900, %mul3A_3009 : vector<16xf32>
    %add3A_3011 = arith.constant 2 : i32
    %add3A_3012 = vector.broadcast %add3A_3011 : i32 to vector<16xi32>
    %add3A_3013 = arith.addi %mul3A_2784, %add3A_3012 : vector<16xi32>
    %gather3A_3014 = tpu.vector_load_idx %arg6[%add3A_3013] : memref<60xf32, #tpu.memory_space<vmem>>[vector<16xi32>], vector<16xf32>,
    %add3A_3015 = arith.constant 2 : i32
    %add3A_3016 = vector.broadcast %add3A_3015 : i32 to vector<16xi32>
    %add3A_3017 = arith.addi %select_n3A_2790, %add3A_3016 : vector<16xi32>
    %gather3A_3018 = tpu.vector_load_idx %arg6[%add3A_3017] : memref<60xf32, #tpu.memory_space<vmem>>[vector<16xi32>], vector<16xf32>,
    %add3A_3019 = arith.addf %gather3A_3014, %gather3A_3018 : vector<16xf32>
    %mul3A_3020 = arith.constant 5.000000e-01 : f32
    %mul3A_3021 = vector.broadcast %mul3A_3020 : f32 to vector<16xf32>
    %mul3A_3022 = arith.mulf %mul3A_3021, %add3A_3019 : vector<16xf32>
    %bitcast_convert_type3A_3023 = tpu.bitcast %mul3A_3022 : vector<16xf32> -> vector<16xi32>
    %add3A_3024 = arith.constant 32767 : i32
    %add3A_3025 = vector.broadcast %add3A_3024 : i32 to vector<16xi32>
    %add3A_3026 = arith.addi %bitcast_convert_type3A_3023, %add3A_3025 : vector<16xi32>
    %shift_right_arithmetic3A_3027 = arith.constant 16 : i32
    %shift_right_arithmetic3A_3028 = vector.broadcast %shift_right_arithmetic3A_3027 : i32 to vector<16xi32>
    %shift_right_arithmetic3A_3029 = arith.shrsi %bitcast_convert_type3A_3023, %shift_right_arithmetic3A_3028 : vector<16xi32>
    %and3A_3030 = arith.constant 1 : i32
    %and3A_3031 = vector.broadcast %and3A_3030 : i32 to vector<16xi32>
    %and3A_3032 = arith.andi %shift_right_arithmetic3A_3029, %and3A_3031 : vector<16xi32>
    %add3A_3033 = arith.addi %add3A_3026, %and3A_3032 : vector<16xi32>
    %and3A_3034 = arith.constant -65536 : i32
    %and3A_3035 = vector.broadcast %and3A_3034 : i32 to vector<16xi32>
    %and3A_3036 = arith.andi %add3A_3033, %and3A_3035 : vector<16xi32>
    %bitcast_convert_type3A_3037 = tpu.bitcast %and3A_3036 : vector<16xi32> -> vector<16xf32>
    %add3A_3038 = arith.constant 2 : i32
    %add3A_3039 = vector.broadcast %add3A_3038 : i32 to vector<16xi32>
    %add3A_3040 = arith.addi %mul3A_2761, %add3A_3039 : vector<16xi32>
    %gather3A_3041 = tpu.vector_load_idx %arg7[%add3A_3040] : memref<60xf32, #tpu.memory_space<vmem>>[vector<16xi32>], vector<16xf32>,
    %bitcast_convert_type3A_3042 = tpu.bitcast %gather3A_3041 : vector<16xf32> -> vector<16xi32>
    %add3A_3043 = arith.constant 32767 : i32
    %add3A_3044 = vector.broadcast %add3A_3043 : i32 to vector<16xi32>
    %add3A_3045 = arith.addi %bitcast_convert_type3A_3042, %add3A_3044 : vector<16xi32>
    %shift_right_arithmetic3A_3046 = arith.constant 16 : i32
    %shift_right_arithmetic3A_3047 = vector.broadcast %shift_right_arithmetic3A_3046 : i32 to vector<16xi32>
    %shift_right_arithmetic3A_3048 = arith.shrsi %bitcast_convert_type3A_3042, %shift_right_arithmetic3A_3047 : vector<16xi32>
    %and3A_3049 = arith.constant 1 : i32
    %and3A_3050 = vector.broadcast %and3A_3049 : i32 to vector<16xi32>
    %and3A_3051 = arith.andi %shift_right_arithmetic3A_3048, %and3A_3050 : vector<16xi32>
    %add3A_3052 = arith.addi %add3A_3045, %and3A_3051 : vector<16xi32>
    %and3A_3053 = arith.constant -65536 : i32
    %and3A_3054 = vector.broadcast %and3A_3053 : i32 to vector<16xi32>
    %and3A_3055 = arith.andi %add3A_3052, %and3A_3054 : vector<16xi32>
    %bitcast_convert_type3A_3056 = tpu.bitcast %and3A_3055 : vector<16xi32> -> vector<16xf32>
    %mul3A_3057 = arith.mulf %bitcast_convert_type3A_3056, %bitcast_convert_type3A_3037 : vector<16xf32>
    %add3A_3058 = arith.addf %add3A_2948, %mul3A_3057 : vector<16xf32>
    %broadcast_in_dim3A_3059 = arith.constant 2 : i32
    %broadcast_in_dim3A_3060 = vector.broadcast %broadcast_in_dim3A_3059 : i32 to vector<16xi32>
    %lt3A_3061 = arith.constant 0 : i32
    %lt3A_3062 = vector.broadcast %lt3A_3061 : i32 to vector<16xi32>
    %lt3A_3063 = arith.cmpi slt, %broadcast_in_dim3A_3060, %lt3A_3062 : vector<16xi32>
    %add3A_3064 = arith.constant 16 : i32
    %add3A_3065 = vector.broadcast %add3A_3064 : i32 to vector<16xi32>
    %add3A_3066 = arith.addi %broadcast_in_dim3A_3060, %add3A_3065 : vector<16xi32>
    %select_n3A_3067 = arith.select %lt3A_3063, %add3A_3066, %broadcast_in_dim3A_3060 : vector<16xi1>, vector<16xi32>
    %broadcast_in_dim3A_3068 = vector.shape_cast %select_n3A_3067 : vector<16xi32> to vector<16x1xi32>
    %gather3A_3069 = vector.shape_cast %broadcast_in_dim3A_3068 : vector<16x1xi32> to vector<16xi32>
    %gather3A_3070 = tpu.dynamic_gather %bitcast_convert_type3A_2653[%gather3A_3069] in [0] : vector<16xf32>, vector<16xi32> -> vector<16xf32>
    %broadcast_in_dim3A_3071 = arith.constant 2 : i32
    %broadcast_in_dim3A_3072 = vector.broadcast %broadcast_in_dim3A_3071 : i32 to vector<16xi32>
    %lt3A_3073 = arith.constant 0 : i32
    %lt3A_3074 = vector.broadcast %lt3A_3073 : i32 to vector<16xi32>
    %lt3A_3075 = arith.cmpi slt, %broadcast_in_dim3A_3072, %lt3A_3074 : vector<16xi32>
    %add3A_3076 = arith.constant 16 : i32
    %add3A_3077 = vector.broadcast %add3A_3076 : i32 to vector<16xi32>
    %add3A_3078 = arith.addi %broadcast_in_dim3A_3072, %add3A_3077 : vector<16xi32>
    %select_n3A_3079 = arith.select %lt3A_3075, %add3A_3078, %broadcast_in_dim3A_3072 : vector<16xi1>, vector<16xi32>
    %broadcast_in_dim3A_3080 = vector.shape_cast %select_n3A_3079 : vector<16xi32> to vector<16x1xi32>
    %gather3A_3081 = vector.shape_cast %broadcast_in_dim3A_3080 : vector<16x1xi32> to vector<16xi32>
    %gather3A_3082 = tpu.dynamic_gather %bitcast_convert_type3A_2683[%gather3A_3081] in [0] : vector<16xf32>, vector<16xi32> -> vector<16xf32>
    %broadcast_in_dim3A_3083 = arith.constant 2 : i32
    %broadcast_in_dim3A_3084 = vector.broadcast %broadcast_in_dim3A_3083 : i32 to vector<16xi32>
    %lt3A_3085 = arith.constant 0 : i32
    %lt3A_3086 = vector.broadcast %lt3A_3085 : i32 to vector<16xi32>
    %lt3A_3087 = arith.cmpi slt, %broadcast_in_dim3A_3084, %lt3A_3086 : vector<16xi32>
    %add3A_3088 = arith.constant 16 : i32
    %add3A_3089 = vector.broadcast %add3A_3088 : i32 to vector<16xi32>
    %add3A_3090 = arith.addi %broadcast_in_dim3A_3084, %add3A_3089 : vector<16xi32>
    %select_n3A_3091 = arith.select %lt3A_3087, %add3A_3090, %broadcast_in_dim3A_3084 : vector<16xi1>, vector<16xi32>
    %broadcast_in_dim3A_3092 = vector.shape_cast %select_n3A_3091 : vector<16xi32> to vector<16x1xi32>
    %gather3A_3093 = vector.shape_cast %broadcast_in_dim3A_3092 : vector<16x1xi32> to vector<16xi32>
    %gather3A_3094 = tpu.dynamic_gather %bitcast_convert_type3A_2713[%gather3A_3093] in [0] : vector<16xf32>, vector<16xi32> -> vector<16xf32>
    %broadcast_in_dim3A_3095 = arith.constant 2 : i32
    %broadcast_in_dim3A_3096 = vector.broadcast %broadcast_in_dim3A_3095 : i32 to vector<16xi32>
    %lt3A_3097 = arith.constant 0 : i32
    %lt3A_3098 = vector.broadcast %lt3A_3097 : i32 to vector<16xi32>
    %lt3A_3099 = arith.cmpi slt, %broadcast_in_dim3A_3096, %lt3A_3098 : vector<16xi32>
    %add3A_3100 = arith.constant 16 : i32
    %add3A_3101 = vector.broadcast %add3A_3100 : i32 to vector<16xi32>
    %add3A_3102 = arith.addi %broadcast_in_dim3A_3096, %add3A_3101 : vector<16xi32>
    %select_n3A_3103 = arith.select %lt3A_3099, %add3A_3102, %broadcast_in_dim3A_3096 : vector<16xi1>, vector<16xi32>
    %broadcast_in_dim3A_3104 = vector.shape_cast %select_n3A_3103 : vector<16xi32> to vector<16x1xi32>
    %gather3A_3105 = vector.shape_cast %broadcast_in_dim3A_3104 : vector<16x1xi32> to vector<16xi32>
    %gather3A_3106 = tpu.dynamic_gather %bitcast_convert_type3A_2743[%gather3A_3105] in [0] : vector<16xf32>, vector<16xi32> -> vector<16xf32>
    %eq3A_3107 = arith.constant 0 : i32
    %eq3A_3108 = vector.broadcast %eq3A_3107 : i32 to vector<16xi32>
    %eq3A_3109 = arith.cmpi eq, %select_n3A_41, %eq3A_3108 : vector<16xi32>
    %eq3A_3110 = arith.constant 1 : i32
    %eq3A_3111 = vector.broadcast %eq3A_3110 : i32 to vector<16xi32>
    %eq3A_3112 = arith.cmpi eq, %select_n3A_41, %eq3A_3111 : vector<16xi32>
    %eq3A_3113 = arith.constant 2 : i32
    %eq3A_3114 = vector.broadcast %eq3A_3113 : i32 to vector<16xi32>
    %eq3A_3115 = arith.cmpi eq, %select_n3A_41, %eq3A_3114 : vector<16xi32>
    %select_n3A_3116 = arith.select %eq3A_3115, %gather3A_3094, %gather3A_3106 : vector<16xi1>, vector<16xf32>
    %select_n3A_3117 = arith.select %eq3A_3112, %gather3A_3082, %select_n3A_3116 : vector<16xi1>, vector<16xf32>
    %select_n3A_3118 = arith.select %eq3A_3109, %gather3A_3070, %select_n3A_3117 : vector<16xi1>, vector<16xf32>
    %mul3A_3119 = arith.mulf %select_n3A_3118, %bitcast_convert_type3A_3037 : vector<16xf32>
    %add3A_3120 = arith.addf %add3A_3010, %mul3A_3119 : vector<16xf32>
    %add3A_3121 = arith.constant 3 : i32
    %add3A_3122 = vector.broadcast %add3A_3121 : i32 to vector<16xi32>
    %add3A_3123 = arith.addi %mul3A_2784, %add3A_3122 : vector<16xi32>
    %gather3A_3124 = tpu.vector_load_idx %arg6[%add3A_3123] : memref<60xf32, #tpu.memory_space<vmem>>[vector<16xi32>], vector<16xf32>,
    %add3A_3125 = arith.constant 3 : i32
    %add3A_3126 = vector.broadcast %add3A_3125 : i32 to vector<16xi32>
    %add3A_3127 = arith.addi %select_n3A_2790, %add3A_3126 : vector<16xi32>
    %gather3A_3128 = tpu.vector_load_idx %arg6[%add3A_3127] : memref<60xf32, #tpu.memory_space<vmem>>[vector<16xi32>], vector<16xf32>,
    %add3A_3129 = arith.addf %gather3A_3124, %gather3A_3128 : vector<16xf32>
    %mul3A_3130 = arith.constant 5.000000e-01 : f32
    %mul3A_3131 = vector.broadcast %mul3A_3130 : f32 to vector<16xf32>
    %mul3A_3132 = arith.mulf %mul3A_3131, %add3A_3129 : vector<16xf32>
    %bitcast_convert_type3A_3133 = tpu.bitcast %mul3A_3132 : vector<16xf32> -> vector<16xi32>
    %add3A_3134 = arith.constant 32767 : i32
    %add3A_3135 = vector.broadcast %add3A_3134 : i32 to vector<16xi32>
    %add3A_3136 = arith.addi %bitcast_convert_type3A_3133, %add3A_3135 : vector<16xi32>
    %shift_right_arithmetic3A_3137 = arith.constant 16 : i32
    %shift_right_arithmetic3A_3138 = vector.broadcast %shift_right_arithmetic3A_3137 : i32 to vector<16xi32>
    %shift_right_arithmetic3A_3139 = arith.shrsi %bitcast_convert_type3A_3133, %shift_right_arithmetic3A_3138 : vector<16xi32>
    %and3A_3140 = arith.constant 1 : i32
    %and3A_3141 = vector.broadcast %and3A_3140 : i32 to vector<16xi32>
    %and3A_3142 = arith.andi %shift_right_arithmetic3A_3139, %and3A_3141 : vector<16xi32>
    %add3A_3143 = arith.addi %add3A_3136, %and3A_3142 : vector<16xi32>
    %and3A_3144 = arith.constant -65536 : i32
    %and3A_3145 = vector.broadcast %and3A_3144 : i32 to vector<16xi32>
    %and3A_3146 = arith.andi %add3A_3143, %and3A_3145 : vector<16xi32>
    %bitcast_convert_type3A_3147 = tpu.bitcast %and3A_3146 : vector<16xi32> -> vector<16xf32>
    %add3A_3148 = arith.constant 3 : i32
    %add3A_3149 = vector.broadcast %add3A_3148 : i32 to vector<16xi32>
    %add3A_3150 = arith.addi %mul3A_2761, %add3A_3149 : vector<16xi32>
    %gather3A_3151 = tpu.vector_load_idx %arg7[%add3A_3150] : memref<60xf32, #tpu.memory_space<vmem>>[vector<16xi32>], vector<16xf32>,
    %bitcast_convert_type3A_3152 = tpu.bitcast %gather3A_3151 : vector<16xf32> -> vector<16xi32>
    %add3A_3153 = arith.constant 32767 : i32
    %add3A_3154 = vector.broadcast %add3A_3153 : i32 to vector<16xi32>
    %add3A_3155 = arith.addi %bitcast_convert_type3A_3152, %add3A_3154 : vector<16xi32>
    %shift_right_arithmetic3A_3156 = arith.constant 16 : i32
    %shift_right_arithmetic3A_3157 = vector.broadcast %shift_right_arithmetic3A_3156 : i32 to vector<16xi32>
    %shift_right_arithmetic3A_3158 = arith.shrsi %bitcast_convert_type3A_3152, %shift_right_arithmetic3A_3157 : vector<16xi32>
    %and3A_3159 = arith.constant 1 : i32
    %and3A_3160 = vector.broadcast %and3A_3159 : i32 to vector<16xi32>
    %and3A_3161 = arith.andi %shift_right_arithmetic3A_3158, %and3A_3160 : vector<16xi32>
    %add3A_3162 = arith.addi %add3A_3155, %and3A_3161 : vector<16xi32>
    %and3A_3163 = arith.constant -65536 : i32
    %and3A_3164 = vector.broadcast %and3A_3163 : i32 to vector<16xi32>
    %and3A_3165 = arith.andi %add3A_3162, %and3A_3164 : vector<16xi32>
    %bitcast_convert_type3A_3166 = tpu.bitcast %and3A_3165 : vector<16xi32> -> vector<16xf32>
    %mul3A_3167 = arith.mulf %bitcast_convert_type3A_3166, %bitcast_convert_type3A_3147 : vector<16xf32>
    %add3A_3168 = arith.addf %add3A_3058, %mul3A_3167 : vector<16xf32>
    %broadcast_in_dim3A_3169 = arith.constant 3 : i32
    %broadcast_in_dim3A_3170 = vector.broadcast %broadcast_in_dim3A_3169 : i32 to vector<16xi32>
    %lt3A_3171 = arith.constant 0 : i32
    %lt3A_3172 = vector.broadcast %lt3A_3171 : i32 to vector<16xi32>
    %lt3A_3173 = arith.cmpi slt, %broadcast_in_dim3A_3170, %lt3A_3172 : vector<16xi32>
    %add3A_3174 = arith.constant 16 : i32
    %add3A_3175 = vector.broadcast %add3A_3174 : i32 to vector<16xi32>
    %add3A_3176 = arith.addi %broadcast_in_dim3A_3170, %add3A_3175 : vector<16xi32>
    %select_n3A_3177 = arith.select %lt3A_3173, %add3A_3176, %broadcast_in_dim3A_3170 : vector<16xi1>, vector<16xi32>
    %broadcast_in_dim3A_3178 = vector.shape_cast %select_n3A_3177 : vector<16xi32> to vector<16x1xi32>
    %gather3A_3179 = vector.shape_cast %broadcast_in_dim3A_3178 : vector<16x1xi32> to vector<16xi32>
    %gather3A_3180 = tpu.dynamic_gather %bitcast_convert_type3A_2653[%gather3A_3179] in [0] : vector<16xf32>, vector<16xi32> -> vector<16xf32>
    %broadcast_in_dim3A_3181 = arith.constant 3 : i32
    %broadcast_in_dim3A_3182 = vector.broadcast %broadcast_in_dim3A_3181 : i32 to vector<16xi32>
    %lt3A_3183 = arith.constant 0 : i32
    %lt3A_3184 = vector.broadcast %lt3A_3183 : i32 to vector<16xi32>
    %lt3A_3185 = arith.cmpi slt, %broadcast_in_dim3A_3182, %lt3A_3184 : vector<16xi32>
    %add3A_3186 = arith.constant 16 : i32
    %add3A_3187 = vector.broadcast %add3A_3186 : i32 to vector<16xi32>
    %add3A_3188 = arith.addi %broadcast_in_dim3A_3182, %add3A_3187 : vector<16xi32>
    %select_n3A_3189 = arith.select %lt3A_3185, %add3A_3188, %broadcast_in_dim3A_3182 : vector<16xi1>, vector<16xi32>
    %broadcast_in_dim3A_3190 = vector.shape_cast %select_n3A_3189 : vector<16xi32> to vector<16x1xi32>
    %gather3A_3191 = vector.shape_cast %broadcast_in_dim3A_3190 : vector<16x1xi32> to vector<16xi32>
    %gather3A_3192 = tpu.dynamic_gather %bitcast_convert_type3A_2683[%gather3A_3191] in [0] : vector<16xf32>, vector<16xi32> -> vector<16xf32>
    %broadcast_in_dim3A_3193 = arith.constant 3 : i32
    %broadcast_in_dim3A_3194 = vector.broadcast %broadcast_in_dim3A_3193 : i32 to vector<16xi32>
    %lt3A_3195 = arith.constant 0 : i32
    %lt3A_3196 = vector.broadcast %lt3A_3195 : i32 to vector<16xi32>
    %lt3A_3197 = arith.cmpi slt, %broadcast_in_dim3A_3194, %lt3A_3196 : vector<16xi32>
    %add3A_3198 = arith.constant 16 : i32
    %add3A_3199 = vector.broadcast %add3A_3198 : i32 to vector<16xi32>
    %add3A_3200 = arith.addi %broadcast_in_dim3A_3194, %add3A_3199 : vector<16xi32>
    %select_n3A_3201 = arith.select %lt3A_3197, %add3A_3200, %broadcast_in_dim3A_3194 : vector<16xi1>, vector<16xi32>
    %broadcast_in_dim3A_3202 = vector.shape_cast %select_n3A_3201 : vector<16xi32> to vector<16x1xi32>
    %gather3A_3203 = vector.shape_cast %broadcast_in_dim3A_3202 : vector<16x1xi32> to vector<16xi32>
    %gather3A_3204 = tpu.dynamic_gather %bitcast_convert_type3A_2713[%gather3A_3203] in [0] : vector<16xf32>, vector<16xi32> -> vector<16xf32>
    %broadcast_in_dim3A_3205 = arith.constant 3 : i32
    %broadcast_in_dim3A_3206 = vector.broadcast %broadcast_in_dim3A_3205 : i32 to vector<16xi32>
    %lt3A_3207 = arith.constant 0 : i32
    %lt3A_3208 = vector.broadcast %lt3A_3207 : i32 to vector<16xi32>
    %lt3A_3209 = arith.cmpi slt, %broadcast_in_dim3A_3206, %lt3A_3208 : vector<16xi32>
    %add3A_3210 = arith.constant 16 : i32
    %add3A_3211 = vector.broadcast %add3A_3210 : i32 to vector<16xi32>
    %add3A_3212 = arith.addi %broadcast_in_dim3A_3206, %add3A_3211 : vector<16xi32>
    %select_n3A_3213 = arith.select %lt3A_3209, %add3A_3212, %broadcast_in_dim3A_3206 : vector<16xi1>, vector<16xi32>
    %broadcast_in_dim3A_3214 = vector.shape_cast %select_n3A_3213 : vector<16xi32> to vector<16x1xi32>
    %gather3A_3215 = vector.shape_cast %broadcast_in_dim3A_3214 : vector<16x1xi32> to vector<16xi32>
    %gather3A_3216 = tpu.dynamic_gather %bitcast_convert_type3A_2743[%gather3A_3215] in [0] : vector<16xf32>, vector<16xi32> -> vector<16xf32>
    %eq3A_3217 = arith.constant 0 : i32
    %eq3A_3218 = vector.broadcast %eq3A_3217 : i32 to vector<16xi32>
    %eq3A_3219 = arith.cmpi eq, %select_n3A_41, %eq3A_3218 : vector<16xi32>
    %eq3A_3220 = arith.constant 1 : i32
    %eq3A_3221 = vector.broadcast %eq3A_3220 : i32 to vector<16xi32>
    %eq3A_3222 = arith.cmpi eq, %select_n3A_41, %eq3A_3221 : vector<16xi32>
    %eq3A_3223 = arith.constant 2 : i32
    %eq3A_3224 = vector.broadcast %eq3A_3223 : i32 to vector<16xi32>
    %eq3A_3225 = arith.cmpi eq, %select_n3A_41, %eq3A_3224 : vector<16xi32>
    %select_n3A_3226 = arith.select %eq3A_3225, %gather3A_3204, %gather3A_3216 : vector<16xi1>, vector<16xf32>
    %select_n3A_3227 = arith.select %eq3A_3222, %gather3A_3192, %select_n3A_3226 : vector<16xi1>, vector<16xf32>
    %select_n3A_3228 = arith.select %eq3A_3219, %gather3A_3180, %select_n3A_3227 : vector<16xi1>, vector<16xf32>
    %mul3A_3229 = arith.mulf %select_n3A_3228, %bitcast_convert_type3A_3147 : vector<16xf32>
    %add3A_3230 = arith.addf %add3A_3120, %mul3A_3229 : vector<16xf32>
    %add3A_3231 = arith.constant 4 : i32
    %add3A_3232 = vector.broadcast %add3A_3231 : i32 to vector<16xi32>
    %add3A_3233 = arith.addi %mul3A_2784, %add3A_3232 : vector<16xi32>
    %gather3A_3234 = tpu.vector_load_idx %arg6[%add3A_3233] : memref<60xf32, #tpu.memory_space<vmem>>[vector<16xi32>], vector<16xf32>,
    %add3A_3235 = arith.constant 4 : i32
    %add3A_3236 = vector.broadcast %add3A_3235 : i32 to vector<16xi32>
    %add3A_3237 = arith.addi %select_n3A_2790, %add3A_3236 : vector<16xi32>
    %gather3A_3238 = tpu.vector_load_idx %arg6[%add3A_3237] : memref<60xf32, #tpu.memory_space<vmem>>[vector<16xi32>], vector<16xf32>,
    %add3A_3239 = arith.addf %gather3A_3234, %gather3A_3238 : vector<16xf32>
    %mul3A_3240 = arith.constant 5.000000e-01 : f32
    %mul3A_3241 = vector.broadcast %mul3A_3240 : f32 to vector<16xf32>
    %mul3A_3242 = arith.mulf %mul3A_3241, %add3A_3239 : vector<16xf32>
    %bitcast_convert_type3A_3243 = tpu.bitcast %mul3A_3242 : vector<16xf32> -> vector<16xi32>
    %add3A_3244 = arith.constant 32767 : i32
    %add3A_3245 = vector.broadcast %add3A_3244 : i32 to vector<16xi32>
    %add3A_3246 = arith.addi %bitcast_convert_type3A_3243, %add3A_3245 : vector<16xi32>
    %shift_right_arithmetic3A_3247 = arith.constant 16 : i32
    %shift_right_arithmetic3A_3248 = vector.broadcast %shift_right_arithmetic3A_3247 : i32 to vector<16xi32>
    %shift_right_arithmetic3A_3249 = arith.shrsi %bitcast_convert_type3A_3243, %shift_right_arithmetic3A_3248 : vector<16xi32>
    %and3A_3250 = arith.constant 1 : i32
    %and3A_3251 = vector.broadcast %and3A_3250 : i32 to vector<16xi32>
    %and3A_3252 = arith.andi %shift_right_arithmetic3A_3249, %and3A_3251 : vector<16xi32>
    %add3A_3253 = arith.addi %add3A_3246, %and3A_3252 : vector<16xi32>
    %and3A_3254 = arith.constant -65536 : i32
    %and3A_3255 = vector.broadcast %and3A_3254 : i32 to vector<16xi32>
    %and3A_3256 = arith.andi %add3A_3253, %and3A_3255 : vector<16xi32>
    %bitcast_convert_type3A_3257 = tpu.bitcast %and3A_3256 : vector<16xi32> -> vector<16xf32>
    %add3A_3258 = arith.constant 4 : i32
    %add3A_3259 = vector.broadcast %add3A_3258 : i32 to vector<16xi32>
    %add3A_3260 = arith.addi %mul3A_2761, %add3A_3259 : vector<16xi32>
    %gather3A_3261 = tpu.vector_load_idx %arg7[%add3A_3260] : memref<60xf32, #tpu.memory_space<vmem>>[vector<16xi32>], vector<16xf32>,
    %bitcast_convert_type3A_3262 = tpu.bitcast %gather3A_3261 : vector<16xf32> -> vector<16xi32>
    %add3A_3263 = arith.constant 32767 : i32
    %add3A_3264 = vector.broadcast %add3A_3263 : i32 to vector<16xi32>
    %add3A_3265 = arith.addi %bitcast_convert_type3A_3262, %add3A_3264 : vector<16xi32>
    %shift_right_arithmetic3A_3266 = arith.constant 16 : i32
    %shift_right_arithmetic3A_3267 = vector.broadcast %shift_right_arithmetic3A_3266 : i32 to vector<16xi32>
    %shift_right_arithmetic3A_3268 = arith.shrsi %bitcast_convert_type3A_3262, %shift_right_arithmetic3A_3267 : vector<16xi32>
    %and3A_3269 = arith.constant 1 : i32
    %and3A_3270 = vector.broadcast %and3A_3269 : i32 to vector<16xi32>
    %and3A_3271 = arith.andi %shift_right_arithmetic3A_3268, %and3A_3270 : vector<16xi32>
    %add3A_3272 = arith.addi %add3A_3265, %and3A_3271 : vector<16xi32>
    %and3A_3273 = arith.constant -65536 : i32
    %and3A_3274 = vector.broadcast %and3A_3273 : i32 to vector<16xi32>
    %and3A_3275 = arith.andi %add3A_3272, %and3A_3274 : vector<16xi32>
    %bitcast_convert_type3A_3276 = tpu.bitcast %and3A_3275 : vector<16xi32> -> vector<16xf32>
    %mul3A_3277 = arith.mulf %bitcast_convert_type3A_3276, %bitcast_convert_type3A_3257 : vector<16xf32>
    %add3A_3278 = arith.addf %add3A_3168, %mul3A_3277 : vector<16xf32>
    %broadcast_in_dim3A_3279 = arith.constant 4 : i32
    %broadcast_in_dim3A_3280 = vector.broadcast %broadcast_in_dim3A_3279 : i32 to vector<16xi32>
    %lt3A_3281 = arith.constant 0 : i32
    %lt3A_3282 = vector.broadcast %lt3A_3281 : i32 to vector<16xi32>
    %lt3A_3283 = arith.cmpi slt, %broadcast_in_dim3A_3280, %lt3A_3282 : vector<16xi32>
    %add3A_3284 = arith.constant 16 : i32
    %add3A_3285 = vector.broadcast %add3A_3284 : i32 to vector<16xi32>
    %add3A_3286 = arith.addi %broadcast_in_dim3A_3280, %add3A_3285 : vector<16xi32>
    %select_n3A_3287 = arith.select %lt3A_3283, %add3A_3286, %broadcast_in_dim3A_3280 : vector<16xi1>, vector<16xi32>
    %broadcast_in_dim3A_3288 = vector.shape_cast %select_n3A_3287 : vector<16xi32> to vector<16x1xi32>
    %gather3A_3289 = vector.shape_cast %broadcast_in_dim3A_3288 : vector<16x1xi32> to vector<16xi32>
    %gather3A_3290 = tpu.dynamic_gather %bitcast_convert_type3A_2653[%gather3A_3289] in [0] : vector<16xf32>, vector<16xi32> -> vector<16xf32>
    %broadcast_in_dim3A_3291 = arith.constant 4 : i32
    %broadcast_in_dim3A_3292 = vector.broadcast %broadcast_in_dim3A_3291 : i32 to vector<16xi32>
    %lt3A_3293 = arith.constant 0 : i32
    %lt3A_3294 = vector.broadcast %lt3A_3293 : i32 to vector<16xi32>
    %lt3A_3295 = arith.cmpi slt, %broadcast_in_dim3A_3292, %lt3A_3294 : vector<16xi32>
    %add3A_3296 = arith.constant 16 : i32
    %add3A_3297 = vector.broadcast %add3A_3296 : i32 to vector<16xi32>
    %add3A_3298 = arith.addi %broadcast_in_dim3A_3292, %add3A_3297 : vector<16xi32>
    %select_n3A_3299 = arith.select %lt3A_3295, %add3A_3298, %broadcast_in_dim3A_3292 : vector<16xi1>, vector<16xi32>
    %broadcast_in_dim3A_3300 = vector.shape_cast %select_n3A_3299 : vector<16xi32> to vector<16x1xi32>
    %gather3A_3301 = vector.shape_cast %broadcast_in_dim3A_3300 : vector<16x1xi32> to vector<16xi32>
    %gather3A_3302 = tpu.dynamic_gather %bitcast_convert_type3A_2683[%gather3A_3301] in [0] : vector<16xf32>, vector<16xi32> -> vector<16xf32>
    %broadcast_in_dim3A_3303 = arith.constant 4 : i32
    %broadcast_in_dim3A_3304 = vector.broadcast %broadcast_in_dim3A_3303 : i32 to vector<16xi32>
    %lt3A_3305 = arith.constant 0 : i32
    %lt3A_3306 = vector.broadcast %lt3A_3305 : i32 to vector<16xi32>
    %lt3A_3307 = arith.cmpi slt, %broadcast_in_dim3A_3304, %lt3A_3306 : vector<16xi32>
    %add3A_3308 = arith.constant 16 : i32
    %add3A_3309 = vector.broadcast %add3A_3308 : i32 to vector<16xi32>
    %add3A_3310 = arith.addi %broadcast_in_dim3A_3304, %add3A_3309 : vector<16xi32>
    %select_n3A_3311 = arith.select %lt3A_3307, %add3A_3310, %broadcast_in_dim3A_3304 : vector<16xi1>, vector<16xi32>
    %broadcast_in_dim3A_3312 = vector.shape_cast %select_n3A_3311 : vector<16xi32> to vector<16x1xi32>
    %gather3A_3313 = vector.shape_cast %broadcast_in_dim3A_3312 : vector<16x1xi32> to vector<16xi32>
    %gather3A_3314 = tpu.dynamic_gather %bitcast_convert_type3A_2713[%gather3A_3313] in [0] : vector<16xf32>, vector<16xi32> -> vector<16xf32>
    %broadcast_in_dim3A_3315 = arith.constant 4 : i32
    %broadcast_in_dim3A_3316 = vector.broadcast %broadcast_in_dim3A_3315 : i32 to vector<16xi32>
    %lt3A_3317 = arith.constant 0 : i32
    %lt3A_3318 = vector.broadcast %lt3A_3317 : i32 to vector<16xi32>
    %lt3A_3319 = arith.cmpi slt, %broadcast_in_dim3A_3316, %lt3A_3318 : vector<16xi32>
    %add3A_3320 = arith.constant 16 : i32
    %add3A_3321 = vector.broadcast %add3A_3320 : i32 to vector<16xi32>
    %add3A_3322 = arith.addi %broadcast_in_dim3A_3316, %add3A_3321 : vector<16xi32>
    %select_n3A_3323 = arith.select %lt3A_3319, %add3A_3322, %broadcast_in_dim3A_3316 : vector<16xi1>, vector<16xi32>
    %broadcast_in_dim3A_3324 = vector.shape_cast %select_n3A_3323 : vector<16xi32> to vector<16x1xi32>
    %gather3A_3325 = vector.shape_cast %broadcast_in_dim3A_3324 : vector<16x1xi32> to vector<16xi32>
    %gather3A_3326 = tpu.dynamic_gather %bitcast_convert_type3A_2743[%gather3A_3325] in [0] : vector<16xf32>, vector<16xi32> -> vector<16xf32>
    %eq3A_3327 = arith.constant 0 : i32
    %eq3A_3328 = vector.broadcast %eq3A_3327 : i32 to vector<16xi32>
    %eq3A_3329 = arith.cmpi eq, %select_n3A_41, %eq3A_3328 : vector<16xi32>
    %eq3A_3330 = arith.constant 1 : i32
    %eq3A_3331 = vector.broadcast %eq3A_3330 : i32 to vector<16xi32>
    %eq3A_3332 = arith.cmpi eq, %select_n3A_41, %eq3A_3331 : vector<16xi32>
    %eq3A_3333 = arith.constant 2 : i32
    %eq3A_3334 = vector.broadcast %eq3A_3333 : i32 to vector<16xi32>
    %eq3A_3335 = arith.cmpi eq, %select_n3A_41, %eq3A_3334 : vector<16xi32>
    %select_n3A_3336 = arith.select %eq3A_3335, %gather3A_3314, %gather3A_3326 : vector<16xi1>, vector<16xf32>
    %select_n3A_3337 = arith.select %eq3A_3332, %gather3A_3302, %select_n3A_3336 : vector<16xi1>, vector<16xf32>
    %select_n3A_3338 = arith.select %eq3A_3329, %gather3A_3290, %select_n3A_3337 : vector<16xi1>, vector<16xf32>
    %mul3A_3339 = arith.mulf %select_n3A_3338, %bitcast_convert_type3A_3257 : vector<16xf32>
    %add3A_3340 = arith.addf %add3A_3230, %mul3A_3339 : vector<16xf32>
    %add3A_3341 = arith.constant 5 : i32
    %add3A_3342 = vector.broadcast %add3A_3341 : i32 to vector<16xi32>
    %add3A_3343 = arith.addi %mul3A_2784, %add3A_3342 : vector<16xi32>
    %gather3A_3344 = tpu.vector_load_idx %arg6[%add3A_3343] : memref<60xf32, #tpu.memory_space<vmem>>[vector<16xi32>], vector<16xf32>,
    %add3A_3345 = arith.constant 5 : i32
    %add3A_3346 = vector.broadcast %add3A_3345 : i32 to vector<16xi32>
    %add3A_3347 = arith.addi %select_n3A_2790, %add3A_3346 : vector<16xi32>
    %gather3A_3348 = tpu.vector_load_idx %arg6[%add3A_3347] : memref<60xf32, #tpu.memory_space<vmem>>[vector<16xi32>], vector<16xf32>,
    %add3A_3349 = arith.addf %gather3A_3344, %gather3A_3348 : vector<16xf32>
    %mul3A_3350 = arith.constant 5.000000e-01 : f32
    %mul3A_3351 = vector.broadcast %mul3A_3350 : f32 to vector<16xf32>
    %mul3A_3352 = arith.mulf %mul3A_3351, %add3A_3349 : vector<16xf32>
    %bitcast_convert_type3A_3353 = tpu.bitcast %mul3A_3352 : vector<16xf32> -> vector<16xi32>
    %add3A_3354 = arith.constant 32767 : i32
    %add3A_3355 = vector.broadcast %add3A_3354 : i32 to vector<16xi32>
    %add3A_3356 = arith.addi %bitcast_convert_type3A_3353, %add3A_3355 : vector<16xi32>
    %shift_right_arithmetic3A_3357 = arith.constant 16 : i32
    %shift_right_arithmetic3A_3358 = vector.broadcast %shift_right_arithmetic3A_3357 : i32 to vector<16xi32>
    %shift_right_arithmetic3A_3359 = arith.shrsi %bitcast_convert_type3A_3353, %shift_right_arithmetic3A_3358 : vector<16xi32>
    %and3A_3360 = arith.constant 1 : i32
    %and3A_3361 = vector.broadcast %and3A_3360 : i32 to vector<16xi32>
    %and3A_3362 = arith.andi %shift_right_arithmetic3A_3359, %and3A_3361 : vector<16xi32>
    %add3A_3363 = arith.addi %add3A_3356, %and3A_3362 : vector<16xi32>
    %and3A_3364 = arith.constant -65536 : i32
    %and3A_3365 = vector.broadcast %and3A_3364 : i32 to vector<16xi32>
    %and3A_3366 = arith.andi %add3A_3363, %and3A_3365 : vector<16xi32>
    %bitcast_convert_type3A_3367 = tpu.bitcast %and3A_3366 : vector<16xi32> -> vector<16xf32>
    %add3A_3368 = arith.constant 5 : i32
    %add3A_3369 = vector.broadcast %add3A_3368 : i32 to vector<16xi32>
    %add3A_3370 = arith.addi %mul3A_2761, %add3A_3369 : vector<16xi32>
    %gather3A_3371 = tpu.vector_load_idx %arg7[%add3A_3370] : memref<60xf32, #tpu.memory_space<vmem>>[vector<16xi32>], vector<16xf32>,
    %bitcast_convert_type3A_3372 = tpu.bitcast %gather3A_3371 : vector<16xf32> -> vector<16xi32>
    %add3A_3373 = arith.constant 32767 : i32
    %add3A_3374 = vector.broadcast %add3A_3373 : i32 to vector<16xi32>
    %add3A_3375 = arith.addi %bitcast_convert_type3A_3372, %add3A_3374 : vector<16xi32>
    %shift_right_arithmetic3A_3376 = arith.constant 16 : i32
    %shift_right_arithmetic3A_3377 = vector.broadcast %shift_right_arithmetic3A_3376 : i32 to vector<16xi32>
    %shift_right_arithmetic3A_3378 = arith.shrsi %bitcast_convert_type3A_3372, %shift_right_arithmetic3A_3377 : vector<16xi32>
    %and3A_3379 = arith.constant 1 : i32
    %and3A_3380 = vector.broadcast %and3A_3379 : i32 to vector<16xi32>
    %and3A_3381 = arith.andi %shift_right_arithmetic3A_3378, %and3A_3380 : vector<16xi32>
    %add3A_3382 = arith.addi %add3A_3375, %and3A_3381 : vector<16xi32>
    %and3A_3383 = arith.constant -65536 : i32
    %and3A_3384 = vector.broadcast %and3A_3383 : i32 to vector<16xi32>
    %and3A_3385 = arith.andi %add3A_3382, %and3A_3384 : vector<16xi32>
    %bitcast_convert_type3A_3386 = tpu.bitcast %and3A_3385 : vector<16xi32> -> vector<16xf32>
    %mul3A_3387 = arith.mulf %bitcast_convert_type3A_3386, %bitcast_convert_type3A_3367 : vector<16xf32>
    %add3A_3388 = arith.addf %add3A_3278, %mul3A_3387 : vector<16xf32>
    %broadcast_in_dim3A_3389 = arith.constant 5 : i32
    %broadcast_in_dim3A_3390 = vector.broadcast %broadcast_in_dim3A_3389 : i32 to vector<16xi32>
    %lt3A_3391 = arith.constant 0 : i32
    %lt3A_3392 = vector.broadcast %lt3A_3391 : i32 to vector<16xi32>
    %lt3A_3393 = arith.cmpi slt, %broadcast_in_dim3A_3390, %lt3A_3392 : vector<16xi32>
    %add3A_3394 = arith.constant 16 : i32
    %add3A_3395 = vector.broadcast %add3A_3394 : i32 to vector<16xi32>
    %add3A_3396 = arith.addi %broadcast_in_dim3A_3390, %add3A_3395 : vector<16xi32>
    %select_n3A_3397 = arith.select %lt3A_3393, %add3A_3396, %broadcast_in_dim3A_3390 : vector<16xi1>, vector<16xi32>
    %broadcast_in_dim3A_3398 = vector.shape_cast %select_n3A_3397 : vector<16xi32> to vector<16x1xi32>
    %gather3A_3399 = vector.shape_cast %broadcast_in_dim3A_3398 : vector<16x1xi32> to vector<16xi32>
    %gather3A_3400 = tpu.dynamic_gather %bitcast_convert_type3A_2653[%gather3A_3399] in [0] : vector<16xf32>, vector<16xi32> -> vector<16xf32>
    %broadcast_in_dim3A_3401 = arith.constant 5 : i32
    %broadcast_in_dim3A_3402 = vector.broadcast %broadcast_in_dim3A_3401 : i32 to vector<16xi32>
    %lt3A_3403 = arith.constant 0 : i32
    %lt3A_3404 = vector.broadcast %lt3A_3403 : i32 to vector<16xi32>
    %lt3A_3405 = arith.cmpi slt, %broadcast_in_dim3A_3402, %lt3A_3404 : vector<16xi32>
    %add3A_3406 = arith.constant 16 : i32
    %add3A_3407 = vector.broadcast %add3A_3406 : i32 to vector<16xi32>
    %add3A_3408 = arith.addi %broadcast_in_dim3A_3402, %add3A_3407 : vector<16xi32>
    %select_n3A_3409 = arith.select %lt3A_3405, %add3A_3408, %broadcast_in_dim3A_3402 : vector<16xi1>, vector<16xi32>
    %broadcast_in_dim3A_3410 = vector.shape_cast %select_n3A_3409 : vector<16xi32> to vector<16x1xi32>
    %gather3A_3411 = vector.shape_cast %broadcast_in_dim3A_3410 : vector<16x1xi32> to vector<16xi32>
    %gather3A_3412 = tpu.dynamic_gather %bitcast_convert_type3A_2683[%gather3A_3411] in [0] : vector<16xf32>, vector<16xi32> -> vector<16xf32>
    %broadcast_in_dim3A_3413 = arith.constant 5 : i32
    %broadcast_in_dim3A_3414 = vector.broadcast %broadcast_in_dim3A_3413 : i32 to vector<16xi32>
    %lt3A_3415 = arith.constant 0 : i32
    %lt3A_3416 = vector.broadcast %lt3A_3415 : i32 to vector<16xi32>
    %lt3A_3417 = arith.cmpi slt, %broadcast_in_dim3A_3414, %lt3A_3416 : vector<16xi32>
    %add3A_3418 = arith.constant 16 : i32
    %add3A_3419 = vector.broadcast %add3A_3418 : i32 to vector<16xi32>
    %add3A_3420 = arith.addi %broadcast_in_dim3A_3414, %add3A_3419 : vector<16xi32>
    %select_n3A_3421 = arith.select %lt3A_3417, %add3A_3420, %broadcast_in_dim3A_3414 : vector<16xi1>, vector<16xi32>
    %broadcast_in_dim3A_3422 = vector.shape_cast %select_n3A_3421 : vector<16xi32> to vector<16x1xi32>
    %gather3A_3423 = vector.shape_cast %broadcast_in_dim3A_3422 : vector<16x1xi32> to vector<16xi32>
    %gather3A_3424 = tpu.dynamic_gather %bitcast_convert_type3A_2713[%gather3A_3423] in [0] : vector<16xf32>, vector<16xi32> -> vector<16xf32>
    %broadcast_in_dim3A_3425 = arith.constant 5 : i32
    %broadcast_in_dim3A_3426 = vector.broadcast %broadcast_in_dim3A_3425 : i32 to vector<16xi32>
    %lt3A_3427 = arith.constant 0 : i32
    %lt3A_3428 = vector.broadcast %lt3A_3427 : i32 to vector<16xi32>
    %lt3A_3429 = arith.cmpi slt, %broadcast_in_dim3A_3426, %lt3A_3428 : vector<16xi32>
    %add3A_3430 = arith.constant 16 : i32
    %add3A_3431 = vector.broadcast %add3A_3430 : i32 to vector<16xi32>
    %add3A_3432 = arith.addi %broadcast_in_dim3A_3426, %add3A_3431 : vector<16xi32>
    %select_n3A_3433 = arith.select %lt3A_3429, %add3A_3432, %broadcast_in_dim3A_3426 : vector<16xi1>, vector<16xi32>
    %broadcast_in_dim3A_3434 = vector.shape_cast %select_n3A_3433 : vector<16xi32> to vector<16x1xi32>
    %gather3A_3435 = vector.shape_cast %broadcast_in_dim3A_3434 : vector<16x1xi32> to vector<16xi32>
    %gather3A_3436 = tpu.dynamic_gather %bitcast_convert_type3A_2743[%gather3A_3435] in [0] : vector<16xf32>, vector<16xi32> -> vector<16xf32>
    %eq3A_3437 = arith.constant 0 : i32
    %eq3A_3438 = vector.broadcast %eq3A_3437 : i32 to vector<16xi32>
    %eq3A_3439 = arith.cmpi eq, %select_n3A_41, %eq3A_3438 : vector<16xi32>
    %eq3A_3440 = arith.constant 1 : i32
    %eq3A_3441 = vector.broadcast %eq3A_3440 : i32 to vector<16xi32>
    %eq3A_3442 = arith.cmpi eq, %select_n3A_41, %eq3A_3441 : vector<16xi32>
    %eq3A_3443 = arith.constant 2 : i32
    %eq3A_3444 = vector.broadcast %eq3A_3443 : i32 to vector<16xi32>
    %eq3A_3445 = arith.cmpi eq, %select_n3A_41, %eq3A_3444 : vector<16xi32>
    %select_n3A_3446 = arith.select %eq3A_3445, %gather3A_3424, %gather3A_3436 : vector<16xi1>, vector<16xf32>
    %select_n3A_3447 = arith.select %eq3A_3442, %gather3A_3412, %select_n3A_3446 : vector<16xi1>, vector<16xf32>
    %select_n3A_3448 = arith.select %eq3A_3439, %gather3A_3400, %select_n3A_3447 : vector<16xi1>, vector<16xf32>
    %mul3A_3449 = arith.mulf %select_n3A_3448, %bitcast_convert_type3A_3367 : vector<16xf32>
    %add3A_3450 = arith.addf %add3A_3340, %mul3A_3449 : vector<16xf32>
    %add3A_3451 = arith.constant 6 : i32
    %add3A_3452 = vector.broadcast %add3A_3451 : i32 to vector<16xi32>
    %add3A_3453 = arith.addi %mul3A_2784, %add3A_3452 : vector<16xi32>
    %gather3A_3454 = tpu.vector_load_idx %arg6[%add3A_3453] : memref<60xf32, #tpu.memory_space<vmem>>[vector<16xi32>], vector<16xf32>,
    %add3A_3455 = arith.constant 6 : i32
    %add3A_3456 = vector.broadcast %add3A_3455 : i32 to vector<16xi32>
    %add3A_3457 = arith.addi %select_n3A_2790, %add3A_3456 : vector<16xi32>
    %gather3A_3458 = tpu.vector_load_idx %arg6[%add3A_3457] : memref<60xf32, #tpu.memory_space<vmem>>[vector<16xi32>], vector<16xf32>,
    %add3A_3459 = arith.addf %gather3A_3454, %gather3A_3458 : vector<16xf32>
    %mul3A_3460 = arith.constant 5.000000e-01 : f32
    %mul3A_3461 = vector.broadcast %mul3A_3460 : f32 to vector<16xf32>
    %mul3A_3462 = arith.mulf %mul3A_3461, %add3A_3459 : vector<16xf32>
    %bitcast_convert_type3A_3463 = tpu.bitcast %mul3A_3462 : vector<16xf32> -> vector<16xi32>
    %add3A_3464 = arith.constant 32767 : i32
    %add3A_3465 = vector.broadcast %add3A_3464 : i32 to vector<16xi32>
    %add3A_3466 = arith.addi %bitcast_convert_type3A_3463, %add3A_3465 : vector<16xi32>
    %shift_right_arithmetic3A_3467 = arith.constant 16 : i32
    %shift_right_arithmetic3A_3468 = vector.broadcast %shift_right_arithmetic3A_3467 : i32 to vector<16xi32>
    %shift_right_arithmetic3A_3469 = arith.shrsi %bitcast_convert_type3A_3463, %shift_right_arithmetic3A_3468 : vector<16xi32>
    %and3A_3470 = arith.constant 1 : i32
    %and3A_3471 = vector.broadcast %and3A_3470 : i32 to vector<16xi32>
    %and3A_3472 = arith.andi %shift_right_arithmetic3A_3469, %and3A_3471 : vector<16xi32>
    %add3A_3473 = arith.addi %add3A_3466, %and3A_3472 : vector<16xi32>
    %and3A_3474 = arith.constant -65536 : i32
    %and3A_3475 = vector.broadcast %and3A_3474 : i32 to vector<16xi32>
    %and3A_3476 = arith.andi %add3A_3473, %and3A_3475 : vector<16xi32>
    %bitcast_convert_type3A_3477 = tpu.bitcast %and3A_3476 : vector<16xi32> -> vector<16xf32>
    %add3A_3478 = arith.constant 6 : i32
    %add3A_3479 = vector.broadcast %add3A_3478 : i32 to vector<16xi32>
    %add3A_3480 = arith.addi %mul3A_2761, %add3A_3479 : vector<16xi32>
    %gather3A_3481 = tpu.vector_load_idx %arg7[%add3A_3480] : memref<60xf32, #tpu.memory_space<vmem>>[vector<16xi32>], vector<16xf32>,
    %bitcast_convert_type3A_3482 = tpu.bitcast %gather3A_3481 : vector<16xf32> -> vector<16xi32>
    %add3A_3483 = arith.constant 32767 : i32
    %add3A_3484 = vector.broadcast %add3A_3483 : i32 to vector<16xi32>
    %add3A_3485 = arith.addi %bitcast_convert_type3A_3482, %add3A_3484 : vector<16xi32>
    %shift_right_arithmetic3A_3486 = arith.constant 16 : i32
    %shift_right_arithmetic3A_3487 = vector.broadcast %shift_right_arithmetic3A_3486 : i32 to vector<16xi32>
    %shift_right_arithmetic3A_3488 = arith.shrsi %bitcast_convert_type3A_3482, %shift_right_arithmetic3A_3487 : vector<16xi32>
    %and3A_3489 = arith.constant 1 : i32
    %and3A_3490 = vector.broadcast %and3A_3489 : i32 to vector<16xi32>
    %and3A_3491 = arith.andi %shift_right_arithmetic3A_3488, %and3A_3490 : vector<16xi32>
    %add3A_3492 = arith.addi %add3A_3485, %and3A_3491 : vector<16xi32>
    %and3A_3493 = arith.constant -65536 : i32
    %and3A_3494 = vector.broadcast %and3A_3493 : i32 to vector<16xi32>
    %and3A_3495 = arith.andi %add3A_3492, %and3A_3494 : vector<16xi32>
    %bitcast_convert_type3A_3496 = tpu.bitcast %and3A_3495 : vector<16xi32> -> vector<16xf32>
    %mul3A_3497 = arith.mulf %bitcast_convert_type3A_3496, %bitcast_convert_type3A_3477 : vector<16xf32>
    %add3A_3498 = arith.addf %add3A_3388, %mul3A_3497 : vector<16xf32>
    %broadcast_in_dim3A_3499 = arith.constant 6 : i32
    %broadcast_in_dim3A_3500 = vector.broadcast %broadcast_in_dim3A_3499 : i32 to vector<16xi32>
    %lt3A_3501 = arith.constant 0 : i32
    %lt3A_3502 = vector.broadcast %lt3A_3501 : i32 to vector<16xi32>
    %lt3A_3503 = arith.cmpi slt, %broadcast_in_dim3A_3500, %lt3A_3502 : vector<16xi32>
    %add3A_3504 = arith.constant 16 : i32
    %add3A_3505 = vector.broadcast %add3A_3504 : i32 to vector<16xi32>
    %add3A_3506 = arith.addi %broadcast_in_dim3A_3500, %add3A_3505 : vector<16xi32>
    %select_n3A_3507 = arith.select %lt3A_3503, %add3A_3506, %broadcast_in_dim3A_3500 : vector<16xi1>, vector<16xi32>
    %broadcast_in_dim3A_3508 = vector.shape_cast %select_n3A_3507 : vector<16xi32> to vector<16x1xi32>
    %gather3A_3509 = vector.shape_cast %broadcast_in_dim3A_3508 : vector<16x1xi32> to vector<16xi32>
    %gather3A_3510 = tpu.dynamic_gather %bitcast_convert_type3A_2653[%gather3A_3509] in [0] : vector<16xf32>, vector<16xi32> -> vector<16xf32>
    %broadcast_in_dim3A_3511 = arith.constant 6 : i32
    %broadcast_in_dim3A_3512 = vector.broadcast %broadcast_in_dim3A_3511 : i32 to vector<16xi32>
    %lt3A_3513 = arith.constant 0 : i32
    %lt3A_3514 = vector.broadcast %lt3A_3513 : i32 to vector<16xi32>
    %lt3A_3515 = arith.cmpi slt, %broadcast_in_dim3A_3512, %lt3A_3514 : vector<16xi32>
    %add3A_3516 = arith.constant 16 : i32
    %add3A_3517 = vector.broadcast %add3A_3516 : i32 to vector<16xi32>
    %add3A_3518 = arith.addi %broadcast_in_dim3A_3512, %add3A_3517 : vector<16xi32>
    %select_n3A_3519 = arith.select %lt3A_3515, %add3A_3518, %broadcast_in_dim3A_3512 : vector<16xi1>, vector<16xi32>
    %broadcast_in_dim3A_3520 = vector.shape_cast %select_n3A_3519 : vector<16xi32> to vector<16x1xi32>
    %gather3A_3521 = vector.shape_cast %broadcast_in_dim3A_3520 : vector<16x1xi32> to vector<16xi32>
    %gather3A_3522 = tpu.dynamic_gather %bitcast_convert_type3A_2683[%gather3A_3521] in [0] : vector<16xf32>, vector<16xi32> -> vector<16xf32>
    %broadcast_in_dim3A_3523 = arith.constant 6 : i32
    %broadcast_in_dim3A_3524 = vector.broadcast %broadcast_in_dim3A_3523 : i32 to vector<16xi32>
    %lt3A_3525 = arith.constant 0 : i32
    %lt3A_3526 = vector.broadcast %lt3A_3525 : i32 to vector<16xi32>
    %lt3A_3527 = arith.cmpi slt, %broadcast_in_dim3A_3524, %lt3A_3526 : vector<16xi32>
    %add3A_3528 = arith.constant 16 : i32
    %add3A_3529 = vector.broadcast %add3A_3528 : i32 to vector<16xi32>
    %add3A_3530 = arith.addi %broadcast_in_dim3A_3524, %add3A_3529 : vector<16xi32>
    %select_n3A_3531 = arith.select %lt3A_3527, %add3A_3530, %broadcast_in_dim3A_3524 : vector<16xi1>, vector<16xi32>
    %broadcast_in_dim3A_3532 = vector.shape_cast %select_n3A_3531 : vector<16xi32> to vector<16x1xi32>
    %gather3A_3533 = vector.shape_cast %broadcast_in_dim3A_3532 : vector<16x1xi32> to vector<16xi32>
    %gather3A_3534 = tpu.dynamic_gather %bitcast_convert_type3A_2713[%gather3A_3533] in [0] : vector<16xf32>, vector<16xi32> -> vector<16xf32>
    %broadcast_in_dim3A_3535 = arith.constant 6 : i32
    %broadcast_in_dim3A_3536 = vector.broadcast %broadcast_in_dim3A_3535 : i32 to vector<16xi32>
    %lt3A_3537 = arith.constant 0 : i32
    %lt3A_3538 = vector.broadcast %lt3A_3537 : i32 to vector<16xi32>
    %lt3A_3539 = arith.cmpi slt, %broadcast_in_dim3A_3536, %lt3A_3538 : vector<16xi32>
    %add3A_3540 = arith.constant 16 : i32
    %add3A_3541 = vector.broadcast %add3A_3540 : i32 to vector<16xi32>
    %add3A_3542 = arith.addi %broadcast_in_dim3A_3536, %add3A_3541 : vector<16xi32>
    %select_n3A_3543 = arith.select %lt3A_3539, %add3A_3542, %broadcast_in_dim3A_3536 : vector<16xi1>, vector<16xi32>
    %broadcast_in_dim3A_3544 = vector.shape_cast %select_n3A_3543 : vector<16xi32> to vector<16x1xi32>
    %gather3A_3545 = vector.shape_cast %broadcast_in_dim3A_3544 : vector<16x1xi32> to vector<16xi32>
    %gather3A_3546 = tpu.dynamic_gather %bitcast_convert_type3A_2743[%gather3A_3545] in [0] : vector<16xf32>, vector<16xi32> -> vector<16xf32>
    %eq3A_3547 = arith.constant 0 : i32
    %eq3A_3548 = vector.broadcast %eq3A_3547 : i32 to vector<16xi32>
    %eq3A_3549 = arith.cmpi eq, %select_n3A_41, %eq3A_3548 : vector<16xi32>
    %eq3A_3550 = arith.constant 1 : i32
    %eq3A_3551 = vector.broadcast %eq3A_3550 : i32 to vector<16xi32>
    %eq3A_3552 = arith.cmpi eq, %select_n3A_41, %eq3A_3551 : vector<16xi32>
    %eq3A_3553 = arith.constant 2 : i32
    %eq3A_3554 = vector.broadcast %eq3A_3553 : i32 to vector<16xi32>
    %eq3A_3555 = arith.cmpi eq, %select_n3A_41, %eq3A_3554 : vector<16xi32>
    %select_n3A_3556 = arith.select %eq3A_3555, %gather3A_3534, %gather3A_3546 : vector<16xi1>, vector<16xf32>
    %select_n3A_3557 = arith.select %eq3A_3552, %gather3A_3522, %select_n3A_3556 : vector<16xi1>, vector<16xf32>
    %select_n3A_3558 = arith.select %eq3A_3549, %gather3A_3510, %select_n3A_3557 : vector<16xi1>, vector<16xf32>
    %mul3A_3559 = arith.mulf %select_n3A_3558, %bitcast_convert_type3A_3477 : vector<16xf32>
    %add3A_3560 = arith.addf %add3A_3450, %mul3A_3559 : vector<16xf32>
    %add3A_3561 = arith.constant 7 : i32
    %add3A_3562 = vector.broadcast %add3A_3561 : i32 to vector<16xi32>
    %add3A_3563 = arith.addi %mul3A_2784, %add3A_3562 : vector<16xi32>
    %gather3A_3564 = tpu.vector_load_idx %arg6[%add3A_3563] : memref<60xf32, #tpu.memory_space<vmem>>[vector<16xi32>], vector<16xf32>,
    %add3A_3565 = arith.constant 7 : i32
    %add3A_3566 = vector.broadcast %add3A_3565 : i32 to vector<16xi32>
    %add3A_3567 = arith.addi %select_n3A_2790, %add3A_3566 : vector<16xi32>
    %gather3A_3568 = tpu.vector_load_idx %arg6[%add3A_3567] : memref<60xf32, #tpu.memory_space<vmem>>[vector<16xi32>], vector<16xf32>,
    %add3A_3569 = arith.addf %gather3A_3564, %gather3A_3568 : vector<16xf32>
    %mul3A_3570 = arith.constant 5.000000e-01 : f32
    %mul3A_3571 = vector.broadcast %mul3A_3570 : f32 to vector<16xf32>
    %mul3A_3572 = arith.mulf %mul3A_3571, %add3A_3569 : vector<16xf32>
    %bitcast_convert_type3A_3573 = tpu.bitcast %mul3A_3572 : vector<16xf32> -> vector<16xi32>
    %add3A_3574 = arith.constant 32767 : i32
    %add3A_3575 = vector.broadcast %add3A_3574 : i32 to vector<16xi32>
    %add3A_3576 = arith.addi %bitcast_convert_type3A_3573, %add3A_3575 : vector<16xi32>
    %shift_right_arithmetic3A_3577 = arith.constant 16 : i32
    %shift_right_arithmetic3A_3578 = vector.broadcast %shift_right_arithmetic3A_3577 : i32 to vector<16xi32>
    %shift_right_arithmetic3A_3579 = arith.shrsi %bitcast_convert_type3A_3573, %shift_right_arithmetic3A_3578 : vector<16xi32>
    %and3A_3580 = arith.constant 1 : i32
    %and3A_3581 = vector.broadcast %and3A_3580 : i32 to vector<16xi32>
    %and3A_3582 = arith.andi %shift_right_arithmetic3A_3579, %and3A_3581 : vector<16xi32>
    %add3A_3583 = arith.addi %add3A_3576, %and3A_3582 : vector<16xi32>
    %and3A_3584 = arith.constant -65536 : i32
    %and3A_3585 = vector.broadcast %and3A_3584 : i32 to vector<16xi32>
    %and3A_3586 = arith.andi %add3A_3583, %and3A_3585 : vector<16xi32>
    %bitcast_convert_type3A_3587 = tpu.bitcast %and3A_3586 : vector<16xi32> -> vector<16xf32>
    %add3A_3588 = arith.constant 7 : i32
    %add3A_3589 = vector.broadcast %add3A_3588 : i32 to vector<16xi32>
    %add3A_3590 = arith.addi %mul3A_2761, %add3A_3589 : vector<16xi32>
    %gather3A_3591 = tpu.vector_load_idx %arg7[%add3A_3590] : memref<60xf32, #tpu.memory_space<vmem>>[vector<16xi32>], vector<16xf32>,
    %bitcast_convert_type3A_3592 = tpu.bitcast %gather3A_3591 : vector<16xf32> -> vector<16xi32>
    %add3A_3593 = arith.constant 32767 : i32
    %add3A_3594 = vector.broadcast %add3A_3593 : i32 to vector<16xi32>
    %add3A_3595 = arith.addi %bitcast_convert_type3A_3592, %add3A_3594 : vector<16xi32>
    %shift_right_arithmetic3A_3596 = arith.constant 16 : i32
    %shift_right_arithmetic3A_3597 = vector.broadcast %shift_right_arithmetic3A_3596 : i32 to vector<16xi32>
    %shift_right_arithmetic3A_3598 = arith.shrsi %bitcast_convert_type3A_3592, %shift_right_arithmetic3A_3597 : vector<16xi32>
    %and3A_3599 = arith.constant 1 : i32
    %and3A_3600 = vector.broadcast %and3A_3599 : i32 to vector<16xi32>
    %and3A_3601 = arith.andi %shift_right_arithmetic3A_3598, %and3A_3600 : vector<16xi32>
    %add3A_3602 = arith.addi %add3A_3595, %and3A_3601 : vector<16xi32>
    %and3A_3603 = arith.constant -65536 : i32
    %and3A_3604 = vector.broadcast %and3A_3603 : i32 to vector<16xi32>
    %and3A_3605 = arith.andi %add3A_3602, %and3A_3604 : vector<16xi32>
    %bitcast_convert_type3A_3606 = tpu.bitcast %and3A_3605 : vector<16xi32> -> vector<16xf32>
    %mul3A_3607 = arith.mulf %bitcast_convert_type3A_3606, %bitcast_convert_type3A_3587 : vector<16xf32>
    %add3A_3608 = arith.addf %add3A_3498, %mul3A_3607 : vector<16xf32>
    %broadcast_in_dim3A_3609 = arith.constant 7 : i32
    %broadcast_in_dim3A_3610 = vector.broadcast %broadcast_in_dim3A_3609 : i32 to vector<16xi32>
    %lt3A_3611 = arith.constant 0 : i32
    %lt3A_3612 = vector.broadcast %lt3A_3611 : i32 to vector<16xi32>
    %lt3A_3613 = arith.cmpi slt, %broadcast_in_dim3A_3610, %lt3A_3612 : vector<16xi32>
    %add3A_3614 = arith.constant 16 : i32
    %add3A_3615 = vector.broadcast %add3A_3614 : i32 to vector<16xi32>
    %add3A_3616 = arith.addi %broadcast_in_dim3A_3610, %add3A_3615 : vector<16xi32>
    %select_n3A_3617 = arith.select %lt3A_3613, %add3A_3616, %broadcast_in_dim3A_3610 : vector<16xi1>, vector<16xi32>
    %broadcast_in_dim3A_3618 = vector.shape_cast %select_n3A_3617 : vector<16xi32> to vector<16x1xi32>
    %gather3A_3619 = vector.shape_cast %broadcast_in_dim3A_3618 : vector<16x1xi32> to vector<16xi32>
    %gather3A_3620 = tpu.dynamic_gather %bitcast_convert_type3A_2653[%gather3A_3619] in [0] : vector<16xf32>, vector<16xi32> -> vector<16xf32>
    %broadcast_in_dim3A_3621 = arith.constant 7 : i32
    %broadcast_in_dim3A_3622 = vector.broadcast %broadcast_in_dim3A_3621 : i32 to vector<16xi32>
    %lt3A_3623 = arith.constant 0 : i32
    %lt3A_3624 = vector.broadcast %lt3A_3623 : i32 to vector<16xi32>
    %lt3A_3625 = arith.cmpi slt, %broadcast_in_dim3A_3622, %lt3A_3624 : vector<16xi32>
    %add3A_3626 = arith.constant 16 : i32
    %add3A_3627 = vector.broadcast %add3A_3626 : i32 to vector<16xi32>
    %add3A_3628 = arith.addi %broadcast_in_dim3A_3622, %add3A_3627 : vector<16xi32>
    %select_n3A_3629 = arith.select %lt3A_3625, %add3A_3628, %broadcast_in_dim3A_3622 : vector<16xi1>, vector<16xi32>
    %broadcast_in_dim3A_3630 = vector.shape_cast %select_n3A_3629 : vector<16xi32> to vector<16x1xi32>
    %gather3A_3631 = vector.shape_cast %broadcast_in_dim3A_3630 : vector<16x1xi32> to vector<16xi32>
    %gather3A_3632 = tpu.dynamic_gather %bitcast_convert_type3A_2683[%gather3A_3631] in [0] : vector<16xf32>, vector<16xi32> -> vector<16xf32>
    %broadcast_in_dim3A_3633 = arith.constant 7 : i32
    %broadcast_in_dim3A_3634 = vector.broadcast %broadcast_in_dim3A_3633 : i32 to vector<16xi32>
    %lt3A_3635 = arith.constant 0 : i32
    %lt3A_3636 = vector.broadcast %lt3A_3635 : i32 to vector<16xi32>
    %lt3A_3637 = arith.cmpi slt, %broadcast_in_dim3A_3634, %lt3A_3636 : vector<16xi32>
    %add3A_3638 = arith.constant 16 : i32
    %add3A_3639 = vector.broadcast %add3A_3638 : i32 to vector<16xi32>
    %add3A_3640 = arith.addi %broadcast_in_dim3A_3634, %add3A_3639 : vector<16xi32>
    %select_n3A_3641 = arith.select %lt3A_3637, %add3A_3640, %broadcast_in_dim3A_3634 : vector<16xi1>, vector<16xi32>
    %broadcast_in_dim3A_3642 = vector.shape_cast %select_n3A_3641 : vector<16xi32> to vector<16x1xi32>
    %gather3A_3643 = vector.shape_cast %broadcast_in_dim3A_3642 : vector<16x1xi32> to vector<16xi32>
    %gather3A_3644 = tpu.dynamic_gather %bitcast_convert_type3A_2713[%gather3A_3643] in [0] : vector<16xf32>, vector<16xi32> -> vector<16xf32>
    %broadcast_in_dim3A_3645 = arith.constant 7 : i32
    %broadcast_in_dim3A_3646 = vector.broadcast %broadcast_in_dim3A_3645 : i32 to vector<16xi32>
    %lt3A_3647 = arith.constant 0 : i32
    %lt3A_3648 = vector.broadcast %lt3A_3647 : i32 to vector<16xi32>
    %lt3A_3649 = arith.cmpi slt, %broadcast_in_dim3A_3646, %lt3A_3648 : vector<16xi32>
    %add3A_3650 = arith.constant 16 : i32
    %add3A_3651 = vector.broadcast %add3A_3650 : i32 to vector<16xi32>
    %add3A_3652 = arith.addi %broadcast_in_dim3A_3646, %add3A_3651 : vector<16xi32>
    %select_n3A_3653 = arith.select %lt3A_3649, %add3A_3652, %broadcast_in_dim3A_3646 : vector<16xi1>, vector<16xi32>
    %broadcast_in_dim3A_3654 = vector.shape_cast %select_n3A_3653 : vector<16xi32> to vector<16x1xi32>
    %gather3A_3655 = vector.shape_cast %broadcast_in_dim3A_3654 : vector<16x1xi32> to vector<16xi32>
    %gather3A_3656 = tpu.dynamic_gather %bitcast_convert_type3A_2743[%gather3A_3655] in [0] : vector<16xf32>, vector<16xi32> -> vector<16xf32>
    %eq3A_3657 = arith.constant 0 : i32
    %eq3A_3658 = vector.broadcast %eq3A_3657 : i32 to vector<16xi32>
    %eq3A_3659 = arith.cmpi eq, %select_n3A_41, %eq3A_3658 : vector<16xi32>
    %eq3A_3660 = arith.constant 1 : i32
    %eq3A_3661 = vector.broadcast %eq3A_3660 : i32 to vector<16xi32>
    %eq3A_3662 = arith.cmpi eq, %select_n3A_41, %eq3A_3661 : vector<16xi32>
    %eq3A_3663 = arith.constant 2 : i32
    %eq3A_3664 = vector.broadcast %eq3A_3663 : i32 to vector<16xi32>
    %eq3A_3665 = arith.cmpi eq, %select_n3A_41, %eq3A_3664 : vector<16xi32>
    %select_n3A_3666 = arith.select %eq3A_3665, %gather3A_3644, %gather3A_3656 : vector<16xi1>, vector<16xf32>
    %select_n3A_3667 = arith.select %eq3A_3662, %gather3A_3632, %select_n3A_3666 : vector<16xi1>, vector<16xf32>
    %select_n3A_3668 = arith.select %eq3A_3659, %gather3A_3620, %select_n3A_3667 : vector<16xi1>, vector<16xf32>
    %mul3A_3669 = arith.mulf %select_n3A_3668, %bitcast_convert_type3A_3587 : vector<16xf32>
    %add3A_3670 = arith.addf %add3A_3560, %mul3A_3669 : vector<16xf32>
    %add3A_3671 = arith.constant 8 : i32
    %add3A_3672 = vector.broadcast %add3A_3671 : i32 to vector<16xi32>
    %add3A_3673 = arith.addi %mul3A_2784, %add3A_3672 : vector<16xi32>
    %gather3A_3674 = tpu.vector_load_idx %arg6[%add3A_3673] : memref<60xf32, #tpu.memory_space<vmem>>[vector<16xi32>], vector<16xf32>,
    %add3A_3675 = arith.constant 8 : i32
    %add3A_3676 = vector.broadcast %add3A_3675 : i32 to vector<16xi32>
    %add3A_3677 = arith.addi %select_n3A_2790, %add3A_3676 : vector<16xi32>
    %gather3A_3678 = tpu.vector_load_idx %arg6[%add3A_3677] : memref<60xf32, #tpu.memory_space<vmem>>[vector<16xi32>], vector<16xf32>,
    %add3A_3679 = arith.addf %gather3A_3674, %gather3A_3678 : vector<16xf32>
    %mul3A_3680 = arith.constant 5.000000e-01 : f32
    %mul3A_3681 = vector.broadcast %mul3A_3680 : f32 to vector<16xf32>
    %mul3A_3682 = arith.mulf %mul3A_3681, %add3A_3679 : vector<16xf32>
    %bitcast_convert_type3A_3683 = tpu.bitcast %mul3A_3682 : vector<16xf32> -> vector<16xi32>
    %add3A_3684 = arith.constant 32767 : i32
    %add3A_3685 = vector.broadcast %add3A_3684 : i32 to vector<16xi32>
    %add3A_3686 = arith.addi %bitcast_convert_type3A_3683, %add3A_3685 : vector<16xi32>
    %shift_right_arithmetic3A_3687 = arith.constant 16 : i32
    %shift_right_arithmetic3A_3688 = vector.broadcast %shift_right_arithmetic3A_3687 : i32 to vector<16xi32>
    %shift_right_arithmetic3A_3689 = arith.shrsi %bitcast_convert_type3A_3683, %shift_right_arithmetic3A_3688 : vector<16xi32>
    %and3A_3690 = arith.constant 1 : i32
    %and3A_3691 = vector.broadcast %and3A_3690 : i32 to vector<16xi32>
    %and3A_3692 = arith.andi %shift_right_arithmetic3A_3689, %and3A_3691 : vector<16xi32>
    %add3A_3693 = arith.addi %add3A_3686, %and3A_3692 : vector<16xi32>
    %and3A_3694 = arith.constant -65536 : i32
    %and3A_3695 = vector.broadcast %and3A_3694 : i32 to vector<16xi32>
    %and3A_3696 = arith.andi %add3A_3693, %and3A_3695 : vector<16xi32>
    %bitcast_convert_type3A_3697 = tpu.bitcast %and3A_3696 : vector<16xi32> -> vector<16xf32>
    %add3A_3698 = arith.constant 8 : i32
    %add3A_3699 = vector.broadcast %add3A_3698 : i32 to vector<16xi32>
    %add3A_3700 = arith.addi %mul3A_2761, %add3A_3699 : vector<16xi32>
    %gather3A_3701 = tpu.vector_load_idx %arg7[%add3A_3700] : memref<60xf32, #tpu.memory_space<vmem>>[vector<16xi32>], vector<16xf32>,
    %bitcast_convert_type3A_3702 = tpu.bitcast %gather3A_3701 : vector<16xf32> -> vector<16xi32>
    %add3A_3703 = arith.constant 32767 : i32
    %add3A_3704 = vector.broadcast %add3A_3703 : i32 to vector<16xi32>
    %add3A_3705 = arith.addi %bitcast_convert_type3A_3702, %add3A_3704 : vector<16xi32>
    %shift_right_arithmetic3A_3706 = arith.constant 16 : i32
    %shift_right_arithmetic3A_3707 = vector.broadcast %shift_right_arithmetic3A_3706 : i32 to vector<16xi32>
    %shift_right_arithmetic3A_3708 = arith.shrsi %bitcast_convert_type3A_3702, %shift_right_arithmetic3A_3707 : vector<16xi32>
    %and3A_3709 = arith.constant 1 : i32
    %and3A_3710 = vector.broadcast %and3A_3709 : i32 to vector<16xi32>
    %and3A_3711 = arith.andi %shift_right_arithmetic3A_3708, %and3A_3710 : vector<16xi32>
    %add3A_3712 = arith.addi %add3A_3705, %and3A_3711 : vector<16xi32>
    %and3A_3713 = arith.constant -65536 : i32
    %and3A_3714 = vector.broadcast %and3A_3713 : i32 to vector<16xi32>
    %and3A_3715 = arith.andi %add3A_3712, %and3A_3714 : vector<16xi32>
    %bitcast_convert_type3A_3716 = tpu.bitcast %and3A_3715 : vector<16xi32> -> vector<16xf32>
    %mul3A_3717 = arith.mulf %bitcast_convert_type3A_3716, %bitcast_convert_type3A_3697 : vector<16xf32>
    %add3A_3718 = arith.addf %add3A_3608, %mul3A_3717 : vector<16xf32>
    %broadcast_in_dim3A_3719 = arith.constant 8 : i32
    %broadcast_in_dim3A_3720 = vector.broadcast %broadcast_in_dim3A_3719 : i32 to vector<16xi32>
    %lt3A_3721 = arith.constant 0 : i32
    %lt3A_3722 = vector.broadcast %lt3A_3721 : i32 to vector<16xi32>
    %lt3A_3723 = arith.cmpi slt, %broadcast_in_dim3A_3720, %lt3A_3722 : vector<16xi32>
    %add3A_3724 = arith.constant 16 : i32
    %add3A_3725 = vector.broadcast %add3A_3724 : i32 to vector<16xi32>
    %add3A_3726 = arith.addi %broadcast_in_dim3A_3720, %add3A_3725 : vector<16xi32>
    %select_n3A_3727 = arith.select %lt3A_3723, %add3A_3726, %broadcast_in_dim3A_3720 : vector<16xi1>, vector<16xi32>
    %broadcast_in_dim3A_3728 = vector.shape_cast %select_n3A_3727 : vector<16xi32> to vector<16x1xi32>
    %gather3A_3729 = vector.shape_cast %broadcast_in_dim3A_3728 : vector<16x1xi32> to vector<16xi32>
    %gather3A_3730 = tpu.dynamic_gather %bitcast_convert_type3A_2653[%gather3A_3729] in [0] : vector<16xf32>, vector<16xi32> -> vector<16xf32>
    %broadcast_in_dim3A_3731 = arith.constant 8 : i32
    %broadcast_in_dim3A_3732 = vector.broadcast %broadcast_in_dim3A_3731 : i32 to vector<16xi32>
    %lt3A_3733 = arith.constant 0 : i32
    %lt3A_3734 = vector.broadcast %lt3A_3733 : i32 to vector<16xi32>
    %lt3A_3735 = arith.cmpi slt, %broadcast_in_dim3A_3732, %lt3A_3734 : vector<16xi32>
    %add3A_3736 = arith.constant 16 : i32
    %add3A_3737 = vector.broadcast %add3A_3736 : i32 to vector<16xi32>
    %add3A_3738 = arith.addi %broadcast_in_dim3A_3732, %add3A_3737 : vector<16xi32>
    %select_n3A_3739 = arith.select %lt3A_3735, %add3A_3738, %broadcast_in_dim3A_3732 : vector<16xi1>, vector<16xi32>
    %broadcast_in_dim3A_3740 = vector.shape_cast %select_n3A_3739 : vector<16xi32> to vector<16x1xi32>
    %gather3A_3741 = vector.shape_cast %broadcast_in_dim3A_3740 : vector<16x1xi32> to vector<16xi32>
    %gather3A_3742 = tpu.dynamic_gather %bitcast_convert_type3A_2683[%gather3A_3741] in [0] : vector<16xf32>, vector<16xi32> -> vector<16xf32>
    %broadcast_in_dim3A_3743 = arith.constant 8 : i32
    %broadcast_in_dim3A_3744 = vector.broadcast %broadcast_in_dim3A_3743 : i32 to vector<16xi32>
    %lt3A_3745 = arith.constant 0 : i32
    %lt3A_3746 = vector.broadcast %lt3A_3745 : i32 to vector<16xi32>
    %lt3A_3747 = arith.cmpi slt, %broadcast_in_dim3A_3744, %lt3A_3746 : vector<16xi32>
    %add3A_3748 = arith.constant 16 : i32
    %add3A_3749 = vector.broadcast %add3A_3748 : i32 to vector<16xi32>
    %add3A_3750 = arith.addi %broadcast_in_dim3A_3744, %add3A_3749 : vector<16xi32>
    %select_n3A_3751 = arith.select %lt3A_3747, %add3A_3750, %broadcast_in_dim3A_3744 : vector<16xi1>, vector<16xi32>
    %broadcast_in_dim3A_3752 = vector.shape_cast %select_n3A_3751 : vector<16xi32> to vector<16x1xi32>
    %gather3A_3753 = vector.shape_cast %broadcast_in_dim3A_3752 : vector<16x1xi32> to vector<16xi32>
    %gather3A_3754 = tpu.dynamic_gather %bitcast_convert_type3A_2713[%gather3A_3753] in [0] : vector<16xf32>, vector<16xi32> -> vector<16xf32>
    %broadcast_in_dim3A_3755 = arith.constant 8 : i32
    %broadcast_in_dim3A_3756 = vector.broadcast %broadcast_in_dim3A_3755 : i32 to vector<16xi32>
    %lt3A_3757 = arith.constant 0 : i32
    %lt3A_3758 = vector.broadcast %lt3A_3757 : i32 to vector<16xi32>
    %lt3A_3759 = arith.cmpi slt, %broadcast_in_dim3A_3756, %lt3A_3758 : vector<16xi32>
    %add3A_3760 = arith.constant 16 : i32
    %add3A_3761 = vector.broadcast %add3A_3760 : i32 to vector<16xi32>
    %add3A_3762 = arith.addi %broadcast_in_dim3A_3756, %add3A_3761 : vector<16xi32>
    %select_n3A_3763 = arith.select %lt3A_3759, %add3A_3762, %broadcast_in_dim3A_3756 : vector<16xi1>, vector<16xi32>
    %broadcast_in_dim3A_3764 = vector.shape_cast %select_n3A_3763 : vector<16xi32> to vector<16x1xi32>
    %gather3A_3765 = vector.shape_cast %broadcast_in_dim3A_3764 : vector<16x1xi32> to vector<16xi32>
    %gather3A_3766 = tpu.dynamic_gather %bitcast_convert_type3A_2743[%gather3A_3765] in [0] : vector<16xf32>, vector<16xi32> -> vector<16xf32>
    %eq3A_3767 = arith.constant 0 : i32
    %eq3A_3768 = vector.broadcast %eq3A_3767 : i32 to vector<16xi32>
    %eq3A_3769 = arith.cmpi eq, %select_n3A_41, %eq3A_3768 : vector<16xi32>
    %eq3A_3770 = arith.constant 1 : i32
    %eq3A_3771 = vector.broadcast %eq3A_3770 : i32 to vector<16xi32>
    %eq3A_3772 = arith.cmpi eq, %select_n3A_41, %eq3A_3771 : vector<16xi32>
    %eq3A_3773 = arith.constant 2 : i32
    %eq3A_3774 = vector.broadcast %eq3A_3773 : i32 to vector<16xi32>
    %eq3A_3775 = arith.cmpi eq, %select_n3A_41, %eq3A_3774 : vector<16xi32>
    %select_n3A_3776 = arith.select %eq3A_3775, %gather3A_3754, %gather3A_3766 : vector<16xi1>, vector<16xf32>
    %select_n3A_3777 = arith.select %eq3A_3772, %gather3A_3742, %select_n3A_3776 : vector<16xi1>, vector<16xf32>
    %select_n3A_3778 = arith.select %eq3A_3769, %gather3A_3730, %select_n3A_3777 : vector<16xi1>, vector<16xf32>
    %mul3A_3779 = arith.mulf %select_n3A_3778, %bitcast_convert_type3A_3697 : vector<16xf32>
    %add3A_3780 = arith.addf %add3A_3670, %mul3A_3779 : vector<16xf32>
    %add3A_3781 = arith.constant 9 : i32
    %add3A_3782 = vector.broadcast %add3A_3781 : i32 to vector<16xi32>
    %add3A_3783 = arith.addi %mul3A_2784, %add3A_3782 : vector<16xi32>
    %gather3A_3784 = tpu.vector_load_idx %arg6[%add3A_3783] : memref<60xf32, #tpu.memory_space<vmem>>[vector<16xi32>], vector<16xf32>,
    %add3A_3785 = arith.constant 9 : i32
    %add3A_3786 = vector.broadcast %add3A_3785 : i32 to vector<16xi32>
    %add3A_3787 = arith.addi %select_n3A_2790, %add3A_3786 : vector<16xi32>
    %gather3A_3788 = tpu.vector_load_idx %arg6[%add3A_3787] : memref<60xf32, #tpu.memory_space<vmem>>[vector<16xi32>], vector<16xf32>,
    %add3A_3789 = arith.addf %gather3A_3784, %gather3A_3788 : vector<16xf32>
    %mul3A_3790 = arith.constant 5.000000e-01 : f32
    %mul3A_3791 = vector.broadcast %mul3A_3790 : f32 to vector<16xf32>
    %mul3A_3792 = arith.mulf %mul3A_3791, %add3A_3789 : vector<16xf32>
    %bitcast_convert_type3A_3793 = tpu.bitcast %mul3A_3792 : vector<16xf32> -> vector<16xi32>
    %add3A_3794 = arith.constant 32767 : i32
    %add3A_3795 = vector.broadcast %add3A_3794 : i32 to vector<16xi32>
    %add3A_3796 = arith.addi %bitcast_convert_type3A_3793, %add3A_3795 : vector<16xi32>
    %shift_right_arithmetic3A_3797 = arith.constant 16 : i32
    %shift_right_arithmetic3A_3798 = vector.broadcast %shift_right_arithmetic3A_3797 : i32 to vector<16xi32>
    %shift_right_arithmetic3A_3799 = arith.shrsi %bitcast_convert_type3A_3793, %shift_right_arithmetic3A_3798 : vector<16xi32>
    %and3A_3800 = arith.constant 1 : i32
    %and3A_3801 = vector.broadcast %and3A_3800 : i32 to vector<16xi32>
    %and3A_3802 = arith.andi %shift_right_arithmetic3A_3799, %and3A_3801 : vector<16xi32>
    %add3A_3803 = arith.addi %add3A_3796, %and3A_3802 : vector<16xi32>
    %and3A_3804 = arith.constant -65536 : i32
    %and3A_3805 = vector.broadcast %and3A_3804 : i32 to vector<16xi32>
    %and3A_3806 = arith.andi %add3A_3803, %and3A_3805 : vector<16xi32>
    %bitcast_convert_type3A_3807 = tpu.bitcast %and3A_3806 : vector<16xi32> -> vector<16xf32>
    %add3A_3808 = arith.constant 9 : i32
    %add3A_3809 = vector.broadcast %add3A_3808 : i32 to vector<16xi32>
    %add3A_3810 = arith.addi %mul3A_2761, %add3A_3809 : vector<16xi32>
    %gather3A_3811 = tpu.vector_load_idx %arg7[%add3A_3810] : memref<60xf32, #tpu.memory_space<vmem>>[vector<16xi32>], vector<16xf32>,
    %bitcast_convert_type3A_3812 = tpu.bitcast %gather3A_3811 : vector<16xf32> -> vector<16xi32>
    %add3A_3813 = arith.constant 32767 : i32
    %add3A_3814 = vector.broadcast %add3A_3813 : i32 to vector<16xi32>
    %add3A_3815 = arith.addi %bitcast_convert_type3A_3812, %add3A_3814 : vector<16xi32>
    %shift_right_arithmetic3A_3816 = arith.constant 16 : i32
    %shift_right_arithmetic3A_3817 = vector.broadcast %shift_right_arithmetic3A_3816 : i32 to vector<16xi32>
    %shift_right_arithmetic3A_3818 = arith.shrsi %bitcast_convert_type3A_3812, %shift_right_arithmetic3A_3817 : vector<16xi32>
    %and3A_3819 = arith.constant 1 : i32
    %and3A_3820 = vector.broadcast %and3A_3819 : i32 to vector<16xi32>
    %and3A_3821 = arith.andi %shift_right_arithmetic3A_3818, %and3A_3820 : vector<16xi32>
    %add3A_3822 = arith.addi %add3A_3815, %and3A_3821 : vector<16xi32>
    %and3A_3823 = arith.constant -65536 : i32
    %and3A_3824 = vector.broadcast %and3A_3823 : i32 to vector<16xi32>
    %and3A_3825 = arith.andi %add3A_3822, %and3A_3824 : vector<16xi32>
    %bitcast_convert_type3A_3826 = tpu.bitcast %and3A_3825 : vector<16xi32> -> vector<16xf32>
    %mul3A_3827 = arith.mulf %bitcast_convert_type3A_3826, %bitcast_convert_type3A_3807 : vector<16xf32>
    %add3A_3828 = arith.addf %add3A_3718, %mul3A_3827 : vector<16xf32>
    %broadcast_in_dim3A_3829 = arith.constant 9 : i32
    %broadcast_in_dim3A_3830 = vector.broadcast %broadcast_in_dim3A_3829 : i32 to vector<16xi32>
    %lt3A_3831 = arith.constant 0 : i32
    %lt3A_3832 = vector.broadcast %lt3A_3831 : i32 to vector<16xi32>
    %lt3A_3833 = arith.cmpi slt, %broadcast_in_dim3A_3830, %lt3A_3832 : vector<16xi32>
    %add3A_3834 = arith.constant 16 : i32
    %add3A_3835 = vector.broadcast %add3A_3834 : i32 to vector<16xi32>
    %add3A_3836 = arith.addi %broadcast_in_dim3A_3830, %add3A_3835 : vector<16xi32>
    %select_n3A_3837 = arith.select %lt3A_3833, %add3A_3836, %broadcast_in_dim3A_3830 : vector<16xi1>, vector<16xi32>
    %broadcast_in_dim3A_3838 = vector.shape_cast %select_n3A_3837 : vector<16xi32> to vector<16x1xi32>
    %gather3A_3839 = vector.shape_cast %broadcast_in_dim3A_3838 : vector<16x1xi32> to vector<16xi32>
    %gather3A_3840 = tpu.dynamic_gather %bitcast_convert_type3A_2653[%gather3A_3839] in [0] : vector<16xf32>, vector<16xi32> -> vector<16xf32>
    %broadcast_in_dim3A_3841 = arith.constant 9 : i32
    %broadcast_in_dim3A_3842 = vector.broadcast %broadcast_in_dim3A_3841 : i32 to vector<16xi32>
    %lt3A_3843 = arith.constant 0 : i32
    %lt3A_3844 = vector.broadcast %lt3A_3843 : i32 to vector<16xi32>
    %lt3A_3845 = arith.cmpi slt, %broadcast_in_dim3A_3842, %lt3A_3844 : vector<16xi32>
    %add3A_3846 = arith.constant 16 : i32
    %add3A_3847 = vector.broadcast %add3A_3846 : i32 to vector<16xi32>
    %add3A_3848 = arith.addi %broadcast_in_dim3A_3842, %add3A_3847 : vector<16xi32>
    %select_n3A_3849 = arith.select %lt3A_3845, %add3A_3848, %broadcast_in_dim3A_3842 : vector<16xi1>, vector<16xi32>
    %broadcast_in_dim3A_3850 = vector.shape_cast %select_n3A_3849 : vector<16xi32> to vector<16x1xi32>
    %gather3A_3851 = vector.shape_cast %broadcast_in_dim3A_3850 : vector<16x1xi32> to vector<16xi32>
    %gather3A_3852 = tpu.dynamic_gather %bitcast_convert_type3A_2683[%gather3A_3851] in [0] : vector<16xf32>, vector<16xi32> -> vector<16xf32>
    %broadcast_in_dim3A_3853 = arith.constant 9 : i32
    %broadcast_in_dim3A_3854 = vector.broadcast %broadcast_in_dim3A_3853 : i32 to vector<16xi32>
    %lt3A_3855 = arith.constant 0 : i32
    %lt3A_3856 = vector.broadcast %lt3A_3855 : i32 to vector<16xi32>
    %lt3A_3857 = arith.cmpi slt, %broadcast_in_dim3A_3854, %lt3A_3856 : vector<16xi32>
    %add3A_3858 = arith.constant 16 : i32
    %add3A_3859 = vector.broadcast %add3A_3858 : i32 to vector<16xi32>
    %add3A_3860 = arith.addi %broadcast_in_dim3A_3854, %add3A_3859 : vector<16xi32>
    %select_n3A_3861 = arith.select %lt3A_3857, %add3A_3860, %broadcast_in_dim3A_3854 : vector<16xi1>, vector<16xi32>
    %broadcast_in_dim3A_3862 = vector.shape_cast %select_n3A_3861 : vector<16xi32> to vector<16x1xi32>
    %gather3A_3863 = vector.shape_cast %broadcast_in_dim3A_3862 : vector<16x1xi32> to vector<16xi32>
    %gather3A_3864 = tpu.dynamic_gather %bitcast_convert_type3A_2713[%gather3A_3863] in [0] : vector<16xf32>, vector<16xi32> -> vector<16xf32>
    %broadcast_in_dim3A_3865 = arith.constant 9 : i32
    %broadcast_in_dim3A_3866 = vector.broadcast %broadcast_in_dim3A_3865 : i32 to vector<16xi32>
    %lt3A_3867 = arith.constant 0 : i32
    %lt3A_3868 = vector.broadcast %lt3A_3867 : i32 to vector<16xi32>
    %lt3A_3869 = arith.cmpi slt, %broadcast_in_dim3A_3866, %lt3A_3868 : vector<16xi32>
    %add3A_3870 = arith.constant 16 : i32
    %add3A_3871 = vector.broadcast %add3A_3870 : i32 to vector<16xi32>
    %add3A_3872 = arith.addi %broadcast_in_dim3A_3866, %add3A_3871 : vector<16xi32>
    %select_n3A_3873 = arith.select %lt3A_3869, %add3A_3872, %broadcast_in_dim3A_3866 : vector<16xi1>, vector<16xi32>
    %broadcast_in_dim3A_3874 = vector.shape_cast %select_n3A_3873 : vector<16xi32> to vector<16x1xi32>
    %gather3A_3875 = vector.shape_cast %broadcast_in_dim3A_3874 : vector<16x1xi32> to vector<16xi32>
    %gather3A_3876 = tpu.dynamic_gather %bitcast_convert_type3A_2743[%gather3A_3875] in [0] : vector<16xf32>, vector<16xi32> -> vector<16xf32>
    %eq3A_3877 = arith.constant 0 : i32
    %eq3A_3878 = vector.broadcast %eq3A_3877 : i32 to vector<16xi32>
    %eq3A_3879 = arith.cmpi eq, %select_n3A_41, %eq3A_3878 : vector<16xi32>
    %eq3A_3880 = arith.constant 1 : i32
    %eq3A_3881 = vector.broadcast %eq3A_3880 : i32 to vector<16xi32>
    %eq3A_3882 = arith.cmpi eq, %select_n3A_41, %eq3A_3881 : vector<16xi32>
    %eq3A_3883 = arith.constant 2 : i32
    %eq3A_3884 = vector.broadcast %eq3A_3883 : i32 to vector<16xi32>
    %eq3A_3885 = arith.cmpi eq, %select_n3A_41, %eq3A_3884 : vector<16xi32>
    %select_n3A_3886 = arith.select %eq3A_3885, %gather3A_3864, %gather3A_3876 : vector<16xi1>, vector<16xf32>
    %select_n3A_3887 = arith.select %eq3A_3882, %gather3A_3852, %select_n3A_3886 : vector<16xi1>, vector<16xf32>
    %select_n3A_3888 = arith.select %eq3A_3879, %gather3A_3840, %select_n3A_3887 : vector<16xi1>, vector<16xf32>
    %mul3A_3889 = arith.mulf %select_n3A_3888, %bitcast_convert_type3A_3807 : vector<16xf32>
    %add3A_3890 = arith.addf %add3A_3780, %mul3A_3889 : vector<16xf32>
    %add3A_3891 = arith.constant 10 : i32
    %add3A_3892 = vector.broadcast %add3A_3891 : i32 to vector<16xi32>
    %add3A_3893 = arith.addi %mul3A_2784, %add3A_3892 : vector<16xi32>
    %gather3A_3894 = tpu.vector_load_idx %arg6[%add3A_3893] : memref<60xf32, #tpu.memory_space<vmem>>[vector<16xi32>], vector<16xf32>,
    %add3A_3895 = arith.constant 10 : i32
    %add3A_3896 = vector.broadcast %add3A_3895 : i32 to vector<16xi32>
    %add3A_3897 = arith.addi %select_n3A_2790, %add3A_3896 : vector<16xi32>
    %gather3A_3898 = tpu.vector_load_idx %arg6[%add3A_3897] : memref<60xf32, #tpu.memory_space<vmem>>[vector<16xi32>], vector<16xf32>,
    %add3A_3899 = arith.addf %gather3A_3894, %gather3A_3898 : vector<16xf32>
    %mul3A_3900 = arith.constant 5.000000e-01 : f32
    %mul3A_3901 = vector.broadcast %mul3A_3900 : f32 to vector<16xf32>
    %mul3A_3902 = arith.mulf %mul3A_3901, %add3A_3899 : vector<16xf32>
    %bitcast_convert_type3A_3903 = tpu.bitcast %mul3A_3902 : vector<16xf32> -> vector<16xi32>
    %add3A_3904 = arith.constant 32767 : i32
    %add3A_3905 = vector.broadcast %add3A_3904 : i32 to vector<16xi32>
    %add3A_3906 = arith.addi %bitcast_convert_type3A_3903, %add3A_3905 : vector<16xi32>
    %shift_right_arithmetic3A_3907 = arith.constant 16 : i32
    %shift_right_arithmetic3A_3908 = vector.broadcast %shift_right_arithmetic3A_3907 : i32 to vector<16xi32>
    %shift_right_arithmetic3A_3909 = arith.shrsi %bitcast_convert_type3A_3903, %shift_right_arithmetic3A_3908 : vector<16xi32>
    %and3A_3910 = arith.constant 1 : i32
    %and3A_3911 = vector.broadcast %and3A_3910 : i32 to vector<16xi32>
    %and3A_3912 = arith.andi %shift_right_arithmetic3A_3909, %and3A_3911 : vector<16xi32>
    %add3A_3913 = arith.addi %add3A_3906, %and3A_3912 : vector<16xi32>
    %and3A_3914 = arith.constant -65536 : i32
    %and3A_3915 = vector.broadcast %and3A_3914 : i32 to vector<16xi32>
    %and3A_3916 = arith.andi %add3A_3913, %and3A_3915 : vector<16xi32>
    %bitcast_convert_type3A_3917 = tpu.bitcast %and3A_3916 : vector<16xi32> -> vector<16xf32>
    %add3A_3918 = arith.constant 10 : i32
    %add3A_3919 = vector.broadcast %add3A_3918 : i32 to vector<16xi32>
    %add3A_3920 = arith.addi %mul3A_2761, %add3A_3919 : vector<16xi32>
    %gather3A_3921 = tpu.vector_load_idx %arg7[%add3A_3920] : memref<60xf32, #tpu.memory_space<vmem>>[vector<16xi32>], vector<16xf32>,
    %bitcast_convert_type3A_3922 = tpu.bitcast %gather3A_3921 : vector<16xf32> -> vector<16xi32>
    %add3A_3923 = arith.constant 32767 : i32
    %add3A_3924 = vector.broadcast %add3A_3923 : i32 to vector<16xi32>
    %add3A_3925 = arith.addi %bitcast_convert_type3A_3922, %add3A_3924 : vector<16xi32>
    %shift_right_arithmetic3A_3926 = arith.constant 16 : i32
    %shift_right_arithmetic3A_3927 = vector.broadcast %shift_right_arithmetic3A_3926 : i32 to vector<16xi32>
    %shift_right_arithmetic3A_3928 = arith.shrsi %bitcast_convert_type3A_3922, %shift_right_arithmetic3A_3927 : vector<16xi32>
    %and3A_3929 = arith.constant 1 : i32
    %and3A_3930 = vector.broadcast %and3A_3929 : i32 to vector<16xi32>
    %and3A_3931 = arith.andi %shift_right_arithmetic3A_3928, %and3A_3930 : vector<16xi32>
    %add3A_3932 = arith.addi %add3A_3925, %and3A_3931 : vector<16xi32>
    %and3A_3933 = arith.constant -65536 : i32
    %and3A_3934 = vector.broadcast %and3A_3933 : i32 to vector<16xi32>
    %and3A_3935 = arith.andi %add3A_3932, %and3A_3934 : vector<16xi32>
    %bitcast_convert_type3A_3936 = tpu.bitcast %and3A_3935 : vector<16xi32> -> vector<16xf32>
    %mul3A_3937 = arith.mulf %bitcast_convert_type3A_3936, %bitcast_convert_type3A_3917 : vector<16xf32>
    %add3A_3938 = arith.addf %add3A_3828, %mul3A_3937 : vector<16xf32>
    %broadcast_in_dim3A_3939 = arith.constant 10 : i32
    %broadcast_in_dim3A_3940 = vector.broadcast %broadcast_in_dim3A_3939 : i32 to vector<16xi32>
    %lt3A_3941 = arith.constant 0 : i32
    %lt3A_3942 = vector.broadcast %lt3A_3941 : i32 to vector<16xi32>
    %lt3A_3943 = arith.cmpi slt, %broadcast_in_dim3A_3940, %lt3A_3942 : vector<16xi32>
    %add3A_3944 = arith.constant 16 : i32
    %add3A_3945 = vector.broadcast %add3A_3944 : i32 to vector<16xi32>
    %add3A_3946 = arith.addi %broadcast_in_dim3A_3940, %add3A_3945 : vector<16xi32>
    %select_n3A_3947 = arith.select %lt3A_3943, %add3A_3946, %broadcast_in_dim3A_3940 : vector<16xi1>, vector<16xi32>
    %broadcast_in_dim3A_3948 = vector.shape_cast %select_n3A_3947 : vector<16xi32> to vector<16x1xi32>
    %gather3A_3949 = vector.shape_cast %broadcast_in_dim3A_3948 : vector<16x1xi32> to vector<16xi32>
    %gather3A_3950 = tpu.dynamic_gather %bitcast_convert_type3A_2653[%gather3A_3949] in [0] : vector<16xf32>, vector<16xi32> -> vector<16xf32>
    %broadcast_in_dim3A_3951 = arith.constant 10 : i32
    %broadcast_in_dim3A_3952 = vector.broadcast %broadcast_in_dim3A_3951 : i32 to vector<16xi32>
    %lt3A_3953 = arith.constant 0 : i32
    %lt3A_3954 = vector.broadcast %lt3A_3953 : i32 to vector<16xi32>
    %lt3A_3955 = arith.cmpi slt, %broadcast_in_dim3A_3952, %lt3A_3954 : vector<16xi32>
    %add3A_3956 = arith.constant 16 : i32
    %add3A_3957 = vector.broadcast %add3A_3956 : i32 to vector<16xi32>
    %add3A_3958 = arith.addi %broadcast_in_dim3A_3952, %add3A_3957 : vector<16xi32>
    %select_n3A_3959 = arith.select %lt3A_3955, %add3A_3958, %broadcast_in_dim3A_3952 : vector<16xi1>, vector<16xi32>
    %broadcast_in_dim3A_3960 = vector.shape_cast %select_n3A_3959 : vector<16xi32> to vector<16x1xi32>
    %gather3A_3961 = vector.shape_cast %broadcast_in_dim3A_3960 : vector<16x1xi32> to vector<16xi32>
    %gather3A_3962 = tpu.dynamic_gather %bitcast_convert_type3A_2683[%gather3A_3961] in [0] : vector<16xf32>, vector<16xi32> -> vector<16xf32>
    %broadcast_in_dim3A_3963 = arith.constant 10 : i32
    %broadcast_in_dim3A_3964 = vector.broadcast %broadcast_in_dim3A_3963 : i32 to vector<16xi32>
    %lt3A_3965 = arith.constant 0 : i32
    %lt3A_3966 = vector.broadcast %lt3A_3965 : i32 to vector<16xi32>
    %lt3A_3967 = arith.cmpi slt, %broadcast_in_dim3A_3964, %lt3A_3966 : vector<16xi32>
    %add3A_3968 = arith.constant 16 : i32
    %add3A_3969 = vector.broadcast %add3A_3968 : i32 to vector<16xi32>
    %add3A_3970 = arith.addi %broadcast_in_dim3A_3964, %add3A_3969 : vector<16xi32>
    %select_n3A_3971 = arith.select %lt3A_3967, %add3A_3970, %broadcast_in_dim3A_3964 : vector<16xi1>, vector<16xi32>
    %broadcast_in_dim3A_3972 = vector.shape_cast %select_n3A_3971 : vector<16xi32> to vector<16x1xi32>
    %gather3A_3973 = vector.shape_cast %broadcast_in_dim3A_3972 : vector<16x1xi32> to vector<16xi32>
    %gather3A_3974 = tpu.dynamic_gather %bitcast_convert_type3A_2713[%gather3A_3973] in [0] : vector<16xf32>, vector<16xi32> -> vector<16xf32>
    %broadcast_in_dim3A_3975 = arith.constant 10 : i32
    %broadcast_in_dim3A_3976 = vector.broadcast %broadcast_in_dim3A_3975 : i32 to vector<16xi32>
    %lt3A_3977 = arith.constant 0 : i32
    %lt3A_3978 = vector.broadcast %lt3A_3977 : i32 to vector<16xi32>
    %lt3A_3979 = arith.cmpi slt, %broadcast_in_dim3A_3976, %lt3A_3978 : vector<16xi32>
    %add3A_3980 = arith.constant 16 : i32
    %add3A_3981 = vector.broadcast %add3A_3980 : i32 to vector<16xi32>
    %add3A_3982 = arith.addi %broadcast_in_dim3A_3976, %add3A_3981 : vector<16xi32>
    %select_n3A_3983 = arith.select %lt3A_3979, %add3A_3982, %broadcast_in_dim3A_3976 : vector<16xi1>, vector<16xi32>
    %broadcast_in_dim3A_3984 = vector.shape_cast %select_n3A_3983 : vector<16xi32> to vector<16x1xi32>
    %gather3A_3985 = vector.shape_cast %broadcast_in_dim3A_3984 : vector<16x1xi32> to vector<16xi32>
    %gather3A_3986 = tpu.dynamic_gather %bitcast_convert_type3A_2743[%gather3A_3985] in [0] : vector<16xf32>, vector<16xi32> -> vector<16xf32>
    %eq3A_3987 = arith.constant 0 : i32
    %eq3A_3988 = vector.broadcast %eq3A_3987 : i32 to vector<16xi32>
    %eq3A_3989 = arith.cmpi eq, %select_n3A_41, %eq3A_3988 : vector<16xi32>
    %eq3A_3990 = arith.constant 1 : i32
    %eq3A_3991 = vector.broadcast %eq3A_3990 : i32 to vector<16xi32>
    %eq3A_3992 = arith.cmpi eq, %select_n3A_41, %eq3A_3991 : vector<16xi32>
    %eq3A_3993 = arith.constant 2 : i32
    %eq3A_3994 = vector.broadcast %eq3A_3993 : i32 to vector<16xi32>
    %eq3A_3995 = arith.cmpi eq, %select_n3A_41, %eq3A_3994 : vector<16xi32>
    %select_n3A_3996 = arith.select %eq3A_3995, %gather3A_3974, %gather3A_3986 : vector<16xi1>, vector<16xf32>
    %select_n3A_3997 = arith.select %eq3A_3992, %gather3A_3962, %select_n3A_3996 : vector<16xi1>, vector<16xf32>
    %select_n3A_3998 = arith.select %eq3A_3989, %gather3A_3950, %select_n3A_3997 : vector<16xi1>, vector<16xf32>
    %mul3A_3999 = arith.mulf %select_n3A_3998, %bitcast_convert_type3A_3917 : vector<16xf32>
    %add3A_4000 = arith.addf %add3A_3890, %mul3A_3999 : vector<16xf32>
    %add3A_4001 = arith.constant 11 : i32
    %add3A_4002 = vector.broadcast %add3A_4001 : i32 to vector<16xi32>
    %add3A_4003 = arith.addi %mul3A_2784, %add3A_4002 : vector<16xi32>
    %gather3A_4004 = tpu.vector_load_idx %arg6[%add3A_4003] : memref<60xf32, #tpu.memory_space<vmem>>[vector<16xi32>], vector<16xf32>,
    %add3A_4005 = arith.constant 11 : i32
    %add3A_4006 = vector.broadcast %add3A_4005 : i32 to vector<16xi32>
    %add3A_4007 = arith.addi %select_n3A_2790, %add3A_4006 : vector<16xi32>
    %gather3A_4008 = tpu.vector_load_idx %arg6[%add3A_4007] : memref<60xf32, #tpu.memory_space<vmem>>[vector<16xi32>], vector<16xf32>,
    %add3A_4009 = arith.addf %gather3A_4004, %gather3A_4008 : vector<16xf32>
    %mul3A_4010 = arith.constant 5.000000e-01 : f32
    %mul3A_4011 = vector.broadcast %mul3A_4010 : f32 to vector<16xf32>
    %mul3A_4012 = arith.mulf %mul3A_4011, %add3A_4009 : vector<16xf32>
    %bitcast_convert_type3A_4013 = tpu.bitcast %mul3A_4012 : vector<16xf32> -> vector<16xi32>
    %add3A_4014 = arith.constant 32767 : i32
    %add3A_4015 = vector.broadcast %add3A_4014 : i32 to vector<16xi32>
    %add3A_4016 = arith.addi %bitcast_convert_type3A_4013, %add3A_4015 : vector<16xi32>
    %shift_right_arithmetic3A_4017 = arith.constant 16 : i32
    %shift_right_arithmetic3A_4018 = vector.broadcast %shift_right_arithmetic3A_4017 : i32 to vector<16xi32>
    %shift_right_arithmetic3A_4019 = arith.shrsi %bitcast_convert_type3A_4013, %shift_right_arithmetic3A_4018 : vector<16xi32>
    %and3A_4020 = arith.constant 1 : i32
    %and3A_4021 = vector.broadcast %and3A_4020 : i32 to vector<16xi32>
    %and3A_4022 = arith.andi %shift_right_arithmetic3A_4019, %and3A_4021 : vector<16xi32>
    %add3A_4023 = arith.addi %add3A_4016, %and3A_4022 : vector<16xi32>
    %and3A_4024 = arith.constant -65536 : i32
    %and3A_4025 = vector.broadcast %and3A_4024 : i32 to vector<16xi32>
    %and3A_4026 = arith.andi %add3A_4023, %and3A_4025 : vector<16xi32>
    %bitcast_convert_type3A_4027 = tpu.bitcast %and3A_4026 : vector<16xi32> -> vector<16xf32>
    %add3A_4028 = arith.constant 11 : i32
    %add3A_4029 = vector.broadcast %add3A_4028 : i32 to vector<16xi32>
    %add3A_4030 = arith.addi %mul3A_2761, %add3A_4029 : vector<16xi32>
    %gather3A_4031 = tpu.vector_load_idx %arg7[%add3A_4030] : memref<60xf32, #tpu.memory_space<vmem>>[vector<16xi32>], vector<16xf32>,
    %bitcast_convert_type3A_4032 = tpu.bitcast %gather3A_4031 : vector<16xf32> -> vector<16xi32>
    %add3A_4033 = arith.constant 32767 : i32
    %add3A_4034 = vector.broadcast %add3A_4033 : i32 to vector<16xi32>
    %add3A_4035 = arith.addi %bitcast_convert_type3A_4032, %add3A_4034 : vector<16xi32>
    %shift_right_arithmetic3A_4036 = arith.constant 16 : i32
    %shift_right_arithmetic3A_4037 = vector.broadcast %shift_right_arithmetic3A_4036 : i32 to vector<16xi32>
    %shift_right_arithmetic3A_4038 = arith.shrsi %bitcast_convert_type3A_4032, %shift_right_arithmetic3A_4037 : vector<16xi32>
    %and3A_4039 = arith.constant 1 : i32
    %and3A_4040 = vector.broadcast %and3A_4039 : i32 to vector<16xi32>
    %and3A_4041 = arith.andi %shift_right_arithmetic3A_4038, %and3A_4040 : vector<16xi32>
    %add3A_4042 = arith.addi %add3A_4035, %and3A_4041 : vector<16xi32>
    %and3A_4043 = arith.constant -65536 : i32
    %and3A_4044 = vector.broadcast %and3A_4043 : i32 to vector<16xi32>
    %and3A_4045 = arith.andi %add3A_4042, %and3A_4044 : vector<16xi32>
    %bitcast_convert_type3A_4046 = tpu.bitcast %and3A_4045 : vector<16xi32> -> vector<16xf32>
    %mul3A_4047 = arith.mulf %bitcast_convert_type3A_4046, %bitcast_convert_type3A_4027 : vector<16xf32>
    %add3A_4048 = arith.addf %add3A_3938, %mul3A_4047 : vector<16xf32>
    %broadcast_in_dim3A_4049 = arith.constant 11 : i32
    %broadcast_in_dim3A_4050 = vector.broadcast %broadcast_in_dim3A_4049 : i32 to vector<16xi32>
    %lt3A_4051 = arith.constant 0 : i32
    %lt3A_4052 = vector.broadcast %lt3A_4051 : i32 to vector<16xi32>
    %lt3A_4053 = arith.cmpi slt, %broadcast_in_dim3A_4050, %lt3A_4052 : vector<16xi32>
    %add3A_4054 = arith.constant 16 : i32
    %add3A_4055 = vector.broadcast %add3A_4054 : i32 to vector<16xi32>
    %add3A_4056 = arith.addi %broadcast_in_dim3A_4050, %add3A_4055 : vector<16xi32>
    %select_n3A_4057 = arith.select %lt3A_4053, %add3A_4056, %broadcast_in_dim3A_4050 : vector<16xi1>, vector<16xi32>
    %broadcast_in_dim3A_4058 = vector.shape_cast %select_n3A_4057 : vector<16xi32> to vector<16x1xi32>
    %gather3A_4059 = vector.shape_cast %broadcast_in_dim3A_4058 : vector<16x1xi32> to vector<16xi32>
    %gather3A_4060 = tpu.dynamic_gather %bitcast_convert_type3A_2653[%gather3A_4059] in [0] : vector<16xf32>, vector<16xi32> -> vector<16xf32>
    %broadcast_in_dim3A_4061 = arith.constant 11 : i32
    %broadcast_in_dim3A_4062 = vector.broadcast %broadcast_in_dim3A_4061 : i32 to vector<16xi32>
    %lt3A_4063 = arith.constant 0 : i32
    %lt3A_4064 = vector.broadcast %lt3A_4063 : i32 to vector<16xi32>
    %lt3A_4065 = arith.cmpi slt, %broadcast_in_dim3A_4062, %lt3A_4064 : vector<16xi32>
    %add3A_4066 = arith.constant 16 : i32
    %add3A_4067 = vector.broadcast %add3A_4066 : i32 to vector<16xi32>
    %add3A_4068 = arith.addi %broadcast_in_dim3A_4062, %add3A_4067 : vector<16xi32>
    %select_n3A_4069 = arith.select %lt3A_4065, %add3A_4068, %broadcast_in_dim3A_4062 : vector<16xi1>, vector<16xi32>
    %broadcast_in_dim3A_4070 = vector.shape_cast %select_n3A_4069 : vector<16xi32> to vector<16x1xi32>
    %gather3A_4071 = vector.shape_cast %broadcast_in_dim3A_4070 : vector<16x1xi32> to vector<16xi32>
    %gather3A_4072 = tpu.dynamic_gather %bitcast_convert_type3A_2683[%gather3A_4071] in [0] : vector<16xf32>, vector<16xi32> -> vector<16xf32>
    %broadcast_in_dim3A_4073 = arith.constant 11 : i32
    %broadcast_in_dim3A_4074 = vector.broadcast %broadcast_in_dim3A_4073 : i32 to vector<16xi32>
    %lt3A_4075 = arith.constant 0 : i32
    %lt3A_4076 = vector.broadcast %lt3A_4075 : i32 to vector<16xi32>
    %lt3A_4077 = arith.cmpi slt, %broadcast_in_dim3A_4074, %lt3A_4076 : vector<16xi32>
    %add3A_4078 = arith.constant 16 : i32
    %add3A_4079 = vector.broadcast %add3A_4078 : i32 to vector<16xi32>
    %add3A_4080 = arith.addi %broadcast_in_dim3A_4074, %add3A_4079 : vector<16xi32>
    %select_n3A_4081 = arith.select %lt3A_4077, %add3A_4080, %broadcast_in_dim3A_4074 : vector<16xi1>, vector<16xi32>
    %broadcast_in_dim3A_4082 = vector.shape_cast %select_n3A_4081 : vector<16xi32> to vector<16x1xi32>
    %gather3A_4083 = vector.shape_cast %broadcast_in_dim3A_4082 : vector<16x1xi32> to vector<16xi32>
    %gather3A_4084 = tpu.dynamic_gather %bitcast_convert_type3A_2713[%gather3A_4083] in [0] : vector<16xf32>, vector<16xi32> -> vector<16xf32>
    %broadcast_in_dim3A_4085 = arith.constant 11 : i32
    %broadcast_in_dim3A_4086 = vector.broadcast %broadcast_in_dim3A_4085 : i32 to vector<16xi32>
    %lt3A_4087 = arith.constant 0 : i32
    %lt3A_4088 = vector.broadcast %lt3A_4087 : i32 to vector<16xi32>
    %lt3A_4089 = arith.cmpi slt, %broadcast_in_dim3A_4086, %lt3A_4088 : vector<16xi32>
    %add3A_4090 = arith.constant 16 : i32
    %add3A_4091 = vector.broadcast %add3A_4090 : i32 to vector<16xi32>
    %add3A_4092 = arith.addi %broadcast_in_dim3A_4086, %add3A_4091 : vector<16xi32>
    %select_n3A_4093 = arith.select %lt3A_4089, %add3A_4092, %broadcast_in_dim3A_4086 : vector<16xi1>, vector<16xi32>
    %broadcast_in_dim3A_4094 = vector.shape_cast %select_n3A_4093 : vector<16xi32> to vector<16x1xi32>
    %gather3A_4095 = vector.shape_cast %broadcast_in_dim3A_4094 : vector<16x1xi32> to vector<16xi32>
    %gather3A_4096 = tpu.dynamic_gather %bitcast_convert_type3A_2743[%gather3A_4095] in [0] : vector<16xf32>, vector<16xi32> -> vector<16xf32>
    %eq3A_4097 = arith.constant 0 : i32
    %eq3A_4098 = vector.broadcast %eq3A_4097 : i32 to vector<16xi32>
    %eq3A_4099 = arith.cmpi eq, %select_n3A_41, %eq3A_4098 : vector<16xi32>
    %eq3A_4100 = arith.constant 1 : i32
    %eq3A_4101 = vector.broadcast %eq3A_4100 : i32 to vector<16xi32>
    %eq3A_4102 = arith.cmpi eq, %select_n3A_41, %eq3A_4101 : vector<16xi32>
    %eq3A_4103 = arith.constant 2 : i32
    %eq3A_4104 = vector.broadcast %eq3A_4103 : i32 to vector<16xi32>
    %eq3A_4105 = arith.cmpi eq, %select_n3A_41, %eq3A_4104 : vector<16xi32>
    %select_n3A_4106 = arith.select %eq3A_4105, %gather3A_4084, %gather3A_4096 : vector<16xi1>, vector<16xf32>
    %select_n3A_4107 = arith.select %eq3A_4102, %gather3A_4072, %select_n3A_4106 : vector<16xi1>, vector<16xf32>
    %select_n3A_4108 = arith.select %eq3A_4099, %gather3A_4060, %select_n3A_4107 : vector<16xi1>, vector<16xf32>
    %mul3A_4109 = arith.mulf %select_n3A_4108, %bitcast_convert_type3A_4027 : vector<16xf32>
    %add3A_4110 = arith.addf %add3A_4000, %mul3A_4109 : vector<16xf32>
    %add3A_4111 = arith.constant 12 : i32
    %add3A_4112 = vector.broadcast %add3A_4111 : i32 to vector<16xi32>
    %add3A_4113 = arith.addi %mul3A_2784, %add3A_4112 : vector<16xi32>
    %gather3A_4114 = tpu.vector_load_idx %arg6[%add3A_4113] : memref<60xf32, #tpu.memory_space<vmem>>[vector<16xi32>], vector<16xf32>,
    %add3A_4115 = arith.constant 12 : i32
    %add3A_4116 = vector.broadcast %add3A_4115 : i32 to vector<16xi32>
    %add3A_4117 = arith.addi %select_n3A_2790, %add3A_4116 : vector<16xi32>
    %gather3A_4118 = tpu.vector_load_idx %arg6[%add3A_4117] : memref<60xf32, #tpu.memory_space<vmem>>[vector<16xi32>], vector<16xf32>,
    %add3A_4119 = arith.addf %gather3A_4114, %gather3A_4118 : vector<16xf32>
    %mul3A_4120 = arith.constant 5.000000e-01 : f32
    %mul3A_4121 = vector.broadcast %mul3A_4120 : f32 to vector<16xf32>
    %mul3A_4122 = arith.mulf %mul3A_4121, %add3A_4119 : vector<16xf32>
    %bitcast_convert_type3A_4123 = tpu.bitcast %mul3A_4122 : vector<16xf32> -> vector<16xi32>
    %add3A_4124 = arith.constant 32767 : i32
    %add3A_4125 = vector.broadcast %add3A_4124 : i32 to vector<16xi32>
    %add3A_4126 = arith.addi %bitcast_convert_type3A_4123, %add3A_4125 : vector<16xi32>
    %shift_right_arithmetic3A_4127 = arith.constant 16 : i32
    %shift_right_arithmetic3A_4128 = vector.broadcast %shift_right_arithmetic3A_4127 : i32 to vector<16xi32>
    %shift_right_arithmetic3A_4129 = arith.shrsi %bitcast_convert_type3A_4123, %shift_right_arithmetic3A_4128 : vector<16xi32>
    %and3A_4130 = arith.constant 1 : i32
    %and3A_4131 = vector.broadcast %and3A_4130 : i32 to vector<16xi32>
    %and3A_4132 = arith.andi %shift_right_arithmetic3A_4129, %and3A_4131 : vector<16xi32>
    %add3A_4133 = arith.addi %add3A_4126, %and3A_4132 : vector<16xi32>
    %and3A_4134 = arith.constant -65536 : i32
    %and3A_4135 = vector.broadcast %and3A_4134 : i32 to vector<16xi32>
    %and3A_4136 = arith.andi %add3A_4133, %and3A_4135 : vector<16xi32>
    %bitcast_convert_type3A_4137 = tpu.bitcast %and3A_4136 : vector<16xi32> -> vector<16xf32>
    %add3A_4138 = arith.constant 12 : i32
    %add3A_4139 = vector.broadcast %add3A_4138 : i32 to vector<16xi32>
    %add3A_4140 = arith.addi %mul3A_2761, %add3A_4139 : vector<16xi32>
    %gather3A_4141 = tpu.vector_load_idx %arg7[%add3A_4140] : memref<60xf32, #tpu.memory_space<vmem>>[vector<16xi32>], vector<16xf32>,
    %bitcast_convert_type3A_4142 = tpu.bitcast %gather3A_4141 : vector<16xf32> -> vector<16xi32>
    %add3A_4143 = arith.constant 32767 : i32
    %add3A_4144 = vector.broadcast %add3A_4143 : i32 to vector<16xi32>
    %add3A_4145 = arith.addi %bitcast_convert_type3A_4142, %add3A_4144 : vector<16xi32>
    %shift_right_arithmetic3A_4146 = arith.constant 16 : i32
    %shift_right_arithmetic3A_4147 = vector.broadcast %shift_right_arithmetic3A_4146 : i32 to vector<16xi32>
    %shift_right_arithmetic3A_4148 = arith.shrsi %bitcast_convert_type3A_4142, %shift_right_arithmetic3A_4147 : vector<16xi32>
    %and3A_4149 = arith.constant 1 : i32
    %and3A_4150 = vector.broadcast %and3A_4149 : i32 to vector<16xi32>
    %and3A_4151 = arith.andi %shift_right_arithmetic3A_4148, %and3A_4150 : vector<16xi32>
    %add3A_4152 = arith.addi %add3A_4145, %and3A_4151 : vector<16xi32>
    %and3A_4153 = arith.constant -65536 : i32
    %and3A_4154 = vector.broadcast %and3A_4153 : i32 to vector<16xi32>
    %and3A_4155 = arith.andi %add3A_4152, %and3A_4154 : vector<16xi32>
    %bitcast_convert_type3A_4156 = tpu.bitcast %and3A_4155 : vector<16xi32> -> vector<16xf32>
    %mul3A_4157 = arith.mulf %bitcast_convert_type3A_4156, %bitcast_convert_type3A_4137 : vector<16xf32>
    %add3A_4158 = arith.addf %add3A_4048, %mul3A_4157 : vector<16xf32>
    %broadcast_in_dim3A_4159 = arith.constant 12 : i32
    %broadcast_in_dim3A_4160 = vector.broadcast %broadcast_in_dim3A_4159 : i32 to vector<16xi32>
    %lt3A_4161 = arith.constant 0 : i32
    %lt3A_4162 = vector.broadcast %lt3A_4161 : i32 to vector<16xi32>
    %lt3A_4163 = arith.cmpi slt, %broadcast_in_dim3A_4160, %lt3A_4162 : vector<16xi32>
    %add3A_4164 = arith.constant 16 : i32
    %add3A_4165 = vector.broadcast %add3A_4164 : i32 to vector<16xi32>
    %add3A_4166 = arith.addi %broadcast_in_dim3A_4160, %add3A_4165 : vector<16xi32>
    %select_n3A_4167 = arith.select %lt3A_4163, %add3A_4166, %broadcast_in_dim3A_4160 : vector<16xi1>, vector<16xi32>
    %broadcast_in_dim3A_4168 = vector.shape_cast %select_n3A_4167 : vector<16xi32> to vector<16x1xi32>
    %gather3A_4169 = vector.shape_cast %broadcast_in_dim3A_4168 : vector<16x1xi32> to vector<16xi32>
    %gather3A_4170 = tpu.dynamic_gather %bitcast_convert_type3A_2653[%gather3A_4169] in [0] : vector<16xf32>, vector<16xi32> -> vector<16xf32>
    %broadcast_in_dim3A_4171 = arith.constant 12 : i32
    %broadcast_in_dim3A_4172 = vector.broadcast %broadcast_in_dim3A_4171 : i32 to vector<16xi32>
    %lt3A_4173 = arith.constant 0 : i32
    %lt3A_4174 = vector.broadcast %lt3A_4173 : i32 to vector<16xi32>
    %lt3A_4175 = arith.cmpi slt, %broadcast_in_dim3A_4172, %lt3A_4174 : vector<16xi32>
    %add3A_4176 = arith.constant 16 : i32
    %add3A_4177 = vector.broadcast %add3A_4176 : i32 to vector<16xi32>
    %add3A_4178 = arith.addi %broadcast_in_dim3A_4172, %add3A_4177 : vector<16xi32>
    %select_n3A_4179 = arith.select %lt3A_4175, %add3A_4178, %broadcast_in_dim3A_4172 : vector<16xi1>, vector<16xi32>
    %broadcast_in_dim3A_4180 = vector.shape_cast %select_n3A_4179 : vector<16xi32> to vector<16x1xi32>
    %gather3A_4181 = vector.shape_cast %broadcast_in_dim3A_4180 : vector<16x1xi32> to vector<16xi32>
    %gather3A_4182 = tpu.dynamic_gather %bitcast_convert_type3A_2683[%gather3A_4181] in [0] : vector<16xf32>, vector<16xi32> -> vector<16xf32>
    %broadcast_in_dim3A_4183 = arith.constant 12 : i32
    %broadcast_in_dim3A_4184 = vector.broadcast %broadcast_in_dim3A_4183 : i32 to vector<16xi32>
    %lt3A_4185 = arith.constant 0 : i32
    %lt3A_4186 = vector.broadcast %lt3A_4185 : i32 to vector<16xi32>
    %lt3A_4187 = arith.cmpi slt, %broadcast_in_dim3A_4184, %lt3A_4186 : vector<16xi32>
    %add3A_4188 = arith.constant 16 : i32
    %add3A_4189 = vector.broadcast %add3A_4188 : i32 to vector<16xi32>
    %add3A_4190 = arith.addi %broadcast_in_dim3A_4184, %add3A_4189 : vector<16xi32>
    %select_n3A_4191 = arith.select %lt3A_4187, %add3A_4190, %broadcast_in_dim3A_4184 : vector<16xi1>, vector<16xi32>
    %broadcast_in_dim3A_4192 = vector.shape_cast %select_n3A_4191 : vector<16xi32> to vector<16x1xi32>
    %gather3A_4193 = vector.shape_cast %broadcast_in_dim3A_4192 : vector<16x1xi32> to vector<16xi32>
    %gather3A_4194 = tpu.dynamic_gather %bitcast_convert_type3A_2713[%gather3A_4193] in [0] : vector<16xf32>, vector<16xi32> -> vector<16xf32>
    %broadcast_in_dim3A_4195 = arith.constant 12 : i32
    %broadcast_in_dim3A_4196 = vector.broadcast %broadcast_in_dim3A_4195 : i32 to vector<16xi32>
    %lt3A_4197 = arith.constant 0 : i32
    %lt3A_4198 = vector.broadcast %lt3A_4197 : i32 to vector<16xi32>
    %lt3A_4199 = arith.cmpi slt, %broadcast_in_dim3A_4196, %lt3A_4198 : vector<16xi32>
    %add3A_4200 = arith.constant 16 : i32
    %add3A_4201 = vector.broadcast %add3A_4200 : i32 to vector<16xi32>
    %add3A_4202 = arith.addi %broadcast_in_dim3A_4196, %add3A_4201 : vector<16xi32>
    %select_n3A_4203 = arith.select %lt3A_4199, %add3A_4202, %broadcast_in_dim3A_4196 : vector<16xi1>, vector<16xi32>
    %broadcast_in_dim3A_4204 = vector.shape_cast %select_n3A_4203 : vector<16xi32> to vector<16x1xi32>
    %gather3A_4205 = vector.shape_cast %broadcast_in_dim3A_4204 : vector<16x1xi32> to vector<16xi32>
    %gather3A_4206 = tpu.dynamic_gather %bitcast_convert_type3A_2743[%gather3A_4205] in [0] : vector<16xf32>, vector<16xi32> -> vector<16xf32>
    %eq3A_4207 = arith.constant 0 : i32
    %eq3A_4208 = vector.broadcast %eq3A_4207 : i32 to vector<16xi32>
    %eq3A_4209 = arith.cmpi eq, %select_n3A_41, %eq3A_4208 : vector<16xi32>
    %eq3A_4210 = arith.constant 1 : i32
    %eq3A_4211 = vector.broadcast %eq3A_4210 : i32 to vector<16xi32>
    %eq3A_4212 = arith.cmpi eq, %select_n3A_41, %eq3A_4211 : vector<16xi32>
    %eq3A_4213 = arith.constant 2 : i32
    %eq3A_4214 = vector.broadcast %eq3A_4213 : i32 to vector<16xi32>
    %eq3A_4215 = arith.cmpi eq, %select_n3A_41, %eq3A_4214 : vector<16xi32>
    %select_n3A_4216 = arith.select %eq3A_4215, %gather3A_4194, %gather3A_4206 : vector<16xi1>, vector<16xf32>
    %select_n3A_4217 = arith.select %eq3A_4212, %gather3A_4182, %select_n3A_4216 : vector<16xi1>, vector<16xf32>
    %select_n3A_4218 = arith.select %eq3A_4209, %gather3A_4170, %select_n3A_4217 : vector<16xi1>, vector<16xf32>
    %mul3A_4219 = arith.mulf %select_n3A_4218, %bitcast_convert_type3A_4137 : vector<16xf32>
    %add3A_4220 = arith.addf %add3A_4110, %mul3A_4219 : vector<16xf32>
    %add3A_4221 = arith.constant 13 : i32
    %add3A_4222 = vector.broadcast %add3A_4221 : i32 to vector<16xi32>
    %add3A_4223 = arith.addi %mul3A_2784, %add3A_4222 : vector<16xi32>
    %gather3A_4224 = tpu.vector_load_idx %arg6[%add3A_4223] : memref<60xf32, #tpu.memory_space<vmem>>[vector<16xi32>], vector<16xf32>,
    %add3A_4225 = arith.constant 13 : i32
    %add3A_4226 = vector.broadcast %add3A_4225 : i32 to vector<16xi32>
    %add3A_4227 = arith.addi %select_n3A_2790, %add3A_4226 : vector<16xi32>
    %gather3A_4228 = tpu.vector_load_idx %arg6[%add3A_4227] : memref<60xf32, #tpu.memory_space<vmem>>[vector<16xi32>], vector<16xf32>,
    %add3A_4229 = arith.addf %gather3A_4224, %gather3A_4228 : vector<16xf32>
    %mul3A_4230 = arith.constant 5.000000e-01 : f32
    %mul3A_4231 = vector.broadcast %mul3A_4230 : f32 to vector<16xf32>
    %mul3A_4232 = arith.mulf %mul3A_4231, %add3A_4229 : vector<16xf32>
    %bitcast_convert_type3A_4233 = tpu.bitcast %mul3A_4232 : vector<16xf32> -> vector<16xi32>
    %add3A_4234 = arith.constant 32767 : i32
    %add3A_4235 = vector.broadcast %add3A_4234 : i32 to vector<16xi32>
    %add3A_4236 = arith.addi %bitcast_convert_type3A_4233, %add3A_4235 : vector<16xi32>
    %shift_right_arithmetic3A_4237 = arith.constant 16 : i32
    %shift_right_arithmetic3A_4238 = vector.broadcast %shift_right_arithmetic3A_4237 : i32 to vector<16xi32>
    %shift_right_arithmetic3A_4239 = arith.shrsi %bitcast_convert_type3A_4233, %shift_right_arithmetic3A_4238 : vector<16xi32>
    %and3A_4240 = arith.constant 1 : i32
    %and3A_4241 = vector.broadcast %and3A_4240 : i32 to vector<16xi32>
    %and3A_4242 = arith.andi %shift_right_arithmetic3A_4239, %and3A_4241 : vector<16xi32>
    %add3A_4243 = arith.addi %add3A_4236, %and3A_4242 : vector<16xi32>
    %and3A_4244 = arith.constant -65536 : i32
    %and3A_4245 = vector.broadcast %and3A_4244 : i32 to vector<16xi32>
    %and3A_4246 = arith.andi %add3A_4243, %and3A_4245 : vector<16xi32>
    %bitcast_convert_type3A_4247 = tpu.bitcast %and3A_4246 : vector<16xi32> -> vector<16xf32>
    %add3A_4248 = arith.constant 13 : i32
    %add3A_4249 = vector.broadcast %add3A_4248 : i32 to vector<16xi32>
    %add3A_4250 = arith.addi %mul3A_2761, %add3A_4249 : vector<16xi32>
    %gather3A_4251 = tpu.vector_load_idx %arg7[%add3A_4250] : memref<60xf32, #tpu.memory_space<vmem>>[vector<16xi32>], vector<16xf32>,
    %bitcast_convert_type3A_4252 = tpu.bitcast %gather3A_4251 : vector<16xf32> -> vector<16xi32>
    %add3A_4253 = arith.constant 32767 : i32
    %add3A_4254 = vector.broadcast %add3A_4253 : i32 to vector<16xi32>
    %add3A_4255 = arith.addi %bitcast_convert_type3A_4252, %add3A_4254 : vector<16xi32>
    %shift_right_arithmetic3A_4256 = arith.constant 16 : i32
    %shift_right_arithmetic3A_4257 = vector.broadcast %shift_right_arithmetic3A_4256 : i32 to vector<16xi32>
    %shift_right_arithmetic3A_4258 = arith.shrsi %bitcast_convert_type3A_4252, %shift_right_arithmetic3A_4257 : vector<16xi32>
    %and3A_4259 = arith.constant 1 : i32
    %and3A_4260 = vector.broadcast %and3A_4259 : i32 to vector<16xi32>
    %and3A_4261 = arith.andi %shift_right_arithmetic3A_4258, %and3A_4260 : vector<16xi32>
    %add3A_4262 = arith.addi %add3A_4255, %and3A_4261 : vector<16xi32>
    %and3A_4263 = arith.constant -65536 : i32
    %and3A_4264 = vector.broadcast %and3A_4263 : i32 to vector<16xi32>
    %and3A_4265 = arith.andi %add3A_4262, %and3A_4264 : vector<16xi32>
    %bitcast_convert_type3A_4266 = tpu.bitcast %and3A_4265 : vector<16xi32> -> vector<16xf32>
    %mul3A_4267 = arith.mulf %bitcast_convert_type3A_4266, %bitcast_convert_type3A_4247 : vector<16xf32>
    %add3A_4268 = arith.addf %add3A_4158, %mul3A_4267 : vector<16xf32>
    %broadcast_in_dim3A_4269 = arith.constant 13 : i32
    %broadcast_in_dim3A_4270 = vector.broadcast %broadcast_in_dim3A_4269 : i32 to vector<16xi32>
    %lt3A_4271 = arith.constant 0 : i32
    %lt3A_4272 = vector.broadcast %lt3A_4271 : i32 to vector<16xi32>
    %lt3A_4273 = arith.cmpi slt, %broadcast_in_dim3A_4270, %lt3A_4272 : vector<16xi32>
    %add3A_4274 = arith.constant 16 : i32
    %add3A_4275 = vector.broadcast %add3A_4274 : i32 to vector<16xi32>
    %add3A_4276 = arith.addi %broadcast_in_dim3A_4270, %add3A_4275 : vector<16xi32>
    %select_n3A_4277 = arith.select %lt3A_4273, %add3A_4276, %broadcast_in_dim3A_4270 : vector<16xi1>, vector<16xi32>
    %broadcast_in_dim3A_4278 = vector.shape_cast %select_n3A_4277 : vector<16xi32> to vector<16x1xi32>
    %gather3A_4279 = vector.shape_cast %broadcast_in_dim3A_4278 : vector<16x1xi32> to vector<16xi32>
    %gather3A_4280 = tpu.dynamic_gather %bitcast_convert_type3A_2653[%gather3A_4279] in [0] : vector<16xf32>, vector<16xi32> -> vector<16xf32>
    %broadcast_in_dim3A_4281 = arith.constant 13 : i32
    %broadcast_in_dim3A_4282 = vector.broadcast %broadcast_in_dim3A_4281 : i32 to vector<16xi32>
    %lt3A_4283 = arith.constant 0 : i32
    %lt3A_4284 = vector.broadcast %lt3A_4283 : i32 to vector<16xi32>
    %lt3A_4285 = arith.cmpi slt, %broadcast_in_dim3A_4282, %lt3A_4284 : vector<16xi32>
    %add3A_4286 = arith.constant 16 : i32
    %add3A_4287 = vector.broadcast %add3A_4286 : i32 to vector<16xi32>
    %add3A_4288 = arith.addi %broadcast_in_dim3A_4282, %add3A_4287 : vector<16xi32>
    %select_n3A_4289 = arith.select %lt3A_4285, %add3A_4288, %broadcast_in_dim3A_4282 : vector<16xi1>, vector<16xi32>
    %broadcast_in_dim3A_4290 = vector.shape_cast %select_n3A_4289 : vector<16xi32> to vector<16x1xi32>
    %gather3A_4291 = vector.shape_cast %broadcast_in_dim3A_4290 : vector<16x1xi32> to vector<16xi32>
    %gather3A_4292 = tpu.dynamic_gather %bitcast_convert_type3A_2683[%gather3A_4291] in [0] : vector<16xf32>, vector<16xi32> -> vector<16xf32>
    %broadcast_in_dim3A_4293 = arith.constant 13 : i32
    %broadcast_in_dim3A_4294 = vector.broadcast %broadcast_in_dim3A_4293 : i32 to vector<16xi32>
    %lt3A_4295 = arith.constant 0 : i32
    %lt3A_4296 = vector.broadcast %lt3A_4295 : i32 to vector<16xi32>
    %lt3A_4297 = arith.cmpi slt, %broadcast_in_dim3A_4294, %lt3A_4296 : vector<16xi32>
    %add3A_4298 = arith.constant 16 : i32
    %add3A_4299 = vector.broadcast %add3A_4298 : i32 to vector<16xi32>
    %add3A_4300 = arith.addi %broadcast_in_dim3A_4294, %add3A_4299 : vector<16xi32>
    %select_n3A_4301 = arith.select %lt3A_4297, %add3A_4300, %broadcast_in_dim3A_4294 : vector<16xi1>, vector<16xi32>
    %broadcast_in_dim3A_4302 = vector.shape_cast %select_n3A_4301 : vector<16xi32> to vector<16x1xi32>
    %gather3A_4303 = vector.shape_cast %broadcast_in_dim3A_4302 : vector<16x1xi32> to vector<16xi32>
    %gather3A_4304 = tpu.dynamic_gather %bitcast_convert_type3A_2713[%gather3A_4303] in [0] : vector<16xf32>, vector<16xi32> -> vector<16xf32>
    %broadcast_in_dim3A_4305 = arith.constant 13 : i32
    %broadcast_in_dim3A_4306 = vector.broadcast %broadcast_in_dim3A_4305 : i32 to vector<16xi32>
    %lt3A_4307 = arith.constant 0 : i32
    %lt3A_4308 = vector.broadcast %lt3A_4307 : i32 to vector<16xi32>
    %lt3A_4309 = arith.cmpi slt, %broadcast_in_dim3A_4306, %lt3A_4308 : vector<16xi32>
    %add3A_4310 = arith.constant 16 : i32
    %add3A_4311 = vector.broadcast %add3A_4310 : i32 to vector<16xi32>
    %add3A_4312 = arith.addi %broadcast_in_dim3A_4306, %add3A_4311 : vector<16xi32>
    %select_n3A_4313 = arith.select %lt3A_4309, %add3A_4312, %broadcast_in_dim3A_4306 : vector<16xi1>, vector<16xi32>
    %broadcast_in_dim3A_4314 = vector.shape_cast %select_n3A_4313 : vector<16xi32> to vector<16x1xi32>
    %gather3A_4315 = vector.shape_cast %broadcast_in_dim3A_4314 : vector<16x1xi32> to vector<16xi32>
    %gather3A_4316 = tpu.dynamic_gather %bitcast_convert_type3A_2743[%gather3A_4315] in [0] : vector<16xf32>, vector<16xi32> -> vector<16xf32>
    %eq3A_4317 = arith.constant 0 : i32
    %eq3A_4318 = vector.broadcast %eq3A_4317 : i32 to vector<16xi32>
    %eq3A_4319 = arith.cmpi eq, %select_n3A_41, %eq3A_4318 : vector<16xi32>
    %eq3A_4320 = arith.constant 1 : i32
    %eq3A_4321 = vector.broadcast %eq3A_4320 : i32 to vector<16xi32>
    %eq3A_4322 = arith.cmpi eq, %select_n3A_41, %eq3A_4321 : vector<16xi32>
    %eq3A_4323 = arith.constant 2 : i32
    %eq3A_4324 = vector.broadcast %eq3A_4323 : i32 to vector<16xi32>
    %eq3A_4325 = arith.cmpi eq, %select_n3A_41, %eq3A_4324 : vector<16xi32>
    %select_n3A_4326 = arith.select %eq3A_4325, %gather3A_4304, %gather3A_4316 : vector<16xi1>, vector<16xf32>
    %select_n3A_4327 = arith.select %eq3A_4322, %gather3A_4292, %select_n3A_4326 : vector<16xi1>, vector<16xf32>
    %select_n3A_4328 = arith.select %eq3A_4319, %gather3A_4280, %select_n3A_4327 : vector<16xi1>, vector<16xf32>
    %mul3A_4329 = arith.mulf %select_n3A_4328, %bitcast_convert_type3A_4247 : vector<16xf32>
    %add3A_4330 = arith.addf %add3A_4220, %mul3A_4329 : vector<16xf32>
    %add3A_4331 = arith.constant 14 : i32
    %add3A_4332 = vector.broadcast %add3A_4331 : i32 to vector<16xi32>
    %add3A_4333 = arith.addi %mul3A_2784, %add3A_4332 : vector<16xi32>
    %gather3A_4334 = tpu.vector_load_idx %arg6[%add3A_4333] : memref<60xf32, #tpu.memory_space<vmem>>[vector<16xi32>], vector<16xf32>,
    %add3A_4335 = arith.constant 14 : i32
    %add3A_4336 = vector.broadcast %add3A_4335 : i32 to vector<16xi32>
    %add3A_4337 = arith.addi %select_n3A_2790, %add3A_4336 : vector<16xi32>
    %gather3A_4338 = tpu.vector_load_idx %arg6[%add3A_4337] : memref<60xf32, #tpu.memory_space<vmem>>[vector<16xi32>], vector<16xf32>,
    %add3A_4339 = arith.addf %gather3A_4334, %gather3A_4338 : vector<16xf32>
    %mul3A_4340 = arith.constant 5.000000e-01 : f32
    %mul3A_4341 = vector.broadcast %mul3A_4340 : f32 to vector<16xf32>
    %mul3A_4342 = arith.mulf %mul3A_4341, %add3A_4339 : vector<16xf32>
    %bitcast_convert_type3A_4343 = tpu.bitcast %mul3A_4342 : vector<16xf32> -> vector<16xi32>
    %add3A_4344 = arith.constant 32767 : i32
    %add3A_4345 = vector.broadcast %add3A_4344 : i32 to vector<16xi32>
    %add3A_4346 = arith.addi %bitcast_convert_type3A_4343, %add3A_4345 : vector<16xi32>
    %shift_right_arithmetic3A_4347 = arith.constant 16 : i32
    %shift_right_arithmetic3A_4348 = vector.broadcast %shift_right_arithmetic3A_4347 : i32 to vector<16xi32>
    %shift_right_arithmetic3A_4349 = arith.shrsi %bitcast_convert_type3A_4343, %shift_right_arithmetic3A_4348 : vector<16xi32>
    %and3A_4350 = arith.constant 1 : i32
    %and3A_4351 = vector.broadcast %and3A_4350 : i32 to vector<16xi32>
    %and3A_4352 = arith.andi %shift_right_arithmetic3A_4349, %and3A_4351 : vector<16xi32>
    %add3A_4353 = arith.addi %add3A_4346, %and3A_4352 : vector<16xi32>
    %and3A_4354 = arith.constant -65536 : i32
    %and3A_4355 = vector.broadcast %and3A_4354 : i32 to vector<16xi32>
    %and3A_4356 = arith.andi %add3A_4353, %and3A_4355 : vector<16xi32>
    %bitcast_convert_type3A_4357 = tpu.bitcast %and3A_4356 : vector<16xi32> -> vector<16xf32>
    %add3A_4358 = arith.constant 14 : i32
    %add3A_4359 = vector.broadcast %add3A_4358 : i32 to vector<16xi32>
    %add3A_4360 = arith.addi %mul3A_2761, %add3A_4359 : vector<16xi32>
    %gather3A_4361 = tpu.vector_load_idx %arg7[%add3A_4360] : memref<60xf32, #tpu.memory_space<vmem>>[vector<16xi32>], vector<16xf32>,
    %bitcast_convert_type3A_4362 = tpu.bitcast %gather3A_4361 : vector<16xf32> -> vector<16xi32>
    %add3A_4363 = arith.constant 32767 : i32
    %add3A_4364 = vector.broadcast %add3A_4363 : i32 to vector<16xi32>
    %add3A_4365 = arith.addi %bitcast_convert_type3A_4362, %add3A_4364 : vector<16xi32>
    %shift_right_arithmetic3A_4366 = arith.constant 16 : i32
    %shift_right_arithmetic3A_4367 = vector.broadcast %shift_right_arithmetic3A_4366 : i32 to vector<16xi32>
    %shift_right_arithmetic3A_4368 = arith.shrsi %bitcast_convert_type3A_4362, %shift_right_arithmetic3A_4367 : vector<16xi32>
    %and3A_4369 = arith.constant 1 : i32
    %and3A_4370 = vector.broadcast %and3A_4369 : i32 to vector<16xi32>
    %and3A_4371 = arith.andi %shift_right_arithmetic3A_4368, %and3A_4370 : vector<16xi32>
    %add3A_4372 = arith.addi %add3A_4365, %and3A_4371 : vector<16xi32>
    %and3A_4373 = arith.constant -65536 : i32
    %and3A_4374 = vector.broadcast %and3A_4373 : i32 to vector<16xi32>
    %and3A_4375 = arith.andi %add3A_4372, %and3A_4374 : vector<16xi32>
    %bitcast_convert_type3A_4376 = tpu.bitcast %and3A_4375 : vector<16xi32> -> vector<16xf32>
    %mul3A_4377 = arith.mulf %bitcast_convert_type3A_4376, %bitcast_convert_type3A_4357 : vector<16xf32>
    %add3A_4378 = arith.addf %add3A_4268, %mul3A_4377 : vector<16xf32>
    %broadcast_in_dim3A_4379 = arith.constant 14 : i32
    %broadcast_in_dim3A_4380 = vector.broadcast %broadcast_in_dim3A_4379 : i32 to vector<16xi32>
    %lt3A_4381 = arith.constant 0 : i32
    %lt3A_4382 = vector.broadcast %lt3A_4381 : i32 to vector<16xi32>
    %lt3A_4383 = arith.cmpi slt, %broadcast_in_dim3A_4380, %lt3A_4382 : vector<16xi32>
    %add3A_4384 = arith.constant 16 : i32
    %add3A_4385 = vector.broadcast %add3A_4384 : i32 to vector<16xi32>
    %add3A_4386 = arith.addi %broadcast_in_dim3A_4380, %add3A_4385 : vector<16xi32>
    %select_n3A_4387 = arith.select %lt3A_4383, %add3A_4386, %broadcast_in_dim3A_4380 : vector<16xi1>, vector<16xi32>
    %broadcast_in_dim3A_4388 = vector.shape_cast %select_n3A_4387 : vector<16xi32> to vector<16x1xi32>
    %gather3A_4389 = vector.shape_cast %broadcast_in_dim3A_4388 : vector<16x1xi32> to vector<16xi32>
    %gather3A_4390 = tpu.dynamic_gather %bitcast_convert_type3A_2653[%gather3A_4389] in [0] : vector<16xf32>, vector<16xi32> -> vector<16xf32>
    %broadcast_in_dim3A_4391 = arith.constant 14 : i32
    %broadcast_in_dim3A_4392 = vector.broadcast %broadcast_in_dim3A_4391 : i32 to vector<16xi32>
    %lt3A_4393 = arith.constant 0 : i32
    %lt3A_4394 = vector.broadcast %lt3A_4393 : i32 to vector<16xi32>
    %lt3A_4395 = arith.cmpi slt, %broadcast_in_dim3A_4392, %lt3A_4394 : vector<16xi32>
    %add3A_4396 = arith.constant 16 : i32
    %add3A_4397 = vector.broadcast %add3A_4396 : i32 to vector<16xi32>
    %add3A_4398 = arith.addi %broadcast_in_dim3A_4392, %add3A_4397 : vector<16xi32>
    %select_n3A_4399 = arith.select %lt3A_4395, %add3A_4398, %broadcast_in_dim3A_4392 : vector<16xi1>, vector<16xi32>
    %broadcast_in_dim3A_4400 = vector.shape_cast %select_n3A_4399 : vector<16xi32> to vector<16x1xi32>
    %gather3A_4401 = vector.shape_cast %broadcast_in_dim3A_4400 : vector<16x1xi32> to vector<16xi32>
    %gather3A_4402 = tpu.dynamic_gather %bitcast_convert_type3A_2683[%gather3A_4401] in [0] : vector<16xf32>, vector<16xi32> -> vector<16xf32>
    %broadcast_in_dim3A_4403 = arith.constant 14 : i32
    %broadcast_in_dim3A_4404 = vector.broadcast %broadcast_in_dim3A_4403 : i32 to vector<16xi32>
    %lt3A_4405 = arith.constant 0 : i32
    %lt3A_4406 = vector.broadcast %lt3A_4405 : i32 to vector<16xi32>
    %lt3A_4407 = arith.cmpi slt, %broadcast_in_dim3A_4404, %lt3A_4406 : vector<16xi32>
    %add3A_4408 = arith.constant 16 : i32
    %add3A_4409 = vector.broadcast %add3A_4408 : i32 to vector<16xi32>
    %add3A_4410 = arith.addi %broadcast_in_dim3A_4404, %add3A_4409 : vector<16xi32>
    %select_n3A_4411 = arith.select %lt3A_4407, %add3A_4410, %broadcast_in_dim3A_4404 : vector<16xi1>, vector<16xi32>
    %broadcast_in_dim3A_4412 = vector.shape_cast %select_n3A_4411 : vector<16xi32> to vector<16x1xi32>
    %gather3A_4413 = vector.shape_cast %broadcast_in_dim3A_4412 : vector<16x1xi32> to vector<16xi32>
    %gather3A_4414 = tpu.dynamic_gather %bitcast_convert_type3A_2713[%gather3A_4413] in [0] : vector<16xf32>, vector<16xi32> -> vector<16xf32>
    %broadcast_in_dim3A_4415 = arith.constant 14 : i32
    %broadcast_in_dim3A_4416 = vector.broadcast %broadcast_in_dim3A_4415 : i32 to vector<16xi32>
    %lt3A_4417 = arith.constant 0 : i32
    %lt3A_4418 = vector.broadcast %lt3A_4417 : i32 to vector<16xi32>
    %lt3A_4419 = arith.cmpi slt, %broadcast_in_dim3A_4416, %lt3A_4418 : vector<16xi32>
    %add3A_4420 = arith.constant 16 : i32
    %add3A_4421 = vector.broadcast %add3A_4420 : i32 to vector<16xi32>
    %add3A_4422 = arith.addi %broadcast_in_dim3A_4416, %add3A_4421 : vector<16xi32>
    %select_n3A_4423 = arith.select %lt3A_4419, %add3A_4422, %broadcast_in_dim3A_4416 : vector<16xi1>, vector<16xi32>
    %broadcast_in_dim3A_4424 = vector.shape_cast %select_n3A_4423 : vector<16xi32> to vector<16x1xi32>
    %gather3A_4425 = vector.shape_cast %broadcast_in_dim3A_4424 : vector<16x1xi32> to vector<16xi32>
    %gather3A_4426 = tpu.dynamic_gather %bitcast_convert_type3A_2743[%gather3A_4425] in [0] : vector<16xf32>, vector<16xi32> -> vector<16xf32>
    %eq3A_4427 = arith.constant 0 : i32
    %eq3A_4428 = vector.broadcast %eq3A_4427 : i32 to vector<16xi32>
    %eq3A_4429 = arith.cmpi eq, %select_n3A_41, %eq3A_4428 : vector<16xi32>
    %eq3A_4430 = arith.constant 1 : i32
    %eq3A_4431 = vector.broadcast %eq3A_4430 : i32 to vector<16xi32>
    %eq3A_4432 = arith.cmpi eq, %select_n3A_41, %eq3A_4431 : vector<16xi32>
    %eq3A_4433 = arith.constant 2 : i32
    %eq3A_4434 = vector.broadcast %eq3A_4433 : i32 to vector<16xi32>
    %eq3A_4435 = arith.cmpi eq, %select_n3A_41, %eq3A_4434 : vector<16xi32>
    %select_n3A_4436 = arith.select %eq3A_4435, %gather3A_4414, %gather3A_4426 : vector<16xi1>, vector<16xf32>
    %select_n3A_4437 = arith.select %eq3A_4432, %gather3A_4402, %select_n3A_4436 : vector<16xi1>, vector<16xf32>
    %select_n3A_4438 = arith.select %eq3A_4429, %gather3A_4390, %select_n3A_4437 : vector<16xi1>, vector<16xf32>
    %mul3A_4439 = arith.mulf %select_n3A_4438, %bitcast_convert_type3A_4357 : vector<16xf32>
    %add3A_4440 = arith.addf %add3A_4330, %mul3A_4439 : vector<16xf32>
    %add3A_4441 = arith.constant 15 : i32
    %add3A_4442 = vector.broadcast %add3A_4441 : i32 to vector<16xi32>
    %add3A_4443 = arith.addi %mul3A_2784, %add3A_4442 : vector<16xi32>
    %gather3A_4444 = tpu.vector_load_idx %arg6[%add3A_4443] : memref<60xf32, #tpu.memory_space<vmem>>[vector<16xi32>], vector<16xf32>,
    %add3A_4445 = arith.constant 15 : i32
    %add3A_4446 = vector.broadcast %add3A_4445 : i32 to vector<16xi32>
    %add3A_4447 = arith.addi %select_n3A_2790, %add3A_4446 : vector<16xi32>
    %gather3A_4448 = tpu.vector_load_idx %arg6[%add3A_4447] : memref<60xf32, #tpu.memory_space<vmem>>[vector<16xi32>], vector<16xf32>,
    %add3A_4449 = arith.addf %gather3A_4444, %gather3A_4448 : vector<16xf32>
    %mul3A_4450 = arith.constant 5.000000e-01 : f32
    %mul3A_4451 = vector.broadcast %mul3A_4450 : f32 to vector<16xf32>
    %mul3A_4452 = arith.mulf %mul3A_4451, %add3A_4449 : vector<16xf32>
    %bitcast_convert_type3A_4453 = tpu.bitcast %mul3A_4452 : vector<16xf32> -> vector<16xi32>
    %add3A_4454 = arith.constant 32767 : i32
    %add3A_4455 = vector.broadcast %add3A_4454 : i32 to vector<16xi32>
    %add3A_4456 = arith.addi %bitcast_convert_type3A_4453, %add3A_4455 : vector<16xi32>
    %shift_right_arithmetic3A_4457 = arith.constant 16 : i32
    %shift_right_arithmetic3A_4458 = vector.broadcast %shift_right_arithmetic3A_4457 : i32 to vector<16xi32>
    %shift_right_arithmetic3A_4459 = arith.shrsi %bitcast_convert_type3A_4453, %shift_right_arithmetic3A_4458 : vector<16xi32>
    %and3A_4460 = arith.constant 1 : i32
    %and3A_4461 = vector.broadcast %and3A_4460 : i32 to vector<16xi32>
    %and3A_4462 = arith.andi %shift_right_arithmetic3A_4459, %and3A_4461 : vector<16xi32>
    %add3A_4463 = arith.addi %add3A_4456, %and3A_4462 : vector<16xi32>
    %and3A_4464 = arith.constant -65536 : i32
    %and3A_4465 = vector.broadcast %and3A_4464 : i32 to vector<16xi32>
    %and3A_4466 = arith.andi %add3A_4463, %and3A_4465 : vector<16xi32>
    %bitcast_convert_type3A_4467 = tpu.bitcast %and3A_4466 : vector<16xi32> -> vector<16xf32>
    %add3A_4468 = arith.constant 15 : i32
    %add3A_4469 = vector.broadcast %add3A_4468 : i32 to vector<16xi32>
    %add3A_4470 = arith.addi %mul3A_2761, %add3A_4469 : vector<16xi32>
    %gather3A_4471 = tpu.vector_load_idx %arg7[%add3A_4470] : memref<60xf32, #tpu.memory_space<vmem>>[vector<16xi32>], vector<16xf32>,
    %bitcast_convert_type3A_4472 = tpu.bitcast %gather3A_4471 : vector<16xf32> -> vector<16xi32>
    %add3A_4473 = arith.constant 32767 : i32
    %add3A_4474 = vector.broadcast %add3A_4473 : i32 to vector<16xi32>
    %add3A_4475 = arith.addi %bitcast_convert_type3A_4472, %add3A_4474 : vector<16xi32>
    %shift_right_arithmetic3A_4476 = arith.constant 16 : i32
    %shift_right_arithmetic3A_4477 = vector.broadcast %shift_right_arithmetic3A_4476 : i32 to vector<16xi32>
    %shift_right_arithmetic3A_4478 = arith.shrsi %bitcast_convert_type3A_4472, %shift_right_arithmetic3A_4477 : vector<16xi32>
    %and3A_4479 = arith.constant 1 : i32
    %and3A_4480 = vector.broadcast %and3A_4479 : i32 to vector<16xi32>
    %and3A_4481 = arith.andi %shift_right_arithmetic3A_4478, %and3A_4480 : vector<16xi32>
    %add3A_4482 = arith.addi %add3A_4475, %and3A_4481 : vector<16xi32>
    %and3A_4483 = arith.constant -65536 : i32
    %and3A_4484 = vector.broadcast %and3A_4483 : i32 to vector<16xi32>
    %and3A_4485 = arith.andi %add3A_4482, %and3A_4484 : vector<16xi32>
    %bitcast_convert_type3A_4486 = tpu.bitcast %and3A_4485 : vector<16xi32> -> vector<16xf32>
    %mul3A_4487 = arith.mulf %bitcast_convert_type3A_4486, %bitcast_convert_type3A_4467 : vector<16xf32>
    %add3A_4488 = arith.addf %add3A_4378, %mul3A_4487 : vector<16xf32>
    %broadcast_in_dim3A_4489 = arith.constant 15 : i32
    %broadcast_in_dim3A_4490 = vector.broadcast %broadcast_in_dim3A_4489 : i32 to vector<16xi32>
    %lt3A_4491 = arith.constant 0 : i32
    %lt3A_4492 = vector.broadcast %lt3A_4491 : i32 to vector<16xi32>
    %lt3A_4493 = arith.cmpi slt, %broadcast_in_dim3A_4490, %lt3A_4492 : vector<16xi32>
    %add3A_4494 = arith.constant 16 : i32
    %add3A_4495 = vector.broadcast %add3A_4494 : i32 to vector<16xi32>
    %add3A_4496 = arith.addi %broadcast_in_dim3A_4490, %add3A_4495 : vector<16xi32>
    %select_n3A_4497 = arith.select %lt3A_4493, %add3A_4496, %broadcast_in_dim3A_4490 : vector<16xi1>, vector<16xi32>
    %broadcast_in_dim3A_4498 = vector.shape_cast %select_n3A_4497 : vector<16xi32> to vector<16x1xi32>
    %gather3A_4499 = vector.shape_cast %broadcast_in_dim3A_4498 : vector<16x1xi32> to vector<16xi32>
    %gather3A_4500 = tpu.dynamic_gather %bitcast_convert_type3A_2653[%gather3A_4499] in [0] : vector<16xf32>, vector<16xi32> -> vector<16xf32>
    %broadcast_in_dim3A_4501 = arith.constant 15 : i32
    %broadcast_in_dim3A_4502 = vector.broadcast %broadcast_in_dim3A_4501 : i32 to vector<16xi32>
    %lt3A_4503 = arith.constant 0 : i32
    %lt3A_4504 = vector.broadcast %lt3A_4503 : i32 to vector<16xi32>
    %lt3A_4505 = arith.cmpi slt, %broadcast_in_dim3A_4502, %lt3A_4504 : vector<16xi32>
    %add3A_4506 = arith.constant 16 : i32
    %add3A_4507 = vector.broadcast %add3A_4506 : i32 to vector<16xi32>
    %add3A_4508 = arith.addi %broadcast_in_dim3A_4502, %add3A_4507 : vector<16xi32>
    %select_n3A_4509 = arith.select %lt3A_4505, %add3A_4508, %broadcast_in_dim3A_4502 : vector<16xi1>, vector<16xi32>
    %broadcast_in_dim3A_4510 = vector.shape_cast %select_n3A_4509 : vector<16xi32> to vector<16x1xi32>
    %gather3A_4511 = vector.shape_cast %broadcast_in_dim3A_4510 : vector<16x1xi32> to vector<16xi32>
    %gather3A_4512 = tpu.dynamic_gather %bitcast_convert_type3A_2683[%gather3A_4511] in [0] : vector<16xf32>, vector<16xi32> -> vector<16xf32>
    %broadcast_in_dim3A_4513 = arith.constant 15 : i32
    %broadcast_in_dim3A_4514 = vector.broadcast %broadcast_in_dim3A_4513 : i32 to vector<16xi32>
    %lt3A_4515 = arith.constant 0 : i32
    %lt3A_4516 = vector.broadcast %lt3A_4515 : i32 to vector<16xi32>
    %lt3A_4517 = arith.cmpi slt, %broadcast_in_dim3A_4514, %lt3A_4516 : vector<16xi32>
    %add3A_4518 = arith.constant 16 : i32
    %add3A_4519 = vector.broadcast %add3A_4518 : i32 to vector<16xi32>
    %add3A_4520 = arith.addi %broadcast_in_dim3A_4514, %add3A_4519 : vector<16xi32>
    %select_n3A_4521 = arith.select %lt3A_4517, %add3A_4520, %broadcast_in_dim3A_4514 : vector<16xi1>, vector<16xi32>
    %broadcast_in_dim3A_4522 = vector.shape_cast %select_n3A_4521 : vector<16xi32> to vector<16x1xi32>
    %gather3A_4523 = vector.shape_cast %broadcast_in_dim3A_4522 : vector<16x1xi32> to vector<16xi32>
    %gather3A_4524 = tpu.dynamic_gather %bitcast_convert_type3A_2713[%gather3A_4523] in [0] : vector<16xf32>, vector<16xi32> -> vector<16xf32>
    %broadcast_in_dim3A_4525 = arith.constant 15 : i32
    %broadcast_in_dim3A_4526 = vector.broadcast %broadcast_in_dim3A_4525 : i32 to vector<16xi32>
    %lt3A_4527 = arith.constant 0 : i32
    %lt3A_4528 = vector.broadcast %lt3A_4527 : i32 to vector<16xi32>
    %lt3A_4529 = arith.cmpi slt, %broadcast_in_dim3A_4526, %lt3A_4528 : vector<16xi32>
    %add3A_4530 = arith.constant 16 : i32
    %add3A_4531 = vector.broadcast %add3A_4530 : i32 to vector<16xi32>
    %add3A_4532 = arith.addi %broadcast_in_dim3A_4526, %add3A_4531 : vector<16xi32>
    %select_n3A_4533 = arith.select %lt3A_4529, %add3A_4532, %broadcast_in_dim3A_4526 : vector<16xi1>, vector<16xi32>
    %broadcast_in_dim3A_4534 = vector.shape_cast %select_n3A_4533 : vector<16xi32> to vector<16x1xi32>
    %gather3A_4535 = vector.shape_cast %broadcast_in_dim3A_4534 : vector<16x1xi32> to vector<16xi32>
    %gather3A_4536 = tpu.dynamic_gather %bitcast_convert_type3A_2743[%gather3A_4535] in [0] : vector<16xf32>, vector<16xi32> -> vector<16xf32>
    %eq3A_4537 = arith.constant 0 : i32
    %eq3A_4538 = vector.broadcast %eq3A_4537 : i32 to vector<16xi32>
    %eq3A_4539 = arith.cmpi eq, %select_n3A_41, %eq3A_4538 : vector<16xi32>
    %eq3A_4540 = arith.constant 1 : i32
    %eq3A_4541 = vector.broadcast %eq3A_4540 : i32 to vector<16xi32>
    %eq3A_4542 = arith.cmpi eq, %select_n3A_41, %eq3A_4541 : vector<16xi32>
    %eq3A_4543 = arith.constant 2 : i32
    %eq3A_4544 = vector.broadcast %eq3A_4543 : i32 to vector<16xi32>
    %eq3A_4545 = arith.cmpi eq, %select_n3A_41, %eq3A_4544 : vector<16xi32>
    %select_n3A_4546 = arith.select %eq3A_4545, %gather3A_4524, %gather3A_4536 : vector<16xi1>, vector<16xf32>
    %select_n3A_4547 = arith.select %eq3A_4542, %gather3A_4512, %select_n3A_4546 : vector<16xi1>, vector<16xf32>
    %select_n3A_4548 = arith.select %eq3A_4539, %gather3A_4500, %select_n3A_4547 : vector<16xi1>, vector<16xf32>
    %mul3A_4549 = arith.mulf %select_n3A_4548, %bitcast_convert_type3A_4467 : vector<16xf32>
    %add3A_4550 = arith.addf %add3A_4440, %mul3A_4549 : vector<16xf32>
    %add3A_4551 = arith.constant 16 : i32
    %add3A_4552 = vector.broadcast %add3A_4551 : i32 to vector<16xi32>
    %add3A_4553 = arith.addi %mul3A_2784, %add3A_4552 : vector<16xi32>
    %gather3A_4554 = tpu.vector_load_idx %arg6[%add3A_4553] : memref<60xf32, #tpu.memory_space<vmem>>[vector<16xi32>], vector<16xf32>,
    %add3A_4555 = arith.constant 16 : i32
    %add3A_4556 = vector.broadcast %add3A_4555 : i32 to vector<16xi32>
    %add3A_4557 = arith.addi %select_n3A_2790, %add3A_4556 : vector<16xi32>
    %gather3A_4558 = tpu.vector_load_idx %arg6[%add3A_4557] : memref<60xf32, #tpu.memory_space<vmem>>[vector<16xi32>], vector<16xf32>,
    %add3A_4559 = arith.addf %gather3A_4554, %gather3A_4558 : vector<16xf32>
    %mul3A_4560 = arith.constant 5.000000e-01 : f32
    %mul3A_4561 = vector.broadcast %mul3A_4560 : f32 to vector<16xf32>
    %mul3A_4562 = arith.mulf %mul3A_4561, %add3A_4559 : vector<16xf32>
    %bitcast_convert_type3A_4563 = tpu.bitcast %mul3A_4562 : vector<16xf32> -> vector<16xi32>
    %add3A_4564 = arith.constant 32767 : i32
    %add3A_4565 = vector.broadcast %add3A_4564 : i32 to vector<16xi32>
    %add3A_4566 = arith.addi %bitcast_convert_type3A_4563, %add3A_4565 : vector<16xi32>
    %shift_right_arithmetic3A_4567 = arith.constant 16 : i32
    %shift_right_arithmetic3A_4568 = vector.broadcast %shift_right_arithmetic3A_4567 : i32 to vector<16xi32>
    %shift_right_arithmetic3A_4569 = arith.shrsi %bitcast_convert_type3A_4563, %shift_right_arithmetic3A_4568 : vector<16xi32>
    %and3A_4570 = arith.constant 1 : i32
    %and3A_4571 = vector.broadcast %and3A_4570 : i32 to vector<16xi32>
    %and3A_4572 = arith.andi %shift_right_arithmetic3A_4569, %and3A_4571 : vector<16xi32>
    %add3A_4573 = arith.addi %add3A_4566, %and3A_4572 : vector<16xi32>
    %and3A_4574 = arith.constant -65536 : i32
    %and3A_4575 = vector.broadcast %and3A_4574 : i32 to vector<16xi32>
    %and3A_4576 = arith.andi %add3A_4573, %and3A_4575 : vector<16xi32>
    %bitcast_convert_type3A_4577 = tpu.bitcast %and3A_4576 : vector<16xi32> -> vector<16xf32>
    %add3A_4578 = arith.constant 16 : i32
    %add3A_4579 = vector.broadcast %add3A_4578 : i32 to vector<16xi32>
    %add3A_4580 = arith.addi %mul3A_2761, %add3A_4579 : vector<16xi32>
    %gather3A_4581 = tpu.vector_load_idx %arg7[%add3A_4580] : memref<60xf32, #tpu.memory_space<vmem>>[vector<16xi32>], vector<16xf32>,
    %bitcast_convert_type3A_4582 = tpu.bitcast %gather3A_4581 : vector<16xf32> -> vector<16xi32>
    %add3A_4583 = arith.constant 32767 : i32
    %add3A_4584 = vector.broadcast %add3A_4583 : i32 to vector<16xi32>
    %add3A_4585 = arith.addi %bitcast_convert_type3A_4582, %add3A_4584 : vector<16xi32>
    %shift_right_arithmetic3A_4586 = arith.constant 16 : i32
    %shift_right_arithmetic3A_4587 = vector.broadcast %shift_right_arithmetic3A_4586 : i32 to vector<16xi32>
    %shift_right_arithmetic3A_4588 = arith.shrsi %bitcast_convert_type3A_4582, %shift_right_arithmetic3A_4587 : vector<16xi32>
    %and3A_4589 = arith.constant 1 : i32
    %and3A_4590 = vector.broadcast %and3A_4589 : i32 to vector<16xi32>
    %and3A_4591 = arith.andi %shift_right_arithmetic3A_4588, %and3A_4590 : vector<16xi32>
    %add3A_4592 = arith.addi %add3A_4585, %and3A_4591 : vector<16xi32>
    %and3A_4593 = arith.constant -65536 : i32
    %and3A_4594 = vector.broadcast %and3A_4593 : i32 to vector<16xi32>
    %and3A_4595 = arith.andi %add3A_4592, %and3A_4594 : vector<16xi32>
    %bitcast_convert_type3A_4596 = tpu.bitcast %and3A_4595 : vector<16xi32> -> vector<16xf32>
    %mul3A_4597 = arith.mulf %bitcast_convert_type3A_4596, %bitcast_convert_type3A_4577 : vector<16xf32>
    %add3A_4598 = arith.addf %add3A_4488, %mul3A_4597 : vector<16xf32>
    %broadcast_in_dim3A_4599 = arith.constant 0 : i32
    %broadcast_in_dim3A_4600 = vector.broadcast %broadcast_in_dim3A_4599 : i32 to vector<16xi32>
    %lt3A_4601 = arith.constant 0 : i32
    %lt3A_4602 = vector.broadcast %lt3A_4601 : i32 to vector<16xi32>
    %lt3A_4603 = arith.cmpi slt, %broadcast_in_dim3A_4600, %lt3A_4602 : vector<16xi32>
    %add3A_4604 = arith.constant 16 : i32
    %add3A_4605 = vector.broadcast %add3A_4604 : i32 to vector<16xi32>
    %add3A_4606 = arith.addi %broadcast_in_dim3A_4600, %add3A_4605 : vector<16xi32>
    %select_n3A_4607 = arith.select %lt3A_4603, %add3A_4606, %broadcast_in_dim3A_4600 : vector<16xi1>, vector<16xi32>
    %broadcast_in_dim3A_4608 = vector.shape_cast %select_n3A_4607 : vector<16xi32> to vector<16x1xi32>
    %gather3A_4609 = vector.shape_cast %broadcast_in_dim3A_4608 : vector<16x1xi32> to vector<16xi32>
    %gather3A_4610 = tpu.dynamic_gather %bitcast_convert_type3A_2668[%gather3A_4609] in [0] : vector<16xf32>, vector<16xi32> -> vector<16xf32>
    %broadcast_in_dim3A_4611 = arith.constant 0 : i32
    %broadcast_in_dim3A_4612 = vector.broadcast %broadcast_in_dim3A_4611 : i32 to vector<16xi32>
    %lt3A_4613 = arith.constant 0 : i32
    %lt3A_4614 = vector.broadcast %lt3A_4613 : i32 to vector<16xi32>
    %lt3A_4615 = arith.cmpi slt, %broadcast_in_dim3A_4612, %lt3A_4614 : vector<16xi32>
    %add3A_4616 = arith.constant 16 : i32
    %add3A_4617 = vector.broadcast %add3A_4616 : i32 to vector<16xi32>
    %add3A_4618 = arith.addi %broadcast_in_dim3A_4612, %add3A_4617 : vector<16xi32>
    %select_n3A_4619 = arith.select %lt3A_4615, %add3A_4618, %broadcast_in_dim3A_4612 : vector<16xi1>, vector<16xi32>
    %broadcast_in_dim3A_4620 = vector.shape_cast %select_n3A_4619 : vector<16xi32> to vector<16x1xi32>
    %gather3A_4621 = vector.shape_cast %broadcast_in_dim3A_4620 : vector<16x1xi32> to vector<16xi32>
    %gather3A_4622 = tpu.dynamic_gather %bitcast_convert_type3A_2698[%gather3A_4621] in [0] : vector<16xf32>, vector<16xi32> -> vector<16xf32>
    %broadcast_in_dim3A_4623 = arith.constant 0 : i32
    %broadcast_in_dim3A_4624 = vector.broadcast %broadcast_in_dim3A_4623 : i32 to vector<16xi32>
    %lt3A_4625 = arith.constant 0 : i32
    %lt3A_4626 = vector.broadcast %lt3A_4625 : i32 to vector<16xi32>
    %lt3A_4627 = arith.cmpi slt, %broadcast_in_dim3A_4624, %lt3A_4626 : vector<16xi32>
    %add3A_4628 = arith.constant 16 : i32
    %add3A_4629 = vector.broadcast %add3A_4628 : i32 to vector<16xi32>
    %add3A_4630 = arith.addi %broadcast_in_dim3A_4624, %add3A_4629 : vector<16xi32>
    %select_n3A_4631 = arith.select %lt3A_4627, %add3A_4630, %broadcast_in_dim3A_4624 : vector<16xi1>, vector<16xi32>
    %broadcast_in_dim3A_4632 = vector.shape_cast %select_n3A_4631 : vector<16xi32> to vector<16x1xi32>
    %gather3A_4633 = vector.shape_cast %broadcast_in_dim3A_4632 : vector<16x1xi32> to vector<16xi32>
    %gather3A_4634 = tpu.dynamic_gather %bitcast_convert_type3A_2728[%gather3A_4633] in [0] : vector<16xf32>, vector<16xi32> -> vector<16xf32>
    %broadcast_in_dim3A_4635 = arith.constant 0 : i32
    %broadcast_in_dim3A_4636 = vector.broadcast %broadcast_in_dim3A_4635 : i32 to vector<16xi32>
    %lt3A_4637 = arith.constant 0 : i32
    %lt3A_4638 = vector.broadcast %lt3A_4637 : i32 to vector<16xi32>
    %lt3A_4639 = arith.cmpi slt, %broadcast_in_dim3A_4636, %lt3A_4638 : vector<16xi32>
    %add3A_4640 = arith.constant 16 : i32
    %add3A_4641 = vector.broadcast %add3A_4640 : i32 to vector<16xi32>
    %add3A_4642 = arith.addi %broadcast_in_dim3A_4636, %add3A_4641 : vector<16xi32>
    %select_n3A_4643 = arith.select %lt3A_4639, %add3A_4642, %broadcast_in_dim3A_4636 : vector<16xi1>, vector<16xi32>
    %broadcast_in_dim3A_4644 = vector.shape_cast %select_n3A_4643 : vector<16xi32> to vector<16x1xi32>
    %gather3A_4645 = vector.shape_cast %broadcast_in_dim3A_4644 : vector<16x1xi32> to vector<16xi32>
    %gather3A_4646 = tpu.dynamic_gather %bitcast_convert_type3A_2758[%gather3A_4645] in [0] : vector<16xf32>, vector<16xi32> -> vector<16xf32>
    %eq3A_4647 = arith.constant 0 : i32
    %eq3A_4648 = vector.broadcast %eq3A_4647 : i32 to vector<16xi32>
    %eq3A_4649 = arith.cmpi eq, %select_n3A_41, %eq3A_4648 : vector<16xi32>
    %eq3A_4650 = arith.constant 1 : i32
    %eq3A_4651 = vector.broadcast %eq3A_4650 : i32 to vector<16xi32>
    %eq3A_4652 = arith.cmpi eq, %select_n3A_41, %eq3A_4651 : vector<16xi32>
    %eq3A_4653 = arith.constant 2 : i32
    %eq3A_4654 = vector.broadcast %eq3A_4653 : i32 to vector<16xi32>
    %eq3A_4655 = arith.cmpi eq, %select_n3A_41, %eq3A_4654 : vector<16xi32>
    %select_n3A_4656 = arith.select %eq3A_4655, %gather3A_4634, %gather3A_4646 : vector<16xi1>, vector<16xf32>
    %select_n3A_4657 = arith.select %eq3A_4652, %gather3A_4622, %select_n3A_4656 : vector<16xi1>, vector<16xf32>
    %select_n3A_4658 = arith.select %eq3A_4649, %gather3A_4610, %select_n3A_4657 : vector<16xi1>, vector<16xf32>
    %mul3A_4659 = arith.mulf %select_n3A_4658, %bitcast_convert_type3A_4577 : vector<16xf32>
    %add3A_4660 = arith.addf %add3A_4550, %mul3A_4659 : vector<16xf32>
    %add3A_4661 = arith.constant 17 : i32
    %add3A_4662 = vector.broadcast %add3A_4661 : i32 to vector<16xi32>
    %add3A_4663 = arith.addi %mul3A_2784, %add3A_4662 : vector<16xi32>
    %gather3A_4664 = tpu.vector_load_idx %arg6[%add3A_4663] : memref<60xf32, #tpu.memory_space<vmem>>[vector<16xi32>], vector<16xf32>,
    %add3A_4665 = arith.constant 17 : i32
    %add3A_4666 = vector.broadcast %add3A_4665 : i32 to vector<16xi32>
    %add3A_4667 = arith.addi %select_n3A_2790, %add3A_4666 : vector<16xi32>
    %gather3A_4668 = tpu.vector_load_idx %arg6[%add3A_4667] : memref<60xf32, #tpu.memory_space<vmem>>[vector<16xi32>], vector<16xf32>,
    %add3A_4669 = arith.addf %gather3A_4664, %gather3A_4668 : vector<16xf32>
    %mul3A_4670 = arith.constant 5.000000e-01 : f32
    %mul3A_4671 = vector.broadcast %mul3A_4670 : f32 to vector<16xf32>
    %mul3A_4672 = arith.mulf %mul3A_4671, %add3A_4669 : vector<16xf32>
    %bitcast_convert_type3A_4673 = tpu.bitcast %mul3A_4672 : vector<16xf32> -> vector<16xi32>
    %add3A_4674 = arith.constant 32767 : i32
    %add3A_4675 = vector.broadcast %add3A_4674 : i32 to vector<16xi32>
    %add3A_4676 = arith.addi %bitcast_convert_type3A_4673, %add3A_4675 : vector<16xi32>
    %shift_right_arithmetic3A_4677 = arith.constant 16 : i32
    %shift_right_arithmetic3A_4678 = vector.broadcast %shift_right_arithmetic3A_4677 : i32 to vector<16xi32>
    %shift_right_arithmetic3A_4679 = arith.shrsi %bitcast_convert_type3A_4673, %shift_right_arithmetic3A_4678 : vector<16xi32>
    %and3A_4680 = arith.constant 1 : i32
    %and3A_4681 = vector.broadcast %and3A_4680 : i32 to vector<16xi32>
    %and3A_4682 = arith.andi %shift_right_arithmetic3A_4679, %and3A_4681 : vector<16xi32>
    %add3A_4683 = arith.addi %add3A_4676, %and3A_4682 : vector<16xi32>
    %and3A_4684 = arith.constant -65536 : i32
    %and3A_4685 = vector.broadcast %and3A_4684 : i32 to vector<16xi32>
    %and3A_4686 = arith.andi %add3A_4683, %and3A_4685 : vector<16xi32>
    %bitcast_convert_type3A_4687 = tpu.bitcast %and3A_4686 : vector<16xi32> -> vector<16xf32>
    %add3A_4688 = arith.constant 17 : i32
    %add3A_4689 = vector.broadcast %add3A_4688 : i32 to vector<16xi32>
    %add3A_4690 = arith.addi %mul3A_2761, %add3A_4689 : vector<16xi32>
    %gather3A_4691 = tpu.vector_load_idx %arg7[%add3A_4690] : memref<60xf32, #tpu.memory_space<vmem>>[vector<16xi32>], vector<16xf32>,
    %bitcast_convert_type3A_4692 = tpu.bitcast %gather3A_4691 : vector<16xf32> -> vector<16xi32>
    %add3A_4693 = arith.constant 32767 : i32
    %add3A_4694 = vector.broadcast %add3A_4693 : i32 to vector<16xi32>
    %add3A_4695 = arith.addi %bitcast_convert_type3A_4692, %add3A_4694 : vector<16xi32>
    %shift_right_arithmetic3A_4696 = arith.constant 16 : i32
    %shift_right_arithmetic3A_4697 = vector.broadcast %shift_right_arithmetic3A_4696 : i32 to vector<16xi32>
    %shift_right_arithmetic3A_4698 = arith.shrsi %bitcast_convert_type3A_4692, %shift_right_arithmetic3A_4697 : vector<16xi32>
    %and3A_4699 = arith.constant 1 : i32
    %and3A_4700 = vector.broadcast %and3A_4699 : i32 to vector<16xi32>
    %and3A_4701 = arith.andi %shift_right_arithmetic3A_4698, %and3A_4700 : vector<16xi32>
    %add3A_4702 = arith.addi %add3A_4695, %and3A_4701 : vector<16xi32>
    %and3A_4703 = arith.constant -65536 : i32
    %and3A_4704 = vector.broadcast %and3A_4703 : i32 to vector<16xi32>
    %and3A_4705 = arith.andi %add3A_4702, %and3A_4704 : vector<16xi32>
    %bitcast_convert_type3A_4706 = tpu.bitcast %and3A_4705 : vector<16xi32> -> vector<16xf32>
    %mul3A_4707 = arith.mulf %bitcast_convert_type3A_4706, %bitcast_convert_type3A_4687 : vector<16xf32>
    %add3A_4708 = arith.addf %add3A_4598, %mul3A_4707 : vector<16xf32>
    %broadcast_in_dim3A_4709 = arith.constant 1 : i32
    %broadcast_in_dim3A_4710 = vector.broadcast %broadcast_in_dim3A_4709 : i32 to vector<16xi32>
    %lt3A_4711 = arith.constant 0 : i32
    %lt3A_4712 = vector.broadcast %lt3A_4711 : i32 to vector<16xi32>
    %lt3A_4713 = arith.cmpi slt, %broadcast_in_dim3A_4710, %lt3A_4712 : vector<16xi32>
    %add3A_4714 = arith.constant 16 : i32
    %add3A_4715 = vector.broadcast %add3A_4714 : i32 to vector<16xi32>
    %add3A_4716 = arith.addi %broadcast_in_dim3A_4710, %add3A_4715 : vector<16xi32>
    %select_n3A_4717 = arith.select %lt3A_4713, %add3A_4716, %broadcast_in_dim3A_4710 : vector<16xi1>, vector<16xi32>
    %broadcast_in_dim3A_4718 = vector.shape_cast %select_n3A_4717 : vector<16xi32> to vector<16x1xi32>
    %gather3A_4719 = vector.shape_cast %broadcast_in_dim3A_4718 : vector<16x1xi32> to vector<16xi32>
    %gather3A_4720 = tpu.dynamic_gather %bitcast_convert_type3A_2668[%gather3A_4719] in [0] : vector<16xf32>, vector<16xi32> -> vector<16xf32>
    %broadcast_in_dim3A_4721 = arith.constant 1 : i32
    %broadcast_in_dim3A_4722 = vector.broadcast %broadcast_in_dim3A_4721 : i32 to vector<16xi32>
    %lt3A_4723 = arith.constant 0 : i32
    %lt3A_4724 = vector.broadcast %lt3A_4723 : i32 to vector<16xi32>
    %lt3A_4725 = arith.cmpi slt, %broadcast_in_dim3A_4722, %lt3A_4724 : vector<16xi32>
    %add3A_4726 = arith.constant 16 : i32
    %add3A_4727 = vector.broadcast %add3A_4726 : i32 to vector<16xi32>
    %add3A_4728 = arith.addi %broadcast_in_dim3A_4722, %add3A_4727 : vector<16xi32>
    %select_n3A_4729 = arith.select %lt3A_4725, %add3A_4728, %broadcast_in_dim3A_4722 : vector<16xi1>, vector<16xi32>
    %broadcast_in_dim3A_4730 = vector.shape_cast %select_n3A_4729 : vector<16xi32> to vector<16x1xi32>
    %gather3A_4731 = vector.shape_cast %broadcast_in_dim3A_4730 : vector<16x1xi32> to vector<16xi32>
    %gather3A_4732 = tpu.dynamic_gather %bitcast_convert_type3A_2698[%gather3A_4731] in [0] : vector<16xf32>, vector<16xi32> -> vector<16xf32>
    %broadcast_in_dim3A_4733 = arith.constant 1 : i32
    %broadcast_in_dim3A_4734 = vector.broadcast %broadcast_in_dim3A_4733 : i32 to vector<16xi32>
    %lt3A_4735 = arith.constant 0 : i32
    %lt3A_4736 = vector.broadcast %lt3A_4735 : i32 to vector<16xi32>
    %lt3A_4737 = arith.cmpi slt, %broadcast_in_dim3A_4734, %lt3A_4736 : vector<16xi32>
    %add3A_4738 = arith.constant 16 : i32
    %add3A_4739 = vector.broadcast %add3A_4738 : i32 to vector<16xi32>
    %add3A_4740 = arith.addi %broadcast_in_dim3A_4734, %add3A_4739 : vector<16xi32>
    %select_n3A_4741 = arith.select %lt3A_4737, %add3A_4740, %broadcast_in_dim3A_4734 : vector<16xi1>, vector<16xi32>
    %broadcast_in_dim3A_4742 = vector.shape_cast %select_n3A_4741 : vector<16xi32> to vector<16x1xi32>
    %gather3A_4743 = vector.shape_cast %broadcast_in_dim3A_4742 : vector<16x1xi32> to vector<16xi32>
    %gather3A_4744 = tpu.dynamic_gather %bitcast_convert_type3A_2728[%gather3A_4743] in [0] : vector<16xf32>, vector<16xi32> -> vector<16xf32>
    %broadcast_in_dim3A_4745 = arith.constant 1 : i32
    %broadcast_in_dim3A_4746 = vector.broadcast %broadcast_in_dim3A_4745 : i32 to vector<16xi32>
    %lt3A_4747 = arith.constant 0 : i32
    %lt3A_4748 = vector.broadcast %lt3A_4747 : i32 to vector<16xi32>
    %lt3A_4749 = arith.cmpi slt, %broadcast_in_dim3A_4746, %lt3A_4748 : vector<16xi32>
    %add3A_4750 = arith.constant 16 : i32
    %add3A_4751 = vector.broadcast %add3A_4750 : i32 to vector<16xi32>
    %add3A_4752 = arith.addi %broadcast_in_dim3A_4746, %add3A_4751 : vector<16xi32>
    %select_n3A_4753 = arith.select %lt3A_4749, %add3A_4752, %broadcast_in_dim3A_4746 : vector<16xi1>, vector<16xi32>
    %broadcast_in_dim3A_4754 = vector.shape_cast %select_n3A_4753 : vector<16xi32> to vector<16x1xi32>
    %gather3A_4755 = vector.shape_cast %broadcast_in_dim3A_4754 : vector<16x1xi32> to vector<16xi32>
    %gather3A_4756 = tpu.dynamic_gather %bitcast_convert_type3A_2758[%gather3A_4755] in [0] : vector<16xf32>, vector<16xi32> -> vector<16xf32>
    %eq3A_4757 = arith.constant 0 : i32
    %eq3A_4758 = vector.broadcast %eq3A_4757 : i32 to vector<16xi32>
    %eq3A_4759 = arith.cmpi eq, %select_n3A_41, %eq3A_4758 : vector<16xi32>
    %eq3A_4760 = arith.constant 1 : i32
    %eq3A_4761 = vector.broadcast %eq3A_4760 : i32 to vector<16xi32>
    %eq3A_4762 = arith.cmpi eq, %select_n3A_41, %eq3A_4761 : vector<16xi32>
    %eq3A_4763 = arith.constant 2 : i32
    %eq3A_4764 = vector.broadcast %eq3A_4763 : i32 to vector<16xi32>
    %eq3A_4765 = arith.cmpi eq, %select_n3A_41, %eq3A_4764 : vector<16xi32>
    %select_n3A_4766 = arith.select %eq3A_4765, %gather3A_4744, %gather3A_4756 : vector<16xi1>, vector<16xf32>
    %select_n3A_4767 = arith.select %eq3A_4762, %gather3A_4732, %select_n3A_4766 : vector<16xi1>, vector<16xf32>
    %select_n3A_4768 = arith.select %eq3A_4759, %gather3A_4720, %select_n3A_4767 : vector<16xi1>, vector<16xf32>
    %mul3A_4769 = arith.mulf %select_n3A_4768, %bitcast_convert_type3A_4687 : vector<16xf32>
    %add3A_4770 = arith.addf %add3A_4660, %mul3A_4769 : vector<16xf32>
    %add3A_4771 = arith.constant 18 : i32
    %add3A_4772 = vector.broadcast %add3A_4771 : i32 to vector<16xi32>
    %add3A_4773 = arith.addi %mul3A_2784, %add3A_4772 : vector<16xi32>
    %gather3A_4774 = tpu.vector_load_idx %arg6[%add3A_4773] : memref<60xf32, #tpu.memory_space<vmem>>[vector<16xi32>], vector<16xf32>,
    %add3A_4775 = arith.constant 18 : i32
    %add3A_4776 = vector.broadcast %add3A_4775 : i32 to vector<16xi32>
    %add3A_4777 = arith.addi %select_n3A_2790, %add3A_4776 : vector<16xi32>
    %gather3A_4778 = tpu.vector_load_idx %arg6[%add3A_4777] : memref<60xf32, #tpu.memory_space<vmem>>[vector<16xi32>], vector<16xf32>,
    %add3A_4779 = arith.addf %gather3A_4774, %gather3A_4778 : vector<16xf32>
    %mul3A_4780 = arith.constant 5.000000e-01 : f32
    %mul3A_4781 = vector.broadcast %mul3A_4780 : f32 to vector<16xf32>
    %mul3A_4782 = arith.mulf %mul3A_4781, %add3A_4779 : vector<16xf32>
    %bitcast_convert_type3A_4783 = tpu.bitcast %mul3A_4782 : vector<16xf32> -> vector<16xi32>
    %add3A_4784 = arith.constant 32767 : i32
    %add3A_4785 = vector.broadcast %add3A_4784 : i32 to vector<16xi32>
    %add3A_4786 = arith.addi %bitcast_convert_type3A_4783, %add3A_4785 : vector<16xi32>
    %shift_right_arithmetic3A_4787 = arith.constant 16 : i32
    %shift_right_arithmetic3A_4788 = vector.broadcast %shift_right_arithmetic3A_4787 : i32 to vector<16xi32>
    %shift_right_arithmetic3A_4789 = arith.shrsi %bitcast_convert_type3A_4783, %shift_right_arithmetic3A_4788 : vector<16xi32>
    %and3A_4790 = arith.constant 1 : i32
    %and3A_4791 = vector.broadcast %and3A_4790 : i32 to vector<16xi32>
    %and3A_4792 = arith.andi %shift_right_arithmetic3A_4789, %and3A_4791 : vector<16xi32>
    %add3A_4793 = arith.addi %add3A_4786, %and3A_4792 : vector<16xi32>
    %and3A_4794 = arith.constant -65536 : i32
    %and3A_4795 = vector.broadcast %and3A_4794 : i32 to vector<16xi32>
    %and3A_4796 = arith.andi %add3A_4793, %and3A_4795 : vector<16xi32>
    %bitcast_convert_type3A_4797 = tpu.bitcast %and3A_4796 : vector<16xi32> -> vector<16xf32>
    %add3A_4798 = arith.constant 18 : i32
    %add3A_4799 = vector.broadcast %add3A_4798 : i32 to vector<16xi32>
    %add3A_4800 = arith.addi %mul3A_2761, %add3A_4799 : vector<16xi32>
    %gather3A_4801 = tpu.vector_load_idx %arg7[%add3A_4800] : memref<60xf32, #tpu.memory_space<vmem>>[vector<16xi32>], vector<16xf32>,
    %bitcast_convert_type3A_4802 = tpu.bitcast %gather3A_4801 : vector<16xf32> -> vector<16xi32>
    %add3A_4803 = arith.constant 32767 : i32
    %add3A_4804 = vector.broadcast %add3A_4803 : i32 to vector<16xi32>
    %add3A_4805 = arith.addi %bitcast_convert_type3A_4802, %add3A_4804 : vector<16xi32>
    %shift_right_arithmetic3A_4806 = arith.constant 16 : i32
    %shift_right_arithmetic3A_4807 = vector.broadcast %shift_right_arithmetic3A_4806 : i32 to vector<16xi32>
    %shift_right_arithmetic3A_4808 = arith.shrsi %bitcast_convert_type3A_4802, %shift_right_arithmetic3A_4807 : vector<16xi32>
    %and3A_4809 = arith.constant 1 : i32
    %and3A_4810 = vector.broadcast %and3A_4809 : i32 to vector<16xi32>
    %and3A_4811 = arith.andi %shift_right_arithmetic3A_4808, %and3A_4810 : vector<16xi32>
    %add3A_4812 = arith.addi %add3A_4805, %and3A_4811 : vector<16xi32>
    %and3A_4813 = arith.constant -65536 : i32
    %and3A_4814 = vector.broadcast %and3A_4813 : i32 to vector<16xi32>
    %and3A_4815 = arith.andi %add3A_4812, %and3A_4814 : vector<16xi32>
    %bitcast_convert_type3A_4816 = tpu.bitcast %and3A_4815 : vector<16xi32> -> vector<16xf32>
    %mul3A_4817 = arith.mulf %bitcast_convert_type3A_4816, %bitcast_convert_type3A_4797 : vector<16xf32>
    %add3A_4818 = arith.addf %add3A_4708, %mul3A_4817 : vector<16xf32>
    %broadcast_in_dim3A_4819 = arith.constant 2 : i32
    %broadcast_in_dim3A_4820 = vector.broadcast %broadcast_in_dim3A_4819 : i32 to vector<16xi32>
    %lt3A_4821 = arith.constant 0 : i32
    %lt3A_4822 = vector.broadcast %lt3A_4821 : i32 to vector<16xi32>
    %lt3A_4823 = arith.cmpi slt, %broadcast_in_dim3A_4820, %lt3A_4822 : vector<16xi32>
    %add3A_4824 = arith.constant 16 : i32
    %add3A_4825 = vector.broadcast %add3A_4824 : i32 to vector<16xi32>
    %add3A_4826 = arith.addi %broadcast_in_dim3A_4820, %add3A_4825 : vector<16xi32>
    %select_n3A_4827 = arith.select %lt3A_4823, %add3A_4826, %broadcast_in_dim3A_4820 : vector<16xi1>, vector<16xi32>
    %broadcast_in_dim3A_4828 = vector.shape_cast %select_n3A_4827 : vector<16xi32> to vector<16x1xi32>
    %gather3A_4829 = vector.shape_cast %broadcast_in_dim3A_4828 : vector<16x1xi32> to vector<16xi32>
    %gather3A_4830 = tpu.dynamic_gather %bitcast_convert_type3A_2668[%gather3A_4829] in [0] : vector<16xf32>, vector<16xi32> -> vector<16xf32>
    %broadcast_in_dim3A_4831 = arith.constant 2 : i32
    %broadcast_in_dim3A_4832 = vector.broadcast %broadcast_in_dim3A_4831 : i32 to vector<16xi32>
    %lt3A_4833 = arith.constant 0 : i32
    %lt3A_4834 = vector.broadcast %lt3A_4833 : i32 to vector<16xi32>
    %lt3A_4835 = arith.cmpi slt, %broadcast_in_dim3A_4832, %lt3A_4834 : vector<16xi32>
    %add3A_4836 = arith.constant 16 : i32
    %add3A_4837 = vector.broadcast %add3A_4836 : i32 to vector<16xi32>
    %add3A_4838 = arith.addi %broadcast_in_dim3A_4832, %add3A_4837 : vector<16xi32>
    %select_n3A_4839 = arith.select %lt3A_4835, %add3A_4838, %broadcast_in_dim3A_4832 : vector<16xi1>, vector<16xi32>
    %broadcast_in_dim3A_4840 = vector.shape_cast %select_n3A_4839 : vector<16xi32> to vector<16x1xi32>
    %gather3A_4841 = vector.shape_cast %broadcast_in_dim3A_4840 : vector<16x1xi32> to vector<16xi32>
    %gather3A_4842 = tpu.dynamic_gather %bitcast_convert_type3A_2698[%gather3A_4841] in [0] : vector<16xf32>, vector<16xi32> -> vector<16xf32>
    %broadcast_in_dim3A_4843 = arith.constant 2 : i32
    %broadcast_in_dim3A_4844 = vector.broadcast %broadcast_in_dim3A_4843 : i32 to vector<16xi32>
    %lt3A_4845 = arith.constant 0 : i32
    %lt3A_4846 = vector.broadcast %lt3A_4845 : i32 to vector<16xi32>
    %lt3A_4847 = arith.cmpi slt, %broadcast_in_dim3A_4844, %lt3A_4846 : vector<16xi32>
    %add3A_4848 = arith.constant 16 : i32
    %add3A_4849 = vector.broadcast %add3A_4848 : i32 to vector<16xi32>
    %add3A_4850 = arith.addi %broadcast_in_dim3A_4844, %add3A_4849 : vector<16xi32>
    %select_n3A_4851 = arith.select %lt3A_4847, %add3A_4850, %broadcast_in_dim3A_4844 : vector<16xi1>, vector<16xi32>
    %broadcast_in_dim3A_4852 = vector.shape_cast %select_n3A_4851 : vector<16xi32> to vector<16x1xi32>
    %gather3A_4853 = vector.shape_cast %broadcast_in_dim3A_4852 : vector<16x1xi32> to vector<16xi32>
    %gather3A_4854 = tpu.dynamic_gather %bitcast_convert_type3A_2728[%gather3A_4853] in [0] : vector<16xf32>, vector<16xi32> -> vector<16xf32>
    %broadcast_in_dim3A_4855 = arith.constant 2 : i32
    %broadcast_in_dim3A_4856 = vector.broadcast %broadcast_in_dim3A_4855 : i32 to vector<16xi32>
    %lt3A_4857 = arith.constant 0 : i32
    %lt3A_4858 = vector.broadcast %lt3A_4857 : i32 to vector<16xi32>
    %lt3A_4859 = arith.cmpi slt, %broadcast_in_dim3A_4856, %lt3A_4858 : vector<16xi32>
    %add3A_4860 = arith.constant 16 : i32
    %add3A_4861 = vector.broadcast %add3A_4860 : i32 to vector<16xi32>
    %add3A_4862 = arith.addi %broadcast_in_dim3A_4856, %add3A_4861 : vector<16xi32>
    %select_n3A_4863 = arith.select %lt3A_4859, %add3A_4862, %broadcast_in_dim3A_4856 : vector<16xi1>, vector<16xi32>
    %broadcast_in_dim3A_4864 = vector.shape_cast %select_n3A_4863 : vector<16xi32> to vector<16x1xi32>
    %gather3A_4865 = vector.shape_cast %broadcast_in_dim3A_4864 : vector<16x1xi32> to vector<16xi32>
    %gather3A_4866 = tpu.dynamic_gather %bitcast_convert_type3A_2758[%gather3A_4865] in [0] : vector<16xf32>, vector<16xi32> -> vector<16xf32>
    %eq3A_4867 = arith.constant 0 : i32
    %eq3A_4868 = vector.broadcast %eq3A_4867 : i32 to vector<16xi32>
    %eq3A_4869 = arith.cmpi eq, %select_n3A_41, %eq3A_4868 : vector<16xi32>
    %eq3A_4870 = arith.constant 1 : i32
    %eq3A_4871 = vector.broadcast %eq3A_4870 : i32 to vector<16xi32>
    %eq3A_4872 = arith.cmpi eq, %select_n3A_41, %eq3A_4871 : vector<16xi32>
    %eq3A_4873 = arith.constant 2 : i32
    %eq3A_4874 = vector.broadcast %eq3A_4873 : i32 to vector<16xi32>
    %eq3A_4875 = arith.cmpi eq, %select_n3A_41, %eq3A_4874 : vector<16xi32>
    %select_n3A_4876 = arith.select %eq3A_4875, %gather3A_4854, %gather3A_4866 : vector<16xi1>, vector<16xf32>
    %select_n3A_4877 = arith.select %eq3A_4872, %gather3A_4842, %select_n3A_4876 : vector<16xi1>, vector<16xf32>
    %select_n3A_4878 = arith.select %eq3A_4869, %gather3A_4830, %select_n3A_4877 : vector<16xi1>, vector<16xf32>
    %mul3A_4879 = arith.mulf %select_n3A_4878, %bitcast_convert_type3A_4797 : vector<16xf32>
    %add3A_4880 = arith.addf %add3A_4770, %mul3A_4879 : vector<16xf32>
    %add3A_4881 = arith.constant 19 : i32
    %add3A_4882 = vector.broadcast %add3A_4881 : i32 to vector<16xi32>
    %add3A_4883 = arith.addi %mul3A_2784, %add3A_4882 : vector<16xi32>
    %gather3A_4884 = tpu.vector_load_idx %arg6[%add3A_4883] : memref<60xf32, #tpu.memory_space<vmem>>[vector<16xi32>], vector<16xf32>,
    %add3A_4885 = arith.constant 19 : i32
    %add3A_4886 = vector.broadcast %add3A_4885 : i32 to vector<16xi32>
    %add3A_4887 = arith.addi %select_n3A_2790, %add3A_4886 : vector<16xi32>
    %gather3A_4888 = tpu.vector_load_idx %arg6[%add3A_4887] : memref<60xf32, #tpu.memory_space<vmem>>[vector<16xi32>], vector<16xf32>,
    %add3A_4889 = arith.addf %gather3A_4884, %gather3A_4888 : vector<16xf32>
    %mul3A_4890 = arith.constant 5.000000e-01 : f32
    %mul3A_4891 = vector.broadcast %mul3A_4890 : f32 to vector<16xf32>
    %mul3A_4892 = arith.mulf %mul3A_4891, %add3A_4889 : vector<16xf32>
    %bitcast_convert_type3A_4893 = tpu.bitcast %mul3A_4892 : vector<16xf32> -> vector<16xi32>
    %add3A_4894 = arith.constant 32767 : i32
    %add3A_4895 = vector.broadcast %add3A_4894 : i32 to vector<16xi32>
    %add3A_4896 = arith.addi %bitcast_convert_type3A_4893, %add3A_4895 : vector<16xi32>
    %shift_right_arithmetic3A_4897 = arith.constant 16 : i32
    %shift_right_arithmetic3A_4898 = vector.broadcast %shift_right_arithmetic3A_4897 : i32 to vector<16xi32>
    %shift_right_arithmetic3A_4899 = arith.shrsi %bitcast_convert_type3A_4893, %shift_right_arithmetic3A_4898 : vector<16xi32>
    %and3A_4900 = arith.constant 1 : i32
    %and3A_4901 = vector.broadcast %and3A_4900 : i32 to vector<16xi32>
    %and3A_4902 = arith.andi %shift_right_arithmetic3A_4899, %and3A_4901 : vector<16xi32>
    %add3A_4903 = arith.addi %add3A_4896, %and3A_4902 : vector<16xi32>
    %and3A_4904 = arith.constant -65536 : i32
    %and3A_4905 = vector.broadcast %and3A_4904 : i32 to vector<16xi32>
    %and3A_4906 = arith.andi %add3A_4903, %and3A_4905 : vector<16xi32>
    %bitcast_convert_type3A_4907 = tpu.bitcast %and3A_4906 : vector<16xi32> -> vector<16xf32>
    %add3A_4908 = arith.constant 19 : i32
    %add3A_4909 = vector.broadcast %add3A_4908 : i32 to vector<16xi32>
    %add3A_4910 = arith.addi %mul3A_2761, %add3A_4909 : vector<16xi32>
    %gather3A_4911 = tpu.vector_load_idx %arg7[%add3A_4910] : memref<60xf32, #tpu.memory_space<vmem>>[vector<16xi32>], vector<16xf32>,
    %bitcast_convert_type3A_4912 = tpu.bitcast %gather3A_4911 : vector<16xf32> -> vector<16xi32>
    %add3A_4913 = arith.constant 32767 : i32
    %add3A_4914 = vector.broadcast %add3A_4913 : i32 to vector<16xi32>
    %add3A_4915 = arith.addi %bitcast_convert_type3A_4912, %add3A_4914 : vector<16xi32>
    %shift_right_arithmetic3A_4916 = arith.constant 16 : i32
    %shift_right_arithmetic3A_4917 = vector.broadcast %shift_right_arithmetic3A_4916 : i32 to vector<16xi32>
    %shift_right_arithmetic3A_4918 = arith.shrsi %bitcast_convert_type3A_4912, %shift_right_arithmetic3A_4917 : vector<16xi32>
    %and3A_4919 = arith.constant 1 : i32
    %and3A_4920 = vector.broadcast %and3A_4919 : i32 to vector<16xi32>
    %and3A_4921 = arith.andi %shift_right_arithmetic3A_4918, %and3A_4920 : vector<16xi32>
    %add3A_4922 = arith.addi %add3A_4915, %and3A_4921 : vector<16xi32>
    %and3A_4923 = arith.constant -65536 : i32
    %and3A_4924 = vector.broadcast %and3A_4923 : i32 to vector<16xi32>
    %and3A_4925 = arith.andi %add3A_4922, %and3A_4924 : vector<16xi32>
    %bitcast_convert_type3A_4926 = tpu.bitcast %and3A_4925 : vector<16xi32> -> vector<16xf32>
    %mul3A_4927 = arith.mulf %bitcast_convert_type3A_4926, %bitcast_convert_type3A_4907 : vector<16xf32>
    %add3A_4928 = arith.addf %add3A_4818, %mul3A_4927 : vector<16xf32>
    %broadcast_in_dim3A_4929 = arith.constant 3 : i32
    %broadcast_in_dim3A_4930 = vector.broadcast %broadcast_in_dim3A_4929 : i32 to vector<16xi32>
    %lt3A_4931 = arith.constant 0 : i32
    %lt3A_4932 = vector.broadcast %lt3A_4931 : i32 to vector<16xi32>
    %lt3A_4933 = arith.cmpi slt, %broadcast_in_dim3A_4930, %lt3A_4932 : vector<16xi32>
    %add3A_4934 = arith.constant 16 : i32
    %add3A_4935 = vector.broadcast %add3A_4934 : i32 to vector<16xi32>
    %add3A_4936 = arith.addi %broadcast_in_dim3A_4930, %add3A_4935 : vector<16xi32>
    %select_n3A_4937 = arith.select %lt3A_4933, %add3A_4936, %broadcast_in_dim3A_4930 : vector<16xi1>, vector<16xi32>
    %broadcast_in_dim3A_4938 = vector.shape_cast %select_n3A_4937 : vector<16xi32> to vector<16x1xi32>
    %gather3A_4939 = vector.shape_cast %broadcast_in_dim3A_4938 : vector<16x1xi32> to vector<16xi32>
    %gather3A_4940 = tpu.dynamic_gather %bitcast_convert_type3A_2668[%gather3A_4939] in [0] : vector<16xf32>, vector<16xi32> -> vector<16xf32>
    %broadcast_in_dim3A_4941 = arith.constant 3 : i32
    %broadcast_in_dim3A_4942 = vector.broadcast %broadcast_in_dim3A_4941 : i32 to vector<16xi32>
    %lt3A_4943 = arith.constant 0 : i32
    %lt3A_4944 = vector.broadcast %lt3A_4943 : i32 to vector<16xi32>
    %lt3A_4945 = arith.cmpi slt, %broadcast_in_dim3A_4942, %lt3A_4944 : vector<16xi32>
    %add3A_4946 = arith.constant 16 : i32
    %add3A_4947 = vector.broadcast %add3A_4946 : i32 to vector<16xi32>
    %add3A_4948 = arith.addi %broadcast_in_dim3A_4942, %add3A_4947 : vector<16xi32>
    %select_n3A_4949 = arith.select %lt3A_4945, %add3A_4948, %broadcast_in_dim3A_4942 : vector<16xi1>, vector<16xi32>
    %broadcast_in_dim3A_4950 = vector.shape_cast %select_n3A_4949 : vector<16xi32> to vector<16x1xi32>
    %gather3A_4951 = vector.shape_cast %broadcast_in_dim3A_4950 : vector<16x1xi32> to vector<16xi32>
    %gather3A_4952 = tpu.dynamic_gather %bitcast_convert_type3A_2698[%gather3A_4951] in [0] : vector<16xf32>, vector<16xi32> -> vector<16xf32>
    %broadcast_in_dim3A_4953 = arith.constant 3 : i32
    %broadcast_in_dim3A_4954 = vector.broadcast %broadcast_in_dim3A_4953 : i32 to vector<16xi32>
    %lt3A_4955 = arith.constant 0 : i32
    %lt3A_4956 = vector.broadcast %lt3A_4955 : i32 to vector<16xi32>
    %lt3A_4957 = arith.cmpi slt, %broadcast_in_dim3A_4954, %lt3A_4956 : vector<16xi32>
    %add3A_4958 = arith.constant 16 : i32
    %add3A_4959 = vector.broadcast %add3A_4958 : i32 to vector<16xi32>
    %add3A_4960 = arith.addi %broadcast_in_dim3A_4954, %add3A_4959 : vector<16xi32>
    %select_n3A_4961 = arith.select %lt3A_4957, %add3A_4960, %broadcast_in_dim3A_4954 : vector<16xi1>, vector<16xi32>
    %broadcast_in_dim3A_4962 = vector.shape_cast %select_n3A_4961 : vector<16xi32> to vector<16x1xi32>
    %gather3A_4963 = vector.shape_cast %broadcast_in_dim3A_4962 : vector<16x1xi32> to vector<16xi32>
    %gather3A_4964 = tpu.dynamic_gather %bitcast_convert_type3A_2728[%gather3A_4963] in [0] : vector<16xf32>, vector<16xi32> -> vector<16xf32>
    %broadcast_in_dim3A_4965 = arith.constant 3 : i32
    %broadcast_in_dim3A_4966 = vector.broadcast %broadcast_in_dim3A_4965 : i32 to vector<16xi32>
    %lt3A_4967 = arith.constant 0 : i32
    %lt3A_4968 = vector.broadcast %lt3A_4967 : i32 to vector<16xi32>
    %lt3A_4969 = arith.cmpi slt, %broadcast_in_dim3A_4966, %lt3A_4968 : vector<16xi32>
    %add3A_4970 = arith.constant 16 : i32
    %add3A_4971 = vector.broadcast %add3A_4970 : i32 to vector<16xi32>
    %add3A_4972 = arith.addi %broadcast_in_dim3A_4966, %add3A_4971 : vector<16xi32>
    %select_n3A_4973 = arith.select %lt3A_4969, %add3A_4972, %broadcast_in_dim3A_4966 : vector<16xi1>, vector<16xi32>
    %broadcast_in_dim3A_4974 = vector.shape_cast %select_n3A_4973 : vector<16xi32> to vector<16x1xi32>
    %gather3A_4975 = vector.shape_cast %broadcast_in_dim3A_4974 : vector<16x1xi32> to vector<16xi32>
    %gather3A_4976 = tpu.dynamic_gather %bitcast_convert_type3A_2758[%gather3A_4975] in [0] : vector<16xf32>, vector<16xi32> -> vector<16xf32>
    %eq3A_4977 = arith.constant 0 : i32
    %eq3A_4978 = vector.broadcast %eq3A_4977 : i32 to vector<16xi32>
    %eq3A_4979 = arith.cmpi eq, %select_n3A_41, %eq3A_4978 : vector<16xi32>
    %eq3A_4980 = arith.constant 1 : i32
    %eq3A_4981 = vector.broadcast %eq3A_4980 : i32 to vector<16xi32>
    %eq3A_4982 = arith.cmpi eq, %select_n3A_41, %eq3A_4981 : vector<16xi32>
    %eq3A_4983 = arith.constant 2 : i32
    %eq3A_4984 = vector.broadcast %eq3A_4983 : i32 to vector<16xi32>
    %eq3A_4985 = arith.cmpi eq, %select_n3A_41, %eq3A_4984 : vector<16xi32>
    %select_n3A_4986 = arith.select %eq3A_4985, %gather3A_4964, %gather3A_4976 : vector<16xi1>, vector<16xf32>
    %select_n3A_4987 = arith.select %eq3A_4982, %gather3A_4952, %select_n3A_4986 : vector<16xi1>, vector<16xf32>
    %select_n3A_4988 = arith.select %eq3A_4979, %gather3A_4940, %select_n3A_4987 : vector<16xi1>, vector<16xf32>
    %mul3A_4989 = arith.mulf %select_n3A_4988, %bitcast_convert_type3A_4907 : vector<16xf32>
    %add3A_4990 = arith.addf %add3A_4880, %mul3A_4989 : vector<16xf32>
    %add3A_4991 = arith.constant 0 : i32
    %add3A_4992 = vector.broadcast %add3A_4991 : i32 to vector<16xi32>
    %add3A_4993 = arith.addi %add3A_4992, %select_n3A_13 : vector<16xi32>
    %lt3A_4994 = arith.constant 0 : i32
    %lt3A_4995 = vector.broadcast %lt3A_4994 : i32 to vector<16xi32>
    %lt3A_4996 = arith.cmpi slt, %add3A_4993, %lt3A_4995 : vector<16xi32>
    %add3A_4997 = arith.constant 16 : i32
    %add3A_4998 = vector.broadcast %add3A_4997 : i32 to vector<16xi32>
    %add3A_4999 = arith.addi %add3A_4993, %add3A_4998 : vector<16xi32>
    %select_n3A_5000 = arith.select %lt3A_4996, %add3A_4999, %add3A_4993 : vector<16xi1>, vector<16xi32>
    %broadcast_in_dim3A_5001 = vector.shape_cast %select_n3A_5000 : vector<16xi32> to vector<16x1xi32>
    %gather3A_5002 = vector.shape_cast %broadcast_in_dim3A_5001 : vector<16x1xi32> to vector<16xi32>
    %gather3A_5003 = tpu.dynamic_gather %add3A_4928[%gather3A_5002] in [0] : vector<16xf32>, vector<16xi32> -> vector<16xf32>
    %add3A_5004 = arith.constant 4 : i32
    %add3A_5005 = vector.broadcast %add3A_5004 : i32 to vector<16xi32>
    %add3A_5006 = arith.addi %add3A_5005, %select_n3A_13 : vector<16xi32>
    %lt3A_5007 = arith.constant 0 : i32
    %lt3A_5008 = vector.broadcast %lt3A_5007 : i32 to vector<16xi32>
    %lt3A_5009 = arith.cmpi slt, %add3A_5006, %lt3A_5008 : vector<16xi32>
    %add3A_5010 = arith.constant 16 : i32
    %add3A_5011 = vector.broadcast %add3A_5010 : i32 to vector<16xi32>
    %add3A_5012 = arith.addi %add3A_5006, %add3A_5011 : vector<16xi32>
    %select_n3A_5013 = arith.select %lt3A_5009, %add3A_5012, %add3A_5006 : vector<16xi1>, vector<16xi32>
    %broadcast_in_dim3A_5014 = vector.shape_cast %select_n3A_5013 : vector<16xi32> to vector<16x1xi32>
    %gather3A_5015 = vector.shape_cast %broadcast_in_dim3A_5014 : vector<16x1xi32> to vector<16xi32>
    %gather3A_5016 = tpu.dynamic_gather %add3A_4928[%gather3A_5015] in [0] : vector<16xf32>, vector<16xi32> -> vector<16xf32>
    %add3A_5017 = arith.constant 8 : i32
    %add3A_5018 = vector.broadcast %add3A_5017 : i32 to vector<16xi32>
    %add3A_5019 = arith.addi %add3A_5018, %select_n3A_13 : vector<16xi32>
    %lt3A_5020 = arith.constant 0 : i32
    %lt3A_5021 = vector.broadcast %lt3A_5020 : i32 to vector<16xi32>
    %lt3A_5022 = arith.cmpi slt, %add3A_5019, %lt3A_5021 : vector<16xi32>
    %add3A_5023 = arith.constant 16 : i32
    %add3A_5024 = vector.broadcast %add3A_5023 : i32 to vector<16xi32>
    %add3A_5025 = arith.addi %add3A_5019, %add3A_5024 : vector<16xi32>
    %select_n3A_5026 = arith.select %lt3A_5022, %add3A_5025, %add3A_5019 : vector<16xi1>, vector<16xi32>
    %broadcast_in_dim3A_5027 = vector.shape_cast %select_n3A_5026 : vector<16xi32> to vector<16x1xi32>
    %gather3A_5028 = vector.shape_cast %broadcast_in_dim3A_5027 : vector<16x1xi32> to vector<16xi32>
    %gather3A_5029 = tpu.dynamic_gather %add3A_4928[%gather3A_5028] in [0] : vector<16xf32>, vector<16xi32> -> vector<16xf32>
    %max3A = arith.maximumf %gather3A_5016, %gather3A_5029 : vector<16xf32>
    %max3A_5030 = arith.maximumf %gather3A_5003, %max3A : vector<16xf32>
    %sub3A_5031 = arith.subf %gather3A_5003, %max3A_5030 : vector<16xf32>
    %exp3A = math.exp %sub3A_5031 : vector<16xf32>
    %add3A_5032 = arith.constant 0.000000e+00 : f32
    %add3A_5033 = vector.broadcast %add3A_5032 : f32 to vector<16xf32>
    %add3A_5034 = arith.addf %add3A_5033, %exp3A : vector<16xf32>
    %sub3A_5035 = arith.subf %gather3A_5016, %max3A_5030 : vector<16xf32>
    %exp3A_5036 = math.exp %sub3A_5035 : vector<16xf32>
    %add3A_5037 = arith.addf %add3A_5034, %exp3A_5036 : vector<16xf32>
    %sub3A_5038 = arith.subf %gather3A_5029, %max3A_5030 : vector<16xf32>
    %exp3A_5039 = math.exp %sub3A_5038 : vector<16xf32>
    %add3A_5040 = arith.addf %add3A_5037, %exp3A_5039 : vector<16xf32>
    %bitcast_convert_type3A_5041 = tpu.bitcast %add3A_5040 : vector<16xf32> -> vector<16xi32>
    %convert_element_type3A = arith.sitofp %bitcast_convert_type3A_5041 : vector<16xi32> to vector<16xf32>
    %mul3A_5042 = arith.constant 1.1920929E-7 : f32
    %mul3A_5043 = vector.broadcast %mul3A_5042 : f32 to vector<16xf32>
    %mul3A_5044 = arith.mulf %convert_element_type3A, %mul3A_5043 : vector<16xf32>
    %sub3A_5045 = arith.constant 1.270000e+02 : f32
    %sub3A_5046 = vector.broadcast %sub3A_5045 : f32 to vector<16xf32>
    %sub3A_5047 = arith.subf %mul3A_5044, %sub3A_5046 : vector<16xf32>
    %mul3A_5048 = arith.constant 0.693147182 : f32
    %mul3A_5049 = vector.broadcast %mul3A_5048 : f32 to vector<16xf32>
    %mul3A_5050 = arith.mulf %sub3A_5047, %mul3A_5049 : vector<16xf32>
    %sub3A_5051 = arith.constant 1.000000e+00 : f32
    %sub3A_5052 = vector.broadcast %sub3A_5051 : f32 to vector<16xf32>
    %sub3A_5053 = arith.subf %mul3A_5050, %sub3A_5052 : vector<16xf32>
    %neg3A = arith.constant 0.000000e+00 : f32
    %neg3A_5054 = vector.broadcast %neg3A : f32 to vector<16xf32>
    %neg3A_5055 = arith.subf %neg3A_5054, %mul3A_5050 : vector<16xf32>
    %exp3A_5056 = math.exp %neg3A_5055 : vector<16xf32>
    %mul3A_5057 = arith.mulf %add3A_5040, %exp3A_5056 : vector<16xf32>
    %add3A_5058 = arith.addf %sub3A_5053, %mul3A_5057 : vector<16xf32>
    %sub3A_5059 = arith.constant 1.000000e+00 : f32
    %sub3A_5060 = vector.broadcast %sub3A_5059 : f32 to vector<16xf32>
    %sub3A_5061 = arith.subf %add3A_5058, %sub3A_5060 : vector<16xf32>
    %neg3A_5062 = arith.constant 0.000000e+00 : f32
    %neg3A_5063 = vector.broadcast %neg3A_5062 : f32 to vector<16xf32>
    %neg3A_5064 = arith.subf %neg3A_5063, %add3A_5058 : vector<16xf32>
    %exp3A_5065 = math.exp %neg3A_5064 : vector<16xf32>
    %mul3A_5066 = arith.mulf %add3A_5040, %exp3A_5065 : vector<16xf32>
    %add3A_5067 = arith.addf %sub3A_5061, %mul3A_5066 : vector<16xf32>
    %add3A_5068 = arith.addf %max3A_5030, %add3A_5067 : vector<16xf32>
    %sub3A_5069 = arith.subf %add3A_4928, %add3A_5068 : vector<16xf32>
    %mul3A_5070 = arith.constant 4 : i32
    %mul3A_5071 = vector.broadcast %mul3A_5070 : i32 to vector<16xi32>
    %mul3A_5072 = arith.muli %mul3A_5071, %select_n3A_41 : vector<16xi32>
    %add3A_5073 = arith.constant 0 : i32
    %add3A_5074 = vector.broadcast %add3A_5073 : i32 to vector<16xi32>
    %add3A_5075 = arith.addi %mul3A_5072, %add3A_5074 : vector<16xi32>
    %lt3A_5076 = arith.constant 0 : i32
    %lt3A_5077 = vector.broadcast %lt3A_5076 : i32 to vector<16xi32>
    %lt3A_5078 = arith.cmpi slt, %add3A_5075, %lt3A_5077 : vector<16xi32>
    %add3A_5079 = arith.constant 16 : i32
    %add3A_5080 = vector.broadcast %add3A_5079 : i32 to vector<16xi32>
    %add3A_5081 = arith.addi %add3A_5075, %add3A_5080 : vector<16xi32>
    %select_n3A_5082 = arith.select %lt3A_5078, %add3A_5081, %add3A_5075 : vector<16xi1>, vector<16xi32>
    %broadcast_in_dim3A_5083 = vector.shape_cast %select_n3A_5082 : vector<16xi32> to vector<16x1xi32>
    %gather3A_5084 = vector.shape_cast %broadcast_in_dim3A_5083 : vector<16x1xi32> to vector<16xi32>
    %gather3A_5085 = tpu.dynamic_gather %add3A_4990[%gather3A_5084] in [0] : vector<16xf32>, vector<16xi32> -> vector<16xf32>
    %mul3A_5086 = arith.constant 4 : i32
    %mul3A_5087 = vector.broadcast %mul3A_5086 : i32 to vector<16xi32>
    %mul3A_5088 = arith.muli %mul3A_5087, %select_n3A_41 : vector<16xi32>
    %add3A_5089 = arith.constant 1 : i32
    %add3A_5090 = vector.broadcast %add3A_5089 : i32 to vector<16xi32>
    %add3A_5091 = arith.addi %mul3A_5088, %add3A_5090 : vector<16xi32>
    %lt3A_5092 = arith.constant 0 : i32
    %lt3A_5093 = vector.broadcast %lt3A_5092 : i32 to vector<16xi32>
    %lt3A_5094 = arith.cmpi slt, %add3A_5091, %lt3A_5093 : vector<16xi32>
    %add3A_5095 = arith.constant 16 : i32
    %add3A_5096 = vector.broadcast %add3A_5095 : i32 to vector<16xi32>
    %add3A_5097 = arith.addi %add3A_5091, %add3A_5096 : vector<16xi32>
    %select_n3A_5098 = arith.select %lt3A_5094, %add3A_5097, %add3A_5091 : vector<16xi1>, vector<16xi32>
    %broadcast_in_dim3A_5099 = vector.shape_cast %select_n3A_5098 : vector<16xi32> to vector<16x1xi32>
    %gather3A_5100 = vector.shape_cast %broadcast_in_dim3A_5099 : vector<16x1xi32> to vector<16xi32>
    %gather3A_5101 = tpu.dynamic_gather %add3A_4990[%gather3A_5100] in [0] : vector<16xf32>, vector<16xi32> -> vector<16xf32>
    %mul3A_5102 = arith.constant 4 : i32
    %mul3A_5103 = vector.broadcast %mul3A_5102 : i32 to vector<16xi32>
    %mul3A_5104 = arith.muli %mul3A_5103, %select_n3A_41 : vector<16xi32>
    %add3A_5105 = arith.constant 2 : i32
    %add3A_5106 = vector.broadcast %add3A_5105 : i32 to vector<16xi32>
    %add3A_5107 = arith.addi %mul3A_5104, %add3A_5106 : vector<16xi32>
    %lt3A_5108 = arith.constant 0 : i32
    %lt3A_5109 = vector.broadcast %lt3A_5108 : i32 to vector<16xi32>
    %lt3A_5110 = arith.cmpi slt, %add3A_5107, %lt3A_5109 : vector<16xi32>
    %add3A_5111 = arith.constant 16 : i32
    %add3A_5112 = vector.broadcast %add3A_5111 : i32 to vector<16xi32>
    %add3A_5113 = arith.addi %add3A_5107, %add3A_5112 : vector<16xi32>
    %select_n3A_5114 = arith.select %lt3A_5110, %add3A_5113, %add3A_5107 : vector<16xi1>, vector<16xi32>
    %broadcast_in_dim3A_5115 = vector.shape_cast %select_n3A_5114 : vector<16xi32> to vector<16x1xi32>
    %gather3A_5116 = vector.shape_cast %broadcast_in_dim3A_5115 : vector<16x1xi32> to vector<16xi32>
    %gather3A_5117 = tpu.dynamic_gather %add3A_4990[%gather3A_5116] in [0] : vector<16xf32>, vector<16xi32> -> vector<16xf32>
    %mul3A_5118 = arith.constant 4 : i32
    %mul3A_5119 = vector.broadcast %mul3A_5118 : i32 to vector<16xi32>
    %mul3A_5120 = arith.muli %mul3A_5119, %select_n3A_41 : vector<16xi32>
    %add3A_5121 = arith.constant 3 : i32
    %add3A_5122 = vector.broadcast %add3A_5121 : i32 to vector<16xi32>
    %add3A_5123 = arith.addi %mul3A_5120, %add3A_5122 : vector<16xi32>
    %lt3A_5124 = arith.constant 0 : i32
    %lt3A_5125 = vector.broadcast %lt3A_5124 : i32 to vector<16xi32>
    %lt3A_5126 = arith.cmpi slt, %add3A_5123, %lt3A_5125 : vector<16xi32>
    %add3A_5127 = arith.constant 16 : i32
    %add3A_5128 = vector.broadcast %add3A_5127 : i32 to vector<16xi32>
    %add3A_5129 = arith.addi %add3A_5123, %add3A_5128 : vector<16xi32>
    %select_n3A_5130 = arith.select %lt3A_5126, %add3A_5129, %add3A_5123 : vector<16xi1>, vector<16xi32>
    %broadcast_in_dim3A_5131 = vector.shape_cast %select_n3A_5130 : vector<16xi32> to vector<16x1xi32>
    %gather3A_5132 = vector.shape_cast %broadcast_in_dim3A_5131 : vector<16x1xi32> to vector<16xi32>
    %gather3A_5133 = tpu.dynamic_gather %add3A_4990[%gather3A_5132] in [0] : vector<16xf32>, vector<16xi32> -> vector<16xf32>
    %max3A_5134 = arith.maximumf %gather3A_5085, %gather3A_5101 : vector<16xf32>
    %max3A_5135 = arith.maximumf %gather3A_5117, %gather3A_5133 : vector<16xf32>
    %max3A_5136 = arith.maximumf %max3A_5134, %max3A_5135 : vector<16xf32>
    %sub3A_5137 = arith.subf %gather3A_5085, %max3A_5136 : vector<16xf32>
    %exp3A_5138 = math.exp %sub3A_5137 : vector<16xf32>
    %add3A_5139 = arith.constant 0.000000e+00 : f32
    %add3A_5140 = vector.broadcast %add3A_5139 : f32 to vector<16xf32>
    %add3A_5141 = arith.addf %add3A_5140, %exp3A_5138 : vector<16xf32>
    %sub3A_5142 = arith.subf %gather3A_5101, %max3A_5136 : vector<16xf32>
    %exp3A_5143 = math.exp %sub3A_5142 : vector<16xf32>
    %add3A_5144 = arith.addf %add3A_5141, %exp3A_5143 : vector<16xf32>
    %sub3A_5145 = arith.subf %gather3A_5117, %max3A_5136 : vector<16xf32>
    %exp3A_5146 = math.exp %sub3A_5145 : vector<16xf32>
    %add3A_5147 = arith.addf %add3A_5144, %exp3A_5146 : vector<16xf32>
    %sub3A_5148 = arith.subf %gather3A_5133, %max3A_5136 : vector<16xf32>
    %exp3A_5149 = math.exp %sub3A_5148 : vector<16xf32>
    %add3A_5150 = arith.addf %add3A_5147, %exp3A_5149 : vector<16xf32>
    %bitcast_convert_type3A_5151 = tpu.bitcast %add3A_5150 : vector<16xf32> -> vector<16xi32>
    %convert_element_type3A_5152 = arith.sitofp %bitcast_convert_type3A_5151 : vector<16xi32> to vector<16xf32>
    %mul3A_5153 = arith.constant 1.1920929E-7 : f32
    %mul3A_5154 = vector.broadcast %mul3A_5153 : f32 to vector<16xf32>
    %mul3A_5155 = arith.mulf %convert_element_type3A_5152, %mul3A_5154 : vector<16xf32>
    %sub3A_5156 = arith.constant 1.270000e+02 : f32
    %sub3A_5157 = vector.broadcast %sub3A_5156 : f32 to vector<16xf32>
    %sub3A_5158 = arith.subf %mul3A_5155, %sub3A_5157 : vector<16xf32>
    %mul3A_5159 = arith.constant 0.693147182 : f32
    %mul3A_5160 = vector.broadcast %mul3A_5159 : f32 to vector<16xf32>
    %mul3A_5161 = arith.mulf %sub3A_5158, %mul3A_5160 : vector<16xf32>
    %sub3A_5162 = arith.constant 1.000000e+00 : f32
    %sub3A_5163 = vector.broadcast %sub3A_5162 : f32 to vector<16xf32>
    %sub3A_5164 = arith.subf %mul3A_5161, %sub3A_5163 : vector<16xf32>
    %neg3A_5165 = arith.constant 0.000000e+00 : f32
    %neg3A_5166 = vector.broadcast %neg3A_5165 : f32 to vector<16xf32>
    %neg3A_5167 = arith.subf %neg3A_5166, %mul3A_5161 : vector<16xf32>
    %exp3A_5168 = math.exp %neg3A_5167 : vector<16xf32>
    %mul3A_5169 = arith.mulf %add3A_5150, %exp3A_5168 : vector<16xf32>
    %add3A_5170 = arith.addf %sub3A_5164, %mul3A_5169 : vector<16xf32>
    %sub3A_5171 = arith.constant 1.000000e+00 : f32
    %sub3A_5172 = vector.broadcast %sub3A_5171 : f32 to vector<16xf32>
    %sub3A_5173 = arith.subf %add3A_5170, %sub3A_5172 : vector<16xf32>
    %neg3A_5174 = arith.constant 0.000000e+00 : f32
    %neg3A_5175 = vector.broadcast %neg3A_5174 : f32 to vector<16xf32>
    %neg3A_5176 = arith.subf %neg3A_5175, %add3A_5170 : vector<16xf32>
    %exp3A_5177 = math.exp %neg3A_5176 : vector<16xf32>
    %mul3A_5178 = arith.mulf %add3A_5150, %exp3A_5177 : vector<16xf32>
    %add3A_5179 = arith.addf %sub3A_5173, %mul3A_5178 : vector<16xf32>
    %add3A_5180 = arith.addf %max3A_5136, %add3A_5179 : vector<16xf32>
    %sub3A_5181 = arith.subf %add3A_4990, %add3A_5180 : vector<16xf32>
    %lt3A_5182 = arith.constant 12 : i32
    %lt3A_5183 = vector.broadcast %lt3A_5182 : i32 to vector<16xi32>
    %lt3A_5184 = arith.cmpi slt, %iota3A, %lt3A_5183 : vector<16xi32>
    %sub3A_5185 = arith.constant 12 : i32
    %sub3A_5186 = vector.broadcast %sub3A_5185 : i32 to vector<16xi32>
    %sub3A_5187 = arith.subi %iota3A, %sub3A_5186 : vector<16xi32>
    %max3A_5188 = arith.constant 0 : i32
    %max3A_5189 = vector.broadcast %max3A_5188 : i32 to vector<16xi32>
    %max3A_5190 = arith.maxsi %sub3A_5187, %max3A_5189 : vector<16xi32>
    %lt3A_5191 = arith.constant 0 : i32
    %lt3A_5192 = vector.broadcast %lt3A_5191 : i32 to vector<16xi32>
    %lt3A_5193 = arith.cmpi slt, %max3A_5190, %lt3A_5192 : vector<16xi32>
    %add3A_5194 = arith.constant 16 : i32
    %add3A_5195 = vector.broadcast %add3A_5194 : i32 to vector<16xi32>
    %add3A_5196 = arith.addi %max3A_5190, %add3A_5195 : vector<16xi32>
    %select_n3A_5197 = arith.select %lt3A_5193, %add3A_5196, %max3A_5190 : vector<16xi1>, vector<16xi32>
    %broadcast_in_dim3A_5198 = vector.shape_cast %select_n3A_5197 : vector<16xi32> to vector<16x1xi32>
    %gather3A_5199 = vector.shape_cast %broadcast_in_dim3A_5198 : vector<16x1xi32> to vector<16xi32>
    %gather3A_5200 = tpu.dynamic_gather %sub3A_5181[%gather3A_5199] in [0] : vector<16xf32>, vector<16xi32> -> vector<16xf32>
    %select_n3A_5201 = arith.select %lt3A_5184, %sub3A_5069, %gather3A_5200 : vector<16xi1>, vector<16xf32>
    %add3A_5202 = arith.constant 4 : i32
    %add3A_5203 = vector.broadcast %add3A_5202 : i32 to vector<16xi32>
    %add3A_5204 = arith.addi %iota3A, %add3A_5203 : vector<16xi32>
    %min3A_5205 = arith.constant 15 : i32
    %min3A_5206 = vector.broadcast %min3A_5205 : i32 to vector<16xi32>
    %min3A_5207 = arith.minsi %add3A_5204, %min3A_5206 : vector<16xi32>
    %lt3A_5208 = arith.constant 0 : i32
    %lt3A_5209 = vector.broadcast %lt3A_5208 : i32 to vector<16xi32>
    %lt3A_5210 = arith.cmpi slt, %min3A_5207, %lt3A_5209 : vector<16xi32>
    %add3A_5211 = arith.constant 16 : i32
    %add3A_5212 = vector.broadcast %add3A_5211 : i32 to vector<16xi32>
    %add3A_5213 = arith.addi %min3A_5207, %add3A_5212 : vector<16xi32>
    %select_n3A_5214 = arith.select %lt3A_5210, %add3A_5213, %min3A_5207 : vector<16xi1>, vector<16xi32>
    %broadcast_in_dim3A_5215 = vector.shape_cast %select_n3A_5214 : vector<16xi32> to vector<16x1xi32>
    %gather3A_5216 = vector.shape_cast %broadcast_in_dim3A_5215 : vector<16x1xi32> to vector<16xi32>
    %gather3A_5217 = tpu.dynamic_gather %sub3A_5181[%gather3A_5216] in [0] : vector<16xf32>, vector<16xi32> -> vector<16xf32>
    %swap3A = arith.constant 0 : index
    %swap3A_5218 = tpu.vector_load %arg9[%swap3A] {strides = array<i32>} : memref<32xf32, #tpu.memory_space<vmem>>, vector<16xf32>,
    tpu.vector_store %arg9[%swap3A], %select_n3A_5201 {strides = array<i32>} : memref<32xf32, #tpu.memory_space<vmem>>, vector<16xf32>,
    %swap3A_5219 = arith.constant 16 : index
    %swap3A_5220 = tpu.vector_load %arg9[%swap3A_5219] {strides = array<i32>} : memref<32xf32, #tpu.memory_space<vmem>>, vector<16xf32>,
    tpu.vector_store %arg9[%swap3A_5219], %gather3A_5217 {strides = array<i32>} : memref<32xf32, #tpu.memory_space<vmem>>, vector<16xf32>,
    "tpu.region"() ({
      %run_scoped3A = tpu.sem_alloc : memref<!tpu.dma_semaphore, #tpu.memory_space<semaphore_mem>>
      tpu.enqueue_dma source(%arg9 : memref<32xf32, #tpu.memory_space<vmem>>) target(%arg5 : memref<32xf32, #tpu.memory_space<hbm>>) target_semaphore(%run_scoped3A : memref<!tpu.dma_semaphore, #tpu.memory_space<semaphore_mem>>)
      tpu.wait_dma2 semaphore(%run_scoped3A : memref<!tpu.dma_semaphore, #tpu.memory_space<semaphore_mem>>) src(%arg9 : memref<32xf32, #tpu.memory_space<vmem>>) dst(%arg5 : memref<32xf32, #tpu.memory_space<hbm>>)
      tpu.yield
    }) : () -> ()
    return
  }
}

</mosaic_0001>

<sc_bundles>
// kernel: kernel.3.cloned.1.call-start
scs
__scs_entry_jumppad:
0x0: {  	(pc) =	sbr.rel $0x88, $3  }
0x1: {  	(tag) =	ssettag $0x0;
	lr =	simm.s32 $0x1  }
0x2: {  	[smem:$0x3F9E] =	sst lr;
	_ =	strace $0xD0000000  }
0x3: {  	_ = 	snop  }
0x4: {  	_ = 	snop  }
0x5: {  	_ = 	snop  }
0x6: {  	_ = 	snop  }
0x7: {  	_ = 	snop  }
__scs_overlays_trampoline_lowered:
0x8: {  	[smem:$0x3FAD] =	sst s0  }
0x9: {  	[smem:$0x3FAE] =	sst s1  }
0xa: {  	[smem:$0x3FAF] =	sst s2  }
0xb: {  	[smem:$0x3FB0] =	sst s3  }
0xc: {  	[smem:$0x3FB1] =	sst s4  }
0xd: {  	[smem:$0x3FB2] =	sst s5  }
0xe: {  	[smem:$0x3FB3] =	sst s6  }
0xf: {  	[smem:$0x3FB4] =	sst s7  }
0x10: {  	[smem:$0x3FB5] =	sst s8  }
0x11: {  	[smem:$0x3FB6] =	sst s9;
	s0 =	simm.s32 @!p0 $0x0  }
0x12: {  	s1 =	sld [smem:$0x3F9C];
	s0 =	simm.s32 @p0 $0x1  }
0x13: {  	[smem:$0x3FB7] =	sst s0;
	s0 =	simm.s32 @!p1 $0x0  }
0x14: {  	s2 =	sld [smem:$0x3F9B];
	s0 =	simm.s32 @p1 $0x1  }
0x15: {  	[smem:$0x3FB8] =	sst s0;
	s0 =	simm.s32 @!p2 $0x0  }
0x16: {  	s3 =	sld [smem:$0x3FDB];
	s0 =	simm.s32 @p2 $0x1  }
0x17: {  	s4 =	simm.s32 $0x1BF5;
	[smem:$0x3FBA] =	sst s0  }
0x18: {  	s0 =	sld [smem:$0x3F9D];
	_ =	swait.ge [sflag:s4], $0x0  }
0x19: {  	s7 =	sld [smem:$0x3F9E]  }
0x1a: {  	s8 =	sadd.s32 $0xFFFFE003, lr  }
0x1b: {  	s9 =	sadd.s32 $0xFFFFFEF7, lr;
	s5 =	simm.s32 $0xFFFFFFFF;
	p2 =	slt.u32 s8, $0xFFFFF086  }
0x1c: {  	p1 =	slt.u32 s9, $0xF7A;
	s5 =	simm.s32 @!p2 $0x0  }
0x1d: {  	s5 =	simm.s32 @p1 $0x1;
	p0 =	seq.s32 s7, s2  }
0x1e: {  	s7 =	smul.u32 @!p0 $0xF7A, s2;
	p2 =	seq.s32 @!p0 s5, $0x0  }
0x1f: {  	s9 =	smul.u32 $0xF7A, s1;
	s8 =	simm.s32 @!p0 $0x1BF5;
	p2 =	por !p2, p0  }
0x20: {  	[sflag:s8] =	ssyncset.s32 @!p0 $0xFFFFF086;
	s6 =	sadd.s32 @!p0 s3, s7;
	s7 =	simm.s32 @!p0 $0x108  }
0x21: {  	s3 =	sadd.s32 s3, s9;
	s6 =	sadd.s32 @!p0 $0x88, s6;
	s7 =	simm.s32 @p2 $0x1082  }
0x22: {  	[simem:s7], [sflag:s8] =	dma.local @!p0 [hbm:s6], $0xF7A  }
0x23: {  	s9 =	sor.u32 $0xD0000000, s2;
	s6 =	simm.s32 $0x108;
	_ =	swait.ge @!p0 [sflag:s8], $0x0  }
0x24: {  	s3 =	sadd.s32 $0x88, s3;
	s6 =	simm.s32 @!p1 $0x1082;
	[sflag:s4] =	ssyncset.s32 $0xFFFFF086  }
0x25: {  	[simem:s6], [sflag:s4] =	dma.local [hbm:s3], $0xF7A  }
0x26: {  	[smem:$0x3F9E] =	sst s1;
	(tag) =	ssettag s2;
	_ =	strace s9  }
0x27: {  	s1 =	sld [smem:$0x3FAE]  }
0x28: {  	s2 =	sld [smem:$0x3FAF]  }
0x29: {  	s4 =	sld [smem:$0x3FB1]  }
0x2a: {  	p0 =	seq.s32 s5, $0x0;
	s5 =	sld [smem:$0x3FB2]  }
0x2b: {  	s6 =	sld [smem:$0x3FB3]  }
0x2c: {  	s7 =	sld [smem:$0x3FB4]  }
0x2d: {  	s3 =	simm.s32 $0x108;
	s8 =	sld [smem:$0x3FB5]  }
0x2e: {  	s3 =	simm.s32 @!p0 $0x1082;
	s9 =	sld [smem:$0x3FB6]  }
0x2f: {  	lr =	sadd.s32 s0, s3;
	s0 =	sld [smem:$0x3FAD]  }
0x30: {  	s3 =	sld [smem:$0x3FB0]  }
0x31: {  	[smem:$0x3FB9] =	sst s10  }
0x32: {  	s10 =	sld [smem:$0x3FB7];
	_ =	sdelay $0x3  }
0x33: {  	p0 =	seq.s32 s10, $0x1;
	s10 =	sld [smem:$0x3FB9];
	_ =	sdelay $0x3  }
0x34: {  	[smem:$0x3FB9] =	sst s10  }
0x35: {  	s10 =	sld [smem:$0x3FB8];
	_ =	sdelay $0x3  }
0x36: {  	p1 =	seq.s32 s10, $0x1;
	s10 =	sld [smem:$0x3FB9];
	_ =	sdelay $0x3  }
0x37: {  	[smem:$0x3FB9] =	sst s10  }
0x38: {  	s10 =	sld [smem:$0x3FBA]  }
0x39: {  	_ = 	snop;
	(pc) =	sbr.ind lr, $3  }
0x3a: {  	_ = 	snop  }
0x3b: {  	_ = 	snop  }
0x3c: {  	p2 =	seq.s32 s10, $0x1;
	s10 =	sld [smem:$0x3FB9]  }
0x3d: {  	_ =	shalt  }
0x3e: {  	_ =	shalt  }
0x3f: {  	_ =	shalt  }
0x40: {  	_ =	shalt  }
0x41: {  	_ =	shalt  }
0x42: {  	_ =	shalt  }
0x43: {  	_ =	shalt  }
0x44: {  	_ =	shalt  }
0x45: {  	_ =	shalt  }
0x46: {  	_ =	shalt  }
0x47: {  	_ =	shalt  }
0x48: {  	_ =	shalt  }
0x49: {  	_ =	shalt  }
0x4a: {  	_ =	shalt  }
0x4b: {  	_ =	shalt  }
0x4c: {  	_ =	shalt  }
0x4d: {  	_ =	shalt  }
0x4e: {  	_ =	shalt  }
0x4f: {  	_ =	shalt  }
0x50: {  	_ =	shalt  }
0x51: {  	_ =	shalt  }
0x52: {  	_ =	shalt  }
0x53: {  	_ =	shalt  }
0x54: {  	_ =	shalt  }
0x55: {  	_ =	shalt  }
0x56: {  	_ =	shalt  }
0x57: {  	_ =	shalt  }
0x58: {  	_ =	shalt  }
0x59: {  	_ =	shalt  }
0x5a: {  	_ =	shalt  }
0x5b: {  	_ =	shalt  }
0x5c: {  	_ =	shalt  }
0x5d: {  	_ =	shalt  }
0x5e: {  	_ =	shalt  }
0x5f: {  	_ =	shalt  }
0x60: {  	_ =	shalt  }
0x61: {  	_ =	shalt  }
0x62: {  	_ =	shalt  }
0x63: {  	_ =	shalt  }
0x64: {  	_ =	shalt  }
0x65: {  	_ =	shalt  }
0x66: {  	_ =	shalt  }
0x67: {  	_ =	shalt  }
0x68: {  	_ =	shalt  }
0x69: {  	_ =	shalt  }
0x6a: {  	_ =	shalt  }
0x6b: {  	_ =	shalt  }
0x6c: {  	_ =	shalt  }
0x6d: {  	_ =	shalt  }
0x6e: {  	_ =	shalt  }
0x6f: {  	_ =	shalt  }
0x70: {  	_ =	shalt  }
0x71: {  	_ =	shalt  }
0x72: {  	_ =	shalt  }
0x73: {  	_ =	shalt  }
0x74: {  	_ =	shalt  }
0x75: {  	_ =	shalt  }
0x76: {  	_ =	shalt  }
0x77: {  	_ =	shalt  }
0x78: {  	_ =	shalt  }
0x79: {  	_ =	shalt  }
0x7a: {  	_ =	shalt  }
0x7b: {  	_ =	shalt  }
0x7c: {  	_ =	shalt  }
0x7d: {  	_ =	shalt  }
0x7e: {  	_ =	shalt  }
0x7f: {  	_ =	shalt  }
0x80: {  	_ =	shalt  }
0x81: {  	_ =	shalt  }
0x82: {  	_ =	shalt  }
0x83: {  	_ =	shalt  }
0x84: {  	_ =	shalt  }
0x85: {  	_ =	shalt  }
0x86: {  	_ =	shalt  }
0x87: {  	_ =	shalt  }
.Lfunc_end0:
.L_simem_size_0:
called_computation_lowered:
.L_overlay_start_0:
0x88: {  	s0 =	sld [smem:$0x3FD9]  }
0x89: {  	s1 =	sld [smem:$0x3FFE];
	_ =	sdelay $0x3  }
0x8a: {  	s0 =	sadd.s32 s1, s0  }
0x8b: {  	[smem:$0x3FC5] =	sst s0  }
0x8c: {  	_ = 	snop  }
0x8d: {  	s0 =	sld [smem:$0x3FD0];
	(tm) =	ssettm $0x1  }
0x8e: {  	s16 =	sld [smem:$0x3FFB];
	_ =	sdelay $0x3  }
0x8f: {  	_ =	strace s16  }
0x90: {  	s1 =	sld [smem:$0x3FFC];
	_ =	sdelay $0x3  }
0x91: {  	_ =	strace s1  }
0x92: {  	s1 =	sld [smem:$0x3FFD];
	_ =	sdelay $0x3  }
0x93: {  	_ =	strace s1  }
0x94: {  	_ =	strace $0x8FFFFFFF  }
0x95: {  	s17 =	sld [smem:$0x3FDB];
	_ =	sdelay $0x1  }
0x96: {  	s2 =	simm.s32 $_scs_section_size  }
0x97: {  	s3 =	simm.s32 $_size__tile_overlayer_lowered;
	s4 =	simm.s32 $_tile_overlayer_lowered  }
0x98: {  	s20 =	simm.s32 $0x1BFF;
	s19 =	sshll.u32 s4, $0x1;
	s1 =	sadd.s32 s2, s17  }
0x99: {  	s5 =	simm.s32 $0x0;
	s18 =	sshll.u32 s3, $0x1;
	s3 =	sadd.s32 s19, s1  }
0x9a: {  	[timem:s5], [sflag:s20] =	dma.local [hbm:s3], s18  }
0x9b: {  	_ =	swait.ge [sflag:s20], s18  }
0x9c: {  	s2 =	ssub.s32 $0x0, s18;
	[sflag:s20] =	ssyncset.done $0x0  }
0x9d: {  	[sflag:s20] =	ssyncadd.s32 s2;
	_ =	sdelay $0x1  }
0x9e: {  	s21 =	simm.s32 $0x1B8B  }
0x9f: {  	_ =	swait.ge [sflag:s21], $0x1  }
0xa0: {  	[sflag:s21] =	ssyncset.done $0x0  }
0xa1: {  	s23 =	simm.s32 $0x1B8E;
	s22 =	sld [smem:$0x3FFE];
	[sflag:s21] =	ssyncadd.s32 $0xFFFFFFFF  }
0xa2: {  	s24 =	simm.s32 $execute0_lowered;
	[smem:$0x3FD2] =	sst s23  }
0xa3: {  	s3 =	sshll.u32 s24, $0x1;
	_ =	strace $0x80000046;
	[dreg:$0x1] =	wrdreg $0xFFFFFFFF  }
0xa4: {  	s25 =	simm.s32 $_size_execute0_lowered;
	s1 =	sadd.s32 s1, s3;
	[dreg:$0x0] =	wrdreg $0x0  }
0xa5: {  	s3 =	sshll.u32 s25, $0x1;
	[dreg:$0x2] =	wrdreg s1  }
0xa6: {  	[dreg:$0x3] =	wrdreg s3  }
0xa7: {  	[dreg:$0x4] =	wrdreg $0xC0  }
0xa8: {  	_ =	task [dreg:s5], $0x5FFFF  }
0xa9: {  	[dreg:$0x1] =	wrdreg $0xFFFFFFFF  }
0xaa: {  	[dreg:$0x0] =	wrdreg $0x60  }
0xab: {  	[dreg:$0x2] =	wrdreg s22  }
0xac: {  	[dreg:$0x3] =	wrdreg s0  }
0xad: {  	[dreg:$0x4] =	wrdreg $0x9  }
0xae: {  	_ =	task.clear_ibuf [dreg:s5], $0x5FFFF;
	_ =	strace $0x90000046  }
0xaf: {  	s26 =	simm.s32 $0x9;
	_ =	strace $0x80000048  }
0xb0: {  	_ =	swait.ge [sflag:s26], $0x1  }
0xb1: {  	[sflag:s26] =	ssyncadd.s32 $0xFFFFFFFF  }
0xb2: {  	_ =	strace $0x90000048  }
0xb3: {  	_ =	sfence  }
0xb4: {  	s28 =	sld [smem:$0x0];
	_ =	sdelay $0x1  }
0xb5: {  	s29 =	srdreg.scid  }
0xb6: {  	s30 =	sshll.u32 s29, $0xD;
	s31 =	sshrl.u32 s29, $0x2  }
0xb7: {  	s2 =	sand.u32 $0x4000, s30;
	s1 =	sand.u32 $0x1, s29;
	s0 =	sadd.s32 s31, s28  }
0xb8: {  	s1 =	sor.u32 s2, s1;
	s0 =	sshll.u32 s0, $0x11  }
0xb9: {  	s0 =	sor.u32 s0, s1  }
0xba: {  	s0 =	sadd.s32 $0x8F2B, s0  }
0xbb: {  	[sflag:s0] =	ssyncadd.remote.s32 $0x1  }
0xbc: {  	_ =	sfence.sel $0xFFFF  }
0xbd: {  	[dreg:$0x0] =	wrdreg $0xFFFFFFFF;
	(pc) =	sbr.abs _section_cstart, $3  }
0xbe: {  	[dreg:$0x1] =	wrdreg $0xFFFFFFFF  }
0xbf: {  	_ =	task.clear_ibuf [dreg:s5], $0x2FFFF;
	_ =	strace $0x9FFFFFFF  }
0xc0: {  	(tm) =	ssettm $0x7FFFFFFF  }
0xc1: {  	_ =	shalt  }
tec
execute0_lowered:
.L_overlay_start_1:
0x0: {  	(tag) =	ssettag $0x1  }
0x1: {  	s2 =	stileid.u32  }
0x2: {  	p0 =	sne.s32 s2, $0x0  }
.Ltmp0:
0x3: {  	_ = 	snop;
	(pc) =	sbr.rel @p0 .LBB2_2-.Ltmp0, $4  }
0x4: {  	_ = 	snop  }
0x5: {  	s1 =	rddreg [dreg:$0x0]  }
0x6: {  	s5 =	rddreg [dreg:$0x1]  }
0x7: {  	s0 =	rddreg [dreg:$0x2];
	_ =	strace $0x80000047  }
0x8: {  	s3 =	sadd.s32 $0x600, s1;
	s2 =	simm.s32 $0x0  }
0x9: {  	[tilespmem:s2], [sflag:$0x1] =	stream.linear.gather [hbm4b:s3+s2], $0x80, $0x38;
	[tilespmem:$0x380] =	vst v63  }
0xa: {  	s4 =	sadd.s32 $0x800, s1;
	s25 =	simm.s32 $0x80  }
0xb: {  	[tilespmem:s25], [sflag:$0x1] =	stream.linear.gather [hbm4b:s4+s2], $0x80, $0x38;
	[tilespmem:$0x380] =	vst v63  }
0xc: {  	s26 =	simm.s32 $0x100;
	s28 =	simm.s32 $0x1  }
0xd: {  	v1 =	vimm.s32 $0x32107654;
	[tilespmem:s26], [sflag:$0x1] =	stream.linear.gather [hbm4b:s5+s2], $0x200, $0x38;
	[tilespmem:$0x380] =	vst v63  }
0xe: {  	v1 =	vunpack.c.l.s4.s8 v1;
	_ =	swait.ge [sflag:s28], $0x80  }
0xf: {  	v0 =	vlaneseq.u32;
	vm1 =	vcmask $0x2F10;
	[sflag:s28] =	ssyncset.done $0x0  }
0x10: {  	v2 =	vimm.s32 $0x27262524;
	v37 =	vimm.s32 $0xB0A0908;
	v1 =	vunpack.c.0.s8.s32 v1;
	[sflag:s28] =	ssyncadd.s32 $0xFFFFFF80  }
0x11: {  	v3 =	vimm.s32 $0x13121110;
	v11 =	vadd.s32 $0x14, v0;
	v5 =	vunpack.c.0.s8.s32 v2;
	_ =	swait.ge [sflag:s28], $0x80  }
0x12: {  	v2 =	vunpack.c.0.s8.s32 v37;
	v6 =	vunpack.c.0.s8.s32 v3;
	v1 =	vand.u32 $0xF, v1;
	[sflag:s28] =	ssyncset.done $0x0  }
0x13: {  	vm0 =	vcmask $0x3F30;
	v38 =	vsel vm1, v1, v5;
	[sflag:s28] =	ssyncadd.s32 $0xFFFFFF80  }
0x14: {  	v1 =	vsel vm1, v1, v6;
	v3 =	vsel vm0, v2, v38;
	_ =	swait.ge [sflag:s28], $0x200  }
0x15: {  	v1 =	vsel vm0, v2, v1;
	[sflag:s28] =	ssyncset.done $0x0  }
0x16: {  	v7 =	vadd.s32 $0xC, v0;
	[sflag:s28] =	ssyncadd.s32 $0xFFFFFE00  }
0x17: {  	v8 =	vadd.s32 $0x1C, v0;
	v39 =	vld.idx.msk [tilespmem:v11+s2+$0x0], $0xffff  }
0x18: {  	v9 =	vadd.s32 $0x2C, v0;
	v4 =	vld.idx.msk [tilespmem:v0+s2+$0x0], $0xffff  }
0x19: {  	vm9 =	vcmask $0xF00;
	v3 =	vld.idx.msk [tilespmem:v3+s2+$0x0], $0xffff  }
0x1a: {  	v6 =	vnsel vm9, $0x13, v6;
	v1 =	vld.idx.msk [tilespmem:v1+s2+$0x0], $0xffff  }
0x1b: {  	v40 =	vld.idx.msk [tilespmem:v7+s2+$0x0], $0xffff  }
0x1c: {  	v41 =	vld.idx.msk [tilespmem:v8+s2+$0x0], $0xffff  }
0x1d: {  	v16 =	vimm.s32 $0x4;
	v15 =	vimm.s32 $0x5;
	v42 =	vld.idx.msk [tilespmem:v9+s2+$0x0], $0xffff  }
0x1e: {  	v14 =	vimm.s32 $0x6;
	v13 =	vimm.s32 $0x7;
	v12 =	vimm.s32 $0x8;
	v31 =	vld.idx.msk [tilespmem:v0+s26+$0x0], $0xffff  }
0x1f: {  	vm2 =	vcmask $0x300;
	vm3 =	vcmask $0x704;
	vm4 =	vcmask $0xB08;
	v32 =	vld.idx.msk [tilespmem:v6+s26+$0x0], $0xffff  }
0x20: {  	vm10 =	vcmask $0x1F10;
	vm11 =	vcmask $0x3F20;
	vm12 =	vmmov $0xf;
	v11 =	vld.idx.msk [tilespmem:v11+s26+$0x0], $0xffff  }
0x21: {  	v59 =	vadd.s32 $0x28, v0;
	v33 =	vnsel vm9, $0x27, v5;
	v5 =	vimm.s32 $0xE  }
0x22: {  	v9 =	vimm.s32 $0x9;
	v2 =	vadd.f32 v4, v39;
	v1 =	vadd.f32 v1, v3  }
0x23: {  	v6 =	vimm.s32 $0xD;
	v4 =	vadd.f32 v40, v40;
	v7 =	vadd.f32 v41, v41  }
0x24: {  	v3 =	vadd.f32 v42, v42;
	v55 =	vshrl.u32 v31, $0x10;
	v35 =	vshrl.u32 v32, $0x10  }
0x25: {  	v41 =	vshrl.u32 v11, $0x10;
	v42 =	vimm.s32 $0x3B3A3938;
	v34 =	vand.u32 $0x1, v55  }
0x26: {  	v35 =	vand.u32 $0x1, v35;
	v41 =	vand.u32 $0x1, v41;
	v2 =	vmul.f32 $5.000000000e-01, v2  }
0x27: {  	v42 =	vunpack.c.0.s8.s32 v42;
	v1 =	vmul.f32 $5.000000000e-01, v1;
	v4 =	vmul.f32 $5.000000000e-01, v4  }
0x28: {  	v45 =	vmul.f32 $5.000000000e-01, v7;
	v3 =	vmul.f32 $5.000000000e-01, v3;
	v7 =	vimm.s32 $0xC  }
0x29: {  	v31 =	vadd.s32 v34, v31;
	v32 =	vadd.s32 v35, v32;
	v11 =	vadd.s32 v41, v11  }
0x2a: {  	v33 =	vld.idx.msk [tilespmem:v33+s26+$0x0], $0xffff;
	v31 =	vadd.s32 $0x7FFF, v31;
	v32 =	vadd.s32 $0x7FFF, v32;
	v11 =	vadd.s32 $0x7FFF, v11  }
0x2b: {  	v60 =	vnsel vm9, $0x3B, v42;
	v43 =	vshrl.u32 v2, $0x10;
	v44 =	vshrl.u32 v1, $0x10  }
0x2c: {  	v46 =	vshrl.u32 v4, $0x10;
	v48 =	vshrl.u32 v45, $0x10;
	v50 =	vshrl.u32 v3, $0x10  }
0x2d: {  	v31 =	vand.u32 $0xFFFF0000, v31;
	v32 =	vand.u32 $0xFFFF0000, v32;
	v11 =	vand.u32 $0xFFFF0000, v11  }
0x2e: {  	v8 =	vand.u32 $0x1, v43;
	v47 =	vand.u32 $0x1, v46;
	v49 =	vand.u32 $0x1, v48  }
0x2f: {  	v51 =	vand.u32 $0x1, v50;
	v43 =	vshrl.u32 v33, $0x10;
	v46 =	vimm.s32 $0x63626160  }
0x30: {  	v2 =	vadd.s32 v8, v2;
	v8 =	vand.u32 $0x1, v44;
	v53 =	vadd.s32 v51, v3  }
0x31: {  	v3 =	vimm.s32 $0x1;
	v58 =	vand.u32 $0x1, v43;
	v2 =	vadd.s32 $0x7FFF, v2  }
0x32: {  	v1 =	vadd.s32 v8, v1;
	v54 =	vadd.s32 $0x7FFF, v53;
	v33 =	vadd.s32 v58, v33  }
0x33: {  	v21 =	vand.u32 $0xFFFF0000, v2;
	v1 =	vadd.s32 $0x7FFF, v1;
	v2 =	vadd.s32 v49, v45  }
0x34: {  	v33 =	vadd.s32 $0x7FFF, v33;
	v20 =	vand.u32 $0xFFFF0000, v1;
	v1 =	vadd.s32 v47, v4  }
0x35: {  	v52 =	vadd.s32 $0x7FFF, v2;
	v29 =	vperm.xlane v21, v3;
	v27 =	vperm.xlane v21, v16  }
0x36: {  	v4 =	vimm.s32 $0x0;
	v26 =	vperm.xlane v21, v15;
	v25 =	vperm.xlane v21, v14  }
0x37: {  	v2 =	vimm.s32 $0x2;
	v24 =	vperm.xlane v21, v13;
	v23 =	vperm.xlane v21, v12  }
0x38: {  	v22 =	vperm.xlane v21, v9;
	v33 =	vand.u32 $0xFFFF0000, v33;
	v28 =	vperm.xlane v21, v4  }
0x39: {  	v1 =	vadd.s32 $0x7FFF, v1;
	v30 =	vperm.xlane v21, v2;
	v56 =	vperm.xlane v20, v16  }
0x3a: {  	v18 =	vand.u32 $0xFFFF0000, v52;
	v36 =	vperm.xlane v20, v15;
	v37 =	vperm.xlane v20, v14  }
0x3b: {  	v19 =	vand.u32 $0xFFFF0000, v1;
	v40 =	vperm.xlane v18, v7;
	v44 =	vmul.f32 v11, v29  }
0x3c: {  	v43 =	vld.idx.msk [tilespmem:v59+s26+$0x0], $0xffff;
	v1 =	vimm.s32 $0x3;
	v29 =	vmul.f32 v33, v29;
	v48 =	vperm.xlane v18, v6  }
0x3d: {  	v8 =	vimm.s32 $0xA;
	v41 =	vld.idx.msk [tilespmem:v60+s26+$0x0], $0xffff;
	v45 =	vperm.xlane v18, v5;
	v10 =	vperm.xlane v21, v1  }
0x3e: {  	v53 =	vadd.s32 $0x3C, v0;
	v57 =	vmul.f32 v31, v28;
	v38 =	vperm.xlane v19, v12  }
0x3f: {  	v17 =	vand.u32 $0xFFFF0000, v54;
	v39 =	vperm.xlane v19, v9;
	v28 =	vmul.f32 v32, v28  }
0x40: {  	v52 =	vimm.s32 $0x4F4E4D4C;
	v61 =	vmul.f32 v31, v56;
	v34 =	vmul.f32 v32, v56  }
0x41: {  	v50 =	vshrl.u32 v43, $0x10;
	v63 =	vmul.f32 v11, v36;
	v36 =	vmul.f32 v33, v36  }
0x42: {  	v54 =	vperm.xlane v19, v8;
	v51 =	vshrl.u32 v41, $0x10;
	v35 =	vadd.f32 $0.0e+00, v57  }
0x43: {  	v28 =	vadd.f32 $0.0e+00, v28;
	v62 =	vmul.f32 v31, v38;
	v38 =	vmul.f32 v32, v38  }
0x44: {  	v42 =	vadd.f32 $0.0e+00, v61;
	v47 =	vmul.f32 v11, v39;
	v39 =	vmul.f32 v33, v39  }
0x45: {  	v34 =	vadd.f32 $0.0e+00, v34;
	v31 =	vmul.f32 v31, v40;
	v32 =	vmul.f32 v32, v40  }
0x46: {  	v11 =	vmul.f32 v11, v48;
	v35 =	vadd.f32 v44, v35;
	v28 =	vadd.f32 v29, v28  }
0x47: {  	v33 =	vmul.f32 v33, v48;
	v44 =	vadd.f32 $0.0e+00, v62;
	v38 =	vadd.f32 $0.0e+00, v38  }
0x48: {  	v59 =	vld.idx.msk [tilespmem:v53+s26+$0x0], $0xffff;
	v29 =	vadd.f32 v63, v42;
	v34 =	vadd.f32 v36, v34;
	v42 =	vand.u32 $0x1, v51  }
0x49: {  	v31 =	vadd.f32 $0.0e+00, v31;
	v32 =	vadd.f32 $0.0e+00, v32;
	v51 =	vperm.xlane v20, v13  }
0x4a: {  	v41 =	vadd.s32 v42, v41;
	v49 =	vadd.f32 v47, v44;
	v38 =	vadd.f32 v39, v38  }
0x4b: {  	v39 =	vand.u32 $0x1, v50;
	v44 =	vunpack.c.0.s8.s32 v52;
	v56 =	vadd.s32 $0x7FFF, v41  }
0x4c: {  	v31 =	vadd.f32 v11, v31;
	v32 =	vadd.f32 v33, v32;
	v39 =	vadd.s32 v39, v43  }
0x4d: {  	v11 =	vimm.s32 $0xB;
	v47 =	vshrl.u32 v59, $0x10;
	v39 =	vadd.s32 $0x7FFF, v39  }
0x4e: {  	v44 =	vnsel vm9, $0x4F, v44;
	v55 =	vand.u32 $0xFFFF0000, v39;
	v39 =	vand.u32 $0xFFFF0000, v56  }
0x4f: {  	v40 =	vand.u32 $0x1, v47;
	v58 =	vmul.f32 v55, v37;
	v37 =	vmul.f32 v39, v37  }
0x50: {  	v52 =	vperm.xlane v19, v11;
	v40 =	vadd.s32 v40, v59;
	v60 =	vmul.f32 v55, v54  }
0x51: {  	v57 =	vmul.f32 v55, v30;
	v30 =	vmul.f32 v39, v30;
	v61 =	vadd.f32 v37, v34  }
0x52: {  	v62 =	vadd.f32 v60, v49;
	v37 =	vunpack.c.0.s8.s32 v46;
	v49 =	vor.u32 $0x50, v0  }
0x53: {  	v40 =	vadd.s32 $0x7FFF, v40;
	v63 =	vmul.f32 v39, v54;
	v36 =	vmul.f32 v55, v45;
	v44 =	vld.idx.msk [tilespmem:v44+s26+$0x0], $0xffff  }
0x54: {  	v39 =	vmul.f32 v39, v45;
	v40 =	vand.u32 $0xFFFF0000, v40;
	v37 =	vnsel vm9, $0x63, v37  }
0x55: {  	v45 =	vperm.xlane v17, v12;
	v35 =	vadd.f32 v57, v35;
	v28 =	vadd.f32 v30, v28  }
0x56: {  	v54 =	vmul.f32 v40, v10;
	v29 =	vadd.f32 v58, v29;
	v34 =	vadd.f32 v63, v38  }
0x57: {  	v56 =	vmul.f32 v40, v51;
	v31 =	vadd.f32 v36, v31;
	v32 =	vadd.f32 v39, v32;
	v55 =	vld.idx.msk [tilespmem:v49+s26+$0x0], $0xffff  }
0x58: {  	v58 =	vmul.f32 v40, v52;
	v63 =	vadd.s32 $0x64, v0;
	v48 =	vshrl.u32 v44, $0x10  }
0x59: {  	v30 =	vperm.xlane v21, v8;
	v35 =	vadd.f32 v54, v35;
	v50 =	vand.u32 $0x1, v48;
	v37 =	vld.idx.msk [tilespmem:v37+s26+$0x0], $0xffff  }
0x5a: {  	v29 =	vadd.f32 v56, v29;
	v48 =	vimm.s32 $0x77767574;
	v41 =	vadd.s32 v50, v44  }
0x5b: {  	v33 =	vadd.f32 v58, v62;
	v43 =	vunpack.c.0.s8.s32 v48;
	v41 =	vadd.s32 $0x7FFF, v41  }
0x5c: {  	v48 =	vadd.s32 $0x78, v0;
	v53 =	vand.u32 $0xFFFF0000, v41;
	v62 =	vshrl.u32 v55, $0x10  }
0x5d: {  	v43 =	vnsel vm9, $0x77, v43;
	v10 =	vmul.f32 v53, v10;
	v57 =	vmul.f32 v53, v51  }
0x5e: {  	v41 =	vand.u32 $0x1, v62;
	v51 =	vperm.xlane v19, v7;
	v49 =	vshrl.u32 v37, $0x10  }
0x5f: {  	v36 =	vadd.s32 v41, v55;
	v28 =	vadd.f32 v10, v28;
	v10 =	vimm.s32 $0xF  }
0x60: {  	v60 =	vadd.f32 v57, v61;
	v61 =	vperm.xlane v20, v12;
	v36 =	vadd.s32 $0x7FFF, v36  }
0x61: {  	v44 =	vand.u32 $0x1, v49;
	v50 =	vperm.xlane v18, v10;
	v36 =	vand.u32 $0xFFFF0000, v36  }
0x62: {  	v59 =	vmul.f32 v53, v52;
	v37 =	vadd.s32 v44, v37;
	v54 =	vmul.f32 v36, v61  }
0x63: {  	v37 =	vadd.s32 $0x7FFF, v37;
	v58 =	vmul.f32 v36, v51;
	v40 =	vmul.f32 v40, v50  }
0x64: {  	v38 =	vmul.f32 v53, v50;
	v37 =	vand.u32 $0xFFFF0000, v37;
	v53 =	vmul.f32 v36, v27  }
0x65: {  	v34 =	vadd.f32 v59, v34;
	v50 =	vperm.xlane v17, v4;
	v27 =	vmul.f32 v37, v27  }
0x66: {  	v55 =	vmul.f32 v37, v61;
	v29 =	vadd.f32 v54, v29;
	v59 =	vmul.f32 v37, v51  }
0x67: {  	v52 =	vld.idx.msk [tilespmem:v63+s26+$0x0], $0xffff;
	v61 =	vimm.s32 $0x8B8A8988;
	v33 =	vadd.f32 v58, v33;
	v51 =	vperm.xlane v20, v9  }
0x68: {  	v56 =	vld.idx.msk [tilespmem:v43+s26+$0x0], $0xffff;
	v58 =	vimm.s32 $0x9F9E9D9C;
	v31 =	vadd.f32 v40, v31;
	v32 =	vadd.f32 v38, v32  }
0x69: {  	v35 =	vadd.f32 v53, v35;
	v44 =	vunpack.c.0.s8.s32 v61;
	v36 =	vmul.f32 v36, v50  }
0x6a: {  	v37 =	vmul.f32 v37, v50;
	v53 =	vperm.xlane v19, v6;
	v61 =	vadd.s32 $0x8C, v0  }
0x6b: {  	v50 =	vperm.xlane v17, v2;
	v28 =	vadd.f32 v27, v28;
	v57 =	vadd.f32 v55, v60  }
0x6c: {  	v60 =	vshrl.u32 v52, $0x10;
	v27 =	vperm.xlane v21, v11;
	v34 =	vadd.f32 v59, v34  }
0x6d: {  	v43 =	vand.u32 $0x1, v60;
	v63 =	vshrl.u32 v56, $0x10;
	v49 =	vand.u32 $0xFF, v44  }
0x6e: {  	v31 =	vadd.f32 v36, v31;
	v60 =	vperm.xlane v17, v3;
	v62 =	vadd.s32 v43, v52  }
0x6f: {  	v41 =	vand.u32 $0x1, v63;
	v43 =	vnsel vm9, $0x8B, v49;
	v39 =	vadd.s32 $0x7FFF, v62  }
0x70: {  	v49 =	vperm.xlane v19, v5;
	v40 =	vadd.s32 v41, v56;
	v39 =	vand.u32 $0xFFFF0000, v39  }
0x71: {  	v42 =	vld.idx.msk [tilespmem:v48+s26+$0x0], $0xffff;
	v56 =	vperm.xlane v20, v8;
	v40 =	vadd.s32 $0x7FFF, v40;
	v52 =	vmul.f32 v39, v26  }
0x72: {  	v40 =	vand.u32 $0xFFFF0000, v40;
	v54 =	vmul.f32 v39, v51;
	v55 =	vmul.f32 v39, v53  }
0x73: {  	v32 =	vadd.f32 v37, v32;
	v39 =	vmul.f32 v39, v60;
	v26 =	vmul.f32 v40, v26  }
0x74: {  	v41 =	vmul.f32 v40, v51;
	v36 =	vmul.f32 v40, v53;
	v35 =	vadd.f32 v52, v35  }
0x75: {  	v40 =	vmul.f32 v40, v60;
	v29 =	vadd.f32 v54, v29;
	v33 =	vadd.f32 v55, v33  }
0x76: {  	v43 =	vld.idx.msk [tilespmem:v43+s26+$0x0], $0xffff;
	v31 =	vadd.f32 v39, v31;
	v38 =	vadd.f32 v41, v57;
	v57 =	vshrl.u32 v42, $0x10  }
0x77: {  	v55 =	vimm.s32 $0xB3B2B1B0;
	v34 =	vadd.f32 v36, v34;
	v36 =	vand.u32 $0x1, v57  }
0x78: {  	v28 =	vadd.f32 v26, v28;
	v41 =	vunpack.c.0.s8.s32 v58;
	v36 =	vadd.s32 v36, v42  }
0x79: {  	v26 =	vperm.xlane v21, v7;
	v32 =	vadd.f32 v40, v32;
	v36 =	vadd.s32 $0x7FFF, v36  }
0x7a: {  	v57 =	vor.u32 $0xA0, v0;
	v41 =	vand.u32 $0xFF, v41;
	v36 =	vand.u32 $0xFFFF0000, v36  }
0x7b: {  	v41 =	vnsel vm9, $0x9F, v41;
	v59 =	vshrl.u32 v43, $0x10;
	v48 =	vmul.f32 v36, v25  }
0x7c: {  	v44 =	vand.u32 $0x1, v59;
	v51 =	vmul.f32 v36, v56;
	v53 =	vmul.f32 v36, v49  }
0x7d: {  	v36 =	vmul.f32 v36, v50;
	v43 =	vadd.s32 v44, v43;
	v44 =	vld.idx.msk [tilespmem:v61+s26+$0x0], $0xffff;
	v61 =	vperm.xlane v20, v11  }
0x7e: {  	v62 =	vadd.s32 $0x7FFF, v43;
	v35 =	vadd.f32 v48, v35;
	v42 =	vadd.f32 v51, v29  }
0x7f: {  	v33 =	vadd.f32 v53, v33;
	v29 =	vperm.xlane v21, v6;
	v63 =	vand.u32 $0xFFFF0000, v62  }
0x80: {  	v31 =	vadd.f32 v36, v31;
	v62 =	vperm.xlane v19, v10;
	v25 =	vmul.f32 v63, v25  }
0x81: {  	v41 =	vld.idx.msk [tilespmem:v41+s26+$0x0], $0xffff;
	v52 =	vmul.f32 v63, v56;
	v54 =	vmul.f32 v63, v49;
	v56 =	vunpack.c.0.s8.s32 v55  }
0x82: {  	v39 =	vmul.f32 v63, v50;
	v55 =	vimm.s32 $0xC7C6C5C4;
	v25 =	vadd.f32 v25, v28  }
0x83: {  	v28 =	vadd.f32 v52, v38;
	v34 =	vadd.f32 v54, v34;
	v58 =	vshrl.u32 v44, $0x10  }
0x84: {  	v37 =	vand.u32 $0xFF, v56;
	v32 =	vadd.f32 v39, v32;
	v59 =	vand.u32 $0x1, v58  }
0x85: {  	v38 =	vld.idx.msk [tilespmem:v57+s26+$0x0], $0xffff;
	v57 =	vadd.s32 $0xB4, v0;
	v37 =	vnsel vm9, $0xB3, v37;
	v40 =	vadd.s32 v59, v44  }
0x86: {  	v58 =	vunpack.c.0.s8.s32 v55;
	v60 =	vshrl.u32 v41, $0x10;
	v40 =	vadd.s32 $0x7FFF, v40  }
0x87: {  	v59 =	vperm.xlane v17, v1;
	v43 =	vand.u32 $0x1, v60;
	v40 =	vand.u32 $0xFFFF0000, v40  }
0x88: {  	v44 =	vperm.xlane v19, v3;
	v41 =	vadd.s32 v43, v41;
	v48 =	vmul.f32 v40, v24  }
0x89: {  	v41 =	vadd.s32 $0x7FFF, v41;
	v49 =	vmul.f32 v40, v61;
	v51 =	vmul.f32 v40, v62  }
0x8a: {  	v53 =	vshrl.u32 v38, $0x10;
	v40 =	vmul.f32 v40, v59;
	v63 =	vand.u32 $0xFFFF0000, v41  }
0x8b: {  	v54 =	vand.u32 $0x1, v53;
	v24 =	vmul.f32 v63, v24;
	v35 =	vadd.f32 v48, v35  }
0x8c: {  	v43 =	vld.idx.msk [tilespmem:v57+s26+$0x0], $0xffff;
	v50 =	vmul.f32 v63, v61;
	v39 =	vadd.f32 v49, v42;
	v52 =	vmul.f32 v63, v62  }
0x8d: {  	v37 =	vld.idx.msk [tilespmem:v37+s26+$0x0], $0xffff;
	v33 =	vadd.f32 v51, v33;
	v61 =	vand.u32 $0xFF, v58;
	v62 =	vperm.xlane v20, v7  }
0x8e: {  	v36 =	vmul.f32 v63, v59;
	v63 =	vperm.xlane v18, v4;
	v31 =	vadd.f32 v40, v31  }
0x8f: {  	v59 =	vadd.s32 $0xC8, v0;
	v24 =	vadd.f32 v24, v25;
	v41 =	vadd.f32 v50, v28  }
0x90: {  	v34 =	vadd.f32 v52, v34;
	v25 =	vadd.s32 v54, v38;
	v28 =	vperm.xlane v21, v5  }
0x91: {  	v38 =	vnsel vm9, $0xC7, v61;
	v32 =	vadd.f32 v36, v32;
	v61 =	vperm.xlane v20, v6  }
0x92: {  	v25 =	vadd.s32 $0x7FFF, v25;
	v55 =	vshrl.u32 v43, $0x10;
	v56 =	vshrl.u32 v37, $0x10  }
0x93: {  	v48 =	vand.u32 $0xFFFF0000, v25;
	v25 =	vperm.xlane v21, v10;
	v60 =	vand.u32 $0x1, v56  }
0x94: {  	v49 =	vmul.f32 v48, v23;
	v50 =	vmul.f32 v48, v62;
	v37 =	vadd.s32 v60, v37  }
0x95: {  	v53 =	vmul.f32 v48, v63;
	v56 =	vimm.s32 $0xDBDAD9D8;
	v37 =	vadd.s32 $0x7FFF, v37  }
0x96: {  	v60 =	vperm.xlane v17, v16;
	v51 =	vadd.f32 v49, v35;
	v37 =	vand.u32 $0xFFFF0000, v37  }
0x97: {  	v36 =	vadd.f32 v50, v39;
	v23 =	vmul.f32 v37, v23;
	v42 =	vmul.f32 v37, v62  }
0x98: {  	v52 =	vld.idx.msk [tilespmem:v38+s26+$0x0], $0xffff;
	v33 =	vadd.f32 v53, v33;
	v54 =	vmul.f32 v37, v63;
	v62 =	vmul.f32 v48, v60  }
0x99: {  	v37 =	vmul.f32 v37, v60;
	v48 =	vperm.xlane v18, v3;
	v24 =	vadd.f32 v23, v24  }
0x9a: {  	v38 =	vadd.f32 v42, v41;
	v23 =	vperm.xlane v20, v4;
	v41 =	vand.u32 $0x1, v55  }
0x9b: {  	v42 =	vunpack.c.0.s8.s32 v56;
	v34 =	vadd.f32 v54, v34;
	v31 =	vadd.f32 v62, v31  }
0x9c: {  	v32 =	vadd.f32 v37, v32;
	v54 =	vimm.s32 $0xEFEEEDEC;
	v57 =	vadd.s32 v41, v43  }
0x9d: {  	v58 =	vshrl.u32 v52, $0x10;
	v41 =	vld.idx.msk [tilespmem:v59+s26+$0x0], $0xffff;
	v59 =	vperm.xlane v20, v5;
	v42 =	vand.u32 $0xFF, v42  }
0x9e: {  	v40 =	vand.u32 $0x1, v58;
	v39 =	vadd.s32 $0x7FFF, v57;
	v57 =	vadd.s32 $0xDC, v0  }
0x9f: {  	v35 =	vadd.s32 v40, v52;
	v39 =	vand.u32 $0xFFFF0000, v39;
	v52 =	vperm.xlane v17, v15  }
0xa0: {  	v42 =	vnsel vm9, $0xDB, v42;
	v35 =	vadd.s32 $0x7FFF, v35;
	v63 =	vmul.f32 v39, v22  }
0xa1: {  	v49 =	vmul.f32 v39, v61;
	v35 =	vand.u32 $0xFFFF0000, v35;
	v60 =	vmul.f32 v39, v52  }
0xa2: {  	v22 =	vmul.f32 v35, v22;
	v21 =	vadd.f32 v63, v51;
	v50 =	vmul.f32 v35, v61  }
0xa3: {  	v51 =	vmul.f32 v39, v48;
	v36 =	vadd.f32 v49, v36;
	v53 =	vmul.f32 v35, v48  }
0xa4: {  	v55 =	vshrl.u32 v41, $0x10;
	v35 =	vmul.f32 v35, v52;
	v31 =	vadd.f32 v60, v31  }
0xa5: {  	v48 =	vperm.xlane v18, v2;
	v43 =	vadd.f32 v22, v24;
	v38 =	vadd.f32 v50, v38  }
0xa6: {  	v42 =	vld.idx.msk [tilespmem:v42+s26+$0x0], $0xffff;
	v33 =	vadd.f32 v51, v33;
	v22 =	vunpack.c.0.s8.s32 v54;
	v24 =	vand.u32 $0x1, v55  }
0xa7: {  	v63 =	vld.idx.msk [tilespmem:v57+s26+$0x0], $0xffff;
	v34 =	vadd.f32 v53, v34;
	v53 =	vperm.xlane v17, v14;
	v41 =	vadd.s32 v24, v41  }
0xa8: {  	v24 =	vperm.xlane v20, v3;
	v22 =	vand.u32 $0xFF, v22;
	v61 =	vadd.s32 $0x7FFF, v41  }
0xa9: {  	v58 =	vnsel vm9, $0xEF, v22;
	v39 =	vand.u32 $0xFFFF0000, v61;
	v22 =	vperm.xlane v20, v2  }
0xaa: {  	v32 =	vadd.f32 v35, v32;
	v61 =	vperm.xlane v18, v1;
	v62 =	vmul.f32 v39, v30  }
0xab: {  	v49 =	vmul.f32 v39, v59;
	v51 =	vmul.f32 v39, v48;
	v56 =	vshrl.u32 v42, $0x10  }
0xac: {  	v52 =	vshrl.u32 v63, $0x10;
	v39 =	vmul.f32 v39, v53;
	v37 =	vand.u32 $0x1, v56  }
0xad: {  	v40 =	vadd.f32 v62, v21;
	v21 =	vperm.xlane v20, v1;
	v20 =	vperm.xlane v20, v10  }
0xae: {  	v36 =	vadd.f32 v49, v36;
	v33 =	vadd.f32 v51, v33;
	v37 =	vadd.s32 v37, v42  }
0xaf: {  	v56 =	vimm.s32 $0x103;
	v31 =	vadd.f32 v39, v31;
	v37 =	vadd.s32 $0x7FFF, v37;
	v42 =	vld.idx.msk [tilespmem:v58+s26+$0x0], $0xffff  }
0xb0: {  	v51 =	vperm.xlane v19, v4;
	v57 =	vsel vm2, $0x100, v56;
	v37 =	vand.u32 $0xFFFF0000, v37  }
0xb1: {  	v56 =	vadd.s32 $0x104, v0;
	v30 =	vmul.f32 v37, v30;
	v50 =	vmul.f32 v37, v59  }
0xb2: {  	v58 =	vor.u32 $0xF0, v0;
	v35 =	vmul.f32 v37, v48;
	v37 =	vmul.f32 v37, v53  }
0xb3: {  	v30 =	vadd.f32 v30, v43;
	v38 =	vadd.f32 v50, v38;
	v43 =	vand.u32 $0x1, v52  }
0xb4: {  	v34 =	vadd.f32 v35, v34;
	v32 =	vadd.f32 v37, v32;
	v55 =	vshrl.u32 v42, $0x10  }
0xb5: {  	v50 =	vperm.xlane v17, v13;
	v54 =	vadd.s32 v43, v63;
	v41 =	vand.u32 $0x1, v55  }
0xb6: {  	v35 =	vadd.s32 $0x7FFF, v54;
	v54 =	vimm.s32 $0x117;
	v41 =	vadd.s32 v41, v42  }
0xb7: {  	v42 =	vsel vm3, $0x101, v57;
	v35 =	vand.u32 $0xFFFF0000, v35;
	v39 =	vsel vm2, $0x114, v54  }
0xb8: {  	v63 =	vld.idx.msk [tilespmem:v58+s26+$0x0], $0xffff;
	v54 =	vperm.xlane v18, v15;
	v42 =	vsel vm4, $0x102, v42;
	v60 =	vmul.f32 v35, v27  }
0xb9: {  	v41 =	vadd.s32 $0x7FFF, v41;
	v62 =	vmul.f32 v35, v20;
	v48 =	vmul.f32 v35, v61  }
0xba: {  	v52 =	vmul.f32 v35, v50;
	v39 =	vsel vm3, $0x115, v39;
	v59 =	vand.u32 $0xFFFF0000, v41  }
0xbb: {  	v43 =	vld.idx.msk [tilespmem:v56+s26+$0x0], $0xffff;
	v39 =	vsel vm4, $0x116, v39;
	v27 =	vmul.f32 v59, v27;
	v37 =	vadd.f32 v60, v40  }
0xbc: {  	v20 =	vmul.f32 v59, v20;
	v49 =	vmul.f32 v59, v61;
	v36 =	vadd.f32 v62, v36  }
0xbd: {  	v53 =	vmul.f32 v59, v50;
	v55 =	vshrl.u32 v63, $0x10;
	v31 =	vadd.f32 v52, v31  }
0xbe: {  	v59 =	vperm.xlane v18, v16;
	v27 =	vadd.f32 v27, v30;
	v20 =	vadd.f32 v20, v38  }
0xbf: {  	v40 =	vand.u32 $0x1, v55;
	v30 =	vadd.f32 v48, v33;
	v33 =	vadd.f32 v49, v34  }
0xc0: {  	v40 =	vadd.s32 v40, v63;
	v32 =	vadd.f32 v53, v32;
	v48 =	vshrl.u32 v43, $0x10  }
0xc1: {  	v49 =	vimm.s32 $0x12B;
	v53 =	vadd.s32 $0x118, v0;
	v42 =	vld.idx.msk [tilespmem:v42+s26+$0x0], $0xffff;
	v40 =	vadd.s32 $0x7FFF, v40  }
0xc2: {  	v50 =	vand.u32 $0x1, v48;
	v48 =	vadd.s32 $0x12C, v0;
	v40 =	vand.u32 $0xFFFF0000, v40  }
0xc3: {  	v39 =	vld.idx.msk [tilespmem:v39+s26+$0x0], $0xffff;
	v34 =	vadd.s32 v50, v43;
	v43 =	vperm.xlane v19, v2;
	v61 =	vmul.f32 v40, v26  }
0xc4: {  	v62 =	vmul.f32 v40, v51;
	v63 =	vmul.f32 v40, v59;
	v34 =	vadd.s32 $0x7FFF, v34  }
0xc5: {  	v47 =	vmul.f32 v40, v45;
	v34 =	vand.u32 $0xFFFF0000, v34;
	v37 =	vadd.f32 v61, v37  }
0xc6: {  	v35 =	vadd.f32 v62, v36;
	v30 =	vadd.f32 v63, v30;
	v57 =	vshrl.u32 v42, $0x10  }
0xc7: {  	v56 =	vmul.f32 v34, v29;
	v31 =	vadd.f32 v47, v31;
	v58 =	vand.u32 $0x1, v57  }
0xc8: {  	v62 =	vperm.xlane v17, v9;
	v52 =	vshrl.u32 v39, $0x10;
	v41 =	vadd.s32 v58, v42  }
0xc9: {  	v57 =	vld.idx.msk [tilespmem:v53+s26+$0x0], $0xffff;
	v37 =	vadd.f32 v56, v37;
	v58 =	vmul.f32 v34, v44;
	v41 =	vadd.s32 $0x7FFF, v41  }
0xca: {  	v42 =	vperm.xlane v19, v1;
	v60 =	vand.u32 $0xFFFF0000, v41;
	v41 =	vand.u32 $0x1, v52  }
0xcb: {  	v35 =	vadd.f32 v58, v35;
	v26 =	vmul.f32 v60, v26;
	v38 =	vmul.f32 v60, v51  }
0xcc: {  	v46 =	vmul.f32 v60, v59;
	v51 =	vsel vm2, $0x128, v49;
	v39 =	vadd.s32 v41, v39  }
0xcd: {  	v49 =	vimm.s32 $0x13F;
	v40 =	vsel vm3, $0x129, v51;
	v39 =	vadd.s32 $0x7FFF, v39  }
0xce: {  	v47 =	vshrl.u32 v57, $0x10;
	v26 =	vadd.f32 v26, v27;
	v20 =	vadd.f32 v38, v20  }
0xcf: {  	v27 =	vmul.f32 v60, v45;
	v40 =	vsel vm4, $0x12A, v40;
	v33 =	vadd.f32 v46, v33  }
0xd0: {  	v55 =	vand.u32 $0xFFFF0000, v39;
	v60 =	vmul.f32 v34, v54;
	v34 =	vmul.f32 v34, v62  }
0xd1: {  	v53 =	vld.idx.msk [tilespmem:v48+s26+$0x0], $0xffff;
	v45 =	vor.u32 $0x140, v0;
	v29 =	vmul.f32 v55, v29;
	v59 =	vmul.f32 v55, v44  }
0xd2: {  	v41 =	vmul.f32 v55, v54;
	v27 =	vadd.f32 v27, v32;
	v31 =	vadd.f32 v34, v31  }
0xd3: {  	v46 =	vperm.xlane v17, v8;
	v26 =	vadd.f32 v29, v26;
	v61 =	vadd.f32 v59, v20  }
0xd4: {  	v44 =	vperm.xlane v19, v16;
	v29 =	vadd.f32 v60, v30;
	v63 =	vadd.f32 v41, v33  }
0xd5: {  	v33 =	vand.u32 $0x1, v47;
	v41 =	vsel vm2, $0x13C, v49;
	v20 =	vmul.f32 v55, v62  }
0xd6: {  	v55 =	vperm.xlane v18, v14;
	v60 =	vshrl.u32 v53, $0x10;
	v41 =	vsel vm3, $0x13D, v41;
	v40 =	vld.idx.msk [tilespmem:v40+s26+$0x0], $0xffff  }
0xd7: {  	v47 =	vperm.xlane v18, v13;
	v32 =	vadd.s32 v33, v57;
	v52 =	vsel vm4, $0x13E, v41  }
0xd8: {  	v41 =	vperm.xlane v19, v15;
	v32 =	vadd.s32 $0x7FFF, v32;
	v27 =	vadd.f32 v20, v27  }
0xd9: {  	v20 =	vperm.xlane v19, v14;
	v19 =	vperm.xlane v19, v13;
	v32 =	vand.u32 $0xFFFF0000, v32  }
0xda: {  	v62 =	vimm.s32 $0x153;
	v54 =	vmul.f32 v32, v28;
	v56 =	vmul.f32 v32, v43  }
0xdb: {  	v58 =	vmul.f32 v32, v55;
	v32 =	vmul.f32 v32, v46;
	v50 =	vshrl.u32 v40, $0x10  }
0xdc: {  	v39 =	vld.idx.msk [tilespmem:v45+s26+$0x0], $0xffff;
	v34 =	vadd.f32 v54, v37;
	v35 =	vadd.f32 v56, v35;
	v51 =	vand.u32 $0x1, v50  }
0xdd: {  	v29 =	vadd.f32 v58, v29;
	v37 =	vsel vm2, $0x150, v62;
	v33 =	vadd.s32 v51, v40  }
0xde: {  	v54 =	vperm.xlane v17, v11;
	v37 =	vsel vm3, $0x151, v37;
	v33 =	vadd.s32 $0x7FFF, v33  }
0xdf: {  	v62 =	vperm.xlane v17, v7;
	v37 =	vsel vm4, $0x152, v37;
	v40 =	vld.idx.msk [tilespmem:v52+s26+$0x0], $0xffff;
	v33 =	vand.u32 $0xFFFF0000, v33  }
0xe0: {  	v31 =	vadd.f32 v32, v31;
	v50 =	vperm.xlane v18, v12;
	v28 =	vmul.f32 v33, v28  }
0xe1: {  	v56 =	vshrl.u32 v39, $0x10;
	v57 =	vmul.f32 v33, v43;
	v59 =	vmul.f32 v33, v55  }
0xe2: {  	v33 =	vmul.f32 v33, v46;
	v46 =	vimm.s32 $0x18F;
	v26 =	vadd.f32 v28, v26  }
0xe3: {  	v28 =	vadd.f32 v57, v61;
	v61 =	vand.u32 $0x1, v60;
	v30 =	vadd.f32 v59, v63  }
0xe4: {  	v37 =	vld.idx.msk [tilespmem:v37+s26+$0x0], $0xffff;
	v63 =	vshrl.u32 v40, $0x10;
	v27 =	vadd.f32 v33, v27;
	v36 =	vadd.s32 v61, v53  }
0xe5: {  	v33 =	vperm.xlane v18, v9;
	v38 =	vand.u32 $0x1, v63;
	v36 =	vadd.s32 $0x7FFF, v36  }
0xe6: {  	v57 =	vimm.s32 $0x167;
	v38 =	vadd.s32 v38, v40;
	v36 =	vand.u32 $0xFFFF0000, v36  }
0xe7: {  	v59 =	vadd.s32 $0x154, v0;
	v38 =	vadd.s32 $0x7FFF, v38;
	v49 =	vmul.f32 v36, v25  }
0xe8: {  	v48 =	vand.u32 $0xFFFF0000, v38;
	v51 =	vmul.f32 v36, v42;
	v53 =	vmul.f32 v36, v47  }
0xe9: {  	v58 =	vshrl.u32 v37, $0x10;
	v36 =	vmul.f32 v36, v54;
	v25 =	vmul.f32 v48, v25  }
0xea: {  	v38 =	vimm.s32 $0x28140014;
	v52 =	vmul.f32 v48, v42;
	v40 =	vmul.f32 v48, v47  }
0xeb: {  	v32 =	vmul.f32 v48, v54;
	v54 =	vadd.s32 $0x168, v0;
	v34 =	vadd.f32 v49, v34  }
0xec: {  	v35 =	vadd.f32 v51, v35;
	v55 =	vadd.f32 v53, v29;
	v29 =	vand.u32 $0x1, v56  }
0xed: {  	v31 =	vadd.f32 v36, v31;
	v56 =	vperm.xlane v17, v6;
	v25 =	vadd.f32 v25, v26  }
0xee: {  	v26 =	vadd.f32 v52, v28;
	v30 =	vadd.f32 v40, v30;
	v29 =	vadd.s32 v29, v39  }
0xef: {  	v63 =	vld.idx.msk [tilespmem:v59+s26+$0x0], $0xffff;
	v40 =	vsel vm2, $0x164, v57;
	v39 =	vand.u32 $0x1, v58;
	v27 =	vadd.f32 v32, v27  }
0xf0: {  	v40 =	vsel vm3, $0x165, v40;
	v37 =	vadd.s32 v39, v37;
	v29 =	vadd.s32 $0x7FFF, v29  }
0xf1: {  	v39 =	vperm.xlane v18, v8;
	v18 =	vperm.xlane v18, v11;
	v29 =	vand.u32 $0xFFFF0000, v29  }
0xf2: {  	v40 =	vsel vm4, $0x166, v40;
	v37 =	vadd.s32 $0x7FFF, v37;
	v61 =	vmul.f32 v29, v23  }
0xf3: {  	v60 =	vand.u32 $0xFFFF0000, v37;
	v47 =	vmul.f32 v29, v44;
	v49 =	vmul.f32 v29, v50  }
0xf4: {  	v53 =	vshrl.u32 v63, $0x10;
	v29 =	vmul.f32 v29, v62;
	v23 =	vmul.f32 v60, v23  }
0xf5: {  	v48 =	vmul.f32 v60, v44;
	v43 =	vmul.f32 v60, v50;
	v50 =	vimm.s32 $0x17B  }
0xf6: {  	v37 =	vand.u32 $0x1, v53;
	v36 =	vmul.f32 v60, v62;
	v34 =	vadd.f32 v61, v34  }
0xf7: {  	v35 =	vadd.f32 v47, v35;
	v52 =	vsel vm2, $0x178, v50;
	v29 =	vadd.f32 v29, v31  }
0xf8: {  	v60 =	vld.idx.msk [tilespmem:v54+s26+$0x0], $0xffff;
	v32 =	vadd.s32 v37, v63;
	v23 =	vadd.f32 v23, v25;
	v26 =	vadd.f32 v48, v26  }
0xf9: {  	v25 =	vadd.f32 v49, v55;
	v51 =	vadd.f32 v43, v30;
	v32 =	vadd.s32 $0x7FFF, v32  }
0xfa: {  	v30 =	vsel vm3, $0x179, v52;
	v27 =	vadd.f32 v36, v27;
	v32 =	vand.u32 $0xFFFF0000, v32  }
0xfb: {  	v48 =	vadd.s32 $0x17C, v0;
	v40 =	vld.idx.msk [tilespmem:v40+s26+$0x0], $0xffff;
	v59 =	vmul.f32 v32, v24;
	v61 =	vmul.f32 v32, v41  }
0xfc: {  	v30 =	vsel vm4, $0x17A, v30;
	v63 =	vmul.f32 v32, v33;
	v32 =	vmul.f32 v32, v56  }
0xfd: {  	v47 =	vshrl.u32 v60, $0x10;
	v34 =	vadd.f32 v59, v34;
	v45 =	vadd.f32 v61, v35  }
0xfe: {  	v25 =	vadd.f32 v63, v25;
	v35 =	vsel vm2, $0x18C, v46;
	v36 =	vand.u32 $0x1, v47  }
0xff: {  	v29 =	vadd.f32 v32, v29;
	v46 =	vimm.s32 $0x28;
	v36 =	vadd.s32 v36, v60  }
0x100: {  	v35 =	vsel vm3, $0x18D, v35;
	v55 =	vshrl.u32 v40, $0x10;
	v36 =	vadd.s32 $0x7FFF, v36  }
0x101: {  	v30 =	vld.idx.msk [tilespmem:v30+s26+$0x0], $0xffff;
	v35 =	vsel vm4, $0x18E, v35;
	v57 =	vand.u32 $0x1, v55;
	v36 =	vand.u32 $0xFFFF0000, v36  }
0x102: {  	v37 =	vadd.s32 v57, v40;
	v54 =	vmul.f32 v36, v20;
	v55 =	vmul.f32 v36, v39  }
0x103: {  	v57 =	vperm.xlane v17, v5;
	v40 =	vimm.s32 $0x28140000;
	v37 =	vadd.s32 $0x7FFF, v37  }
0x104: {  	v17 =	vperm.xlane v17, v10;
	v42 =	vunpack.c.0.s8.s32 v40;
	v58 =	vand.u32 $0xFFFF0000, v37  }
0x105: {  	v25 =	vadd.f32 v55, v25;
	v60 =	vmul.f32 v36, v57;
	v24 =	vmul.f32 v58, v24  }
0x106: {  	v62 =	vmul.f32 v58, v41;
	v49 =	vshrl.u32 v30, $0x10;
	v33 =	vmul.f32 v58, v33  }
0x107: {  	v37 =	vld.idx.msk [tilespmem:v48+s26+$0x0], $0xffff;
	v31 =	vmul.f32 v58, v56;
	v50 =	vand.u32 $0x1, v49;
	v29 =	vadd.f32 v60, v29  }
0x108: {  	v52 =	vld.idx.msk [tilespmem:v35+s26+$0x0], $0xffff;
	v23 =	vadd.f32 v24, v23;
	v26 =	vadd.f32 v62, v26;
	v30 =	vadd.s32 v50, v30  }
0x109: {  	v28 =	vadd.f32 v33, v51;
	v51 =	vmul.f32 v36, v22;
	v30 =	vadd.s32 $0x7FFF, v30  }
0x10a: {  	v27 =	vadd.f32 v31, v27;
	v33 =	vadd.f32 v54, v45;
	v30 =	vand.u32 $0xFFFF0000, v30  }
0x10b: {  	v54 =	vimm.s32 $0x29150101;
	v53 =	vadd.f32 v51, v34;
	v22 =	vmul.f32 v30, v22  }
0x10c: {  	v59 =	vshrl.u32 v37, $0x10;
	v20 =	vmul.f32 v30, v20;
	v56 =	vmul.f32 v30, v39  }
0x10d: {  	v61 =	vshrl.u32 v52, $0x10;
	v30 =	vmul.f32 v30, v57;
	v39 =	vunpack.c.0.s8.s32 v38  }
0x10e: {  	v38 =	vimm.s32 $0x2A160202;
	v22 =	vadd.f32 v22, v23;
	v23 =	vand.u32 $0x1, v59  }
0x10f: {  	v58 =	vadd.f32 v56, v28;
	v28 =	vand.u32 $0x1, v61;
	v23 =	vadd.s32 v23, v37  }
0x110: {  	v40 =	vunpack.c.0.s8.s32 v38;
	v62 =	vadd.s32 v28, v52;
	v23 =	vadd.s32 $0x7FFF, v23  }
0x111: {  	v38 =	vimm.s32 $0x2C180418;
	v35 =	vadd.s32 $0x7FFF, v62;
	v63 =	vand.u32 $0xFFFF0000, v23  }
0x112: {  	v20 =	vadd.f32 v20, v26;
	v36 =	vand.u32 $0xFFFF0000, v35;
	v37 =	vmul.f32 v63, v21  }
0x113: {  	v27 =	vadd.f32 v30, v27;
	v21 =	vmul.f32 v36, v21;
	v41 =	vmul.f32 v63, v19  }
0x114: {  	v61 =	vimm.s32 $0x29;
	v19 =	vmul.f32 v36, v19;
	v44 =	vmul.f32 v63, v18  }
0x115: {  	v31 =	vsel vm9, $0x1, v61;
	v18 =	vmul.f32 v36, v18;
	v45 =	vmul.f32 v63, v17  }
0x116: {  	v17 =	vmul.f32 v36, v17;
	v32 =	vadd.f32 v37, v53;
	v24 =	vadd.f32 v21, v22  }
0x117: {  	v63 =	vsel vm10, $0x15, v31;
	v43 =	vadd.f32 v41, v33;
	v23 =	vadd.f32 v19, v20  }
0x118: {  	v36 =	vimm.s32 $0x2A160216;
	v25 =	vadd.f32 v44, v25;
	v18 =	vadd.f32 v18, v58  }
0x119: {  	v22 =	vsel vm9, $0x0, v46;
	v20 =	vadd.f32 v45, v29;
	v19 =	vadd.f32 v17, v27  }
0x11a: {  	v50 =	vld.idx.msk [tilespmem:v42+s2+$0x0], $0xffff;
	v53 =	vimm.s32 $0x29150115;
	v29 =	vunpack.c.0.s8.s32 v54;
	v45 =	vimm.s32 $0x2A  }
0x11b: {  	v48 =	vld.idx.msk [tilespmem:v39+s2+$0x0], $0xffff;
	v54 =	vimm.s32 $0x2B170303;
	v22 =	vsel vm10, $0x14, v22;
	v27 =	vunpack.c.0.s8.s32 v53  }
0x11c: {  	v53 =	vimm.s32 $0x2B170317;
	v47 =	vshrl.u32 v32, $0x10;
	v52 =	vshrl.u32 v43, $0x10  }
0x11d: {  	v55 =	vshrl.u32 v25, $0x10;
	v56 =	vshrl.u32 v20, $0x10;
	v41 =	vshrl.u32 v24, $0x10  }
0x11e: {  	v28 =	vand.u32 $0x1, v47;
	v26 =	vand.u32 $0x1, v52;
	v57 =	vand.u32 $0x1, v56  }
0x11f: {  	v47 =	vsel vm9, $0x2, v45;
	v49 =	vadd.s32 v28, v32;
	v21 =	vadd.s32 v26, v43  }
0x120: {  	v26 =	vand.u32 $0x1, v55;
	v28 =	vadd.f32 v50, v48;
	v51 =	vadd.s32 $0x7FFF, v49  }
0x121: {  	v21 =	vadd.s32 $0x7FFF, v21;
	v25 =	vadd.s32 v26, v25;
	v26 =	vadd.s32 v57, v20;
	v22 =	vld.idx.msk [tilespmem:v22+s25+$0x0], $0xffff  }
0x122: {  	v17 =	vand.u32 $0xFFFF0000, v51;
	v25 =	vadd.s32 $0x7FFF, v25;
	v28 =	vmul.f32 $5.000000000e-01, v28;
	v29 =	vld.idx.msk [tilespmem:v29+s2+$0x0], $0xffff  }
0x123: {  	v20 =	vand.u32 $0xFFFF0000, v21;
	v58 =	vadd.s32 $0x7FFF, v26;
	v21 =	vand.u32 $0xFFFF0000, v25;
	v27 =	vld.idx.msk [tilespmem:v27+s2+$0x0], $0xffff  }
0x124: {  	v42 =	vperm.xlane v20, v4;
	v43 =	vperm.xlane v17, v4;
	v59 =	vshrl.u32 v28, $0x10  }
0x125: {  	v57 =	vperm.xlane v20, v3;
	v45 =	vperm.xlane v17, v2;
	v26 =	vand.u32 $0x1, v59  }
0x126: {  	v37 =	vperm.xlane v21, v4;
	v55 =	vperm.xlane v21, v3;
	v26 =	vadd.s32 v26, v28  }
0x127: {  	v28 =	vunpack.c.0.s8.s32 v36;
	v60 =	vshrl.u32 v22, $0x10;
	v34 =	vadd.s32 $0x7FFF, v26  }
0x128: {  	v30 =	vand.u32 $0x1, v60;
	v25 =	vand.u32 $0xFFFF0000, v34;
	v27 =	vadd.f32 v29, v27  }
0x129: {  	v29 =	vld.idx.msk [tilespmem:v40+s2+$0x0], $0xffff;
	v34 =	vsel vm10, $0x16, v47;
	v60 =	vperm.xlane v17, v3;
	v40 =	vperm.xlane v21, v2  }
0x12a: {  	v47 =	vimm.s32 $0x2C;
	v62 =	vadd.s32 v30, v22;
	v22 =	vand.u32 $0xFFFF0000, v58  }
0x12b: {  	v35 =	vadd.s32 $0x7FFF, v62;
	v39 =	vperm.xlane v22, v4;
	v27 =	vmul.f32 $5.000000000e-01, v27  }
0x12c: {  	v30 =	vld.idx.msk [tilespmem:v63+s25+$0x0], $0xffff;
	v63 =	vimm.s32 $0x2B;
	v56 =	vperm.xlane v22, v3;
	v26 =	vand.u32 $0xFFFF0000, v35  }
0x12d: {  	v26 =	vmul.f32 v25, v26;
	v31 =	vsel vm0, v39, v37;
	v44 =	vshrl.u32 v27, $0x10  }
0x12e: {  	v35 =	vsel vm0, v56, v55;
	v39 =	vimm.s32 $0x2C180404;
	v55 =	vperm.xlane v21, v1  }
0x12f: {  	v56 =	vperm.xlane v22, v1;
	v31 =	vsel vm11, v31, v42;
	v46 =	vand.u32 $0x1, v44  }
0x130: {  	v58 =	vld.idx.msk [tilespmem:v34+s25+$0x0], $0xffff;
	v61 =	vsel vm11, v35, v57;
	v34 =	vsel vm9, $0x3, v63;
	v35 =	vunpack.c.0.s8.s32 v39  }
0x131: {  	v57 =	vperm.xlane v17, v1;
	v63 =	vimm.s32 $0x2E1A0606;
	v26 =	vadd.f32 $0.0e+00, v26  }
0x132: {  	v28 =	vld.idx.msk [tilespmem:v28+s2+$0x0], $0xffff;
	v31 =	vsel vm12, v43, v31;
	v27 =	vadd.s32 v46, v27;
	v48 =	vshrl.u32 v30, $0x10  }
0x133: {  	v32 =	vsel vm12, v60, v61;
	v34 =	vsel vm10, $0x17, v34;
	v43 =	vperm.xlane v20, v2  }
0x134: {  	v31 =	vmul.f32 v25, v31;
	v49 =	vadd.s32 $0x7FFF, v27;
	v50 =	vand.u32 $0x1, v48  }
0x135: {  	v27 =	vunpack.c.0.s8.s32 v53;
	v53 =	vimm.s32 $0x2D190505;
	v51 =	vand.u32 $0xFFFF0000, v49  }
0x136: {  	v52 =	vadd.s32 v50, v30;
	v30 =	vunpack.c.0.s8.s32 v54;
	v54 =	vunpack.c.0.s8.s32 v53  }
0x137: {  	v25 =	vadd.s32 $0x7FFF, v52;
	v28 =	vadd.f32 v29, v28;
	v31 =	vadd.f32 $0.0e+00, v31  }
0x138: {  	v32 =	vmul.f32 v51, v32;
	v52 =	vimm.s32 $0x2D190519;
	v25 =	vand.u32 $0xFFFF0000, v25  }
0x139: {  	v36 =	vshrl.u32 v58, $0x10;
	v59 =	vmul.f32 v51, v25;
	v25 =	vand.u32 $0x1, v41  }
0x13a: {  	v28 =	vmul.f32 $5.000000000e-01, v28;
	v37 =	vand.u32 $0x1, v36;
	v41 =	vperm.xlane v22, v2  }
0x13b: {  	v42 =	vadd.f32 v32, v31;
	v31 =	vsel vm9, $0x4, v47;
	v50 =	vld.idx.msk [tilespmem:v35+s2+$0x0], $0xffff;
	v35 =	vunpack.c.0.s8.s32 v52  }
0x13c: {  	v52 =	vimm.s32 $0x2F1B071B;
	v29 =	vadd.s32 v37, v58;
	v31 =	vsel vm10, $0x18, v31  }
0x13d: {  	v58 =	vperm.xlane v20, v1;
	v53 =	vunpack.c.0.s8.s32 v52;
	v26 =	vadd.f32 v59, v26  }
0x13e: {  	v44 =	vld.idx.msk [tilespmem:v34+s25+$0x0], $0xffff;
	v62 =	vshrl.u32 v28, $0x10;
	v29 =	vadd.s32 $0x7FFF, v29;
	v36 =	vsel vm0, v41, v40  }
0x13f: {  	v27 =	vld.idx.msk [tilespmem:v27+s2+$0x0], $0xffff;
	v59 =	vimm.s32 $0x2D;
	v41 =	vunpack.c.0.s8.s32 v63;
	v33 =	vand.u32 $0x1, v62  }
0x140: {  	v30 =	vld.idx.msk [tilespmem:v30+s2+$0x0], $0xffff;
	v29 =	vand.u32 $0xFFFF0000, v29;
	v46 =	vsel vm11, v36, v43;
	v36 =	vsel vm9, $0x5, v59  }
0x141: {  	v62 =	vimm.s32 $0x2E1A061A;
	v43 =	vperm.xlane v21, v16;
	v28 =	vadd.s32 v33, v28  }
0x142: {  	v33 =	vunpack.c.0.s8.s32 v38;
	v38 =	vunpack.c.0.s8.s32 v62;
	v28 =	vadd.s32 $0x7FFF, v28  }
0x143: {  	v32 =	vld.idx.msk [tilespmem:v54+s2+$0x0], $0xffff;
	v54 =	vimm.s32 $0x2F1B0707;
	v59 =	vperm.xlane v21, v15;
	v28 =	vand.u32 $0xFFFF0000, v28  }
0x144: {  	v36 =	vsel vm10, $0x19, v36;
	v62 =	vimm.s32 $0x2F;
	v31 =	vld.idx.msk [tilespmem:v31+s25+$0x0], $0xffff;
	v29 =	vmul.f32 v28, v29  }
0x145: {  	v51 =	vshrl.u32 v44, $0x10;
	v35 =	vld.idx.msk [tilespmem:v35+s2+$0x0], $0xffff;
	v27 =	vadd.f32 v30, v27;
	v30 =	vsel vm0, v56, v55  }
0x146: {  	v26 =	vadd.f32 v29, v26;
	v29 =	vsel vm12, v45, v46;
	v46 =	vperm.xlane v20, v16  }
0x147: {  	v30 =	vsel vm11, v30, v58;
	v27 =	vmul.f32 $5.000000000e-01, v27;
	v28 =	vmul.f32 v28, v29  }
0x148: {  	v29 =	vand.u32 $0x1, v51;
	v30 =	vsel vm12, v57, v30;
	v47 =	vld.idx.msk [tilespmem:v38+s2+$0x0], $0xffff;
	v38 =	vunpack.c.0.s8.s32 v54  }
0x149: {  	v57 =	vperm.xlane v17, v15;
	v29 =	vadd.s32 v29, v44;
	v61 =	vshrl.u32 v31, $0x10  }
0x14a: {  	v33 =	vld.idx.msk [tilespmem:v33+s2+$0x0], $0xffff;
	v44 =	vperm.xlane v22, v16;
	v32 =	vadd.f32 v32, v35;
	v16 =	vperm.xlane v17, v16  }
0x14b: {  	v35 =	vld.idx.msk [tilespmem:v53+s2+$0x0], $0xffff;
	v53 =	vimm.s32 $0x30;
	v48 =	vshrl.u32 v27, $0x10;
	v28 =	vadd.f32 v28, v42  }
0x14c: {  	v45 =	vld.idx.msk [tilespmem:v36+s25+$0x0], $0xffff;
	v29 =	vadd.s32 $0x7FFF, v29;
	v37 =	vand.u32 $0x1, v61;
	v49 =	vand.u32 $0x1, v48  }
0x14d: {  	v29 =	vand.u32 $0xFFFF0000, v29;
	v31 =	vadd.s32 v37, v31;
	v32 =	vmul.f32 $5.000000000e-01, v32  }
0x14e: {  	v48 =	vimm.s32 $0x2E;
	v27 =	vadd.s32 v49, v27;
	v31 =	vadd.s32 $0x7FFF, v31  }
0x14f: {  	v37 =	vsel vm9, $0x6, v48;
	v27 =	vadd.s32 $0x7FFF, v27;
	v33 =	vadd.f32 v50, v33  }
0x150: {  	v31 =	vand.u32 $0xFFFF0000, v31;
	v49 =	vshrl.u32 v32, $0x10;
	v37 =	vsel vm10, $0x1A, v37  }
0x151: {  	v50 =	vshrl.u32 v45, $0x10;
	v27 =	vand.u32 $0xFFFF0000, v27;
	v40 =	vld.idx.msk [tilespmem:v38+s2+$0x0], $0xffff;
	v33 =	vmul.f32 $5.000000000e-01, v33  }
0x152: {  	v51 =	vand.u32 $0x1, v50;
	v29 =	vmul.f32 v27, v29;
	v27 =	vmul.f32 v27, v30  }
0x153: {  	v50 =	vperm.xlane v22, v14;
	v38 =	vimm.s32 $0x34200C0C;
	v60 =	vshrl.u32 v33, $0x10  }
0x154: {  	v26 =	vadd.f32 v29, v26;
	v27 =	vadd.f32 v27, v28;
	v34 =	vand.u32 $0x1, v60  }
0x155: {  	v56 =	vld.idx.msk [tilespmem:v37+s25+$0x0], $0xffff;
	v60 =	vperm.xlane v22, v15;
	v15 =	vperm.xlane v20, v15;
	v37 =	vsel vm9, $0x7, v62  }
0x156: {  	v33 =	vadd.s32 v34, v33;
	v37 =	vsel vm10, $0x1B, v37;
	v35 =	vadd.f32 v40, v35  }
0x157: {  	v40 =	vperm.xlane v17, v13;
	v42 =	vadd.s32 $0x7FFF, v33;
	v33 =	vsel vm0, v44, v43  }
0x158: {  	v44 =	vimm.s32 $0x301C081C;
	v30 =	vand.u32 $0xFFFF0000, v42;
	v33 =	vsel vm11, v33, v46  }
0x159: {  	v34 =	vld.idx.msk [tilespmem:v41+s2+$0x0], $0xffff;
	v48 =	vmul.f32 $5.000000000e-01, v35;
	v16 =	vsel vm12, v16, v33;
	v33 =	vand.u32 $0x1, v49  }
0x15a: {  	v31 =	vmul.f32 v30, v31;
	v49 =	vperm.xlane v21, v14;
	v32 =	vadd.s32 v33, v32  }
0x15b: {  	v33 =	vadd.s32 v51, v45;
	v16 =	vmul.f32 v30, v16;
	v41 =	vshrl.u32 v56, $0x10  }
0x15c: {  	v45 =	vimm.s32 $0x301C0808;
	v51 =	vperm.xlane v17, v14;
	v14 =	vperm.xlane v20, v14  }
0x15d: {  	v35 =	vshrl.u32 v48, $0x10;
	v32 =	vadd.s32 $0x7FFF, v32;
	v33 =	vadd.s32 $0x7FFF, v33  }
0x15e: {  	v34 =	vadd.f32 v34, v47;
	v26 =	vadd.f32 v31, v26;
	v31 =	vsel vm0, v60, v59  }
0x15f: {  	v43 =	vand.u32 $0x1, v41;
	v28 =	vsel vm0, v50, v49;
	v52 =	vand.u32 $0x1, v35  }
0x160: {  	v35 =	vsel vm9, $0x8, v53;
	v53 =	vimm.s32 $0x331F0B0B;
	v32 =	vand.u32 $0xFFFF0000, v32  }
0x161: {  	v33 =	vand.u32 $0xFFFF0000, v33;
	v15 =	vsel vm11, v31, v15;
	v30 =	vadd.s32 v43, v56  }
0x162: {  	v16 =	vadd.f32 v16, v27;
	v27 =	vadd.s32 v52, v48;
	v35 =	vsel vm10, $0x1C, v35  }
0x163: {  	v14 =	vsel vm11, v28, v14;
	v43 =	vperm.xlane v21, v13;
	v48 =	vimm.s32 $0x321E0A0A  }
0x164: {  	v47 =	vld.idx.msk [tilespmem:v37+s25+$0x0], $0xffff;
	v52 =	vimm.s32 $0x331F0B1F;
	v37 =	vunpack.c.0.s8.s32 v53;
	v55 =	vmul.f32 v32, v33  }
0x165: {  	v58 =	vmul.f32 $5.000000000e-01, v34;
	v30 =	vadd.s32 $0x7FFF, v30;
	v34 =	vunpack.c.0.s8.s32 v45  }
0x166: {  	v15 =	vsel vm12, v57, v15;
	v57 =	vimm.s32 $0x311D0909;
	v27 =	vadd.s32 $0x7FFF, v27  }
0x167: {  	v59 =	vsel vm12, v51, v14;
	v14 =	vadd.s32 v25, v24;
	v51 =	vimm.s32 $0x32  }
0x168: {  	v61 =	vshrl.u32 v58, $0x10;
	v26 =	vadd.f32 v55, v26;
	v55 =	vimm.s32 $0x311D091D  }
0x169: {  	v15 =	vmul.f32 v32, v15;
	v63 =	vand.u32 $0x1, v61;
	v56 =	vunpack.c.0.s8.s32 v55  }
0x16a: {  	v30 =	vand.u32 $0xFFFF0000, v30;
	v36 =	vunpack.c.0.s8.s32 v57;
	v33 =	vadd.s32 v63, v58  }
0x16b: {  	v54 =	vshrl.u32 v47, $0x10;
	v15 =	vadd.f32 v15, v16;
	v42 =	vadd.s32 $0x7FFF, v33  }
0x16c: {  	v33 =	vunpack.c.0.s8.s32 v44;
	v44 =	vimm.s32 $0x31;
	v31 =	vand.u32 $0xFFFF0000, v42  }
0x16d: {  	v42 =	vperm.xlane v20, v13;
	v32 =	vsel vm9, $0x9, v44;
	v13 =	vperm.xlane v22, v13  }
0x16e: {  	v62 =	vld.idx.msk [tilespmem:v35+s25+$0x0], $0xffff;
	v46 =	vmul.f32 v31, v30;
	v30 =	vand.u32 $0x1, v54;
	v61 =	vmul.f32 v31, v59  }
0x16f: {  	v32 =	vsel vm10, $0x1D, v32;
	v29 =	vadd.s32 v30, v47;
	v47 =	vimm.s32 $0x321E0A1E;
	v30 =	vld.idx.msk [tilespmem:v56+s2+$0x0], $0xffff  }
0x170: {  	v26 =	vadd.f32 v46, v26;
	v29 =	vadd.s32 $0x7FFF, v29;
	v46 =	vld.idx.msk [tilespmem:v36+s2+$0x0], $0xffff;
	v35 =	vunpack.c.0.s8.s32 v47  }
0x171: {  	v34 =	vld.idx.msk [tilespmem:v34+s2+$0x0], $0xffff;
	v13 =	vsel vm0, v13, v43;
	v36 =	vunpack.c.0.s8.s32 v48;
	v58 =	vand.u32 $0xFFFF0000, v29  }
0x172: {  	v29 =	vsel vm11, v13, v42;
	v13 =	vadd.f32 v61, v15;
	v61 =	vimm.s32 $0x33;
	v33 =	vld.idx.msk [tilespmem:v33+s2+$0x0], $0xffff  }
0x173: {  	v49 =	vshrl.u32 v62, $0x10;
	v56 =	vsel vm12, v40, v29;
	v29 =	vsel vm9, $0xB, v61  }
0x174: {  	v27 =	vand.u32 $0xFFFF0000, v27;
	v50 =	vand.u32 $0x1, v49;
	v29 =	vsel vm10, $0x1F, v29  }
0x175: {  	v47 =	vimm.s32 $0x35210D21;
	v24 =	vadd.s32 v50, v62;
	v32 =	vld.idx.msk [tilespmem:v32+s25+$0x0], $0xffff;
	v30 =	vadd.f32 v46, v30  }
0x176: {  	v48 =	vimm.s32 $0x35210D0D;
	v28 =	vmul.f32 v27, v58;
	v24 =	vadd.s32 $0x7FFF, v24;
	v35 =	vld.idx.msk [tilespmem:v35+s2+$0x0], $0xffff  }
0x177: {  	v15 =	vmul.f32 v27, v56;
	v54 =	vld.idx.msk [tilespmem:v36+s2+$0x0], $0xffff;
	v60 =	vadd.f32 v34, v33;
	v30 =	vmul.f32 $5.000000000e-01, v30  }
0x178: {  	v56 =	vimm.s32 $0x36220E22;
	v63 =	vadd.f32 v28, v26;
	v24 =	vand.u32 $0xFFFF0000, v24  }
0x179: {  	v13 =	vadd.f32 v15, v13;
	v29 =	vld.idx.msk [tilespmem:v29+s25+$0x0], $0xffff;
	v41 =	vmul.f32 $5.000000000e-01, v60;
	v55 =	vshrl.u32 v30, $0x10  }
0x17a: {  	v34 =	vunpack.c.0.s8.s32 v52;
	v59 =	vshrl.u32 v32, $0x10;
	v57 =	vand.u32 $0x1, v55  }
0x17b: {  	v62 =	vand.u32 $0x1, v59;
	v45 =	vshrl.u32 v41, $0x10;
	v16 =	vadd.s32 v57, v30  }
0x17c: {  	v31 =	vadd.f32 v54, v35;
	v35 =	vadd.s32 v62, v32;
	v33 =	vand.u32 $0x1, v45  }
0x17d: {  	v54 =	vimm.s32 $0x35;
	v26 =	vadd.s32 v33, v41;
	v33 =	vsel vm9, $0xA, v51  }
0x17e: {  	v49 =	vshrl.u32 v29, $0x10;
	v26 =	vadd.s32 $0x7FFF, v26;
	v33 =	vsel vm10, $0x1E, v33  }
0x17f: {  	v36 =	vmul.f32 $5.000000000e-01, v31;
	v50 =	vand.u32 $0x1, v49;
	v26 =	vand.u32 $0xFFFF0000, v26  }
0x180: {  	v53 =	vadd.s32 v50, v29;
	v29 =	vsel vm9, $0xD, v54;
	v24 =	vmul.f32 v26, v24  }
0x181: {  	v32 =	vunpack.c.0.s8.s32 v38;
	v38 =	vperm.xlane v21, v12;
	v60 =	vld.idx.msk [tilespmem:v34+s2+$0x0], $0xffff;
	v29 =	vsel vm10, $0x21, v29  }
0x182: {  	v62 =	vimm.s32 $0x36;
	v39 =	vshrl.u32 v36, $0x10;
	v25 =	vadd.f32 v24, v63;
	v63 =	vld.idx.msk [tilespmem:v37+s2+$0x0], $0xffff  }
0x183: {  	v16 =	vadd.s32 $0x7FFF, v16;
	v45 =	vimm.s32 $0x34;
	v34 =	vand.u32 $0x1, v39;
	v58 =	vld.idx.msk [tilespmem:v33+s25+$0x0], $0xffff  }
0x184: {  	v42 =	vadd.s32 v34, v36;
	v24 =	vand.u32 $0xFFFF0000, v16;
	v16 =	vadd.s32 $0x7FFF, v35  }
0x185: {  	v34 =	vunpack.c.0.s8.s32 v47;
	v36 =	vperm.xlane v20, v12;
	v16 =	vand.u32 $0xFFFF0000, v16  }
0x186: {  	v37 =	vimm.s32 $0x34200C20;
	v35 =	vunpack.c.0.s8.s32 v48;
	v16 =	vmul.f32 v24, v16;
	v29 =	vld.idx.msk [tilespmem:v29+s25+$0x0], $0xffff  }
0x187: {  	v31 =	vunpack.c.0.s8.s32 v37;
	v37 =	vperm.xlane v17, v12;
	v28 =	vadd.f32 v63, v60  }
0x188: {  	v41 =	vadd.f32 v16, v25;
	v16 =	vadd.s32 $0x7FFF, v42;
	v40 =	vshrl.u32 v58, $0x10  }
0x189: {  	v25 =	vand.u32 $0xFFFF0000, v16;
	v43 =	vand.u32 $0x1, v40;
	v28 =	vmul.f32 $5.000000000e-01, v28  }
0x18a: {  	v32 =	vld.idx.msk [tilespmem:v32+s2+$0x0], $0xffff;
	v40 =	vperm.xlane v22, v12;
	v27 =	vadd.s32 v43, v58;
	v58 =	vimm.s32 $0x36220E0E  }
0x18b: {  	v57 =	vld.idx.msk [tilespmem:v34+s2+$0x0], $0xffff;
	v47 =	vshrl.u32 v29, $0x10;
	v44 =	vadd.s32 $0x7FFF, v27;
	v46 =	vshrl.u32 v28, $0x10  }
0x18c: {  	v35 =	vld.idx.msk [tilespmem:v35+s2+$0x0], $0xffff;
	v27 =	vsel vm9, $0xC, v45;
	v34 =	vunpack.c.0.s8.s32 v58;
	v45 =	vimm.s32 $0x37230F0F  }
0x18d: {  	v31 =	vld.idx.msk [tilespmem:v31+s2+$0x0], $0xffff;
	v48 =	vand.u32 $0x1, v47;
	v38 =	vsel vm0, v40, v38;
	v47 =	vimm.s32 $0x38  }
0x18e: {  	v27 =	vsel vm10, $0x20, v27;
	v30 =	vand.u32 $0x1, v46;
	v16 =	vand.u32 $0xFFFF0000, v44  }
0x18f: {  	v44 =	vimm.s32 $0x37230F23;
	v29 =	vadd.s32 v48, v29;
	v36 =	vsel vm11, v38, v36  }
0x190: {  	v28 =	vadd.s32 v30, v28;
	v51 =	vmul.f32 v25, v16;
	v29 =	vadd.s32 $0x7FFF, v29  }
0x191: {  	v36 =	vsel vm12, v37, v36;
	v52 =	vadd.s32 $0x7FFF, v28;
	v28 =	vadd.s32 $0x7FFF, v53  }
0x192: {  	v55 =	vadd.f32 v32, v31;
	v31 =	vunpack.c.0.s8.s32 v56;
	v32 =	vadd.f32 v35, v57  }
0x193: {  	v35 =	vunpack.c.0.s8.s32 v45;
	v29 =	vand.u32 $0xFFFF0000, v29;
	v57 =	vimm.s32 $0x38241010  }
0x194: {  	v36 =	vmul.f32 v26, v36;
	v16 =	vand.u32 $0xFFFF0000, v52;
	v28 =	vand.u32 $0xFFFF0000, v28;
	v27 =	vld.idx.msk [tilespmem:v27+s25+$0x0], $0xffff  }
0x195: {  	v33 =	vadd.f32 v51, v41;
	v28 =	vmul.f32 v16, v28;
	v63 =	vld.idx.msk [tilespmem:v34+s2+$0x0], $0xffff;
	v34 =	vunpack.c.0.s8.s32 v44  }
0x196: {  	v52 =	vimm.s32 $0x37;
	v42 =	vunpack.c.0.s8.s32 v57;
	v30 =	vmul.f32 $5.000000000e-01, v55  }
0x197: {  	v32 =	vmul.f32 $5.000000000e-01, v32;
	v28 =	vadd.f32 v28, v33;
	v33 =	vsel vm9, $0xE, v62  }
0x198: {  	v57 =	vimm.s32 $0x3B271313;
	v59 =	vshrl.u32 v30, $0x10;
	v33 =	vsel vm10, $0x22, v33  }
0x199: {  	v55 =	vimm.s32 $0x38241024;
	v46 =	vshrl.u32 v32, $0x10;
	v60 =	vand.u32 $0x1, v59;
	v31 =	vld.idx.msk [tilespmem:v31+s2+$0x0], $0xffff  }
0x19a: {  	v39 =	vand.u32 $0x1, v46;
	v12 =	vadd.s32 v60, v30;
	v53 =	vld.idx.msk [tilespmem:v35+s2+$0x0], $0xffff;
	v61 =	vshrl.u32 v27, $0x10  }
0x19b: {  	v32 =	vadd.s32 v39, v32;
	v39 =	vunpack.c.0.s8.s32 v55;
	v30 =	vand.u32 $0x1, v61;
	v51 =	vld.idx.msk [tilespmem:v34+s2+$0x0], $0xffff  }
0x19c: {  	v43 =	vunpack.c.0.s8.s32 v57;
	v12 =	vadd.s32 $0x7FFF, v12;
	v27 =	vadd.s32 v30, v27  }
0x19d: {  	v55 =	vimm.s32 $0x3A261212;
	v12 =	vand.u32 $0xFFFF0000, v12;
	v49 =	vld.idx.msk [tilespmem:v33+s25+$0x0], $0xffff;
	v27 =	vadd.s32 $0x7FFF, v27  }
0x19e: {  	v33 =	vsel vm9, $0xF, v52;
	v30 =	vadd.f32 v63, v31;
	v27 =	vand.u32 $0xFFFF0000, v27  }
0x19f: {  	v50 =	vadd.s32 $0x7FFF, v32;
	v33 =	vsel vm10, $0x23, v33;
	v27 =	vmul.f32 v12, v27  }
0x1a0: {  	v46 =	vld.idx.msk [tilespmem:v42+s2+$0x0], $0xffff;
	v63 =	vimm.s32 $0x39251125;
	v30 =	vmul.f32 $5.000000000e-01, v30;
	v61 =	vadd.f32 v53, v51  }
0x1a1: {  	v44 =	vld.idx.msk [tilespmem:v39+s2+$0x0], $0xffff;
	v51 =	vimm.s32 $0x39;
	v27 =	vadd.f32 v27, v28;
	v28 =	vand.u32 $0xFFFF0000, v50  }
0x1a2: {  	v54 =	vshrl.u32 v30, $0x10;
	v56 =	vshrl.u32 v49, $0x10;
	v53 =	vsel vm9, $0x11, v51  }
0x1a3: {  	v35 =	vand.u32 $0x1, v54;
	v41 =	vand.u32 $0x1, v56;
	v58 =	vmul.f32 v28, v29  }
0x1a4: {  	v62 =	vld.idx.msk [tilespmem:v33+s25+$0x0], $0xffff;
	v31 =	vmul.f32 $5.000000000e-01, v61;
	v33 =	vunpack.c.0.s8.s32 v63;
	v54 =	vimm.s32 $0x3A261226  }
0x1a5: {  	v56 =	vimm.s32 $0x3B271327;
	v59 =	vadd.s32 v35, v30;
	v60 =	vadd.s32 v41, v49  }
0x1a6: {  	v41 =	vimm.s32 $0x39251111;
	v49 =	vsel vm9, $0x10, v47;
	v35 =	vadd.f32 v46, v44  }
0x1a7: {  	v40 =	vunpack.c.0.s8.s32 v54;
	v42 =	vunpack.c.0.s8.s32 v56;
	v47 =	vimm.s32 $0x3A  }
0x1a8: {  	v29 =	vadd.s32 $0x7FFF, v59;
	v30 =	vadd.s32 $0x7FFF, v60;
	v27 =	vadd.f32 v58, v27  }
0x1a9: {  	v34 =	vunpack.c.0.s8.s32 v41;
	v45 =	vshrl.u32 v31, $0x10;
	v39 =	vsel vm10, $0x24, v49  }
0x1aa: {  	v41 =	vunpack.c.0.s8.s32 v55;
	v29 =	vand.u32 $0xFFFF0000, v29;
	v30 =	vand.u32 $0xFFFF0000, v30  }
0x1ab: {  	v49 =	vimm.s32 $0x3B;
	v35 =	vmul.f32 $5.000000000e-01, v35;
	v30 =	vmul.f32 v29, v30  }
0x1ac: {  	v55 =	vperm.xlane v21, v9;
	v48 =	vand.u32 $0x1, v45;
	v45 =	vperm.xlane v17, v9  }
0x1ad: {  	v43 =	vld.idx.msk [tilespmem:v43+s2+$0x0], $0xffff;
	v50 =	vshrl.u32 v62, $0x10;
	v58 =	vshrl.u32 v35, $0x10;
	v30 =	vadd.f32 v30, v27  }
0x1ae: {  	v27 =	vadd.s32 v48, v31;
	v31 =	vand.u32 $0x1, v50;
	v52 =	vld.idx.msk [tilespmem:v33+s2+$0x0], $0xffff;
	v33 =	vsel vm10, $0x25, v53  }
0x1af: {  	v59 =	vand.u32 $0x1, v58;
	v27 =	vadd.s32 $0x7FFF, v27;
	v31 =	vadd.s32 v31, v62;
	v39 =	vld.idx.msk [tilespmem:v39+s25+$0x0], $0xffff  }
0x1b0: {  	v61 =	vadd.s32 v59, v35;
	v63 =	vld.idx.msk [tilespmem:v40+s2+$0x0], $0xffff;
	v35 =	vsel vm9, $0x12, v47;
	v40 =	vsel vm9, $0x13, v49  }
0x1b1: {  	v42 =	vld.idx.msk [tilespmem:v42+s2+$0x0], $0xffff;
	v59 =	vperm.xlane v22, v9;
	v9 =	vperm.xlane v20, v9;
	v31 =	vadd.s32 $0x7FFF, v31  }
0x1b2: {  	v27 =	vand.u32 $0xFFFF0000, v27;
	v34 =	vld.idx.msk [tilespmem:v34+s2+$0x0], $0xffff;
	v35 =	vsel vm10, $0x26, v35;
	v31 =	vand.u32 $0xFFFF0000, v31  }
0x1b3: {  	v48 =	vld.idx.msk [tilespmem:v41+s2+$0x0], $0xffff;
	v40 =	vsel vm10, $0x27, v40;
	v38 =	vsel vm0, v59, v55;
	v31 =	vmul.f32 v27, v31  }
0x1b4: {  	v13 =	vadd.f32 v36, v13;
	v36 =	vperm.xlane v21, v11;
	v9 =	vsel vm11, v38, v9  }
0x1b5: {  	v33 =	vld.idx.msk [tilespmem:v33+s25+$0x0], $0xffff;
	v9 =	vsel vm12, v45, v9;
	v45 =	vperm.xlane v20, v6;
	v60 =	vadd.f32 v31, v30  }
0x1b6: {  	v62 =	vshrl.u32 v39, $0x10;
	v30 =	vadd.s32 $0x7FFF, v61;
	v58 =	vadd.f32 v43, v42  }
0x1b7: {  	v49 =	vmul.f32 v24, v9;
	v32 =	vadd.f32 v34, v52;
	v31 =	vand.u32 $0x1, v62;
	v57 =	vld.idx.msk [tilespmem:v35+s25+$0x0], $0xffff  }
0x1b8: {  	v34 =	vadd.f32 v48, v63;
	v40 =	vld.idx.msk [tilespmem:v40+s25+$0x0], $0xffff;
	v31 =	vadd.s32 v31, v39;
	v35 =	vmul.f32 $5.000000000e-01, v58  }
0x1b9: {  	v13 =	vadd.f32 v49, v13;
	v32 =	vmul.f32 $5.000000000e-01, v32;
	v53 =	vadd.s32 $0x7FFF, v31  }
0x1ba: {  	v31 =	vand.u32 $0xFFFF0000, v30;
	v34 =	vmul.f32 $5.000000000e-01, v34;
	v51 =	vshrl.u32 v33, $0x10  }
0x1bb: {  	v54 =	vand.u32 $0xFFFF0000, v53;
	v63 =	vshrl.u32 v35, $0x10;
	v50 =	vshrl.u32 v32, $0x10  }
0x1bc: {  	v52 =	vand.u32 $0x1, v51;
	v39 =	vmul.f32 v31, v54;
	v41 =	vand.u32 $0x1, v50  }
0x1bd: {  	v33 =	vadd.s32 v52, v33;
	v62 =	vshrl.u32 v57, $0x10;
	v42 =	vshrl.u32 v40, $0x10  }
0x1be: {  	v32 =	vadd.s32 v41, v32;
	v33 =	vadd.s32 $0x7FFF, v33;
	v37 =	vadd.f32 v39, v60  }
0x1bf: {  	v60 =	vshrl.u32 v34, $0x10;
	v39 =	vand.u32 $0x1, v42;
	v56 =	vadd.s32 $0x7FFF, v32  }
0x1c0: {  	v33 =	vand.u32 $0xFFFF0000, v33;
	v61 =	vand.u32 $0x1, v60;
	v30 =	vand.u32 $0xFFFF0000, v56  }
0x1c1: {  	v26 =	vadd.s32 v61, v34;
	v34 =	vand.u32 $0x1, v62;
	v33 =	vmul.f32 v30, v33  }
0x1c2: {  	v44 =	vadd.s32 v39, v40;
	v32 =	vadd.s32 v34, v57;
	v26 =	vadd.s32 $0x7FFF, v26  }
0x1c3: {  	v32 =	vadd.s32 $0x7FFF, v32;
	v33 =	vadd.f32 v33, v37;
	v37 =	vand.u32 $0x1, v63  }
0x1c4: {  	v26 =	vand.u32 $0xFFFF0000, v26;
	v32 =	vand.u32 $0xFFFF0000, v32;
	v43 =	vadd.s32 v37, v35  }
0x1c5: {  	v48 =	vadd.s32 $0x7FFF, v44;
	v46 =	vmul.f32 v26, v32;
	v47 =	vadd.s32 $0x7FFF, v43  }
0x1c6: {  	v49 =	vperm.xlane v22, v5;
	v34 =	vand.u32 $0xFFFF0000, v48;
	v32 =	vand.u32 $0xFFFF0000, v47  }
0x1c7: {  	v53 =	vperm.xlane v22, v8;
	v33 =	vadd.f32 v46, v33;
	v34 =	vmul.f32 v32, v34  }
0x1c8: {  	v51 =	vperm.xlane v21, v8;
	v50 =	vperm.xlane v20, v8  }
0x1c9: {  	v52 =	vand.u32 $0x3, v0;
	v8 =	vperm.xlane v17, v8;
	v9 =	vadd.f32 v34, v33  }
0x1ca: {  	v54 =	vor.u32 $0x4, v52;
	v55 =	vor.u32 $0x8, v52;
	v41 =	vperm.xlane v21, v7  }
0x1cb: {  	v56 =	vperm.xlane v9, v54;
	v57 =	vperm.xlane v9, v55  }
0x1cc: {  	v42 =	vperm.xlane v22, v7;
	v34 =	vsel vm0, v53, v51;
	v33 =	vperm.xlane v9, v52  }
0x1cd: {  	v39 =	vperm.xlane v17, v7;
	v24 =	vsel vm11, v34, v50;
	v59 =	vmax.f32 v56, v57  }
0x1ce: {  	v7 =	vperm.xlane v20, v7;
	v24 =	vsel vm12, v8, v24;
	v8 =	vmax.f32 v33, v59  }
0x1cf: {  	v62 =	vperm.xlane v17, v11;
	v15 =	vsel vm0, v42, v41;
	v61 =	vsub.f32 v33, v8  }
0x1d0: {  	v44 =	vperm.xlane v22, v6;
	v7 =	vsel vm11, v15, v7;
	v48 =	vperm.xlane v21, v5  }
0x1d1: {  	v60 =	vmul.f32 v25, v24;
	v34 =	vsub.f32 v56, v8;
	v24 =	vmul.f32 $1.442695020e+00, v61  }
0x1d2: {  	v7 =	vsel vm12, v39, v7;
	v63 =	vperm.xlane v20, v11;
	v11 =	vperm.xlane v22, v11  }
0x1d3: {  	v40 =	vsub.f32 v57, v8;
	v38 =	vmul.f32 $1.442695020e+00, v34;
	(erf) = vpow2.f32 v24  }
0x1d4: {  	v58 =	vshrl.u32 v23, $0x10;
	v7 =	vmul.f32 v12, v7;
	v43 =	vperm.xlane v21, v6  }
0x1d5: {  	v12 =	vsel vm0, v49, v48;
	v34 =	vmul.f32 $1.442695020e+00, v40;
	(erf) = vpow2.f32 v38  }
0x1d6: {  	v35 =	vand.u32 $0x1, v58;
	v11 =	vsel vm0, v11, v36;
	v6 =	vperm.xlane v17, v6  }
0x1d7: {  	v11 =	vsel vm11, v11, v63;
	v46 =	vsel vm0, v44, v43;
	(erf) = vpow2.f32 v34  }
0x1d8: {  	v63 =	vperm.xlane v21, v10;
	v21 =	vperm.xlane v22, v10;
	v47 =	vsel vm11, v46, v45  }
0x1d9: {  	v23 =	vadd.s32 v35, v23;
	v11 =	vsel vm12, v62, v11;
	v6 =	vsel vm12, v6, v47  }
0x1da: {  	v11 =	vmul.f32 v16, v11;
	v16 =	vsel vm0, v21, v63;
	v6 =	vmul.f32 v28, v6  }
0x1db: {  	v50 =	vperm.xlane v20, v5;
	v54 =	vshrl.u32 v19, $0x10;
	v13 =	vadd.f32 v60, v13  }
0x1dc: {  	v5 =	vperm.xlane v17, v5;
	v52 =	vshrl.u32 v18, $0x10;
	v15 =	vand.u32 $0x1, v54;
	v51 =	vpop (erf)  }
0x1dd: {  	v15 =	vadd.s32 v15, v19;
	v11 =	vadd.f32 v11, v13;
	v53 =	vadd.f32 $0.0e+00, v51  }
0x1de: {  	v59 =	vadd.s32 $0x7FFF, v14;
	v15 =	vadd.s32 $0x7FFF, v15;
	v56 =	vand.u32 $0x1, v52;
	v55 =	vpop (erf)  }
0x1df: {  	v7 =	vadd.f32 v7, v11;
	v11 =	vsel vm11, v12, v50;
	v12 =	vadd.f32 v53, v55  }
0x1e0: {  	v60 =	vadd.s32 $0x7FFF, v23;
	v15 =	vand.u32 $0xFFFF0000, v15;
	v13 =	vadd.s32 v56, v18;
	v57 =	vpop (erf)  }
0x1e1: {  	v23 =	vperm.xlane v15, v4;
	v37 =	vperm.xlane v15, v1;
	v58 =	vadd.f32 v12, v57  }
0x1e2: {  	v13 =	vadd.s32 $0x7FFF, v13;
	v61 =	vperm.xlane v17, v10;
	v10 =	vperm.xlane v20, v10  }
0x1e3: {  	v13 =	vand.u32 $0xFFFF0000, v13;
	v5 =	vsel vm12, v5, v11;
	v62 =	vcvt.s32.f32 v58  }
0x1e4: {  	v11 =	vand.u32 $0xFFFF0000, v59;
	v22 =	vperm.xlane v13, v4;
	v28 =	vperm.xlane v13, v3  }
0x1e5: {  	v10 =	vsel vm11, v16, v10;
	v33 =	vperm.xlane v13, v2;
	v14 =	vmul.f32 $1.192092900e-07, v62  }
0x1e6: {  	v36 =	vperm.xlane v13, v1;
	v6 =	vadd.f32 v6, v7;
	v5 =	vmul.f32 v29, v5  }
0x1e7: {  	v29 =	vperm.xlane v15, v3;
	v12 =	vand.u32 $0xFFFF0000, v60;
	v14 =	vadd.f32 $-1.270000000e+02, v14  }
0x1e8: {  	v25 =	vsel vm0, v23, v22;
	v5 =	vadd.f32 v5, v6;
	v24 =	vperm.xlane v12, v4  }
0x1e9: {  	v6 =	vsel vm12, v61, v10;
	v4 =	vperm.xlane v11, v4;
	v14 =	vmul.f32 $6.931471820e-01, v14  }
0x1ea: {  	v35 =	vperm.xlane v11, v2;
	v6 =	vmul.f32 v27, v6;
	v10 =	vsel vm11, v25, v24  }
0x1eb: {  	v34 =	vperm.xlane v15, v2;
	v4 =	vsel vm12, v4, v10;
	v27 =	vsub.f32 $0.0e+00, v14  }
0x1ec: {  	v5 =	vadd.f32 v6, v5;
	v4 =	vmul.f32 v31, v4;
	v31 =	vperm.xlane v12, v3  }
0x1ed: {  	v10 =	vsel vm0, v29, v28;
	v3 =	vperm.xlane v11, v3;
	v6 =	vmul.f32 $1.442695020e+00, v27  }
0x1ee: {  	v2 =	vperm.xlane v12, v2;
	v4 =	vadd.f32 v4, v5;
	v5 =	vsel vm11, v10, v31  }
0x1ef: {  	v3 =	vsel vm12, v3, v5;
	(erf) = vpow2.f32 v6;
	v6 =	vsel vm0, v34, v33  }
0x1f0: {  	v38 =	vperm.xlane v12, v1;
	v3 =	vmul.f32 v30, v3;
	v2 =	vsel vm11, v6, v2  }
0x1f1: {  	v39 =	vsel vm0, v37, v36;
	v1 =	vperm.xlane v11, v1;
	v2 =	vsel vm12, v35, v2  }
0x1f2: {  	v40 =	vsel vm11, v39, v38;
	v3 =	vadd.f32 v3, v4;
	v2 =	vmul.f32 v26, v2  }
0x1f3: {  	v1 =	vsel vm12, v1, v40  }
0x1f4: {  	v0 =	vshrl.u32 v0, $0x2;
	v1 =	vmul.f32 v32, v1;
	v2 =	vadd.f32 v2, v3  }
0x1f5: {  	v0 =	vmul.u32 $0x4, v0  }
0x1f6: {  	v1 =	vadd.f32 v1, v2  }
0x1f7: {  	v44 =	vor.u32 $0x1, v0  }
0x1f8: {  	v45 =	vor.u32 $0x2, v0;
	v41 =	vadd.f32 $-1.000000000e+00, v14;
	v42 =	vpop (erf);
	v43 =	vperm.xlane v1, v0  }
0x1f9: {  	v5 =	vperm.xlane v1, v44;
	v0 =	vor.u32 $0x3, v0;
	v3 =	vmul.f32 v42, v58  }
0x1fa: {  	v6 =	vperm.xlane v1, v45;
	v0 =	vperm.xlane v1, v0  }
0x1fb: {  	v2 =	vadd.f32 v3, v41  }
0x1fc: {  	v46 =	vmax.f32 v43, v5;
	v47 =	vmax.f32 v6, v0  }
0x1fd: {  	v3 =	vmax.f32 v46, v47;
	v48 =	vsub.f32 $0.0e+00, v2  }
0x1fe: {  	v4 =	vsub.f32 v43, v3  }
0x1ff: {  	v10 =	vmul.f32 $1.442695020e+00, v48  }
0x200: {  	v5 =	vsub.f32 v5, v3;
	v4 =	vmul.f32 $1.442695020e+00, v4  }
0x201: {  	(erf) = vpow2.f32 v10  }
0x202: {  	v50 =	vsub.f32 v6, v3;
	v49 =	vmul.f32 $1.442695020e+00, v5;
	(erf) = vpow2.f32 v4;
	_ =	sdelay $0x1  }
0x203: {  	v0 =	vsub.f32 v0, v3;
	v51 =	vmul.f32 $1.442695020e+00, v50;
	(erf) = vpow2.f32 v49;
	_ =	sdelay $0x1  }
0x204: {  	v0 =	vmul.f32 $1.442695020e+00, v0;
	(erf) = vpow2.f32 v51;
	_ =	sdelay $0x1  }
0x205: {  	(erf) = vpow2.f32 v0;
	_ =	sdelay $0x1  }
0x206: {  	v52 =	vpop (erf)  }
0x207: {  	v53 =	vpop (erf)  }
0x208: {  	v4 =	vadd.f32 $0.0e+00, v53  }
0x209: {  	v54 =	vpop (erf)  }
0x20a: {  	v4 =	vadd.f32 v4, v54  }
0x20b: {  	v55 =	vpop (erf)  }
0x20c: {  	v4 =	vadd.f32 v4, v55  }
0x20d: {  	v56 =	vpop (erf)  }
0x20e: {  	v4 =	vadd.f32 v4, v56;
	_ =	sdelay $0x1  }
0x20f: {  	v5 =	vcvt.s32.f32 v4;
	_ =	sdelay $0x1  }
0x210: {  	v5 =	vmul.f32 $1.192092900e-07, v5;
	_ =	sdelay $0x1  }
0x211: {  	v5 =	vadd.f32 $-1.270000000e+02, v5;
	_ =	sdelay $0x1  }
0x212: {  	v5 =	vmul.f32 $6.931471820e-01, v5;
	_ =	sdelay $0x1  }
0x213: {  	v57 =	vsub.f32 $0.0e+00, v5;
	_ =	sdelay $0x1  }
0x214: {  	v6 =	vmul.f32 $1.442695020e+00, v57;
	_ =	sdelay $0x1  }
0x215: {  	(erf) = vpow2.f32 v6;
	_ =	sdelay $0x8  }
0x216: {  	v6 =	vpop (erf)  }
0x217: {  	v5 =	vadd.f32 $-1.000000000e+00, v5;
	v6 =	vmul.f32 v6, v4;
	_ =	sdelay $0x1  }
0x218: {  	v5 =	vadd.f32 v6, v5;
	_ =	sdelay $0x1  }
0x219: {  	v6 =	vsub.f32 $0.0e+00, v5;
	_ =	sdelay $0x1  }
0x21a: {  	v6 =	vmul.f32 $1.442695020e+00, v6;
	_ =	sdelay $0x1  }
0x21b: {  	(erf) = vpow2.f32 v6;
	_ =	sdelay $0x8  }
0x21c: {  	v0 =	vmul.f32 v52, v58;
	v6 =	vpop (erf)  }
0x21d: {  	v58 =	vimm.s32 $0xE4000000;
	v5 =	vadd.f32 $-1.000000000e+00, v5;
	v4 =	vmul.f32 v6, v4  }
0x21e: {  	v60 =	vimm.s32 $0xBA987654;
	v2 =	vadd.f32 $-1.000000000e+00, v2;
	v59 =	vunpack.c.l.s2.s4 v58  }
0x21f: {  	v61 =	vunpack.c.l.s4.s8 v60;
	v4 =	vadd.f32 v4, v5  }
0x220: {  	vm13 =	vcmask $0x1F00;
	v0 =	vadd.f32 v0, v2;
	v2 =	vunpack.c.l.s4.s8 v59  }
0x221: {  	v63 =	vimm.s32 $0xF0E0D0C;
	v62 =	vunpack.c.0.s8.s32 v61;
	v3 =	vadd.f32 v4, v3  }
0x222: {  	vm14 =	vcmask $0x2F20;
	v2 =	vunpack.c.0.s8.s32 v2;
	v4 =	vunpack.c.0.s8.s32 v63  }
0x223: {  	v0 =	vadd.f32 v0, v8;
	v1 =	vsub.f32 v1, v3;
	v3 =	vnsel vm13, $0xF, v62  }
0x224: {  	v2 =	vand.u32 $0x3, v2;
	v3 =	vsel vm14, v4, v3  }
0x225: {  	v0 =	vsub.f32 v9, v0;
	v2 =	vperm.xlane v1, v2;
	v1 =	vperm.xlane v1, v3  }
0x226: {  	vm15 =	vmmov $0xfff  }
0x227: {  	v0 =	vsel vm15, v0, v2;
	[tilespmem:$0x310] =	vst v1  }
0x228: {  	s29 =	sadd.s32 $0xA00, s1;
	s30 =	simm.s32 $0x300;
	s31 =	simm.s32 $0x2;
	[tilespmem:$0x300] =	vst v0  }
0x229: {  	[hbm4b:s29+s2] =	stream.linear.scatter [tilespmem:s30], [sflag:$0x2], $0x80, $0x38;
	[tilespmem:$0x380] =	vst v63  }
0x22a: {  	_ =	swait.ge [sflag:s31], $0x80  }
0x22b: {  	[sflag:s31] =	ssyncset.done $0x0  }
0x22c: {  	[sflag:s31] =	ssyncadd.s32 $0xFFFFFF80  }
.LBB2_2:
0x22d: {  	_ =	sfence.sel $0x180000  }
0x22e: {  	[bflag:$0x0] =	sbarrier.arrive $0xFFFF  }
0x22f: {  	_ =	strace $0x90000047  }
0x230: {  	s0 =	sadd.s32 @!p0 $0x100000, s0;
	[bflag:$0x2] =	sbarrier.arrive $0xFFFF  }
0x231: {  	[sflag:s0] =	ssyncadd.tile.s32 @!p0 $0x1;
	_ =	shalt  }
.Lfunc_end2:
_tile_overlayer_lowered:
.L_overlay_start_2:
0x232: {  	(tag) =	ssettag $0x2  }
0x233: {  	s0 =	rddreg [dreg:$0x0];
	s2 =	stileid.u32  }
0x234: {  	s1 =	rddreg [dreg:$0x1];
	p0 =	sne.s32 s2, $0x0  }
0x235: {  	s3 =	rddreg [dreg:$0x2];
	[bflag:$0x3] =	sbarrier.arrive $0xFFFF;
	s2 =	simm.s32 @!p0 $0x1C02  }
0x236: {  	[timem:s3], [sflag:s2] =	dma.local @!p0 [hbm:s0], s1  }
0x237: {  	s0 =	simm.s32 @!p0 $0x2  }
0x238: {  	_ =	swait.ge @!p0 [sflag:s0], s1  }
0x239: {  	s1 =	ssub.s32 @!p0 $0x0, s1;
	[sflag:s0] =	ssyncset.done @!p0 $0x0  }
0x23a: {  	[sflag:s0] =	ssyncadd.s32 @!p0 s1  }
0x23b: {  	[bflag:$0x3] =	sbarrier.arrive $0xFFFF  }
0x23c: {  	_ =	shalt  }

</sc_bundles>
